<compile_context>
chip_gen: v7x
topology: tpu7x:2x2x1
jax: 0.10.2.dev20260603
libtpu: 0.0.44.dev20260713+nightly
codegen_flags: <defaults>
</compile_context>

<pallas_src>
import functools

import jax
import jax.numpy as jnp
from jax import lax
from jax.experimental import pallas as pl
from jax.experimental.pallas import tpu as pltpu
from jax.experimental.pallas import tpu_sc as plsc

DIM = 64
NS = 16384
NT = 26
NW = 32
S_PER_W = NS // NW
SB = 128
NSB = S_PER_W // SB
L = 16
RB = 4
TP = 136
TOTAL = NT * NSB


def _sc_gather_t(table, idx_t):
    mesh = plsc.VectorSubcoreMesh(core_axis_name="c", subcore_axis_name="s")

    @functools.partial(
        pl.kernel,
        out_type=jax.ShapeDtypeStruct((NT, 8, 128, 8, 128), jnp.float32),
        mesh=mesh,
        compiler_params=pltpu.CompilerParams(
            use_tc_tiling_on_sc=False,
            needs_layout_passes=False,
            disable_bounds_checks=True,
        ),
        scratch_types=[
            pltpu.VMEM((NT, S_PER_W), jnp.int32),
            pltpu.VMEM((RB, SB + 1, DIM), jnp.float32),
            pltpu.VMEM((2, 8, 8, TP), jnp.float32),
            pltpu.SemaphoreType.DMA((RB,)),
            pltpu.SemaphoreType.DMA((2,)),
        ],
    )
    def k(table_hbm, idx_hbm, out_hbm, idx_v, rows_v, t_v, gsem, osem):
        wid = lax.axis_index("s") * 2 + lax.axis_index("c")
        s0 = wid * S_PER_W
        sh0 = wid * NSB

        pltpu.sync_copy(idx_hbm.at[:, pl.ds(s0, S_PER_W)], idx_v)

        def issue_gather(i, rb):
            t = i // NSB
            sb = lax.rem(i, NSB)
            pltpu.async_copy(
                table_hbm.at[idx_v.at[t, pl.ds(sb * SB, SB)]],
                rows_v.at[rb, pl.ds(0, SB)],
                gsem.at[rb],
            )

        def wait_gather(rb):
            pltpu.make_async_copy(
                table_hbm.at[idx_v.at[0, pl.ds(0, SB)]],
                rows_v.at[rb, pl.ds(0, SB)],
                gsem.at[rb],
            ).wait()

        def issue_store(t, sh, tb):
            pltpu.async_copy(
                t_v.at[tb, :, :, pl.ds(0, 128)],
                out_hbm.at[t, :, sh],
                osem.at[tb],
            )

        def wait_store(tb):
            pltpu.make_async_copy(
                t_v.at[tb, :, :, pl.ds(0, 128)],
                out_hbm.at[0, :, 0],
                osem.at[tb],
            ).wait()

        iota = lax.iota(jnp.int32, L)
        zero16 = iota * 0
        flat_c = [(16 * j + iota) * TP for j in range(DIM // L)]

        def transpose_block(rb, tb):
            rows = rows_v.at[rb]
            tbuf = t_v.at[tb]

            def load_s(s):
                return [rows[s, pl.ds(j * L, L)] for j in range(DIM // L)]

            def store_s(s, vs):
                svec = jnp.full((L,), 0, jnp.int32) + s
                for j, v in enumerate(vs):
                    plsc.store_scatter(tbuf, [zero16, zero16, flat_c[j] + svec], v)

            def s_body(s, carry):
                nxt = load_s(s + 1)
                store_s(s, carry)
                return nxt

            vs0 = load_s(0)
            lax.fori_loop(0, SB, s_body, vs0, unroll=8)

        for p in range(RB - 1):
            issue_gather(jnp.int32(p), p)

        def tbody(t, _):
            base = t * NSB
            for sb in range(NSB):
                i = base + sb
                rb = sb
                tb = sb % 2
                wait_gather(rb)
                if sb >= 2:
                    wait_store(tb)
                else:
                    @pl.when(t > 0)
                    def _():
                        wait_store(tb)
                transpose_block(rb, tb)

                @pl.when(i < TOTAL - (RB - 1))
                def _():
                    issue_gather(i + (RB - 1), (sb + RB - 1) % RB)

                issue_store(t, sh0 + sb, tb)
            return 0

        lax.fori_loop(0, NT, tbody, 0)
        wait_store(0)
        wait_store(1)

    return k(table, idx_t)


def kernel(regime_idx, table):
    idx_t = regime_idx.T.astype(jnp.int32)
    a5 = _sc_gather_t(table, idx_t)
    return jnp.transpose(a5, (2, 4, 0, 1, 3)).reshape(NS, NT, DIM)

# --- scband reference (transcript-rebuilt; emitter-appended) ---
"""Pipeline reference for scband-regime-embedding-78194174591325 (READ-ONLY COPY).

The authoritative reference and input builder live on the scoring server;
editing this copy changes nothing except your own understanding.
"""

import jax, jax.numpy as jnp
import numpy as np

N_REGIMES = 100000
DIM = 64

def setup_inputs(seed: int = 0) -> dict:
    key = jax.random.key(seed)
    k_idx, k_tab = jax.random.split(key)
    regime_idx = jax.random.randint(k_idx, (16384, 26), 0, N_REGIMES, dtype=jnp.int64 if jax.config.jax_enable_x64 else jnp.int32)
    table = jax.random.normal(k_tab, (N_REGIMES, DIM), dtype=jnp.float32)
    return {"regime_idx": regime_idx, "table": table}

def reference(regime_idx, table):
    # Faithful translation of nn.Embedding lookup: emb(regime_idx)
    return jnp.take(table, regime_idx, axis=0)

if __name__ == "__main__":
    import jax
    _d = setup_inputs()
    print(jax.jit(kernel)(*tuple(_d.values())))

</pallas_src>

<mosaic_0001>
#map = affine_map<(d0, d1) -> (0, 0)>
#map1 = affine_map<(d0, d1) -> (0, 0, 0, 0, 0)>
module attributes {stable_mosaic.version = 14 : i64} {
  func.func @k(%arg0: i32, %arg1: i32, %arg2: memref<100000x64xf32, #tpu.memory_space<hbm>>, %arg3: memref<26x16384xi32, #tpu.memory_space<hbm>>, %arg4: memref<26x8x128x8x128xf32, #tpu.memory_space<hbm>>, %arg5: memref<26x512xi32, #tpu.memory_space<vmem>>, %arg6: memref<4x129x64xf32, #tpu.memory_space<vmem>>, %arg7: memref<2x8x8x136xf32, #tpu.memory_space<vmem>>, %arg8: memref<4x!tpu.dma_semaphore, #tpu.memory_space<semaphore_mem>>, %arg9: memref<2x!tpu.dma_semaphore, #tpu.memory_space<semaphore_mem>>) attributes {dimension_semantics = [#tpu.dimension_semantics<core_parallel>, #tpu.dimension_semantics<subcore_parallel>], iteration_bounds = array<i64: 2, 16>, scalar_prefetch = 0 : i64, scratch_operands = 5 : i64, tpu.core_type = #tpu.core_type<sc_vector_subcore>, window_params = [{transform_indices = #map}, {transform_indices = #map}, {transform_indices = #map1}]} {
    %mul3A = arith.constant 2 : i32
    %mul3A_0 = arith.muli %arg1, %mul3A : i32
    %add3A = arith.addi %mul3A_0, %arg0 : i32
    %mul3A_1 = arith.constant 512 : i32
    %mul3A_2 = arith.muli %add3A, %mul3A_1 : i32
    %mul3A_3 = arith.constant 4 : i32
    %mul3A_4 = arith.muli %add3A, %mul3A_3 : i32
    "tpu.region"() ({
      %run_scoped3A = tpu.sem_alloc : memref<!tpu.dma_semaphore, #tpu.memory_space<semaphore_mem>>
      %dma_start3A_209 = arith.constant 0 : i32
      %dma_start3A_210 = tpu.memref_slice %arg3[%dma_start3A_209, %mul3A_2] : memref<26x16384xi32, #tpu.memory_space<hbm>> -> memref<26x512xi32, #tpu.memory_space<hbm>>
      %dma_start3A_211 = arith.constant 0 : i32
      %dma_start3A_212 = tpu.memref_slice %arg3[%dma_start3A_211, %mul3A_2] : memref<26x16384xi32, #tpu.memory_space<hbm>> -> memref<26x512xi32, #tpu.memory_space<hbm>>
      tpu.enqueue_dma source(%dma_start3A_212 : memref<26x512xi32, #tpu.memory_space<hbm>>) target(%arg5 : memref<26x512xi32, #tpu.memory_space<vmem>>) target_semaphore(%run_scoped3A : memref<!tpu.dma_semaphore, #tpu.memory_space<semaphore_mem>>)
      %dma_wait3A_213 = arith.constant 0 : i32
      %dma_wait3A_214 = tpu.memref_slice %arg3[%dma_wait3A_213, %mul3A_2] : memref<26x16384xi32, #tpu.memory_space<hbm>> -> memref<26x512xi32, #tpu.memory_space<hbm>>
      %dma_wait3A_215 = arith.constant 0 : i32
      %dma_wait3A_216 = tpu.memref_slice %arg3[%dma_wait3A_215, %mul3A_2] : memref<26x16384xi32, #tpu.memory_space<hbm>> -> memref<26x512xi32, #tpu.memory_space<hbm>>
      tpu.wait_dma2 semaphore(%run_scoped3A : memref<!tpu.dma_semaphore, #tpu.memory_space<semaphore_mem>>) src(%dma_wait3A_216 : memref<26x512xi32, #tpu.memory_space<hbm>>) dst(%arg5 : memref<26x512xi32, #tpu.memory_space<vmem>>)
      tpu.yield
    }) : () -> ()
    %iota3A = tpu.iota {dimensions = array<i32: 0>} : vector<16xi32>
    %mul3A_5 = arith.constant 0 : i32
    %mul3A_6 = vector.broadcast %mul3A_5 : i32 to vector<16xi32>
    %mul3A_7 = arith.muli %iota3A, %mul3A_6 : vector<16xi32>
    %add3A_8 = arith.constant 0 : i32
    %add3A_9 = vector.broadcast %add3A_8 : i32 to vector<16xi32>
    %add3A_10 = arith.addi %add3A_9, %iota3A : vector<16xi32>
    %mul3A_11 = arith.constant 136 : i32
    %mul3A_12 = vector.broadcast %mul3A_11 : i32 to vector<16xi32>
    %mul3A_13 = arith.muli %add3A_10, %mul3A_12 : vector<16xi32>
    %add3A_14 = arith.constant 16 : i32
    %add3A_15 = vector.broadcast %add3A_14 : i32 to vector<16xi32>
    %add3A_16 = arith.addi %add3A_15, %iota3A : vector<16xi32>
    %mul3A_17 = arith.constant 136 : i32
    %mul3A_18 = vector.broadcast %mul3A_17 : i32 to vector<16xi32>
    %mul3A_19 = arith.muli %add3A_16, %mul3A_18 : vector<16xi32>
    %add3A_20 = arith.constant 32 : i32
    %add3A_21 = vector.broadcast %add3A_20 : i32 to vector<16xi32>
    %add3A_22 = arith.addi %add3A_21, %iota3A : vector<16xi32>
    %mul3A_23 = arith.constant 136 : i32
    %mul3A_24 = vector.broadcast %mul3A_23 : i32 to vector<16xi32>
    %mul3A_25 = arith.muli %add3A_22, %mul3A_24 : vector<16xi32>
    %add3A_26 = arith.constant 48 : i32
    %add3A_27 = vector.broadcast %add3A_26 : i32 to vector<16xi32>
    %add3A_28 = arith.addi %add3A_27, %iota3A : vector<16xi32>
    %mul3A_29 = arith.constant 136 : i32
    %mul3A_30 = vector.broadcast %mul3A_29 : i32 to vector<16xi32>
    %mul3A_31 = arith.muli %add3A_28, %mul3A_30 : vector<16xi32>
    %jit3A = arith.constant 0 : i32
    %jit3A_32 = arith.constant 4 : i32
    %div3A = arith.divsi %jit3A, %jit3A_32 : i32
    %sign3A = arith.constant 0 : i32
    %sign3A_33 = arith.cmpi sgt, %jit3A, %sign3A : i32
    %sign3A_34 = arith.extui %sign3A_33 : i1 to i32
    %sign3A_35 = arith.constant 0 : i32
    %sign3A_36 = arith.cmpi slt, %jit3A, %sign3A_35 : i32
    %sign3A_37 = arith.extui %sign3A_36 : i1 to i32
    %sign3A_38 = arith.subi %sign3A_34, %sign3A_37 : i32
    %sign3A_39 = arith.constant 0 : i32
    %sign3A_40 = arith.cmpi sgt, %jit3A_32, %sign3A_39 : i32
    %sign3A_41 = arith.extui %sign3A_40 : i1 to i32
    %sign3A_42 = arith.constant 0 : i32
    %sign3A_43 = arith.cmpi slt, %jit3A_32, %sign3A_42 : i32
    %sign3A_44 = arith.extui %sign3A_43 : i1 to i32
    %sign3A_45 = arith.subi %sign3A_41, %sign3A_44 : i32
    %ne3A = arith.cmpi ne, %sign3A_38, %sign3A_45 : i32
    %rem3A = arith.remsi %jit3A, %jit3A_32 : i32
    %ne3A_46 = arith.constant 0 : i32
    %ne3A_47 = arith.cmpi ne, %rem3A, %ne3A_46 : i32
    %and3A = arith.andi %ne3A, %ne3A_47 : i1
    %sub3A = arith.constant 1 : i32
    %sub3A_48 = arith.subi %div3A, %sub3A : i32
    %select_n3A = arith.select %and3A, %sub3A_48, %div3A : i32
    %rem3A_49 = arith.constant 0 : i32
    %rem3A_50 = arith.constant 4 : i32
    %rem3A_51 = arith.remsi %rem3A_49, %rem3A_50 : i32
    %mul3A_52 = arith.constant 128 : i32
    %mul3A_53 = arith.muli %rem3A_51, %mul3A_52 : i32
    %dma_start3A = arith.constant 0 : i32
    %dma_start3A_54 = arith.constant 0 : i32
    %dma_start3A_55 = arith.constant 0 : i32
    %dma_start3A_56 = arith.constant 0 : i32
    %dma_start3A_57 = tpu.memref_slice %arg6[%dma_start3A, %dma_start3A_55, %dma_start3A_56] : memref<4x129x64xf32, #tpu.memory_space<vmem>> -> memref<1x128x64xf32, #tpu.memory_space<vmem>>
    %dma_start3A_58 = tpu.memref_squeeze %dma_start3A_57 : memref<1x128x64xf32, #tpu.memory_space<vmem>> -> memref<128x64xf32, #tpu.memory_space<vmem>>
    %dma_start3A_59 = tpu.memref_slice %arg5[%select_n3A, %mul3A_53] : memref<26x512xi32, #tpu.memory_space<vmem>> -> memref<1x128xi32, #tpu.memory_space<vmem>>
    %dma_start3A_60 = tpu.memref_squeeze %dma_start3A_59 : memref<1x128xi32, #tpu.memory_space<vmem>> -> memref<128xi32, #tpu.memory_space<vmem>>
    %dma_start3A_61 = arith.constant 0 : i32
    %dma_start3A_62 = arith.constant 0 : i32
    %dma_start3A_63 = tpu.memref_slice %arg2[%dma_start3A_61, %dma_start3A_62] : memref<100000x64xf32, #tpu.memory_space<hbm>> -> memref<100000x64xf32, #tpu.memory_space<hbm>>
    %dma_start3A_64 = tpu.memref_slice %arg8[%dma_start3A_54] : memref<4x!tpu.dma_semaphore, #tpu.memory_space<semaphore_mem>> -> memref<1x!tpu.dma_semaphore, #tpu.memory_space<semaphore_mem>>
    %dma_start3A_65 = tpu.memref_squeeze %dma_start3A_64 : memref<1x!tpu.dma_semaphore, #tpu.memory_space<semaphore_mem>> -> memref<!tpu.dma_semaphore, #tpu.memory_space<semaphore_mem>>
    tpu.enqueue_indirect_dma source(%dma_start3A_63 : memref<100000x64xf32, #tpu.memory_space<hbm>>) target(%dma_start3A_58 : memref<128x64xf32, #tpu.memory_space<vmem>>) offsets(%dma_start3A_60 : memref<128xi32, #tpu.memory_space<vmem>>) semaphore(%dma_start3A_65 : memref<!tpu.dma_semaphore, #tpu.memory_space<semaphore_mem>>)
    %jit3A_66 = arith.constant 1 : i32
    %jit3A_67 = arith.constant 4 : i32
    %div3A_68 = arith.divsi %jit3A_66, %jit3A_67 : i32
    %sign3A_69 = arith.constant 0 : i32
    %sign3A_70 = arith.cmpi sgt, %jit3A_66, %sign3A_69 : i32
    %sign3A_71 = arith.extui %sign3A_70 : i1 to i32
    %sign3A_72 = arith.constant 0 : i32
    %sign3A_73 = arith.cmpi slt, %jit3A_66, %sign3A_72 : i32
    %sign3A_74 = arith.extui %sign3A_73 : i1 to i32
    %sign3A_75 = arith.subi %sign3A_71, %sign3A_74 : i32
    %sign3A_76 = arith.constant 0 : i32
    %sign3A_77 = arith.cmpi sgt, %jit3A_67, %sign3A_76 : i32
    %sign3A_78 = arith.extui %sign3A_77 : i1 to i32
    %sign3A_79 = arith.constant 0 : i32
    %sign3A_80 = arith.cmpi slt, %jit3A_67, %sign3A_79 : i32
    %sign3A_81 = arith.extui %sign3A_80 : i1 to i32
    %sign3A_82 = arith.subi %sign3A_78, %sign3A_81 : i32
    %ne3A_83 = arith.cmpi ne, %sign3A_75, %sign3A_82 : i32
    %rem3A_84 = arith.remsi %jit3A_66, %jit3A_67 : i32
    %ne3A_85 = arith.constant 0 : i32
    %ne3A_86 = arith.cmpi ne, %rem3A_84, %ne3A_85 : i32
    %and3A_87 = arith.andi %ne3A_83, %ne3A_86 : i1
    %sub3A_88 = arith.constant 1 : i32
    %sub3A_89 = arith.subi %div3A_68, %sub3A_88 : i32
    %select_n3A_90 = arith.select %and3A_87, %sub3A_89, %div3A_68 : i32
    %rem3A_91 = arith.constant 1 : i32
    %rem3A_92 = arith.constant 4 : i32
    %rem3A_93 = arith.remsi %rem3A_91, %rem3A_92 : i32
    %mul3A_94 = arith.constant 128 : i32
    %mul3A_95 = arith.muli %rem3A_93, %mul3A_94 : i32
    %dma_start3A_96 = arith.constant 1 : i32
    %dma_start3A_97 = arith.constant 1 : i32
    %dma_start3A_98 = arith.constant 0 : i32
    %dma_start3A_99 = arith.constant 0 : i32
    %dma_start3A_100 = tpu.memref_slice %arg6[%dma_start3A_96, %dma_start3A_98, %dma_start3A_99] : memref<4x129x64xf32, #tpu.memory_space<vmem>> -> memref<1x128x64xf32, #tpu.memory_space<vmem>>
    %dma_start3A_101 = tpu.memref_squeeze %dma_start3A_100 : memref<1x128x64xf32, #tpu.memory_space<vmem>> -> memref<128x64xf32, #tpu.memory_space<vmem>>
    %dma_start3A_102 = tpu.memref_slice %arg5[%select_n3A_90, %mul3A_95] : memref<26x512xi32, #tpu.memory_space<vmem>> -> memref<1x128xi32, #tpu.memory_space<vmem>>
    %dma_start3A_103 = tpu.memref_squeeze %dma_start3A_102 : memref<1x128xi32, #tpu.memory_space<vmem>> -> memref<128xi32, #tpu.memory_space<vmem>>
    %dma_start3A_104 = arith.constant 0 : i32
    %dma_start3A_105 = arith.constant 0 : i32
    %dma_start3A_106 = tpu.memref_slice %arg2[%dma_start3A_104, %dma_start3A_105] : memref<100000x64xf32, #tpu.memory_space<hbm>> -> memref<100000x64xf32, #tpu.memory_space<hbm>>
    %dma_start3A_107 = tpu.memref_slice %arg8[%dma_start3A_97] : memref<4x!tpu.dma_semaphore, #tpu.memory_space<semaphore_mem>> -> memref<1x!tpu.dma_semaphore, #tpu.memory_space<semaphore_mem>>
    %dma_start3A_108 = tpu.memref_squeeze %dma_start3A_107 : memref<1x!tpu.dma_semaphore, #tpu.memory_space<semaphore_mem>> -> memref<!tpu.dma_semaphore, #tpu.memory_space<semaphore_mem>>
    tpu.enqueue_indirect_dma source(%dma_start3A_106 : memref<100000x64xf32, #tpu.memory_space<hbm>>) target(%dma_start3A_101 : memref<128x64xf32, #tpu.memory_space<vmem>>) offsets(%dma_start3A_103 : memref<128xi32, #tpu.memory_space<vmem>>) semaphore(%dma_start3A_108 : memref<!tpu.dma_semaphore, #tpu.memory_space<semaphore_mem>>)
    %jit3A_109 = arith.constant 2 : i32
    %jit3A_110 = arith.constant 4 : i32
    %div3A_111 = arith.divsi %jit3A_109, %jit3A_110 : i32
    %sign3A_112 = arith.constant 0 : i32
    %sign3A_113 = arith.cmpi sgt, %jit3A_109, %sign3A_112 : i32
    %sign3A_114 = arith.extui %sign3A_113 : i1 to i32
    %sign3A_115 = arith.constant 0 : i32
    %sign3A_116 = arith.cmpi slt, %jit3A_109, %sign3A_115 : i32
    %sign3A_117 = arith.extui %sign3A_116 : i1 to i32
    %sign3A_118 = arith.subi %sign3A_114, %sign3A_117 : i32
    %sign3A_119 = arith.constant 0 : i32
    %sign3A_120 = arith.cmpi sgt, %jit3A_110, %sign3A_119 : i32
    %sign3A_121 = arith.extui %sign3A_120 : i1 to i32
    %sign3A_122 = arith.constant 0 : i32
    %sign3A_123 = arith.cmpi slt, %jit3A_110, %sign3A_122 : i32
    %sign3A_124 = arith.extui %sign3A_123 : i1 to i32
    %sign3A_125 = arith.subi %sign3A_121, %sign3A_124 : i32
    %ne3A_126 = arith.cmpi ne, %sign3A_118, %sign3A_125 : i32
    %rem3A_127 = arith.remsi %jit3A_109, %jit3A_110 : i32
    %ne3A_128 = arith.constant 0 : i32
    %ne3A_129 = arith.cmpi ne, %rem3A_127, %ne3A_128 : i32
    %and3A_130 = arith.andi %ne3A_126, %ne3A_129 : i1
    %sub3A_131 = arith.constant 1 : i32
    %sub3A_132 = arith.subi %div3A_111, %sub3A_131 : i32
    %select_n3A_133 = arith.select %and3A_130, %sub3A_132, %div3A_111 : i32
    %rem3A_134 = arith.constant 2 : i32
    %rem3A_135 = arith.constant 4 : i32
    %rem3A_136 = arith.remsi %rem3A_134, %rem3A_135 : i32
    %mul3A_137 = arith.constant 128 : i32
    %mul3A_138 = arith.muli %rem3A_136, %mul3A_137 : i32
    %dma_start3A_139 = arith.constant 2 : i32
    %dma_start3A_140 = arith.constant 2 : i32
    %dma_start3A_141 = arith.constant 0 : i32
    %dma_start3A_142 = arith.constant 0 : i32
    %dma_start3A_143 = tpu.memref_slice %arg6[%dma_start3A_139, %dma_start3A_141, %dma_start3A_142] : memref<4x129x64xf32, #tpu.memory_space<vmem>> -> memref<1x128x64xf32, #tpu.memory_space<vmem>>
    %dma_start3A_144 = tpu.memref_squeeze %dma_start3A_143 : memref<1x128x64xf32, #tpu.memory_space<vmem>> -> memref<128x64xf32, #tpu.memory_space<vmem>>
    %dma_start3A_145 = tpu.memref_slice %arg5[%select_n3A_133, %mul3A_138] : memref<26x512xi32, #tpu.memory_space<vmem>> -> memref<1x128xi32, #tpu.memory_space<vmem>>
    %dma_start3A_146 = tpu.memref_squeeze %dma_start3A_145 : memref<1x128xi32, #tpu.memory_space<vmem>> -> memref<128xi32, #tpu.memory_space<vmem>>
    %dma_start3A_147 = arith.constant 0 : i32
    %dma_start3A_148 = arith.constant 0 : i32
    %dma_start3A_149 = tpu.memref_slice %arg2[%dma_start3A_147, %dma_start3A_148] : memref<100000x64xf32, #tpu.memory_space<hbm>> -> memref<100000x64xf32, #tpu.memory_space<hbm>>
    %dma_start3A_150 = tpu.memref_slice %arg8[%dma_start3A_140] : memref<4x!tpu.dma_semaphore, #tpu.memory_space<semaphore_mem>> -> memref<1x!tpu.dma_semaphore, #tpu.memory_space<semaphore_mem>>
    %dma_start3A_151 = tpu.memref_squeeze %dma_start3A_150 : memref<1x!tpu.dma_semaphore, #tpu.memory_space<semaphore_mem>> -> memref<!tpu.dma_semaphore, #tpu.memory_space<semaphore_mem>>
    tpu.enqueue_indirect_dma source(%dma_start3A_149 : memref<100000x64xf32, #tpu.memory_space<hbm>>) target(%dma_start3A_144 : memref<128x64xf32, #tpu.memory_space<vmem>>) offsets(%dma_start3A_146 : memref<128xi32, #tpu.memory_space<vmem>>) semaphore(%dma_start3A_151 : memref<!tpu.dma_semaphore, #tpu.memory_space<semaphore_mem>>)
    %scan3A = arith.constant 0 : i32
    %scan3A_152 = arith.constant 0 : i32
    %scan3A_153 = arith.constant 26 : i32
    %scan3A_154 = arith.addi %scan3A_152, %scan3A_153 : i32
    %scan3A_155 = arith.constant 1 : i32
    %scan3A_156 = scf.for %scan3A_209 = %scan3A_152 to %scan3A_154 step %scan3A_155 iter_args(%scan3A_210 = %scan3A) -> (i32)  : i32 {
      %mul3A_211 = arith.constant 4 : i32
      %mul3A_212 = arith.muli %scan3A_209, %mul3A_211 : i32
      %add3A_213 = arith.constant 0 : i32
      %add3A_214 = arith.addi %mul3A_212, %add3A_213 : i32
      %dma_wait3A_215 = arith.constant 0 : i32
      %dma_wait3A_216 = arith.constant 0 : i32
      %dma_wait3A_217 = arith.constant 0 : i32
      %dma_wait3A_218 = arith.constant 0 : i32
      %dma_wait3A_219 = arith.constant 0 : i32
      %dma_wait3A_220 = tpu.memref_slice %arg6[%dma_wait3A_216, %dma_wait3A_218, %dma_wait3A_219] : memref<4x129x64xf32, #tpu.memory_space<vmem>> -> memref<1x128x64xf32, #tpu.memory_space<vmem>>
      %dma_wait3A_221 = tpu.memref_squeeze %dma_wait3A_220 : memref<1x128x64xf32, #tpu.memory_space<vmem>> -> memref<128x64xf32, #tpu.memory_space<vmem>>
      %dma_wait3A_222 = arith.constant 0 : i32
      %dma_wait3A_223 = tpu.memref_slice %arg5[%dma_wait3A_215, %dma_wait3A_222] : memref<26x512xi32, #tpu.memory_space<vmem>> -> memref<1x128xi32, #tpu.memory_space<vmem>>
      %dma_wait3A_224 = tpu.memref_squeeze %dma_wait3A_223 : memref<1x128xi32, #tpu.memory_space<vmem>> -> memref<128xi32, #tpu.memory_space<vmem>>
      %dma_wait3A_225 = arith.constant 0 : i32
      %dma_wait3A_226 = arith.constant 0 : i32
      %dma_wait3A_227 = tpu.memref_slice %arg2[%dma_wait3A_225, %dma_wait3A_226] : memref<100000x64xf32, #tpu.memory_space<hbm>> -> memref<100000x64xf32, #tpu.memory_space<hbm>>
      %dma_wait3A_228 = tpu.memref_slice %arg8[%dma_wait3A_217] : memref<4x!tpu.dma_semaphore, #tpu.memory_space<semaphore_mem>> -> memref<1x!tpu.dma_semaphore, #tpu.memory_space<semaphore_mem>>
      %dma_wait3A_229 = tpu.memref_squeeze %dma_wait3A_228 : memref<1x!tpu.dma_semaphore, #tpu.memory_space<semaphore_mem>> -> memref<!tpu.dma_semaphore, #tpu.memory_space<semaphore_mem>>
      tpu.wait_indirect_dma semaphore(%dma_wait3A_229 : memref<!tpu.dma_semaphore, #tpu.memory_space<semaphore_mem>>) src(%dma_wait3A_227 : memref<100000x64xf32, #tpu.memory_space<hbm>>) dst(%dma_wait3A_221 : memref<128x64xf32, #tpu.memory_space<vmem>>)
      %gt3A = arith.constant 0 : i32
      %gt3A_230 = arith.cmpi sgt, %scan3A_209, %gt3A : i32
      %convert_element_type3A = arith.extui %gt3A_230 : i1 to i32
      %cond3A = arith.constant 0 : i32
      %cond3A_231 = arith.cmpi ne, %convert_element_type3A, %cond3A : i32
      scf.if %cond3A_231 {
        %dma_wait3A_639 = arith.constant 0 : i32
        %dma_wait3A_640 = arith.constant 0 : i32
        %dma_wait3A_641 = arith.constant 0 : i32
        %dma_wait3A_642 = arith.constant 0 : i32
        %dma_wait3A_643 = arith.constant 0 : i32
        %dma_wait3A_644 = arith.constant 0 : i32
        %dma_wait3A_645 = arith.constant 0 : i32
        %dma_wait3A_646 = tpu.memref_slice %arg7[%dma_wait3A_639, %dma_wait3A_643, %dma_wait3A_644, %dma_wait3A_645] : memref<2x8x8x136xf32, #tpu.memory_space<vmem>> -> memref<1x8x8x128xf32, #tpu.memory_space<vmem>>
        %dma_wait3A_647 = tpu.memref_squeeze %dma_wait3A_646 : memref<1x8x8x128xf32, #tpu.memory_space<vmem>> -> memref<8x8x128xf32, #tpu.memory_space<vmem>>
        %dma_wait3A_648 = arith.constant 0 : i32
        %dma_wait3A_649 = arith.constant 0 : i32
        %dma_wait3A_650 = arith.constant 0 : i32
        %dma_wait3A_651 = tpu.memref_slice %arg4[%dma_wait3A_640, %dma_wait3A_648, %dma_wait3A_641, %dma_wait3A_649, %dma_wait3A_650] : memref<26x8x128x8x128xf32, #tpu.memory_space<hbm>> -> memref<1x8x1x8x128xf32, #tpu.memory_space<hbm>>
        %dma_wait3A_652 = tpu.memref_squeeze %dma_wait3A_651 : memref<1x8x1x8x128xf32, #tpu.memory_space<hbm>> -> memref<8x8x128xf32, #tpu.memory_space<hbm>>
        %dma_wait3A_653 = tpu.memref_slice %arg9[%dma_wait3A_642] : memref<2x!tpu.dma_semaphore, #tpu.memory_space<semaphore_mem>> -> memref<1x!tpu.dma_semaphore, #tpu.memory_space<semaphore_mem>>
        %dma_wait3A_654 = tpu.memref_squeeze %dma_wait3A_653 : memref<1x!tpu.dma_semaphore, #tpu.memory_space<semaphore_mem>> -> memref<!tpu.dma_semaphore, #tpu.memory_space<semaphore_mem>>
        %dma_wait3A_655 = arith.constant 0 : i32
        %dma_wait3A_656 = arith.constant 0 : i32
        %dma_wait3A_657 = arith.constant 0 : i32
        %dma_wait3A_658 = tpu.memref_slice %arg4[%dma_wait3A_640, %dma_wait3A_655, %dma_wait3A_641, %dma_wait3A_656, %dma_wait3A_657] : memref<26x8x128x8x128xf32, #tpu.memory_space<hbm>> -> memref<1x8x1x8x128xf32, #tpu.memory_space<hbm>>
        %dma_wait3A_659 = tpu.memref_squeeze %dma_wait3A_658 : memref<1x8x1x8x128xf32, #tpu.memory_space<hbm>> -> memref<8x8x128xf32, #tpu.memory_space<hbm>>
        %dma_wait3A_660 = arith.constant 0 : i32
        %dma_wait3A_661 = arith.constant 0 : i32
        %dma_wait3A_662 = arith.constant 0 : i32
        %dma_wait3A_663 = tpu.memref_slice %arg7[%dma_wait3A_639, %dma_wait3A_660, %dma_wait3A_661, %dma_wait3A_662] : memref<2x8x8x136xf32, #tpu.memory_space<vmem>> -> memref<1x8x8x128xf32, #tpu.memory_space<vmem>>
        %dma_wait3A_664 = tpu.memref_squeeze %dma_wait3A_663 : memref<1x8x8x128xf32, #tpu.memory_space<vmem>> -> memref<8x8x128xf32, #tpu.memory_space<vmem>>
        tpu.wait_dma2 semaphore(%dma_wait3A_654 : memref<!tpu.dma_semaphore, #tpu.memory_space<semaphore_mem>>) src(%dma_wait3A_664 : memref<8x8x128xf32, #tpu.memory_space<vmem>>) dst(%dma_wait3A_659 : memref<8x8x128xf32, #tpu.memory_space<hbm>>)
      } else {
      }
      %get3A = arith.constant 0 : i32
      %get3A_232 = arith.constant 0 : i32
      %get3A_233 = arith.constant 0 : i32
      %get3A_234 = arith.constant 0 : i32
      %get3A_235 = tpu.memref_slice %arg6[%get3A, %get3A_233, %get3A_234] : memref<4x129x64xf32, #tpu.memory_space<vmem>> -> memref<1x129x64xf32, #tpu.memory_space<vmem>>
      %get3A_236 = tpu.memref_squeeze %get3A_235 : memref<1x129x64xf32, #tpu.memory_space<vmem>> -> memref<129x64xf32, #tpu.memory_space<vmem>>
      %get3A_237 = arith.index_cast %get3A_232 : i32 to index
      %get3A_238 = arith.constant 0 : index
      %get3A_239 = tpu.vector_load %get3A_236[%get3A_237, %get3A_238] {strides = array<i32>} : memref<129x64xf32, #tpu.memory_space<vmem>>, vector<16xf32>,
      %get3A_240 = arith.constant 0 : i32
      %get3A_241 = arith.constant 0 : i32
      %get3A_242 = arith.constant 0 : i32
      %get3A_243 = arith.constant 0 : i32
      %get3A_244 = tpu.memref_slice %arg6[%get3A_240, %get3A_242, %get3A_243] : memref<4x129x64xf32, #tpu.memory_space<vmem>> -> memref<1x129x64xf32, #tpu.memory_space<vmem>>
      %get3A_245 = tpu.memref_squeeze %get3A_244 : memref<1x129x64xf32, #tpu.memory_space<vmem>> -> memref<129x64xf32, #tpu.memory_space<vmem>>
      %get3A_246 = arith.index_cast %get3A_241 : i32 to index
      %get3A_247 = arith.constant 16 : index
      %get3A_248 = tpu.vector_load %get3A_245[%get3A_246, %get3A_247] {strides = array<i32>} : memref<129x64xf32, #tpu.memory_space<vmem>>, vector<16xf32>,
      %get3A_249 = arith.constant 0 : i32
      %get3A_250 = arith.constant 0 : i32
      %get3A_251 = arith.constant 0 : i32
      %get3A_252 = arith.constant 0 : i32
      %get3A_253 = tpu.memref_slice %arg6[%get3A_249, %get3A_251, %get3A_252] : memref<4x129x64xf32, #tpu.memory_space<vmem>> -> memref<1x129x64xf32, #tpu.memory_space<vmem>>
      %get3A_254 = tpu.memref_squeeze %get3A_253 : memref<1x129x64xf32, #tpu.memory_space<vmem>> -> memref<129x64xf32, #tpu.memory_space<vmem>>
      %get3A_255 = arith.index_cast %get3A_250 : i32 to index
      %get3A_256 = arith.constant 32 : index
      %get3A_257 = tpu.vector_load %get3A_254[%get3A_255, %get3A_256] {strides = array<i32>} : memref<129x64xf32, #tpu.memory_space<vmem>>, vector<16xf32>,
      %get3A_258 = arith.constant 0 : i32
      %get3A_259 = arith.constant 0 : i32
      %get3A_260 = arith.constant 0 : i32
      %get3A_261 = arith.constant 0 : i32
      %get3A_262 = tpu.memref_slice %arg6[%get3A_258, %get3A_260, %get3A_261] : memref<4x129x64xf32, #tpu.memory_space<vmem>> -> memref<1x129x64xf32, #tpu.memory_space<vmem>>
      %get3A_263 = tpu.memref_squeeze %get3A_262 : memref<1x129x64xf32, #tpu.memory_space<vmem>> -> memref<129x64xf32, #tpu.memory_space<vmem>>
      %get3A_264 = arith.index_cast %get3A_259 : i32 to index
      %get3A_265 = arith.constant 48 : index
      %get3A_266 = tpu.vector_load %get3A_263[%get3A_264, %get3A_265] {strides = array<i32>} : memref<129x64xf32, #tpu.memory_space<vmem>>, vector<16xf32>,
      %scan3A_267 = arith.constant 0 : i32
      %scan3A_268 = arith.constant 0 : i32
      %scan3A_269 = arith.constant 0 : i32
      %scan3A_270 = arith.constant 128 : i32
      %scan3A_271 = arith.addi %scan3A_269, %scan3A_270 : i32
      %scan3A_272 = arith.constant 8 : i32
      %scan3A_273:4 = scf.for %scan3A_639 = %scan3A_269 to %scan3A_271 step %scan3A_272 iter_args(%scan3A_640 = %get3A_239, %scan3A_641 = %get3A_248, %scan3A_642 = %get3A_257, %scan3A_643 = %get3A_266) -> (vector<16xf32>, vector<16xf32>, vector<16xf32>, vector<16xf32>)  : i32 {
        %add3A_644 = arith.constant 1 : i32
        %add3A_645 = arith.addi %scan3A_639, %add3A_644 : i32
        %get3A_646 = arith.constant 0 : i32
        %get3A_647 = arith.constant 0 : i32
        %get3A_648 = tpu.memref_slice %arg6[%scan3A_267, %get3A_646, %get3A_647] : memref<4x129x64xf32, #tpu.memory_space<vmem>> -> memref<1x129x64xf32, #tpu.memory_space<vmem>>
        %get3A_649 = tpu.memref_squeeze %get3A_648 : memref<1x129x64xf32, #tpu.memory_space<vmem>> -> memref<129x64xf32, #tpu.memory_space<vmem>>
        %get3A_650 = arith.index_cast %add3A_645 : i32 to index
        %get3A_651 = arith.constant 0 : index
        %get3A_652 = tpu.vector_load %get3A_649[%get3A_650, %get3A_651] {strides = array<i32>} : memref<129x64xf32, #tpu.memory_space<vmem>>, vector<16xf32>,
        %get3A_653 = arith.constant 0 : i32
        %get3A_654 = arith.constant 0 : i32
        %get3A_655 = tpu.memref_slice %arg6[%scan3A_267, %get3A_653, %get3A_654] : memref<4x129x64xf32, #tpu.memory_space<vmem>> -> memref<1x129x64xf32, #tpu.memory_space<vmem>>
        %get3A_656 = tpu.memref_squeeze %get3A_655 : memref<1x129x64xf32, #tpu.memory_space<vmem>> -> memref<129x64xf32, #tpu.memory_space<vmem>>
        %get3A_657 = arith.index_cast %add3A_645 : i32 to index
        %get3A_658 = arith.constant 16 : index
        %get3A_659 = tpu.vector_load %get3A_656[%get3A_657, %get3A_658] {strides = array<i32>} : memref<129x64xf32, #tpu.memory_space<vmem>>, vector<16xf32>,
        %get3A_660 = arith.constant 0 : i32
        %get3A_661 = arith.constant 0 : i32
        %get3A_662 = tpu.memref_slice %arg6[%scan3A_267, %get3A_660, %get3A_661] : memref<4x129x64xf32, #tpu.memory_space<vmem>> -> memref<1x129x64xf32, #tpu.memory_space<vmem>>
        %get3A_663 = tpu.memref_squeeze %get3A_662 : memref<1x129x64xf32, #tpu.memory_space<vmem>> -> memref<129x64xf32, #tpu.memory_space<vmem>>
        %get3A_664 = arith.index_cast %add3A_645 : i32 to index
        %get3A_665 = arith.constant 32 : index
        %get3A_666 = tpu.vector_load %get3A_663[%get3A_664, %get3A_665] {strides = array<i32>} : memref<129x64xf32, #tpu.memory_space<vmem>>, vector<16xf32>,
        %get3A_667 = arith.constant 0 : i32
        %get3A_668 = arith.constant 0 : i32
        %get3A_669 = tpu.memref_slice %arg6[%scan3A_267, %get3A_667, %get3A_668] : memref<4x129x64xf32, #tpu.memory_space<vmem>> -> memref<1x129x64xf32, #tpu.memory_space<vmem>>
        %get3A_670 = tpu.memref_squeeze %get3A_669 : memref<1x129x64xf32, #tpu.memory_space<vmem>> -> memref<129x64xf32, #tpu.memory_space<vmem>>
        %get3A_671 = arith.index_cast %add3A_645 : i32 to index
        %get3A_672 = arith.constant 48 : index
        %get3A_673 = tpu.vector_load %get3A_670[%get3A_671, %get3A_672] {strides = array<i32>} : memref<129x64xf32, #tpu.memory_space<vmem>>, vector<16xf32>,
        %broadcast_in_dim3A = arith.constant 0 : i32
        %broadcast_in_dim3A_674 = vector.broadcast %broadcast_in_dim3A : i32 to vector<16xi32>
        %add3A_675 = vector.broadcast %scan3A_639 : i32 to vector<16xi32>
        %add3A_676 = arith.addi %broadcast_in_dim3A_674, %add3A_675 : vector<16xi32>
        %add3A_677 = arith.addi %mul3A_13, %add3A_676 : vector<16xi32>
        %scatter3A = arith.constant 0 : i32
        %scatter3A_678 = arith.constant 0 : i32
        %scatter3A_679 = arith.constant 0 : i32
        %scatter3A_680 = tpu.memref_slice %arg7[%scan3A_268, %scatter3A, %scatter3A_678, %scatter3A_679] : memref<2x8x8x136xf32, #tpu.memory_space<vmem>> -> memref<1x8x8x136xf32, #tpu.memory_space<vmem>>
        %scatter3A_681 = tpu.memref_squeeze %scatter3A_680 : memref<1x8x8x136xf32, #tpu.memory_space<vmem>> -> memref<8x8x136xf32, #tpu.memory_space<vmem>>
        tpu.vector_store_idx %scatter3A_681[%mul3A_7, %mul3A_7, %add3A_677], %scan3A_640 : memref<8x8x136xf32, #tpu.memory_space<vmem>>[vector<16xi32>, vector<16xi32>, vector<16xi32>], vector<16xf32>,
        %add3A_682 = arith.addi %mul3A_19, %add3A_676 : vector<16xi32>
        %scatter3A_683 = arith.constant 0 : i32
        %scatter3A_684 = arith.constant 0 : i32
        %scatter3A_685 = arith.constant 0 : i32
        %scatter3A_686 = tpu.memref_slice %arg7[%scan3A_268, %scatter3A_683, %scatter3A_684, %scatter3A_685] : memref<2x8x8x136xf32, #tpu.memory_space<vmem>> -> memref<1x8x8x136xf32, #tpu.memory_space<vmem>>
        %scatter3A_687 = tpu.memref_squeeze %scatter3A_686 : memref<1x8x8x136xf32, #tpu.memory_space<vmem>> -> memref<8x8x136xf32, #tpu.memory_space<vmem>>
        tpu.vector_store_idx %scatter3A_687[%mul3A_7, %mul3A_7, %add3A_682], %scan3A_641 : memref<8x8x136xf32, #tpu.memory_space<vmem>>[vector<16xi32>, vector<16xi32>, vector<16xi32>], vector<16xf32>,
        %add3A_688 = arith.addi %mul3A_25, %add3A_676 : vector<16xi32>
        %scatter3A_689 = arith.constant 0 : i32
        %scatter3A_690 = arith.constant 0 : i32
        %scatter3A_691 = arith.constant 0 : i32
        %scatter3A_692 = tpu.memref_slice %arg7[%scan3A_268, %scatter3A_689, %scatter3A_690, %scatter3A_691] : memref<2x8x8x136xf32, #tpu.memory_space<vmem>> -> memref<1x8x8x136xf32, #tpu.memory_space<vmem>>
        %scatter3A_693 = tpu.memref_squeeze %scatter3A_692 : memref<1x8x8x136xf32, #tpu.memory_space<vmem>> -> memref<8x8x136xf32, #tpu.memory_space<vmem>>
        tpu.vector_store_idx %scatter3A_693[%mul3A_7, %mul3A_7, %add3A_688], %scan3A_642 : memref<8x8x136xf32, #tpu.memory_space<vmem>>[vector<16xi32>, vector<16xi32>, vector<16xi32>], vector<16xf32>,
        %add3A_694 = arith.addi %mul3A_31, %add3A_676 : vector<16xi32>
        %scatter3A_695 = arith.constant 0 : i32
        %scatter3A_696 = arith.constant 0 : i32
        %scatter3A_697 = arith.constant 0 : i32
        %scatter3A_698 = tpu.memref_slice %arg7[%scan3A_268, %scatter3A_695, %scatter3A_696, %scatter3A_697] : memref<2x8x8x136xf32, #tpu.memory_space<vmem>> -> memref<1x8x8x136xf32, #tpu.memory_space<vmem>>
        %scatter3A_699 = tpu.memref_squeeze %scatter3A_698 : memref<1x8x8x136xf32, #tpu.memory_space<vmem>> -> memref<8x8x136xf32, #tpu.memory_space<vmem>>
        tpu.vector_store_idx %scatter3A_699[%mul3A_7, %mul3A_7, %add3A_694], %scan3A_643 : memref<8x8x136xf32, #tpu.memory_space<vmem>>[vector<16xi32>, vector<16xi32>, vector<16xi32>], vector<16xf32>,
        %scan3A_700 = arith.constant 1 : i32
        %scan3A_701 = arith.addi %scan3A_639, %scan3A_700 : i32
        %add3A_702 = arith.constant 1 : i32
        %add3A_703 = arith.addi %scan3A_701, %add3A_702 : i32
        %get3A_704 = arith.constant 0 : i32
        %get3A_705 = arith.constant 0 : i32
        %get3A_706 = tpu.memref_slice %arg6[%scan3A_267, %get3A_704, %get3A_705] : memref<4x129x64xf32, #tpu.memory_space<vmem>> -> memref<1x129x64xf32, #tpu.memory_space<vmem>>
        %get3A_707 = tpu.memref_squeeze %get3A_706 : memref<1x129x64xf32, #tpu.memory_space<vmem>> -> memref<129x64xf32, #tpu.memory_space<vmem>>
        %get3A_708 = arith.index_cast %add3A_703 : i32 to index
        %get3A_709 = arith.constant 0 : index
        %get3A_710 = tpu.vector_load %get3A_707[%get3A_708, %get3A_709] {strides = array<i32>} : memref<129x64xf32, #tpu.memory_space<vmem>>, vector<16xf32>,
        %get3A_711 = arith.constant 0 : i32
        %get3A_712 = arith.constant 0 : i32
        %get3A_713 = tpu.memref_slice %arg6[%scan3A_267, %get3A_711, %get3A_712] : memref<4x129x64xf32, #tpu.memory_space<vmem>> -> memref<1x129x64xf32, #tpu.memory_space<vmem>>
        %get3A_714 = tpu.memref_squeeze %get3A_713 : memref<1x129x64xf32, #tpu.memory_space<vmem>> -> memref<129x64xf32, #tpu.memory_space<vmem>>
        %get3A_715 = arith.index_cast %add3A_703 : i32 to index
        %get3A_716 = arith.constant 16 : index
        %get3A_717 = tpu.vector_load %get3A_714[%get3A_715, %get3A_716] {strides = array<i32>} : memref<129x64xf32, #tpu.memory_space<vmem>>, vector<16xf32>,
        %get3A_718 = arith.constant 0 : i32
        %get3A_719 = arith.constant 0 : i32
        %get3A_720 = tpu.memref_slice %arg6[%scan3A_267, %get3A_718, %get3A_719] : memref<4x129x64xf32, #tpu.memory_space<vmem>> -> memref<1x129x64xf32, #tpu.memory_space<vmem>>
        %get3A_721 = tpu.memref_squeeze %get3A_720 : memref<1x129x64xf32, #tpu.memory_space<vmem>> -> memref<129x64xf32, #tpu.memory_space<vmem>>
        %get3A_722 = arith.index_cast %add3A_703 : i32 to index
        %get3A_723 = arith.constant 32 : index
        %get3A_724 = tpu.vector_load %get3A_721[%get3A_722, %get3A_723] {strides = array<i32>} : memref<129x64xf32, #tpu.memory_space<vmem>>, vector<16xf32>,
        %get3A_725 = arith.constant 0 : i32
        %get3A_726 = arith.constant 0 : i32
        %get3A_727 = tpu.memref_slice %arg6[%scan3A_267, %get3A_725, %get3A_726] : memref<4x129x64xf32, #tpu.memory_space<vmem>> -> memref<1x129x64xf32, #tpu.memory_space<vmem>>
        %get3A_728 = tpu.memref_squeeze %get3A_727 : memref<1x129x64xf32, #tpu.memory_space<vmem>> -> memref<129x64xf32, #tpu.memory_space<vmem>>
        %get3A_729 = arith.index_cast %add3A_703 : i32 to index
        %get3A_730 = arith.constant 48 : index
        %get3A_731 = tpu.vector_load %get3A_728[%get3A_729, %get3A_730] {strides = array<i32>} : memref<129x64xf32, #tpu.memory_space<vmem>>, vector<16xf32>,
        %broadcast_in_dim3A_732 = arith.constant 0 : i32
        %broadcast_in_dim3A_733 = vector.broadcast %broadcast_in_dim3A_732 : i32 to vector<16xi32>
        %add3A_734 = vector.broadcast %scan3A_701 : i32 to vector<16xi32>
        %add3A_735 = arith.addi %broadcast_in_dim3A_733, %add3A_734 : vector<16xi32>
        %add3A_736 = arith.addi %mul3A_13, %add3A_735 : vector<16xi32>
        %scatter3A_737 = arith.constant 0 : i32
        %scatter3A_738 = arith.constant 0 : i32
        %scatter3A_739 = arith.constant 0 : i32
        %scatter3A_740 = tpu.memref_slice %arg7[%scan3A_268, %scatter3A_737, %scatter3A_738, %scatter3A_739] : memref<2x8x8x136xf32, #tpu.memory_space<vmem>> -> memref<1x8x8x136xf32, #tpu.memory_space<vmem>>
        %scatter3A_741 = tpu.memref_squeeze %scatter3A_740 : memref<1x8x8x136xf32, #tpu.memory_space<vmem>> -> memref<8x8x136xf32, #tpu.memory_space<vmem>>
        tpu.vector_store_idx %scatter3A_741[%mul3A_7, %mul3A_7, %add3A_736], %get3A_652 : memref<8x8x136xf32, #tpu.memory_space<vmem>>[vector<16xi32>, vector<16xi32>, vector<16xi32>], vector<16xf32>,
        %add3A_742 = arith.addi %mul3A_19, %add3A_735 : vector<16xi32>
        %scatter3A_743 = arith.constant 0 : i32
        %scatter3A_744 = arith.constant 0 : i32
        %scatter3A_745 = arith.constant 0 : i32
        %scatter3A_746 = tpu.memref_slice %arg7[%scan3A_268, %scatter3A_743, %scatter3A_744, %scatter3A_745] : memref<2x8x8x136xf32, #tpu.memory_space<vmem>> -> memref<1x8x8x136xf32, #tpu.memory_space<vmem>>
        %scatter3A_747 = tpu.memref_squeeze %scatter3A_746 : memref<1x8x8x136xf32, #tpu.memory_space<vmem>> -> memref<8x8x136xf32, #tpu.memory_space<vmem>>
        tpu.vector_store_idx %scatter3A_747[%mul3A_7, %mul3A_7, %add3A_742], %get3A_659 : memref<8x8x136xf32, #tpu.memory_space<vmem>>[vector<16xi32>, vector<16xi32>, vector<16xi32>], vector<16xf32>,
        %add3A_748 = arith.addi %mul3A_25, %add3A_735 : vector<16xi32>
        %scatter3A_749 = arith.constant 0 : i32
        %scatter3A_750 = arith.constant 0 : i32
        %scatter3A_751 = arith.constant 0 : i32
        %scatter3A_752 = tpu.memref_slice %arg7[%scan3A_268, %scatter3A_749, %scatter3A_750, %scatter3A_751] : memref<2x8x8x136xf32, #tpu.memory_space<vmem>> -> memref<1x8x8x136xf32, #tpu.memory_space<vmem>>
        %scatter3A_753 = tpu.memref_squeeze %scatter3A_752 : memref<1x8x8x136xf32, #tpu.memory_space<vmem>> -> memref<8x8x136xf32, #tpu.memory_space<vmem>>
        tpu.vector_store_idx %scatter3A_753[%mul3A_7, %mul3A_7, %add3A_748], %get3A_666 : memref<8x8x136xf32, #tpu.memory_space<vmem>>[vector<16xi32>, vector<16xi32>, vector<16xi32>], vector<16xf32>,
        %add3A_754 = arith.addi %mul3A_31, %add3A_735 : vector<16xi32>
        %scatter3A_755 = arith.constant 0 : i32
        %scatter3A_756 = arith.constant 0 : i32
        %scatter3A_757 = arith.constant 0 : i32
        %scatter3A_758 = tpu.memref_slice %arg7[%scan3A_268, %scatter3A_755, %scatter3A_756, %scatter3A_757] : memref<2x8x8x136xf32, #tpu.memory_space<vmem>> -> memref<1x8x8x136xf32, #tpu.memory_space<vmem>>
        %scatter3A_759 = tpu.memref_squeeze %scatter3A_758 : memref<1x8x8x136xf32, #tpu.memory_space<vmem>> -> memref<8x8x136xf32, #tpu.memory_space<vmem>>
        tpu.vector_store_idx %scatter3A_759[%mul3A_7, %mul3A_7, %add3A_754], %get3A_673 : memref<8x8x136xf32, #tpu.memory_space<vmem>>[vector<16xi32>, vector<16xi32>, vector<16xi32>], vector<16xf32>,
        %scan3A_760 = arith.constant 2 : i32
        %scan3A_761 = arith.addi %scan3A_639, %scan3A_760 : i32
        %add3A_762 = arith.constant 1 : i32
        %add3A_763 = arith.addi %scan3A_761, %add3A_762 : i32
        %get3A_764 = arith.constant 0 : i32
        %get3A_765 = arith.constant 0 : i32
        %get3A_766 = tpu.memref_slice %arg6[%scan3A_267, %get3A_764, %get3A_765] : memref<4x129x64xf32, #tpu.memory_space<vmem>> -> memref<1x129x64xf32, #tpu.memory_space<vmem>>
        %get3A_767 = tpu.memref_squeeze %get3A_766 : memref<1x129x64xf32, #tpu.memory_space<vmem>> -> memref<129x64xf32, #tpu.memory_space<vmem>>
        %get3A_768 = arith.index_cast %add3A_763 : i32 to index
        %get3A_769 = arith.constant 0 : index
        %get3A_770 = tpu.vector_load %get3A_767[%get3A_768, %get3A_769] {strides = array<i32>} : memref<129x64xf32, #tpu.memory_space<vmem>>, vector<16xf32>,
        %get3A_771 = arith.constant 0 : i32
        %get3A_772 = arith.constant 0 : i32
        %get3A_773 = tpu.memref_slice %arg6[%scan3A_267, %get3A_771, %get3A_772] : memref<4x129x64xf32, #tpu.memory_space<vmem>> -> memref<1x129x64xf32, #tpu.memory_space<vmem>>
        %get3A_774 = tpu.memref_squeeze %get3A_773 : memref<1x129x64xf32, #tpu.memory_space<vmem>> -> memref<129x64xf32, #tpu.memory_space<vmem>>
        %get3A_775 = arith.index_cast %add3A_763 : i32 to index
        %get3A_776 = arith.constant 16 : index
        %get3A_777 = tpu.vector_load %get3A_774[%get3A_775, %get3A_776] {strides = array<i32>} : memref<129x64xf32, #tpu.memory_space<vmem>>, vector<16xf32>,
        %get3A_778 = arith.constant 0 : i32
        %get3A_779 = arith.constant 0 : i32
        %get3A_780 = tpu.memref_slice %arg6[%scan3A_267, %get3A_778, %get3A_779] : memref<4x129x64xf32, #tpu.memory_space<vmem>> -> memref<1x129x64xf32, #tpu.memory_space<vmem>>
        %get3A_781 = tpu.memref_squeeze %get3A_780 : memref<1x129x64xf32, #tpu.memory_space<vmem>> -> memref<129x64xf32, #tpu.memory_space<vmem>>
        %get3A_782 = arith.index_cast %add3A_763 : i32 to index
        %get3A_783 = arith.constant 32 : index
        %get3A_784 = tpu.vector_load %get3A_781[%get3A_782, %get3A_783] {strides = array<i32>} : memref<129x64xf32, #tpu.memory_space<vmem>>, vector<16xf32>,
        %get3A_785 = arith.constant 0 : i32
        %get3A_786 = arith.constant 0 : i32
        %get3A_787 = tpu.memref_slice %arg6[%scan3A_267, %get3A_785, %get3A_786] : memref<4x129x64xf32, #tpu.memory_space<vmem>> -> memref<1x129x64xf32, #tpu.memory_space<vmem>>
        %get3A_788 = tpu.memref_squeeze %get3A_787 : memref<1x129x64xf32, #tpu.memory_space<vmem>> -> memref<129x64xf32, #tpu.memory_space<vmem>>
        %get3A_789 = arith.index_cast %add3A_763 : i32 to index
        %get3A_790 = arith.constant 48 : index
        %get3A_791 = tpu.vector_load %get3A_788[%get3A_789, %get3A_790] {strides = array<i32>} : memref<129x64xf32, #tpu.memory_space<vmem>>, vector<16xf32>,
        %broadcast_in_dim3A_792 = arith.constant 0 : i32
        %broadcast_in_dim3A_793 = vector.broadcast %broadcast_in_dim3A_792 : i32 to vector<16xi32>
        %add3A_794 = vector.broadcast %scan3A_761 : i32 to vector<16xi32>
        %add3A_795 = arith.addi %broadcast_in_dim3A_793, %add3A_794 : vector<16xi32>
        %add3A_796 = arith.addi %mul3A_13, %add3A_795 : vector<16xi32>
        %scatter3A_797 = arith.constant 0 : i32
        %scatter3A_798 = arith.constant 0 : i32
        %scatter3A_799 = arith.constant 0 : i32
        %scatter3A_800 = tpu.memref_slice %arg7[%scan3A_268, %scatter3A_797, %scatter3A_798, %scatter3A_799] : memref<2x8x8x136xf32, #tpu.memory_space<vmem>> -> memref<1x8x8x136xf32, #tpu.memory_space<vmem>>
        %scatter3A_801 = tpu.memref_squeeze %scatter3A_800 : memref<1x8x8x136xf32, #tpu.memory_space<vmem>> -> memref<8x8x136xf32, #tpu.memory_space<vmem>>
        tpu.vector_store_idx %scatter3A_801[%mul3A_7, %mul3A_7, %add3A_796], %get3A_710 : memref<8x8x136xf32, #tpu.memory_space<vmem>>[vector<16xi32>, vector<16xi32>, vector<16xi32>], vector<16xf32>,
        %add3A_802 = arith.addi %mul3A_19, %add3A_795 : vector<16xi32>
        %scatter3A_803 = arith.constant 0 : i32
        %scatter3A_804 = arith.constant 0 : i32
        %scatter3A_805 = arith.constant 0 : i32
        %scatter3A_806 = tpu.memref_slice %arg7[%scan3A_268, %scatter3A_803, %scatter3A_804, %scatter3A_805] : memref<2x8x8x136xf32, #tpu.memory_space<vmem>> -> memref<1x8x8x136xf32, #tpu.memory_space<vmem>>
        %scatter3A_807 = tpu.memref_squeeze %scatter3A_806 : memref<1x8x8x136xf32, #tpu.memory_space<vmem>> -> memref<8x8x136xf32, #tpu.memory_space<vmem>>
        tpu.vector_store_idx %scatter3A_807[%mul3A_7, %mul3A_7, %add3A_802], %get3A_717 : memref<8x8x136xf32, #tpu.memory_space<vmem>>[vector<16xi32>, vector<16xi32>, vector<16xi32>], vector<16xf32>,
        %add3A_808 = arith.addi %mul3A_25, %add3A_795 : vector<16xi32>
        %scatter3A_809 = arith.constant 0 : i32
        %scatter3A_810 = arith.constant 0 : i32
        %scatter3A_811 = arith.constant 0 : i32
        %scatter3A_812 = tpu.memref_slice %arg7[%scan3A_268, %scatter3A_809, %scatter3A_810, %scatter3A_811] : memref<2x8x8x136xf32, #tpu.memory_space<vmem>> -> memref<1x8x8x136xf32, #tpu.memory_space<vmem>>
        %scatter3A_813 = tpu.memref_squeeze %scatter3A_812 : memref<1x8x8x136xf32, #tpu.memory_space<vmem>> -> memref<8x8x136xf32, #tpu.memory_space<vmem>>
        tpu.vector_store_idx %scatter3A_813[%mul3A_7, %mul3A_7, %add3A_808], %get3A_724 : memref<8x8x136xf32, #tpu.memory_space<vmem>>[vector<16xi32>, vector<16xi32>, vector<16xi32>], vector<16xf32>,
        %add3A_814 = arith.addi %mul3A_31, %add3A_795 : vector<16xi32>
        %scatter3A_815 = arith.constant 0 : i32
        %scatter3A_816 = arith.constant 0 : i32
        %scatter3A_817 = arith.constant 0 : i32
        %scatter3A_818 = tpu.memref_slice %arg7[%scan3A_268, %scatter3A_815, %scatter3A_816, %scatter3A_817] : memref<2x8x8x136xf32, #tpu.memory_space<vmem>> -> memref<1x8x8x136xf32, #tpu.memory_space<vmem>>
        %scatter3A_819 = tpu.memref_squeeze %scatter3A_818 : memref<1x8x8x136xf32, #tpu.memory_space<vmem>> -> memref<8x8x136xf32, #tpu.memory_space<vmem>>
        tpu.vector_store_idx %scatter3A_819[%mul3A_7, %mul3A_7, %add3A_814], %get3A_731 : memref<8x8x136xf32, #tpu.memory_space<vmem>>[vector<16xi32>, vector<16xi32>, vector<16xi32>], vector<16xf32>,
        %scan3A_820 = arith.constant 3 : i32
        %scan3A_821 = arith.addi %scan3A_639, %scan3A_820 : i32
        %add3A_822 = arith.constant 1 : i32
        %add3A_823 = arith.addi %scan3A_821, %add3A_822 : i32
        %get3A_824 = arith.constant 0 : i32
        %get3A_825 = arith.constant 0 : i32
        %get3A_826 = tpu.memref_slice %arg6[%scan3A_267, %get3A_824, %get3A_825] : memref<4x129x64xf32, #tpu.memory_space<vmem>> -> memref<1x129x64xf32, #tpu.memory_space<vmem>>
        %get3A_827 = tpu.memref_squeeze %get3A_826 : memref<1x129x64xf32, #tpu.memory_space<vmem>> -> memref<129x64xf32, #tpu.memory_space<vmem>>
        %get3A_828 = arith.index_cast %add3A_823 : i32 to index
        %get3A_829 = arith.constant 0 : index
        %get3A_830 = tpu.vector_load %get3A_827[%get3A_828, %get3A_829] {strides = array<i32>} : memref<129x64xf32, #tpu.memory_space<vmem>>, vector<16xf32>,
        %get3A_831 = arith.constant 0 : i32
        %get3A_832 = arith.constant 0 : i32
        %get3A_833 = tpu.memref_slice %arg6[%scan3A_267, %get3A_831, %get3A_832] : memref<4x129x64xf32, #tpu.memory_space<vmem>> -> memref<1x129x64xf32, #tpu.memory_space<vmem>>
        %get3A_834 = tpu.memref_squeeze %get3A_833 : memref<1x129x64xf32, #tpu.memory_space<vmem>> -> memref<129x64xf32, #tpu.memory_space<vmem>>
        %get3A_835 = arith.index_cast %add3A_823 : i32 to index
        %get3A_836 = arith.constant 16 : index
        %get3A_837 = tpu.vector_load %get3A_834[%get3A_835, %get3A_836] {strides = array<i32>} : memref<129x64xf32, #tpu.memory_space<vmem>>, vector<16xf32>,
        %get3A_838 = arith.constant 0 : i32
        %get3A_839 = arith.constant 0 : i32
        %get3A_840 = tpu.memref_slice %arg6[%scan3A_267, %get3A_838, %get3A_839] : memref<4x129x64xf32, #tpu.memory_space<vmem>> -> memref<1x129x64xf32, #tpu.memory_space<vmem>>
        %get3A_841 = tpu.memref_squeeze %get3A_840 : memref<1x129x64xf32, #tpu.memory_space<vmem>> -> memref<129x64xf32, #tpu.memory_space<vmem>>
        %get3A_842 = arith.index_cast %add3A_823 : i32 to index
        %get3A_843 = arith.constant 32 : index
        %get3A_844 = tpu.vector_load %get3A_841[%get3A_842, %get3A_843] {strides = array<i32>} : memref<129x64xf32, #tpu.memory_space<vmem>>, vector<16xf32>,
        %get3A_845 = arith.constant 0 : i32
        %get3A_846 = arith.constant 0 : i32
        %get3A_847 = tpu.memref_slice %arg6[%scan3A_267, %get3A_845, %get3A_846] : memref<4x129x64xf32, #tpu.memory_space<vmem>> -> memref<1x129x64xf32, #tpu.memory_space<vmem>>
        %get3A_848 = tpu.memref_squeeze %get3A_847 : memref<1x129x64xf32, #tpu.memory_space<vmem>> -> memref<129x64xf32, #tpu.memory_space<vmem>>
        %get3A_849 = arith.index_cast %add3A_823 : i32 to index
        %get3A_850 = arith.constant 48 : index
        %get3A_851 = tpu.vector_load %get3A_848[%get3A_849, %get3A_850] {strides = array<i32>} : memref<129x64xf32, #tpu.memory_space<vmem>>, vector<16xf32>,
        %broadcast_in_dim3A_852 = arith.constant 0 : i32
        %broadcast_in_dim3A_853 = vector.broadcast %broadcast_in_dim3A_852 : i32 to vector<16xi32>
        %add3A_854 = vector.broadcast %scan3A_821 : i32 to vector<16xi32>
        %add3A_855 = arith.addi %broadcast_in_dim3A_853, %add3A_854 : vector<16xi32>
        %add3A_856 = arith.addi %mul3A_13, %add3A_855 : vector<16xi32>
        %scatter3A_857 = arith.constant 0 : i32
        %scatter3A_858 = arith.constant 0 : i32
        %scatter3A_859 = arith.constant 0 : i32
        %scatter3A_860 = tpu.memref_slice %arg7[%scan3A_268, %scatter3A_857, %scatter3A_858, %scatter3A_859] : memref<2x8x8x136xf32, #tpu.memory_space<vmem>> -> memref<1x8x8x136xf32, #tpu.memory_space<vmem>>
        %scatter3A_861 = tpu.memref_squeeze %scatter3A_860 : memref<1x8x8x136xf32, #tpu.memory_space<vmem>> -> memref<8x8x136xf32, #tpu.memory_space<vmem>>
        tpu.vector_store_idx %scatter3A_861[%mul3A_7, %mul3A_7, %add3A_856], %get3A_770 : memref<8x8x136xf32, #tpu.memory_space<vmem>>[vector<16xi32>, vector<16xi32>, vector<16xi32>], vector<16xf32>,
        %add3A_862 = arith.addi %mul3A_19, %add3A_855 : vector<16xi32>
        %scatter3A_863 = arith.constant 0 : i32
        %scatter3A_864 = arith.constant 0 : i32
        %scatter3A_865 = arith.constant 0 : i32
        %scatter3A_866 = tpu.memref_slice %arg7[%scan3A_268, %scatter3A_863, %scatter3A_864, %scatter3A_865] : memref<2x8x8x136xf32, #tpu.memory_space<vmem>> -> memref<1x8x8x136xf32, #tpu.memory_space<vmem>>
        %scatter3A_867 = tpu.memref_squeeze %scatter3A_866 : memref<1x8x8x136xf32, #tpu.memory_space<vmem>> -> memref<8x8x136xf32, #tpu.memory_space<vmem>>
        tpu.vector_store_idx %scatter3A_867[%mul3A_7, %mul3A_7, %add3A_862], %get3A_777 : memref<8x8x136xf32, #tpu.memory_space<vmem>>[vector<16xi32>, vector<16xi32>, vector<16xi32>], vector<16xf32>,
        %add3A_868 = arith.addi %mul3A_25, %add3A_855 : vector<16xi32>
        %scatter3A_869 = arith.constant 0 : i32
        %scatter3A_870 = arith.constant 0 : i32
        %scatter3A_871 = arith.constant 0 : i32
        %scatter3A_872 = tpu.memref_slice %arg7[%scan3A_268, %scatter3A_869, %scatter3A_870, %scatter3A_871] : memref<2x8x8x136xf32, #tpu.memory_space<vmem>> -> memref<1x8x8x136xf32, #tpu.memory_space<vmem>>
        %scatter3A_873 = tpu.memref_squeeze %scatter3A_872 : memref<1x8x8x136xf32, #tpu.memory_space<vmem>> -> memref<8x8x136xf32, #tpu.memory_space<vmem>>
        tpu.vector_store_idx %scatter3A_873[%mul3A_7, %mul3A_7, %add3A_868], %get3A_784 : memref<8x8x136xf32, #tpu.memory_space<vmem>>[vector<16xi32>, vector<16xi32>, vector<16xi32>], vector<16xf32>,
        %add3A_874 = arith.addi %mul3A_31, %add3A_855 : vector<16xi32>
        %scatter3A_875 = arith.constant 0 : i32
        %scatter3A_876 = arith.constant 0 : i32
        %scatter3A_877 = arith.constant 0 : i32
        %scatter3A_878 = tpu.memref_slice %arg7[%scan3A_268, %scatter3A_875, %scatter3A_876, %scatter3A_877] : memref<2x8x8x136xf32, #tpu.memory_space<vmem>> -> memref<1x8x8x136xf32, #tpu.memory_space<vmem>>
        %scatter3A_879 = tpu.memref_squeeze %scatter3A_878 : memref<1x8x8x136xf32, #tpu.memory_space<vmem>> -> memref<8x8x136xf32, #tpu.memory_space<vmem>>
        tpu.vector_store_idx %scatter3A_879[%mul3A_7, %mul3A_7, %add3A_874], %get3A_791 : memref<8x8x136xf32, #tpu.memory_space<vmem>>[vector<16xi32>, vector<16xi32>, vector<16xi32>], vector<16xf32>,
        %scan3A_880 = arith.constant 4 : i32
        %scan3A_881 = arith.addi %scan3A_639, %scan3A_880 : i32
        %add3A_882 = arith.constant 1 : i32
        %add3A_883 = arith.addi %scan3A_881, %add3A_882 : i32
        %get3A_884 = arith.constant 0 : i32
        %get3A_885 = arith.constant 0 : i32
        %get3A_886 = tpu.memref_slice %arg6[%scan3A_267, %get3A_884, %get3A_885] : memref<4x129x64xf32, #tpu.memory_space<vmem>> -> memref<1x129x64xf32, #tpu.memory_space<vmem>>
        %get3A_887 = tpu.memref_squeeze %get3A_886 : memref<1x129x64xf32, #tpu.memory_space<vmem>> -> memref<129x64xf32, #tpu.memory_space<vmem>>
        %get3A_888 = arith.index_cast %add3A_883 : i32 to index
        %get3A_889 = arith.constant 0 : index
        %get3A_890 = tpu.vector_load %get3A_887[%get3A_888, %get3A_889] {strides = array<i32>} : memref<129x64xf32, #tpu.memory_space<vmem>>, vector<16xf32>,
        %get3A_891 = arith.constant 0 : i32
        %get3A_892 = arith.constant 0 : i32
        %get3A_893 = tpu.memref_slice %arg6[%scan3A_267, %get3A_891, %get3A_892] : memref<4x129x64xf32, #tpu.memory_space<vmem>> -> memref<1x129x64xf32, #tpu.memory_space<vmem>>
        %get3A_894 = tpu.memref_squeeze %get3A_893 : memref<1x129x64xf32, #tpu.memory_space<vmem>> -> memref<129x64xf32, #tpu.memory_space<vmem>>
        %get3A_895 = arith.index_cast %add3A_883 : i32 to index
        %get3A_896 = arith.constant 16 : index
        %get3A_897 = tpu.vector_load %get3A_894[%get3A_895, %get3A_896] {strides = array<i32>} : memref<129x64xf32, #tpu.memory_space<vmem>>, vector<16xf32>,
        %get3A_898 = arith.constant 0 : i32
        %get3A_899 = arith.constant 0 : i32
        %get3A_900 = tpu.memref_slice %arg6[%scan3A_267, %get3A_898, %get3A_899] : memref<4x129x64xf32, #tpu.memory_space<vmem>> -> memref<1x129x64xf32, #tpu.memory_space<vmem>>
        %get3A_901 = tpu.memref_squeeze %get3A_900 : memref<1x129x64xf32, #tpu.memory_space<vmem>> -> memref<129x64xf32, #tpu.memory_space<vmem>>
        %get3A_902 = arith.index_cast %add3A_883 : i32 to index
        %get3A_903 = arith.constant 32 : index
        %get3A_904 = tpu.vector_load %get3A_901[%get3A_902, %get3A_903] {strides = array<i32>} : memref<129x64xf32, #tpu.memory_space<vmem>>, vector<16xf32>,
        %get3A_905 = arith.constant 0 : i32
        %get3A_906 = arith.constant 0 : i32
        %get3A_907 = tpu.memref_slice %arg6[%scan3A_267, %get3A_905, %get3A_906] : memref<4x129x64xf32, #tpu.memory_space<vmem>> -> memref<1x129x64xf32, #tpu.memory_space<vmem>>
        %get3A_908 = tpu.memref_squeeze %get3A_907 : memref<1x129x64xf32, #tpu.memory_space<vmem>> -> memref<129x64xf32, #tpu.memory_space<vmem>>
        %get3A_909 = arith.index_cast %add3A_883 : i32 to index
        %get3A_910 = arith.constant 48 : index
        %get3A_911 = tpu.vector_load %get3A_908[%get3A_909, %get3A_910] {strides = array<i32>} : memref<129x64xf32, #tpu.memory_space<vmem>>, vector<16xf32>,
        %broadcast_in_dim3A_912 = arith.constant 0 : i32
        %broadcast_in_dim3A_913 = vector.broadcast %broadcast_in_dim3A_912 : i32 to vector<16xi32>
        %add3A_914 = vector.broadcast %scan3A_881 : i32 to vector<16xi32>
        %add3A_915 = arith.addi %broadcast_in_dim3A_913, %add3A_914 : vector<16xi32>
        %add3A_916 = arith.addi %mul3A_13, %add3A_915 : vector<16xi32>
        %scatter3A_917 = arith.constant 0 : i32
        %scatter3A_918 = arith.constant 0 : i32
        %scatter3A_919 = arith.constant 0 : i32
        %scatter3A_920 = tpu.memref_slice %arg7[%scan3A_268, %scatter3A_917, %scatter3A_918, %scatter3A_919] : memref<2x8x8x136xf32, #tpu.memory_space<vmem>> -> memref<1x8x8x136xf32, #tpu.memory_space<vmem>>
        %scatter3A_921 = tpu.memref_squeeze %scatter3A_920 : memref<1x8x8x136xf32, #tpu.memory_space<vmem>> -> memref<8x8x136xf32, #tpu.memory_space<vmem>>
        tpu.vector_store_idx %scatter3A_921[%mul3A_7, %mul3A_7, %add3A_916], %get3A_830 : memref<8x8x136xf32, #tpu.memory_space<vmem>>[vector<16xi32>, vector<16xi32>, vector<16xi32>], vector<16xf32>,
        %add3A_922 = arith.addi %mul3A_19, %add3A_915 : vector<16xi32>
        %scatter3A_923 = arith.constant 0 : i32
        %scatter3A_924 = arith.constant 0 : i32
        %scatter3A_925 = arith.constant 0 : i32
        %scatter3A_926 = tpu.memref_slice %arg7[%scan3A_268, %scatter3A_923, %scatter3A_924, %scatter3A_925] : memref<2x8x8x136xf32, #tpu.memory_space<vmem>> -> memref<1x8x8x136xf32, #tpu.memory_space<vmem>>
        %scatter3A_927 = tpu.memref_squeeze %scatter3A_926 : memref<1x8x8x136xf32, #tpu.memory_space<vmem>> -> memref<8x8x136xf32, #tpu.memory_space<vmem>>
        tpu.vector_store_idx %scatter3A_927[%mul3A_7, %mul3A_7, %add3A_922], %get3A_837 : memref<8x8x136xf32, #tpu.memory_space<vmem>>[vector<16xi32>, vector<16xi32>, vector<16xi32>], vector<16xf32>,
        %add3A_928 = arith.addi %mul3A_25, %add3A_915 : vector<16xi32>
        %scatter3A_929 = arith.constant 0 : i32
        %scatter3A_930 = arith.constant 0 : i32
        %scatter3A_931 = arith.constant 0 : i32
        %scatter3A_932 = tpu.memref_slice %arg7[%scan3A_268, %scatter3A_929, %scatter3A_930, %scatter3A_931] : memref<2x8x8x136xf32, #tpu.memory_space<vmem>> -> memref<1x8x8x136xf32, #tpu.memory_space<vmem>>
        %scatter3A_933 = tpu.memref_squeeze %scatter3A_932 : memref<1x8x8x136xf32, #tpu.memory_space<vmem>> -> memref<8x8x136xf32, #tpu.memory_space<vmem>>
        tpu.vector_store_idx %scatter3A_933[%mul3A_7, %mul3A_7, %add3A_928], %get3A_844 : memref<8x8x136xf32, #tpu.memory_space<vmem>>[vector<16xi32>, vector<16xi32>, vector<16xi32>], vector<16xf32>,
        %add3A_934 = arith.addi %mul3A_31, %add3A_915 : vector<16xi32>
        %scatter3A_935 = arith.constant 0 : i32
        %scatter3A_936 = arith.constant 0 : i32
        %scatter3A_937 = arith.constant 0 : i32
        %scatter3A_938 = tpu.memref_slice %arg7[%scan3A_268, %scatter3A_935, %scatter3A_936, %scatter3A_937] : memref<2x8x8x136xf32, #tpu.memory_space<vmem>> -> memref<1x8x8x136xf32, #tpu.memory_space<vmem>>
        %scatter3A_939 = tpu.memref_squeeze %scatter3A_938 : memref<1x8x8x136xf32, #tpu.memory_space<vmem>> -> memref<8x8x136xf32, #tpu.memory_space<vmem>>
        tpu.vector_store_idx %scatter3A_939[%mul3A_7, %mul3A_7, %add3A_934], %get3A_851 : memref<8x8x136xf32, #tpu.memory_space<vmem>>[vector<16xi32>, vector<16xi32>, vector<16xi32>], vector<16xf32>,
        %scan3A_940 = arith.constant 5 : i32
        %scan3A_941 = arith.addi %scan3A_639, %scan3A_940 : i32
        %add3A_942 = arith.constant 1 : i32
        %add3A_943 = arith.addi %scan3A_941, %add3A_942 : i32
        %get3A_944 = arith.constant 0 : i32
        %get3A_945 = arith.constant 0 : i32
        %get3A_946 = tpu.memref_slice %arg6[%scan3A_267, %get3A_944, %get3A_945] : memref<4x129x64xf32, #tpu.memory_space<vmem>> -> memref<1x129x64xf32, #tpu.memory_space<vmem>>
        %get3A_947 = tpu.memref_squeeze %get3A_946 : memref<1x129x64xf32, #tpu.memory_space<vmem>> -> memref<129x64xf32, #tpu.memory_space<vmem>>
        %get3A_948 = arith.index_cast %add3A_943 : i32 to index
        %get3A_949 = arith.constant 0 : index
        %get3A_950 = tpu.vector_load %get3A_947[%get3A_948, %get3A_949] {strides = array<i32>} : memref<129x64xf32, #tpu.memory_space<vmem>>, vector<16xf32>,
        %get3A_951 = arith.constant 0 : i32
        %get3A_952 = arith.constant 0 : i32
        %get3A_953 = tpu.memref_slice %arg6[%scan3A_267, %get3A_951, %get3A_952] : memref<4x129x64xf32, #tpu.memory_space<vmem>> -> memref<1x129x64xf32, #tpu.memory_space<vmem>>
        %get3A_954 = tpu.memref_squeeze %get3A_953 : memref<1x129x64xf32, #tpu.memory_space<vmem>> -> memref<129x64xf32, #tpu.memory_space<vmem>>
        %get3A_955 = arith.index_cast %add3A_943 : i32 to index
        %get3A_956 = arith.constant 16 : index
        %get3A_957 = tpu.vector_load %get3A_954[%get3A_955, %get3A_956] {strides = array<i32>} : memref<129x64xf32, #tpu.memory_space<vmem>>, vector<16xf32>,
        %get3A_958 = arith.constant 0 : i32
        %get3A_959 = arith.constant 0 : i32
        %get3A_960 = tpu.memref_slice %arg6[%scan3A_267, %get3A_958, %get3A_959] : memref<4x129x64xf32, #tpu.memory_space<vmem>> -> memref<1x129x64xf32, #tpu.memory_space<vmem>>
        %get3A_961 = tpu.memref_squeeze %get3A_960 : memref<1x129x64xf32, #tpu.memory_space<vmem>> -> memref<129x64xf32, #tpu.memory_space<vmem>>
        %get3A_962 = arith.index_cast %add3A_943 : i32 to index
        %get3A_963 = arith.constant 32 : index
        %get3A_964 = tpu.vector_load %get3A_961[%get3A_962, %get3A_963] {strides = array<i32>} : memref<129x64xf32, #tpu.memory_space<vmem>>, vector<16xf32>,
        %get3A_965 = arith.constant 0 : i32
        %get3A_966 = arith.constant 0 : i32
        %get3A_967 = tpu.memref_slice %arg6[%scan3A_267, %get3A_965, %get3A_966] : memref<4x129x64xf32, #tpu.memory_space<vmem>> -> memref<1x129x64xf32, #tpu.memory_space<vmem>>
        %get3A_968 = tpu.memref_squeeze %get3A_967 : memref<1x129x64xf32, #tpu.memory_space<vmem>> -> memref<129x64xf32, #tpu.memory_space<vmem>>
        %get3A_969 = arith.index_cast %add3A_943 : i32 to index
        %get3A_970 = arith.constant 48 : index
        %get3A_971 = tpu.vector_load %get3A_968[%get3A_969, %get3A_970] {strides = array<i32>} : memref<129x64xf32, #tpu.memory_space<vmem>>, vector<16xf32>,
        %broadcast_in_dim3A_972 = arith.constant 0 : i32
        %broadcast_in_dim3A_973 = vector.broadcast %broadcast_in_dim3A_972 : i32 to vector<16xi32>
        %add3A_974 = vector.broadcast %scan3A_941 : i32 to vector<16xi32>
        %add3A_975 = arith.addi %broadcast_in_dim3A_973, %add3A_974 : vector<16xi32>
        %add3A_976 = arith.addi %mul3A_13, %add3A_975 : vector<16xi32>
        %scatter3A_977 = arith.constant 0 : i32
        %scatter3A_978 = arith.constant 0 : i32
        %scatter3A_979 = arith.constant 0 : i32
        %scatter3A_980 = tpu.memref_slice %arg7[%scan3A_268, %scatter3A_977, %scatter3A_978, %scatter3A_979] : memref<2x8x8x136xf32, #tpu.memory_space<vmem>> -> memref<1x8x8x136xf32, #tpu.memory_space<vmem>>
        %scatter3A_981 = tpu.memref_squeeze %scatter3A_980 : memref<1x8x8x136xf32, #tpu.memory_space<vmem>> -> memref<8x8x136xf32, #tpu.memory_space<vmem>>
        tpu.vector_store_idx %scatter3A_981[%mul3A_7, %mul3A_7, %add3A_976], %get3A_890 : memref<8x8x136xf32, #tpu.memory_space<vmem>>[vector<16xi32>, vector<16xi32>, vector<16xi32>], vector<16xf32>,
        %add3A_982 = arith.addi %mul3A_19, %add3A_975 : vector<16xi32>
        %scatter3A_983 = arith.constant 0 : i32
        %scatter3A_984 = arith.constant 0 : i32
        %scatter3A_985 = arith.constant 0 : i32
        %scatter3A_986 = tpu.memref_slice %arg7[%scan3A_268, %scatter3A_983, %scatter3A_984, %scatter3A_985] : memref<2x8x8x136xf32, #tpu.memory_space<vmem>> -> memref<1x8x8x136xf32, #tpu.memory_space<vmem>>
        %scatter3A_987 = tpu.memref_squeeze %scatter3A_986 : memref<1x8x8x136xf32, #tpu.memory_space<vmem>> -> memref<8x8x136xf32, #tpu.memory_space<vmem>>
        tpu.vector_store_idx %scatter3A_987[%mul3A_7, %mul3A_7, %add3A_982], %get3A_897 : memref<8x8x136xf32, #tpu.memory_space<vmem>>[vector<16xi32>, vector<16xi32>, vector<16xi32>], vector<16xf32>,
        %add3A_988 = arith.addi %mul3A_25, %add3A_975 : vector<16xi32>
        %scatter3A_989 = arith.constant 0 : i32
        %scatter3A_990 = arith.constant 0 : i32
        %scatter3A_991 = arith.constant 0 : i32
        %scatter3A_992 = tpu.memref_slice %arg7[%scan3A_268, %scatter3A_989, %scatter3A_990, %scatter3A_991] : memref<2x8x8x136xf32, #tpu.memory_space<vmem>> -> memref<1x8x8x136xf32, #tpu.memory_space<vmem>>
        %scatter3A_993 = tpu.memref_squeeze %scatter3A_992 : memref<1x8x8x136xf32, #tpu.memory_space<vmem>> -> memref<8x8x136xf32, #tpu.memory_space<vmem>>
        tpu.vector_store_idx %scatter3A_993[%mul3A_7, %mul3A_7, %add3A_988], %get3A_904 : memref<8x8x136xf32, #tpu.memory_space<vmem>>[vector<16xi32>, vector<16xi32>, vector<16xi32>], vector<16xf32>,
        %add3A_994 = arith.addi %mul3A_31, %add3A_975 : vector<16xi32>
        %scatter3A_995 = arith.constant 0 : i32
        %scatter3A_996 = arith.constant 0 : i32
        %scatter3A_997 = arith.constant 0 : i32
        %scatter3A_998 = tpu.memref_slice %arg7[%scan3A_268, %scatter3A_995, %scatter3A_996, %scatter3A_997] : memref<2x8x8x136xf32, #tpu.memory_space<vmem>> -> memref<1x8x8x136xf32, #tpu.memory_space<vmem>>
        %scatter3A_999 = tpu.memref_squeeze %scatter3A_998 : memref<1x8x8x136xf32, #tpu.memory_space<vmem>> -> memref<8x8x136xf32, #tpu.memory_space<vmem>>
        tpu.vector_store_idx %scatter3A_999[%mul3A_7, %mul3A_7, %add3A_994], %get3A_911 : memref<8x8x136xf32, #tpu.memory_space<vmem>>[vector<16xi32>, vector<16xi32>, vector<16xi32>], vector<16xf32>,
        %scan3A_1000 = arith.constant 6 : i32
        %scan3A_1001 = arith.addi %scan3A_639, %scan3A_1000 : i32
        %add3A_1002 = arith.constant 1 : i32
        %add3A_1003 = arith.addi %scan3A_1001, %add3A_1002 : i32
        %get3A_1004 = arith.constant 0 : i32
        %get3A_1005 = arith.constant 0 : i32
        %get3A_1006 = tpu.memref_slice %arg6[%scan3A_267, %get3A_1004, %get3A_1005] : memref<4x129x64xf32, #tpu.memory_space<vmem>> -> memref<1x129x64xf32, #tpu.memory_space<vmem>>
        %get3A_1007 = tpu.memref_squeeze %get3A_1006 : memref<1x129x64xf32, #tpu.memory_space<vmem>> -> memref<129x64xf32, #tpu.memory_space<vmem>>
        %get3A_1008 = arith.index_cast %add3A_1003 : i32 to index
        %get3A_1009 = arith.constant 0 : index
        %get3A_1010 = tpu.vector_load %get3A_1007[%get3A_1008, %get3A_1009] {strides = array<i32>} : memref<129x64xf32, #tpu.memory_space<vmem>>, vector<16xf32>,
        %get3A_1011 = arith.constant 0 : i32
        %get3A_1012 = arith.constant 0 : i32
        %get3A_1013 = tpu.memref_slice %arg6[%scan3A_267, %get3A_1011, %get3A_1012] : memref<4x129x64xf32, #tpu.memory_space<vmem>> -> memref<1x129x64xf32, #tpu.memory_space<vmem>>
        %get3A_1014 = tpu.memref_squeeze %get3A_1013 : memref<1x129x64xf32, #tpu.memory_space<vmem>> -> memref<129x64xf32, #tpu.memory_space<vmem>>
        %get3A_1015 = arith.index_cast %add3A_1003 : i32 to index
        %get3A_1016 = arith.constant 16 : index
        %get3A_1017 = tpu.vector_load %get3A_1014[%get3A_1015, %get3A_1016] {strides = array<i32>} : memref<129x64xf32, #tpu.memory_space<vmem>>, vector<16xf32>,
        %get3A_1018 = arith.constant 0 : i32
        %get3A_1019 = arith.constant 0 : i32
        %get3A_1020 = tpu.memref_slice %arg6[%scan3A_267, %get3A_1018, %get3A_1019] : memref<4x129x64xf32, #tpu.memory_space<vmem>> -> memref<1x129x64xf32, #tpu.memory_space<vmem>>
        %get3A_1021 = tpu.memref_squeeze %get3A_1020 : memref<1x129x64xf32, #tpu.memory_space<vmem>> -> memref<129x64xf32, #tpu.memory_space<vmem>>
        %get3A_1022 = arith.index_cast %add3A_1003 : i32 to index
        %get3A_1023 = arith.constant 32 : index
        %get3A_1024 = tpu.vector_load %get3A_1021[%get3A_1022, %get3A_1023] {strides = array<i32>} : memref<129x64xf32, #tpu.memory_space<vmem>>, vector<16xf32>,
        %get3A_1025 = arith.constant 0 : i32
        %get3A_1026 = arith.constant 0 : i32
        %get3A_1027 = tpu.memref_slice %arg6[%scan3A_267, %get3A_1025, %get3A_1026] : memref<4x129x64xf32, #tpu.memory_space<vmem>> -> memref<1x129x64xf32, #tpu.memory_space<vmem>>
        %get3A_1028 = tpu.memref_squeeze %get3A_1027 : memref<1x129x64xf32, #tpu.memory_space<vmem>> -> memref<129x64xf32, #tpu.memory_space<vmem>>
        %get3A_1029 = arith.index_cast %add3A_1003 : i32 to index
        %get3A_1030 = arith.constant 48 : index
        %get3A_1031 = tpu.vector_load %get3A_1028[%get3A_1029, %get3A_1030] {strides = array<i32>} : memref<129x64xf32, #tpu.memory_space<vmem>>, vector<16xf32>,
        %broadcast_in_dim3A_1032 = arith.constant 0 : i32
        %broadcast_in_dim3A_1033 = vector.broadcast %broadcast_in_dim3A_1032 : i32 to vector<16xi32>
        %add3A_1034 = vector.broadcast %scan3A_1001 : i32 to vector<16xi32>
        %add3A_1035 = arith.addi %broadcast_in_dim3A_1033, %add3A_1034 : vector<16xi32>
        %add3A_1036 = arith.addi %mul3A_13, %add3A_1035 : vector<16xi32>
        %scatter3A_1037 = arith.constant 0 : i32
        %scatter3A_1038 = arith.constant 0 : i32
        %scatter3A_1039 = arith.constant 0 : i32
        %scatter3A_1040 = tpu.memref_slice %arg7[%scan3A_268, %scatter3A_1037, %scatter3A_1038, %scatter3A_1039] : memref<2x8x8x136xf32, #tpu.memory_space<vmem>> -> memref<1x8x8x136xf32, #tpu.memory_space<vmem>>
        %scatter3A_1041 = tpu.memref_squeeze %scatter3A_1040 : memref<1x8x8x136xf32, #tpu.memory_space<vmem>> -> memref<8x8x136xf32, #tpu.memory_space<vmem>>
        tpu.vector_store_idx %scatter3A_1041[%mul3A_7, %mul3A_7, %add3A_1036], %get3A_950 : memref<8x8x136xf32, #tpu.memory_space<vmem>>[vector<16xi32>, vector<16xi32>, vector<16xi32>], vector<16xf32>,
        %add3A_1042 = arith.addi %mul3A_19, %add3A_1035 : vector<16xi32>
        %scatter3A_1043 = arith.constant 0 : i32
        %scatter3A_1044 = arith.constant 0 : i32
        %scatter3A_1045 = arith.constant 0 : i32
        %scatter3A_1046 = tpu.memref_slice %arg7[%scan3A_268, %scatter3A_1043, %scatter3A_1044, %scatter3A_1045] : memref<2x8x8x136xf32, #tpu.memory_space<vmem>> -> memref<1x8x8x136xf32, #tpu.memory_space<vmem>>
        %scatter3A_1047 = tpu.memref_squeeze %scatter3A_1046 : memref<1x8x8x136xf32, #tpu.memory_space<vmem>> -> memref<8x8x136xf32, #tpu.memory_space<vmem>>
        tpu.vector_store_idx %scatter3A_1047[%mul3A_7, %mul3A_7, %add3A_1042], %get3A_957 : memref<8x8x136xf32, #tpu.memory_space<vmem>>[vector<16xi32>, vector<16xi32>, vector<16xi32>], vector<16xf32>,
        %add3A_1048 = arith.addi %mul3A_25, %add3A_1035 : vector<16xi32>
        %scatter3A_1049 = arith.constant 0 : i32
        %scatter3A_1050 = arith.constant 0 : i32
        %scatter3A_1051 = arith.constant 0 : i32
        %scatter3A_1052 = tpu.memref_slice %arg7[%scan3A_268, %scatter3A_1049, %scatter3A_1050, %scatter3A_1051] : memref<2x8x8x136xf32, #tpu.memory_space<vmem>> -> memref<1x8x8x136xf32, #tpu.memory_space<vmem>>
        %scatter3A_1053 = tpu.memref_squeeze %scatter3A_1052 : memref<1x8x8x136xf32, #tpu.memory_space<vmem>> -> memref<8x8x136xf32, #tpu.memory_space<vmem>>
        tpu.vector_store_idx %scatter3A_1053[%mul3A_7, %mul3A_7, %add3A_1048], %get3A_964 : memref<8x8x136xf32, #tpu.memory_space<vmem>>[vector<16xi32>, vector<16xi32>, vector<16xi32>], vector<16xf32>,
        %add3A_1054 = arith.addi %mul3A_31, %add3A_1035 : vector<16xi32>
        %scatter3A_1055 = arith.constant 0 : i32
        %scatter3A_1056 = arith.constant 0 : i32
        %scatter3A_1057 = arith.constant 0 : i32
        %scatter3A_1058 = tpu.memref_slice %arg7[%scan3A_268, %scatter3A_1055, %scatter3A_1056, %scatter3A_1057] : memref<2x8x8x136xf32, #tpu.memory_space<vmem>> -> memref<1x8x8x136xf32, #tpu.memory_space<vmem>>
        %scatter3A_1059 = tpu.memref_squeeze %scatter3A_1058 : memref<1x8x8x136xf32, #tpu.memory_space<vmem>> -> memref<8x8x136xf32, #tpu.memory_space<vmem>>
        tpu.vector_store_idx %scatter3A_1059[%mul3A_7, %mul3A_7, %add3A_1054], %get3A_971 : memref<8x8x136xf32, #tpu.memory_space<vmem>>[vector<16xi32>, vector<16xi32>, vector<16xi32>], vector<16xf32>,
        %scan3A_1060 = arith.constant 7 : i32
        %scan3A_1061 = arith.addi %scan3A_639, %scan3A_1060 : i32
        %add3A_1062 = arith.constant 1 : i32
        %add3A_1063 = arith.addi %scan3A_1061, %add3A_1062 : i32
        %get3A_1064 = arith.constant 0 : i32
        %get3A_1065 = arith.constant 0 : i32
        %get3A_1066 = tpu.memref_slice %arg6[%scan3A_267, %get3A_1064, %get3A_1065] : memref<4x129x64xf32, #tpu.memory_space<vmem>> -> memref<1x129x64xf32, #tpu.memory_space<vmem>>
        %get3A_1067 = tpu.memref_squeeze %get3A_1066 : memref<1x129x64xf32, #tpu.memory_space<vmem>> -> memref<129x64xf32, #tpu.memory_space<vmem>>
        %get3A_1068 = arith.index_cast %add3A_1063 : i32 to index
        %get3A_1069 = arith.constant 0 : index
        %get3A_1070 = tpu.vector_load %get3A_1067[%get3A_1068, %get3A_1069] {strides = array<i32>} : memref<129x64xf32, #tpu.memory_space<vmem>>, vector<16xf32>,
        %get3A_1071 = arith.constant 0 : i32
        %get3A_1072 = arith.constant 0 : i32
        %get3A_1073 = tpu.memref_slice %arg6[%scan3A_267, %get3A_1071, %get3A_1072] : memref<4x129x64xf32, #tpu.memory_space<vmem>> -> memref<1x129x64xf32, #tpu.memory_space<vmem>>
        %get3A_1074 = tpu.memref_squeeze %get3A_1073 : memref<1x129x64xf32, #tpu.memory_space<vmem>> -> memref<129x64xf32, #tpu.memory_space<vmem>>
        %get3A_1075 = arith.index_cast %add3A_1063 : i32 to index
        %get3A_1076 = arith.constant 16 : index
        %get3A_1077 = tpu.vector_load %get3A_1074[%get3A_1075, %get3A_1076] {strides = array<i32>} : memref<129x64xf32, #tpu.memory_space<vmem>>, vector<16xf32>,
        %get3A_1078 = arith.constant 0 : i32
        %get3A_1079 = arith.constant 0 : i32
        %get3A_1080 = tpu.memref_slice %arg6[%scan3A_267, %get3A_1078, %get3A_1079] : memref<4x129x64xf32, #tpu.memory_space<vmem>> -> memref<1x129x64xf32, #tpu.memory_space<vmem>>
        %get3A_1081 = tpu.memref_squeeze %get3A_1080 : memref<1x129x64xf32, #tpu.memory_space<vmem>> -> memref<129x64xf32, #tpu.memory_space<vmem>>
        %get3A_1082 = arith.index_cast %add3A_1063 : i32 to index
        %get3A_1083 = arith.constant 32 : index
        %get3A_1084 = tpu.vector_load %get3A_1081[%get3A_1082, %get3A_1083] {strides = array<i32>} : memref<129x64xf32, #tpu.memory_space<vmem>>, vector<16xf32>,
        %get3A_1085 = arith.constant 0 : i32
        %get3A_1086 = arith.constant 0 : i32
        %get3A_1087 = tpu.memref_slice %arg6[%scan3A_267, %get3A_1085, %get3A_1086] : memref<4x129x64xf32, #tpu.memory_space<vmem>> -> memref<1x129x64xf32, #tpu.memory_space<vmem>>
        %get3A_1088 = tpu.memref_squeeze %get3A_1087 : memref<1x129x64xf32, #tpu.memory_space<vmem>> -> memref<129x64xf32, #tpu.memory_space<vmem>>
        %get3A_1089 = arith.index_cast %add3A_1063 : i32 to index
        %get3A_1090 = arith.constant 48 : index
        %get3A_1091 = tpu.vector_load %get3A_1088[%get3A_1089, %get3A_1090] {strides = array<i32>} : memref<129x64xf32, #tpu.memory_space<vmem>>, vector<16xf32>,
        %broadcast_in_dim3A_1092 = arith.constant 0 : i32
        %broadcast_in_dim3A_1093 = vector.broadcast %broadcast_in_dim3A_1092 : i32 to vector<16xi32>
        %add3A_1094 = vector.broadcast %scan3A_1061 : i32 to vector<16xi32>
        %add3A_1095 = arith.addi %broadcast_in_dim3A_1093, %add3A_1094 : vector<16xi32>
        %add3A_1096 = arith.addi %mul3A_13, %add3A_1095 : vector<16xi32>
        %scatter3A_1097 = arith.constant 0 : i32
        %scatter3A_1098 = arith.constant 0 : i32
        %scatter3A_1099 = arith.constant 0 : i32
        %scatter3A_1100 = tpu.memref_slice %arg7[%scan3A_268, %scatter3A_1097, %scatter3A_1098, %scatter3A_1099] : memref<2x8x8x136xf32, #tpu.memory_space<vmem>> -> memref<1x8x8x136xf32, #tpu.memory_space<vmem>>
        %scatter3A_1101 = tpu.memref_squeeze %scatter3A_1100 : memref<1x8x8x136xf32, #tpu.memory_space<vmem>> -> memref<8x8x136xf32, #tpu.memory_space<vmem>>
        tpu.vector_store_idx %scatter3A_1101[%mul3A_7, %mul3A_7, %add3A_1096], %get3A_1010 : memref<8x8x136xf32, #tpu.memory_space<vmem>>[vector<16xi32>, vector<16xi32>, vector<16xi32>], vector<16xf32>,
        %add3A_1102 = arith.addi %mul3A_19, %add3A_1095 : vector<16xi32>
        %scatter3A_1103 = arith.constant 0 : i32
        %scatter3A_1104 = arith.constant 0 : i32
        %scatter3A_1105 = arith.constant 0 : i32
        %scatter3A_1106 = tpu.memref_slice %arg7[%scan3A_268, %scatter3A_1103, %scatter3A_1104, %scatter3A_1105] : memref<2x8x8x136xf32, #tpu.memory_space<vmem>> -> memref<1x8x8x136xf32, #tpu.memory_space<vmem>>
        %scatter3A_1107 = tpu.memref_squeeze %scatter3A_1106 : memref<1x8x8x136xf32, #tpu.memory_space<vmem>> -> memref<8x8x136xf32, #tpu.memory_space<vmem>>
        tpu.vector_store_idx %scatter3A_1107[%mul3A_7, %mul3A_7, %add3A_1102], %get3A_1017 : memref<8x8x136xf32, #tpu.memory_space<vmem>>[vector<16xi32>, vector<16xi32>, vector<16xi32>], vector<16xf32>,
        %add3A_1108 = arith.addi %mul3A_25, %add3A_1095 : vector<16xi32>
        %scatter3A_1109 = arith.constant 0 : i32
        %scatter3A_1110 = arith.constant 0 : i32
        %scatter3A_1111 = arith.constant 0 : i32
        %scatter3A_1112 = tpu.memref_slice %arg7[%scan3A_268, %scatter3A_1109, %scatter3A_1110, %scatter3A_1111] : memref<2x8x8x136xf32, #tpu.memory_space<vmem>> -> memref<1x8x8x136xf32, #tpu.memory_space<vmem>>
        %scatter3A_1113 = tpu.memref_squeeze %scatter3A_1112 : memref<1x8x8x136xf32, #tpu.memory_space<vmem>> -> memref<8x8x136xf32, #tpu.memory_space<vmem>>
        tpu.vector_store_idx %scatter3A_1113[%mul3A_7, %mul3A_7, %add3A_1108], %get3A_1024 : memref<8x8x136xf32, #tpu.memory_space<vmem>>[vector<16xi32>, vector<16xi32>, vector<16xi32>], vector<16xf32>,
        %add3A_1114 = arith.addi %mul3A_31, %add3A_1095 : vector<16xi32>
        %scatter3A_1115 = arith.constant 0 : i32
        %scatter3A_1116 = arith.constant 0 : i32
        %scatter3A_1117 = arith.constant 0 : i32
        %scatter3A_1118 = tpu.memref_slice %arg7[%scan3A_268, %scatter3A_1115, %scatter3A_1116, %scatter3A_1117] : memref<2x8x8x136xf32, #tpu.memory_space<vmem>> -> memref<1x8x8x136xf32, #tpu.memory_space<vmem>>
        %scatter3A_1119 = tpu.memref_squeeze %scatter3A_1118 : memref<1x8x8x136xf32, #tpu.memory_space<vmem>> -> memref<8x8x136xf32, #tpu.memory_space<vmem>>
        tpu.vector_store_idx %scatter3A_1119[%mul3A_7, %mul3A_7, %add3A_1114], %get3A_1031 : memref<8x8x136xf32, #tpu.memory_space<vmem>>[vector<16xi32>, vector<16xi32>, vector<16xi32>], vector<16xf32>,
        scf.yield %get3A_1070, %get3A_1077, %get3A_1084, %get3A_1091 : vector<16xf32>, vector<16xf32>, vector<16xf32>, vector<16xf32>
      }
      %scan3A_274 = arith.constant 128 : i32
      %lt3A = arith.constant 101 : i32
      %lt3A_275 = arith.cmpi slt, %add3A_214, %lt3A : i32
      %convert_element_type3A_276 = arith.extui %lt3A_275 : i1 to i32
      %cond3A_277 = arith.constant 0 : i32
      %cond3A_278 = arith.cmpi ne, %convert_element_type3A_276, %cond3A_277 : i32
      scf.if %cond3A_278 {
        %add3A_639 = arith.constant 3 : i32
        %add3A_640 = arith.addi %add3A_214, %add3A_639 : i32
        %jit3A_641 = arith.constant 4 : i32
        %div3A_642 = arith.divsi %add3A_640, %jit3A_641 : i32
        %sign3A_643 = arith.constant 0 : i32
        %sign3A_644 = arith.cmpi sgt, %add3A_640, %sign3A_643 : i32
        %sign3A_645 = arith.extui %sign3A_644 : i1 to i32
        %sign3A_646 = arith.constant 0 : i32
        %sign3A_647 = arith.cmpi slt, %add3A_640, %sign3A_646 : i32
        %sign3A_648 = arith.extui %sign3A_647 : i1 to i32
        %sign3A_649 = arith.subi %sign3A_645, %sign3A_648 : i32
        %sign3A_650 = arith.constant 0 : i32
        %sign3A_651 = arith.cmpi sgt, %jit3A_641, %sign3A_650 : i32
        %sign3A_652 = arith.extui %sign3A_651 : i1 to i32
        %sign3A_653 = arith.constant 0 : i32
        %sign3A_654 = arith.cmpi slt, %jit3A_641, %sign3A_653 : i32
        %sign3A_655 = arith.extui %sign3A_654 : i1 to i32
        %sign3A_656 = arith.subi %sign3A_652, %sign3A_655 : i32
        %ne3A_657 = arith.cmpi ne, %sign3A_649, %sign3A_656 : i32
        %rem3A_658 = arith.remsi %add3A_640, %jit3A_641 : i32
        %ne3A_659 = arith.constant 0 : i32
        %ne3A_660 = arith.cmpi ne, %rem3A_658, %ne3A_659 : i32
        %and3A_661 = arith.andi %ne3A_657, %ne3A_660 : i1
        %sub3A_662 = arith.constant 1 : i32
        %sub3A_663 = arith.subi %div3A_642, %sub3A_662 : i32
        %select_n3A_664 = arith.select %and3A_661, %sub3A_663, %div3A_642 : i32
        %rem3A_665 = arith.constant 4 : i32
        %rem3A_666 = arith.remsi %add3A_640, %rem3A_665 : i32
        %mul3A_667 = arith.constant 128 : i32
        %mul3A_668 = arith.muli %rem3A_666, %mul3A_667 : i32
        %dma_start3A_669 = arith.constant 3 : i32
        %dma_start3A_670 = arith.constant 3 : i32
        %dma_start3A_671 = arith.constant 0 : i32
        %dma_start3A_672 = arith.constant 0 : i32
        %dma_start3A_673 = tpu.memref_slice %arg6[%dma_start3A_669, %dma_start3A_671, %dma_start3A_672] : memref<4x129x64xf32, #tpu.memory_space<vmem>> -> memref<1x128x64xf32, #tpu.memory_space<vmem>>
        %dma_start3A_674 = tpu.memref_squeeze %dma_start3A_673 : memref<1x128x64xf32, #tpu.memory_space<vmem>> -> memref<128x64xf32, #tpu.memory_space<vmem>>
        %dma_start3A_675 = tpu.memref_slice %arg5[%select_n3A_664, %mul3A_668] : memref<26x512xi32, #tpu.memory_space<vmem>> -> memref<1x128xi32, #tpu.memory_space<vmem>>
        %dma_start3A_676 = tpu.memref_squeeze %dma_start3A_675 : memref<1x128xi32, #tpu.memory_space<vmem>> -> memref<128xi32, #tpu.memory_space<vmem>>
        %dma_start3A_677 = arith.constant 0 : i32
        %dma_start3A_678 = arith.constant 0 : i32
        %dma_start3A_679 = tpu.memref_slice %arg2[%dma_start3A_677, %dma_start3A_678] : memref<100000x64xf32, #tpu.memory_space<hbm>> -> memref<100000x64xf32, #tpu.memory_space<hbm>>
        %dma_start3A_680 = tpu.memref_slice %arg8[%dma_start3A_670] : memref<4x!tpu.dma_semaphore, #tpu.memory_space<semaphore_mem>> -> memref<1x!tpu.dma_semaphore, #tpu.memory_space<semaphore_mem>>
        %dma_start3A_681 = tpu.memref_squeeze %dma_start3A_680 : memref<1x!tpu.dma_semaphore, #tpu.memory_space<semaphore_mem>> -> memref<!tpu.dma_semaphore, #tpu.memory_space<semaphore_mem>>
        tpu.enqueue_indirect_dma source(%dma_start3A_679 : memref<100000x64xf32, #tpu.memory_space<hbm>>) target(%dma_start3A_674 : memref<128x64xf32, #tpu.memory_space<vmem>>) offsets(%dma_start3A_676 : memref<128xi32, #tpu.memory_space<vmem>>) semaphore(%dma_start3A_681 : memref<!tpu.dma_semaphore, #tpu.memory_space<semaphore_mem>>)
      } else {
      }
      %add3A_279 = arith.constant 0 : i32
      %add3A_280 = arith.addi %mul3A_4, %add3A_279 : i32
      %dma_start3A_281 = arith.constant 0 : i32
      %dma_start3A_282 = arith.constant 0 : i32
      %dma_start3A_283 = arith.constant 0 : i32
      %dma_start3A_284 = arith.constant 0 : i32
      %dma_start3A_285 = arith.constant 0 : i32
      %dma_start3A_286 = tpu.memref_slice %arg7[%dma_start3A_281, %dma_start3A_283, %dma_start3A_284, %dma_start3A_285] : memref<2x8x8x136xf32, #tpu.memory_space<vmem>> -> memref<1x8x8x128xf32, #tpu.memory_space<vmem>>
      %dma_start3A_287 = tpu.memref_squeeze %dma_start3A_286 : memref<1x8x8x128xf32, #tpu.memory_space<vmem>> -> memref<8x8x128xf32, #tpu.memory_space<vmem>>
      %dma_start3A_288 = arith.constant 0 : i32
      %dma_start3A_289 = arith.constant 0 : i32
      %dma_start3A_290 = arith.constant 0 : i32
      %dma_start3A_291 = tpu.memref_slice %arg4[%scan3A_209, %dma_start3A_288, %add3A_280, %dma_start3A_289, %dma_start3A_290] : memref<26x8x128x8x128xf32, #tpu.memory_space<hbm>> -> memref<1x8x1x8x128xf32, #tpu.memory_space<hbm>>
      %dma_start3A_292 = tpu.memref_squeeze %dma_start3A_291 : memref<1x8x1x8x128xf32, #tpu.memory_space<hbm>> -> memref<8x8x128xf32, #tpu.memory_space<hbm>>
      %dma_start3A_293 = tpu.memref_slice %arg9[%dma_start3A_282] : memref<2x!tpu.dma_semaphore, #tpu.memory_space<semaphore_mem>> -> memref<1x!tpu.dma_semaphore, #tpu.memory_space<semaphore_mem>>
      %dma_start3A_294 = tpu.memref_squeeze %dma_start3A_293 : memref<1x!tpu.dma_semaphore, #tpu.memory_space<semaphore_mem>> -> memref<!tpu.dma_semaphore, #tpu.memory_space<semaphore_mem>>
      %dma_start3A_295 = arith.constant 0 : i32
      %dma_start3A_296 = arith.constant 0 : i32
      %dma_start3A_297 = arith.constant 0 : i32
      %dma_start3A_298 = tpu.memref_slice %arg4[%scan3A_209, %dma_start3A_295, %add3A_280, %dma_start3A_296, %dma_start3A_297] : memref<26x8x128x8x128xf32, #tpu.memory_space<hbm>> -> memref<1x8x1x8x128xf32, #tpu.memory_space<hbm>>
      %dma_start3A_299 = tpu.memref_squeeze %dma_start3A_298 : memref<1x8x1x8x128xf32, #tpu.memory_space<hbm>> -> memref<8x8x128xf32, #tpu.memory_space<hbm>>
      %dma_start3A_300 = arith.constant 0 : i32
      %dma_start3A_301 = arith.constant 0 : i32
      %dma_start3A_302 = arith.constant 0 : i32
      %dma_start3A_303 = tpu.memref_slice %arg7[%dma_start3A_281, %dma_start3A_300, %dma_start3A_301, %dma_start3A_302] : memref<2x8x8x136xf32, #tpu.memory_space<vmem>> -> memref<1x8x8x128xf32, #tpu.memory_space<vmem>>
      %dma_start3A_304 = tpu.memref_squeeze %dma_start3A_303 : memref<1x8x8x128xf32, #tpu.memory_space<vmem>> -> memref<8x8x128xf32, #tpu.memory_space<vmem>>
      tpu.enqueue_dma source(%dma_start3A_304 : memref<8x8x128xf32, #tpu.memory_space<vmem>>) target(%dma_start3A_299 : memref<8x8x128xf32, #tpu.memory_space<hbm>>) target_semaphore(%dma_start3A_294 : memref<!tpu.dma_semaphore, #tpu.memory_space<semaphore_mem>>)
      %add3A_305 = arith.constant 1 : i32
      %add3A_306 = arith.addi %mul3A_212, %add3A_305 : i32
      %dma_wait3A_307 = arith.constant 0 : i32
      %dma_wait3A_308 = arith.constant 1 : i32
      %dma_wait3A_309 = arith.constant 1 : i32
      %dma_wait3A_310 = arith.constant 0 : i32
      %dma_wait3A_311 = arith.constant 0 : i32
      %dma_wait3A_312 = tpu.memref_slice %arg6[%dma_wait3A_308, %dma_wait3A_310, %dma_wait3A_311] : memref<4x129x64xf32, #tpu.memory_space<vmem>> -> memref<1x128x64xf32, #tpu.memory_space<vmem>>
      %dma_wait3A_313 = tpu.memref_squeeze %dma_wait3A_312 : memref<1x128x64xf32, #tpu.memory_space<vmem>> -> memref<128x64xf32, #tpu.memory_space<vmem>>
      %dma_wait3A_314 = arith.constant 0 : i32
      %dma_wait3A_315 = tpu.memref_slice %arg5[%dma_wait3A_307, %dma_wait3A_314] : memref<26x512xi32, #tpu.memory_space<vmem>> -> memref<1x128xi32, #tpu.memory_space<vmem>>
      %dma_wait3A_316 = tpu.memref_squeeze %dma_wait3A_315 : memref<1x128xi32, #tpu.memory_space<vmem>> -> memref<128xi32, #tpu.memory_space<vmem>>
      %dma_wait3A_317 = arith.constant 0 : i32
      %dma_wait3A_318 = arith.constant 0 : i32
      %dma_wait3A_319 = tpu.memref_slice %arg2[%dma_wait3A_317, %dma_wait3A_318] : memref<100000x64xf32, #tpu.memory_space<hbm>> -> memref<100000x64xf32, #tpu.memory_space<hbm>>
      %dma_wait3A_320 = tpu.memref_slice %arg8[%dma_wait3A_309] : memref<4x!tpu.dma_semaphore, #tpu.memory_space<semaphore_mem>> -> memref<1x!tpu.dma_semaphore, #tpu.memory_space<semaphore_mem>>
      %dma_wait3A_321 = tpu.memref_squeeze %dma_wait3A_320 : memref<1x!tpu.dma_semaphore, #tpu.memory_space<semaphore_mem>> -> memref<!tpu.dma_semaphore, #tpu.memory_space<semaphore_mem>>
      tpu.wait_indirect_dma semaphore(%dma_wait3A_321 : memref<!tpu.dma_semaphore, #tpu.memory_space<semaphore_mem>>) src(%dma_wait3A_319 : memref<100000x64xf32, #tpu.memory_space<hbm>>) dst(%dma_wait3A_313 : memref<128x64xf32, #tpu.memory_space<vmem>>)
      %gt3A_322 = arith.constant 0 : i32
      %gt3A_323 = arith.cmpi sgt, %scan3A_209, %gt3A_322 : i32
      %convert_element_type3A_324 = arith.extui %gt3A_323 : i1 to i32
      %cond3A_325 = arith.constant 0 : i32
      %cond3A_326 = arith.cmpi ne, %convert_element_type3A_324, %cond3A_325 : i32
      scf.if %cond3A_326 {
        %dma_wait3A_639 = arith.constant 1 : i32
        %dma_wait3A_640 = arith.constant 0 : i32
        %dma_wait3A_641 = arith.constant 0 : i32
        %dma_wait3A_642 = arith.constant 1 : i32
        %dma_wait3A_643 = arith.constant 0 : i32
        %dma_wait3A_644 = arith.constant 0 : i32
        %dma_wait3A_645 = arith.constant 0 : i32
        %dma_wait3A_646 = tpu.memref_slice %arg7[%dma_wait3A_639, %dma_wait3A_643, %dma_wait3A_644, %dma_wait3A_645] : memref<2x8x8x136xf32, #tpu.memory_space<vmem>> -> memref<1x8x8x128xf32, #tpu.memory_space<vmem>>
        %dma_wait3A_647 = tpu.memref_squeeze %dma_wait3A_646 : memref<1x8x8x128xf32, #tpu.memory_space<vmem>> -> memref<8x8x128xf32, #tpu.memory_space<vmem>>
        %dma_wait3A_648 = arith.constant 0 : i32
        %dma_wait3A_649 = arith.constant 0 : i32
        %dma_wait3A_650 = arith.constant 0 : i32
        %dma_wait3A_651 = tpu.memref_slice %arg4[%dma_wait3A_640, %dma_wait3A_648, %dma_wait3A_641, %dma_wait3A_649, %dma_wait3A_650] : memref<26x8x128x8x128xf32, #tpu.memory_space<hbm>> -> memref<1x8x1x8x128xf32, #tpu.memory_space<hbm>>
        %dma_wait3A_652 = tpu.memref_squeeze %dma_wait3A_651 : memref<1x8x1x8x128xf32, #tpu.memory_space<hbm>> -> memref<8x8x128xf32, #tpu.memory_space<hbm>>
        %dma_wait3A_653 = tpu.memref_slice %arg9[%dma_wait3A_642] : memref<2x!tpu.dma_semaphore, #tpu.memory_space<semaphore_mem>> -> memref<1x!tpu.dma_semaphore, #tpu.memory_space<semaphore_mem>>
        %dma_wait3A_654 = tpu.memref_squeeze %dma_wait3A_653 : memref<1x!tpu.dma_semaphore, #tpu.memory_space<semaphore_mem>> -> memref<!tpu.dma_semaphore, #tpu.memory_space<semaphore_mem>>
        %dma_wait3A_655 = arith.constant 0 : i32
        %dma_wait3A_656 = arith.constant 0 : i32
        %dma_wait3A_657 = arith.constant 0 : i32
        %dma_wait3A_658 = tpu.memref_slice %arg4[%dma_wait3A_640, %dma_wait3A_655, %dma_wait3A_641, %dma_wait3A_656, %dma_wait3A_657] : memref<26x8x128x8x128xf32, #tpu.memory_space<hbm>> -> memref<1x8x1x8x128xf32, #tpu.memory_space<hbm>>
        %dma_wait3A_659 = tpu.memref_squeeze %dma_wait3A_658 : memref<1x8x1x8x128xf32, #tpu.memory_space<hbm>> -> memref<8x8x128xf32, #tpu.memory_space<hbm>>
        %dma_wait3A_660 = arith.constant 0 : i32
        %dma_wait3A_661 = arith.constant 0 : i32
        %dma_wait3A_662 = arith.constant 0 : i32
        %dma_wait3A_663 = tpu.memref_slice %arg7[%dma_wait3A_639, %dma_wait3A_660, %dma_wait3A_661, %dma_wait3A_662] : memref<2x8x8x136xf32, #tpu.memory_space<vmem>> -> memref<1x8x8x128xf32, #tpu.memory_space<vmem>>
        %dma_wait3A_664 = tpu.memref_squeeze %dma_wait3A_663 : memref<1x8x8x128xf32, #tpu.memory_space<vmem>> -> memref<8x8x128xf32, #tpu.memory_space<vmem>>
        tpu.wait_dma2 semaphore(%dma_wait3A_654 : memref<!tpu.dma_semaphore, #tpu.memory_space<semaphore_mem>>) src(%dma_wait3A_664 : memref<8x8x128xf32, #tpu.memory_space<vmem>>) dst(%dma_wait3A_659 : memref<8x8x128xf32, #tpu.memory_space<hbm>>)
      } else {
      }
      %get3A_327 = arith.constant 1 : i32
      %get3A_328 = arith.constant 0 : i32
      %get3A_329 = arith.constant 0 : i32
      %get3A_330 = arith.constant 0 : i32
      %get3A_331 = tpu.memref_slice %arg6[%get3A_327, %get3A_329, %get3A_330] : memref<4x129x64xf32, #tpu.memory_space<vmem>> -> memref<1x129x64xf32, #tpu.memory_space<vmem>>
      %get3A_332 = tpu.memref_squeeze %get3A_331 : memref<1x129x64xf32, #tpu.memory_space<vmem>> -> memref<129x64xf32, #tpu.memory_space<vmem>>
      %get3A_333 = arith.index_cast %get3A_328 : i32 to index
      %get3A_334 = arith.constant 0 : index
      %get3A_335 = tpu.vector_load %get3A_332[%get3A_333, %get3A_334] {strides = array<i32>} : memref<129x64xf32, #tpu.memory_space<vmem>>, vector<16xf32>,
      %get3A_336 = arith.constant 1 : i32
      %get3A_337 = arith.constant 0 : i32
      %get3A_338 = arith.constant 0 : i32
      %get3A_339 = arith.constant 0 : i32
      %get3A_340 = tpu.memref_slice %arg6[%get3A_336, %get3A_338, %get3A_339] : memref<4x129x64xf32, #tpu.memory_space<vmem>> -> memref<1x129x64xf32, #tpu.memory_space<vmem>>
      %get3A_341 = tpu.memref_squeeze %get3A_340 : memref<1x129x64xf32, #tpu.memory_space<vmem>> -> memref<129x64xf32, #tpu.memory_space<vmem>>
      %get3A_342 = arith.index_cast %get3A_337 : i32 to index
      %get3A_343 = arith.constant 16 : index
      %get3A_344 = tpu.vector_load %get3A_341[%get3A_342, %get3A_343] {strides = array<i32>} : memref<129x64xf32, #tpu.memory_space<vmem>>, vector<16xf32>,
      %get3A_345 = arith.constant 1 : i32
      %get3A_346 = arith.constant 0 : i32
      %get3A_347 = arith.constant 0 : i32
      %get3A_348 = arith.constant 0 : i32
      %get3A_349 = tpu.memref_slice %arg6[%get3A_345, %get3A_347, %get3A_348] : memref<4x129x64xf32, #tpu.memory_space<vmem>> -> memref<1x129x64xf32, #tpu.memory_space<vmem>>
      %get3A_350 = tpu.memref_squeeze %get3A_349 : memref<1x129x64xf32, #tpu.memory_space<vmem>> -> memref<129x64xf32, #tpu.memory_space<vmem>>
      %get3A_351 = arith.index_cast %get3A_346 : i32 to index
      %get3A_352 = arith.constant 32 : index
      %get3A_353 = tpu.vector_load %get3A_350[%get3A_351, %get3A_352] {strides = array<i32>} : memref<129x64xf32, #tpu.memory_space<vmem>>, vector<16xf32>,
      %get3A_354 = arith.constant 1 : i32
      %get3A_355 = arith.constant 0 : i32
      %get3A_356 = arith.constant 0 : i32
      %get3A_357 = arith.constant 0 : i32
      %get3A_358 = tpu.memref_slice %arg6[%get3A_354, %get3A_356, %get3A_357] : memref<4x129x64xf32, #tpu.memory_space<vmem>> -> memref<1x129x64xf32, #tpu.memory_space<vmem>>
      %get3A_359 = tpu.memref_squeeze %get3A_358 : memref<1x129x64xf32, #tpu.memory_space<vmem>> -> memref<129x64xf32, #tpu.memory_space<vmem>>
      %get3A_360 = arith.index_cast %get3A_355 : i32 to index
      %get3A_361 = arith.constant 48 : index
      %get3A_362 = tpu.vector_load %get3A_359[%get3A_360, %get3A_361] {strides = array<i32>} : memref<129x64xf32, #tpu.memory_space<vmem>>, vector<16xf32>,
      %scan3A_363 = arith.constant 1 : i32
      %scan3A_364 = arith.constant 1 : i32
      %scan3A_365 = arith.constant 0 : i32
      %scan3A_366 = arith.constant 128 : i32
      %scan3A_367 = arith.addi %scan3A_365, %scan3A_366 : i32
      %scan3A_368 = arith.constant 8 : i32
      %scan3A_369:4 = scf.for %scan3A_639 = %scan3A_365 to %scan3A_367 step %scan3A_368 iter_args(%scan3A_640 = %get3A_335, %scan3A_641 = %get3A_344, %scan3A_642 = %get3A_353, %scan3A_643 = %get3A_362) -> (vector<16xf32>, vector<16xf32>, vector<16xf32>, vector<16xf32>)  : i32 {
        %add3A_644 = arith.constant 1 : i32
        %add3A_645 = arith.addi %scan3A_639, %add3A_644 : i32
        %get3A_646 = arith.constant 0 : i32
        %get3A_647 = arith.constant 0 : i32
        %get3A_648 = tpu.memref_slice %arg6[%scan3A_363, %get3A_646, %get3A_647] : memref<4x129x64xf32, #tpu.memory_space<vmem>> -> memref<1x129x64xf32, #tpu.memory_space<vmem>>
        %get3A_649 = tpu.memref_squeeze %get3A_648 : memref<1x129x64xf32, #tpu.memory_space<vmem>> -> memref<129x64xf32, #tpu.memory_space<vmem>>
        %get3A_650 = arith.index_cast %add3A_645 : i32 to index
        %get3A_651 = arith.constant 0 : index
        %get3A_652 = tpu.vector_load %get3A_649[%get3A_650, %get3A_651] {strides = array<i32>} : memref<129x64xf32, #tpu.memory_space<vmem>>, vector<16xf32>,
        %get3A_653 = arith.constant 0 : i32
        %get3A_654 = arith.constant 0 : i32
        %get3A_655 = tpu.memref_slice %arg6[%scan3A_363, %get3A_653, %get3A_654] : memref<4x129x64xf32, #tpu.memory_space<vmem>> -> memref<1x129x64xf32, #tpu.memory_space<vmem>>
        %get3A_656 = tpu.memref_squeeze %get3A_655 : memref<1x129x64xf32, #tpu.memory_space<vmem>> -> memref<129x64xf32, #tpu.memory_space<vmem>>
        %get3A_657 = arith.index_cast %add3A_645 : i32 to index
        %get3A_658 = arith.constant 16 : index
        %get3A_659 = tpu.vector_load %get3A_656[%get3A_657, %get3A_658] {strides = array<i32>} : memref<129x64xf32, #tpu.memory_space<vmem>>, vector<16xf32>,
        %get3A_660 = arith.constant 0 : i32
        %get3A_661 = arith.constant 0 : i32
        %get3A_662 = tpu.memref_slice %arg6[%scan3A_363, %get3A_660, %get3A_661] : memref<4x129x64xf32, #tpu.memory_space<vmem>> -> memref<1x129x64xf32, #tpu.memory_space<vmem>>
        %get3A_663 = tpu.memref_squeeze %get3A_662 : memref<1x129x64xf32, #tpu.memory_space<vmem>> -> memref<129x64xf32, #tpu.memory_space<vmem>>
        %get3A_664 = arith.index_cast %add3A_645 : i32 to index
        %get3A_665 = arith.constant 32 : index
        %get3A_666 = tpu.vector_load %get3A_663[%get3A_664, %get3A_665] {strides = array<i32>} : memref<129x64xf32, #tpu.memory_space<vmem>>, vector<16xf32>,
        %get3A_667 = arith.constant 0 : i32
        %get3A_668 = arith.constant 0 : i32
        %get3A_669 = tpu.memref_slice %arg6[%scan3A_363, %get3A_667, %get3A_668] : memref<4x129x64xf32, #tpu.memory_space<vmem>> -> memref<1x129x64xf32, #tpu.memory_space<vmem>>
        %get3A_670 = tpu.memref_squeeze %get3A_669 : memref<1x129x64xf32, #tpu.memory_space<vmem>> -> memref<129x64xf32, #tpu.memory_space<vmem>>
        %get3A_671 = arith.index_cast %add3A_645 : i32 to index
        %get3A_672 = arith.constant 48 : index
        %get3A_673 = tpu.vector_load %get3A_670[%get3A_671, %get3A_672] {strides = array<i32>} : memref<129x64xf32, #tpu.memory_space<vmem>>, vector<16xf32>,
        %broadcast_in_dim3A = arith.constant 0 : i32
        %broadcast_in_dim3A_674 = vector.broadcast %broadcast_in_dim3A : i32 to vector<16xi32>
        %add3A_675 = vector.broadcast %scan3A_639 : i32 to vector<16xi32>
        %add3A_676 = arith.addi %broadcast_in_dim3A_674, %add3A_675 : vector<16xi32>
        %add3A_677 = arith.addi %mul3A_13, %add3A_676 : vector<16xi32>
        %scatter3A = arith.constant 0 : i32
        %scatter3A_678 = arith.constant 0 : i32
        %scatter3A_679 = arith.constant 0 : i32
        %scatter3A_680 = tpu.memref_slice %arg7[%scan3A_364, %scatter3A, %scatter3A_678, %scatter3A_679] : memref<2x8x8x136xf32, #tpu.memory_space<vmem>> -> memref<1x8x8x136xf32, #tpu.memory_space<vmem>>
        %scatter3A_681 = tpu.memref_squeeze %scatter3A_680 : memref<1x8x8x136xf32, #tpu.memory_space<vmem>> -> memref<8x8x136xf32, #tpu.memory_space<vmem>>
        tpu.vector_store_idx %scatter3A_681[%mul3A_7, %mul3A_7, %add3A_677], %scan3A_640 : memref<8x8x136xf32, #tpu.memory_space<vmem>>[vector<16xi32>, vector<16xi32>, vector<16xi32>], vector<16xf32>,
        %add3A_682 = arith.addi %mul3A_19, %add3A_676 : vector<16xi32>
        %scatter3A_683 = arith.constant 0 : i32
        %scatter3A_684 = arith.constant 0 : i32
        %scatter3A_685 = arith.constant 0 : i32
        %scatter3A_686 = tpu.memref_slice %arg7[%scan3A_364, %scatter3A_683, %scatter3A_684, %scatter3A_685] : memref<2x8x8x136xf32, #tpu.memory_space<vmem>> -> memref<1x8x8x136xf32, #tpu.memory_space<vmem>>
        %scatter3A_687 = tpu.memref_squeeze %scatter3A_686 : memref<1x8x8x136xf32, #tpu.memory_space<vmem>> -> memref<8x8x136xf32, #tpu.memory_space<vmem>>
        tpu.vector_store_idx %scatter3A_687[%mul3A_7, %mul3A_7, %add3A_682], %scan3A_641 : memref<8x8x136xf32, #tpu.memory_space<vmem>>[vector<16xi32>, vector<16xi32>, vector<16xi32>], vector<16xf32>,
        %add3A_688 = arith.addi %mul3A_25, %add3A_676 : vector<16xi32>
        %scatter3A_689 = arith.constant 0 : i32
        %scatter3A_690 = arith.constant 0 : i32
        %scatter3A_691 = arith.constant 0 : i32
        %scatter3A_692 = tpu.memref_slice %arg7[%scan3A_364, %scatter3A_689, %scatter3A_690, %scatter3A_691] : memref<2x8x8x136xf32, #tpu.memory_space<vmem>> -> memref<1x8x8x136xf32, #tpu.memory_space<vmem>>
        %scatter3A_693 = tpu.memref_squeeze %scatter3A_692 : memref<1x8x8x136xf32, #tpu.memory_space<vmem>> -> memref<8x8x136xf32, #tpu.memory_space<vmem>>
        tpu.vector_store_idx %scatter3A_693[%mul3A_7, %mul3A_7, %add3A_688], %scan3A_642 : memref<8x8x136xf32, #tpu.memory_space<vmem>>[vector<16xi32>, vector<16xi32>, vector<16xi32>], vector<16xf32>,
        %add3A_694 = arith.addi %mul3A_31, %add3A_676 : vector<16xi32>
        %scatter3A_695 = arith.constant 0 : i32
        %scatter3A_696 = arith.constant 0 : i32
        %scatter3A_697 = arith.constant 0 : i32
        %scatter3A_698 = tpu.memref_slice %arg7[%scan3A_364, %scatter3A_695, %scatter3A_696, %scatter3A_697] : memref<2x8x8x136xf32, #tpu.memory_space<vmem>> -> memref<1x8x8x136xf32, #tpu.memory_space<vmem>>
        %scatter3A_699 = tpu.memref_squeeze %scatter3A_698 : memref<1x8x8x136xf32, #tpu.memory_space<vmem>> -> memref<8x8x136xf32, #tpu.memory_space<vmem>>
        tpu.vector_store_idx %scatter3A_699[%mul3A_7, %mul3A_7, %add3A_694], %scan3A_643 : memref<8x8x136xf32, #tpu.memory_space<vmem>>[vector<16xi32>, vector<16xi32>, vector<16xi32>], vector<16xf32>,
        %scan3A_700 = arith.constant 1 : i32
        %scan3A_701 = arith.addi %scan3A_639, %scan3A_700 : i32
        %add3A_702 = arith.constant 1 : i32
        %add3A_703 = arith.addi %scan3A_701, %add3A_702 : i32
        %get3A_704 = arith.constant 0 : i32
        %get3A_705 = arith.constant 0 : i32
        %get3A_706 = tpu.memref_slice %arg6[%scan3A_363, %get3A_704, %get3A_705] : memref<4x129x64xf32, #tpu.memory_space<vmem>> -> memref<1x129x64xf32, #tpu.memory_space<vmem>>
        %get3A_707 = tpu.memref_squeeze %get3A_706 : memref<1x129x64xf32, #tpu.memory_space<vmem>> -> memref<129x64xf32, #tpu.memory_space<vmem>>
        %get3A_708 = arith.index_cast %add3A_703 : i32 to index
        %get3A_709 = arith.constant 0 : index
        %get3A_710 = tpu.vector_load %get3A_707[%get3A_708, %get3A_709] {strides = array<i32>} : memref<129x64xf32, #tpu.memory_space<vmem>>, vector<16xf32>,
        %get3A_711 = arith.constant 0 : i32
        %get3A_712 = arith.constant 0 : i32
        %get3A_713 = tpu.memref_slice %arg6[%scan3A_363, %get3A_711, %get3A_712] : memref<4x129x64xf32, #tpu.memory_space<vmem>> -> memref<1x129x64xf32, #tpu.memory_space<vmem>>
        %get3A_714 = tpu.memref_squeeze %get3A_713 : memref<1x129x64xf32, #tpu.memory_space<vmem>> -> memref<129x64xf32, #tpu.memory_space<vmem>>
        %get3A_715 = arith.index_cast %add3A_703 : i32 to index
        %get3A_716 = arith.constant 16 : index
        %get3A_717 = tpu.vector_load %get3A_714[%get3A_715, %get3A_716] {strides = array<i32>} : memref<129x64xf32, #tpu.memory_space<vmem>>, vector<16xf32>,
        %get3A_718 = arith.constant 0 : i32
        %get3A_719 = arith.constant 0 : i32
        %get3A_720 = tpu.memref_slice %arg6[%scan3A_363, %get3A_718, %get3A_719] : memref<4x129x64xf32, #tpu.memory_space<vmem>> -> memref<1x129x64xf32, #tpu.memory_space<vmem>>
        %get3A_721 = tpu.memref_squeeze %get3A_720 : memref<1x129x64xf32, #tpu.memory_space<vmem>> -> memref<129x64xf32, #tpu.memory_space<vmem>>
        %get3A_722 = arith.index_cast %add3A_703 : i32 to index
        %get3A_723 = arith.constant 32 : index
        %get3A_724 = tpu.vector_load %get3A_721[%get3A_722, %get3A_723] {strides = array<i32>} : memref<129x64xf32, #tpu.memory_space<vmem>>, vector<16xf32>,
        %get3A_725 = arith.constant 0 : i32
        %get3A_726 = arith.constant 0 : i32
        %get3A_727 = tpu.memref_slice %arg6[%scan3A_363, %get3A_725, %get3A_726] : memref<4x129x64xf32, #tpu.memory_space<vmem>> -> memref<1x129x64xf32, #tpu.memory_space<vmem>>
        %get3A_728 = tpu.memref_squeeze %get3A_727 : memref<1x129x64xf32, #tpu.memory_space<vmem>> -> memref<129x64xf32, #tpu.memory_space<vmem>>
        %get3A_729 = arith.index_cast %add3A_703 : i32 to index
        %get3A_730 = arith.constant 48 : index
        %get3A_731 = tpu.vector_load %get3A_728[%get3A_729, %get3A_730] {strides = array<i32>} : memref<129x64xf32, #tpu.memory_space<vmem>>, vector<16xf32>,
        %broadcast_in_dim3A_732 = arith.constant 0 : i32
        %broadcast_in_dim3A_733 = vector.broadcast %broadcast_in_dim3A_732 : i32 to vector<16xi32>
        %add3A_734 = vector.broadcast %scan3A_701 : i32 to vector<16xi32>
        %add3A_735 = arith.addi %broadcast_in_dim3A_733, %add3A_734 : vector<16xi32>
        %add3A_736 = arith.addi %mul3A_13, %add3A_735 : vector<16xi32>
        %scatter3A_737 = arith.constant 0 : i32
        %scatter3A_738 = arith.constant 0 : i32
        %scatter3A_739 = arith.constant 0 : i32
        %scatter3A_740 = tpu.memref_slice %arg7[%scan3A_364, %scatter3A_737, %scatter3A_738, %scatter3A_739] : memref<2x8x8x136xf32, #tpu.memory_space<vmem>> -> memref<1x8x8x136xf32, #tpu.memory_space<vmem>>
        %scatter3A_741 = tpu.memref_squeeze %scatter3A_740 : memref<1x8x8x136xf32, #tpu.memory_space<vmem>> -> memref<8x8x136xf32, #tpu.memory_space<vmem>>
        tpu.vector_store_idx %scatter3A_741[%mul3A_7, %mul3A_7, %add3A_736], %get3A_652 : memref<8x8x136xf32, #tpu.memory_space<vmem>>[vector<16xi32>, vector<16xi32>, vector<16xi32>], vector<16xf32>,
        %add3A_742 = arith.addi %mul3A_19, %add3A_735 : vector<16xi32>
        %scatter3A_743 = arith.constant 0 : i32
        %scatter3A_744 = arith.constant 0 : i32
        %scatter3A_745 = arith.constant 0 : i32
        %scatter3A_746 = tpu.memref_slice %arg7[%scan3A_364, %scatter3A_743, %scatter3A_744, %scatter3A_745] : memref<2x8x8x136xf32, #tpu.memory_space<vmem>> -> memref<1x8x8x136xf32, #tpu.memory_space<vmem>>
        %scatter3A_747 = tpu.memref_squeeze %scatter3A_746 : memref<1x8x8x136xf32, #tpu.memory_space<vmem>> -> memref<8x8x136xf32, #tpu.memory_space<vmem>>
        tpu.vector_store_idx %scatter3A_747[%mul3A_7, %mul3A_7, %add3A_742], %get3A_659 : memref<8x8x136xf32, #tpu.memory_space<vmem>>[vector<16xi32>, vector<16xi32>, vector<16xi32>], vector<16xf32>,
        %add3A_748 = arith.addi %mul3A_25, %add3A_735 : vector<16xi32>
        %scatter3A_749 = arith.constant 0 : i32
        %scatter3A_750 = arith.constant 0 : i32
        %scatter3A_751 = arith.constant 0 : i32
        %scatter3A_752 = tpu.memref_slice %arg7[%scan3A_364, %scatter3A_749, %scatter3A_750, %scatter3A_751] : memref<2x8x8x136xf32, #tpu.memory_space<vmem>> -> memref<1x8x8x136xf32, #tpu.memory_space<vmem>>
        %scatter3A_753 = tpu.memref_squeeze %scatter3A_752 : memref<1x8x8x136xf32, #tpu.memory_space<vmem>> -> memref<8x8x136xf32, #tpu.memory_space<vmem>>
        tpu.vector_store_idx %scatter3A_753[%mul3A_7, %mul3A_7, %add3A_748], %get3A_666 : memref<8x8x136xf32, #tpu.memory_space<vmem>>[vector<16xi32>, vector<16xi32>, vector<16xi32>], vector<16xf32>,
        %add3A_754 = arith.addi %mul3A_31, %add3A_735 : vector<16xi32>
        %scatter3A_755 = arith.constant 0 : i32
        %scatter3A_756 = arith.constant 0 : i32
        %scatter3A_757 = arith.constant 0 : i32
        %scatter3A_758 = tpu.memref_slice %arg7[%scan3A_364, %scatter3A_755, %scatter3A_756, %scatter3A_757] : memref<2x8x8x136xf32, #tpu.memory_space<vmem>> -> memref<1x8x8x136xf32, #tpu.memory_space<vmem>>
        %scatter3A_759 = tpu.memref_squeeze %scatter3A_758 : memref<1x8x8x136xf32, #tpu.memory_space<vmem>> -> memref<8x8x136xf32, #tpu.memory_space<vmem>>
        tpu.vector_store_idx %scatter3A_759[%mul3A_7, %mul3A_7, %add3A_754], %get3A_673 : memref<8x8x136xf32, #tpu.memory_space<vmem>>[vector<16xi32>, vector<16xi32>, vector<16xi32>], vector<16xf32>,
        %scan3A_760 = arith.constant 2 : i32
        %scan3A_761 = arith.addi %scan3A_639, %scan3A_760 : i32
        %add3A_762 = arith.constant 1 : i32
        %add3A_763 = arith.addi %scan3A_761, %add3A_762 : i32
        %get3A_764 = arith.constant 0 : i32
        %get3A_765 = arith.constant 0 : i32
        %get3A_766 = tpu.memref_slice %arg6[%scan3A_363, %get3A_764, %get3A_765] : memref<4x129x64xf32, #tpu.memory_space<vmem>> -> memref<1x129x64xf32, #tpu.memory_space<vmem>>
        %get3A_767 = tpu.memref_squeeze %get3A_766 : memref<1x129x64xf32, #tpu.memory_space<vmem>> -> memref<129x64xf32, #tpu.memory_space<vmem>>
        %get3A_768 = arith.index_cast %add3A_763 : i32 to index
        %get3A_769 = arith.constant 0 : index
        %get3A_770 = tpu.vector_load %get3A_767[%get3A_768, %get3A_769] {strides = array<i32>} : memref<129x64xf32, #tpu.memory_space<vmem>>, vector<16xf32>,
        %get3A_771 = arith.constant 0 : i32
        %get3A_772 = arith.constant 0 : i32
        %get3A_773 = tpu.memref_slice %arg6[%scan3A_363, %get3A_771, %get3A_772] : memref<4x129x64xf32, #tpu.memory_space<vmem>> -> memref<1x129x64xf32, #tpu.memory_space<vmem>>
        %get3A_774 = tpu.memref_squeeze %get3A_773 : memref<1x129x64xf32, #tpu.memory_space<vmem>> -> memref<129x64xf32, #tpu.memory_space<vmem>>
        %get3A_775 = arith.index_cast %add3A_763 : i32 to index
        %get3A_776 = arith.constant 16 : index
        %get3A_777 = tpu.vector_load %get3A_774[%get3A_775, %get3A_776] {strides = array<i32>} : memref<129x64xf32, #tpu.memory_space<vmem>>, vector<16xf32>,
        %get3A_778 = arith.constant 0 : i32
        %get3A_779 = arith.constant 0 : i32
        %get3A_780 = tpu.memref_slice %arg6[%scan3A_363, %get3A_778, %get3A_779] : memref<4x129x64xf32, #tpu.memory_space<vmem>> -> memref<1x129x64xf32, #tpu.memory_space<vmem>>
        %get3A_781 = tpu.memref_squeeze %get3A_780 : memref<1x129x64xf32, #tpu.memory_space<vmem>> -> memref<129x64xf32, #tpu.memory_space<vmem>>
        %get3A_782 = arith.index_cast %add3A_763 : i32 to index
        %get3A_783 = arith.constant 32 : index
        %get3A_784 = tpu.vector_load %get3A_781[%get3A_782, %get3A_783] {strides = array<i32>} : memref<129x64xf32, #tpu.memory_space<vmem>>, vector<16xf32>,
        %get3A_785 = arith.constant 0 : i32
        %get3A_786 = arith.constant 0 : i32
        %get3A_787 = tpu.memref_slice %arg6[%scan3A_363, %get3A_785, %get3A_786] : memref<4x129x64xf32, #tpu.memory_space<vmem>> -> memref<1x129x64xf32, #tpu.memory_space<vmem>>
        %get3A_788 = tpu.memref_squeeze %get3A_787 : memref<1x129x64xf32, #tpu.memory_space<vmem>> -> memref<129x64xf32, #tpu.memory_space<vmem>>
        %get3A_789 = arith.index_cast %add3A_763 : i32 to index
        %get3A_790 = arith.constant 48 : index
        %get3A_791 = tpu.vector_load %get3A_788[%get3A_789, %get3A_790] {strides = array<i32>} : memref<129x64xf32, #tpu.memory_space<vmem>>, vector<16xf32>,
        %broadcast_in_dim3A_792 = arith.constant 0 : i32
        %broadcast_in_dim3A_793 = vector.broadcast %broadcast_in_dim3A_792 : i32 to vector<16xi32>
        %add3A_794 = vector.broadcast %scan3A_761 : i32 to vector<16xi32>
        %add3A_795 = arith.addi %broadcast_in_dim3A_793, %add3A_794 : vector<16xi32>
        %add3A_796 = arith.addi %mul3A_13, %add3A_795 : vector<16xi32>
        %scatter3A_797 = arith.constant 0 : i32
        %scatter3A_798 = arith.constant 0 : i32
        %scatter3A_799 = arith.constant 0 : i32
        %scatter3A_800 = tpu.memref_slice %arg7[%scan3A_364, %scatter3A_797, %scatter3A_798, %scatter3A_799] : memref<2x8x8x136xf32, #tpu.memory_space<vmem>> -> memref<1x8x8x136xf32, #tpu.memory_space<vmem>>
        %scatter3A_801 = tpu.memref_squeeze %scatter3A_800 : memref<1x8x8x136xf32, #tpu.memory_space<vmem>> -> memref<8x8x136xf32, #tpu.memory_space<vmem>>
        tpu.vector_store_idx %scatter3A_801[%mul3A_7, %mul3A_7, %add3A_796], %get3A_710 : memref<8x8x136xf32, #tpu.memory_space<vmem>>[vector<16xi32>, vector<16xi32>, vector<16xi32>], vector<16xf32>,
        %add3A_802 = arith.addi %mul3A_19, %add3A_795 : vector<16xi32>
        %scatter3A_803 = arith.constant 0 : i32
        %scatter3A_804 = arith.constant 0 : i32
        %scatter3A_805 = arith.constant 0 : i32
        %scatter3A_806 = tpu.memref_slice %arg7[%scan3A_364, %scatter3A_803, %scatter3A_804, %scatter3A_805] : memref<2x8x8x136xf32, #tpu.memory_space<vmem>> -> memref<1x8x8x136xf32, #tpu.memory_space<vmem>>
        %scatter3A_807 = tpu.memref_squeeze %scatter3A_806 : memref<1x8x8x136xf32, #tpu.memory_space<vmem>> -> memref<8x8x136xf32, #tpu.memory_space<vmem>>
        tpu.vector_store_idx %scatter3A_807[%mul3A_7, %mul3A_7, %add3A_802], %get3A_717 : memref<8x8x136xf32, #tpu.memory_space<vmem>>[vector<16xi32>, vector<16xi32>, vector<16xi32>], vector<16xf32>,
        %add3A_808 = arith.addi %mul3A_25, %add3A_795 : vector<16xi32>
        %scatter3A_809 = arith.constant 0 : i32
        %scatter3A_810 = arith.constant 0 : i32
        %scatter3A_811 = arith.constant 0 : i32
        %scatter3A_812 = tpu.memref_slice %arg7[%scan3A_364, %scatter3A_809, %scatter3A_810, %scatter3A_811] : memref<2x8x8x136xf32, #tpu.memory_space<vmem>> -> memref<1x8x8x136xf32, #tpu.memory_space<vmem>>
        %scatter3A_813 = tpu.memref_squeeze %scatter3A_812 : memref<1x8x8x136xf32, #tpu.memory_space<vmem>> -> memref<8x8x136xf32, #tpu.memory_space<vmem>>
        tpu.vector_store_idx %scatter3A_813[%mul3A_7, %mul3A_7, %add3A_808], %get3A_724 : memref<8x8x136xf32, #tpu.memory_space<vmem>>[vector<16xi32>, vector<16xi32>, vector<16xi32>], vector<16xf32>,
        %add3A_814 = arith.addi %mul3A_31, %add3A_795 : vector<16xi32>
        %scatter3A_815 = arith.constant 0 : i32
        %scatter3A_816 = arith.constant 0 : i32
        %scatter3A_817 = arith.constant 0 : i32
        %scatter3A_818 = tpu.memref_slice %arg7[%scan3A_364, %scatter3A_815, %scatter3A_816, %scatter3A_817] : memref<2x8x8x136xf32, #tpu.memory_space<vmem>> -> memref<1x8x8x136xf32, #tpu.memory_space<vmem>>
        %scatter3A_819 = tpu.memref_squeeze %scatter3A_818 : memref<1x8x8x136xf32, #tpu.memory_space<vmem>> -> memref<8x8x136xf32, #tpu.memory_space<vmem>>
        tpu.vector_store_idx %scatter3A_819[%mul3A_7, %mul3A_7, %add3A_814], %get3A_731 : memref<8x8x136xf32, #tpu.memory_space<vmem>>[vector<16xi32>, vector<16xi32>, vector<16xi32>], vector<16xf32>,
        %scan3A_820 = arith.constant 3 : i32
        %scan3A_821 = arith.addi %scan3A_639, %scan3A_820 : i32
        %add3A_822 = arith.constant 1 : i32
        %add3A_823 = arith.addi %scan3A_821, %add3A_822 : i32
        %get3A_824 = arith.constant 0 : i32
        %get3A_825 = arith.constant 0 : i32
        %get3A_826 = tpu.memref_slice %arg6[%scan3A_363, %get3A_824, %get3A_825] : memref<4x129x64xf32, #tpu.memory_space<vmem>> -> memref<1x129x64xf32, #tpu.memory_space<vmem>>
        %get3A_827 = tpu.memref_squeeze %get3A_826 : memref<1x129x64xf32, #tpu.memory_space<vmem>> -> memref<129x64xf32, #tpu.memory_space<vmem>>
        %get3A_828 = arith.index_cast %add3A_823 : i32 to index
        %get3A_829 = arith.constant 0 : index
        %get3A_830 = tpu.vector_load %get3A_827[%get3A_828, %get3A_829] {strides = array<i32>} : memref<129x64xf32, #tpu.memory_space<vmem>>, vector<16xf32>,
        %get3A_831 = arith.constant 0 : i32
        %get3A_832 = arith.constant 0 : i32
        %get3A_833 = tpu.memref_slice %arg6[%scan3A_363, %get3A_831, %get3A_832] : memref<4x129x64xf32, #tpu.memory_space<vmem>> -> memref<1x129x64xf32, #tpu.memory_space<vmem>>
        %get3A_834 = tpu.memref_squeeze %get3A_833 : memref<1x129x64xf32, #tpu.memory_space<vmem>> -> memref<129x64xf32, #tpu.memory_space<vmem>>
        %get3A_835 = arith.index_cast %add3A_823 : i32 to index
        %get3A_836 = arith.constant 16 : index
        %get3A_837 = tpu.vector_load %get3A_834[%get3A_835, %get3A_836] {strides = array<i32>} : memref<129x64xf32, #tpu.memory_space<vmem>>, vector<16xf32>,
        %get3A_838 = arith.constant 0 : i32
        %get3A_839 = arith.constant 0 : i32
        %get3A_840 = tpu.memref_slice %arg6[%scan3A_363, %get3A_838, %get3A_839] : memref<4x129x64xf32, #tpu.memory_space<vmem>> -> memref<1x129x64xf32, #tpu.memory_space<vmem>>
        %get3A_841 = tpu.memref_squeeze %get3A_840 : memref<1x129x64xf32, #tpu.memory_space<vmem>> -> memref<129x64xf32, #tpu.memory_space<vmem>>
        %get3A_842 = arith.index_cast %add3A_823 : i32 to index
        %get3A_843 = arith.constant 32 : index
        %get3A_844 = tpu.vector_load %get3A_841[%get3A_842, %get3A_843] {strides = array<i32>} : memref<129x64xf32, #tpu.memory_space<vmem>>, vector<16xf32>,
        %get3A_845 = arith.constant 0 : i32
        %get3A_846 = arith.constant 0 : i32
        %get3A_847 = tpu.memref_slice %arg6[%scan3A_363, %get3A_845, %get3A_846] : memref<4x129x64xf32, #tpu.memory_space<vmem>> -> memref<1x129x64xf32, #tpu.memory_space<vmem>>
        %get3A_848 = tpu.memref_squeeze %get3A_847 : memref<1x129x64xf32, #tpu.memory_space<vmem>> -> memref<129x64xf32, #tpu.memory_space<vmem>>
        %get3A_849 = arith.index_cast %add3A_823 : i32 to index
        %get3A_850 = arith.constant 48 : index
        %get3A_851 = tpu.vector_load %get3A_848[%get3A_849, %get3A_850] {strides = array<i32>} : memref<129x64xf32, #tpu.memory_space<vmem>>, vector<16xf32>,
        %broadcast_in_dim3A_852 = arith.constant 0 : i32
        %broadcast_in_dim3A_853 = vector.broadcast %broadcast_in_dim3A_852 : i32 to vector<16xi32>
        %add3A_854 = vector.broadcast %scan3A_821 : i32 to vector<16xi32>
        %add3A_855 = arith.addi %broadcast_in_dim3A_853, %add3A_854 : vector<16xi32>
        %add3A_856 = arith.addi %mul3A_13, %add3A_855 : vector<16xi32>
        %scatter3A_857 = arith.constant 0 : i32
        %scatter3A_858 = arith.constant 0 : i32
        %scatter3A_859 = arith.constant 0 : i32
        %scatter3A_860 = tpu.memref_slice %arg7[%scan3A_364, %scatter3A_857, %scatter3A_858, %scatter3A_859] : memref<2x8x8x136xf32, #tpu.memory_space<vmem>> -> memref<1x8x8x136xf32, #tpu.memory_space<vmem>>
        %scatter3A_861 = tpu.memref_squeeze %scatter3A_860 : memref<1x8x8x136xf32, #tpu.memory_space<vmem>> -> memref<8x8x136xf32, #tpu.memory_space<vmem>>
        tpu.vector_store_idx %scatter3A_861[%mul3A_7, %mul3A_7, %add3A_856], %get3A_770 : memref<8x8x136xf32, #tpu.memory_space<vmem>>[vector<16xi32>, vector<16xi32>, vector<16xi32>], vector<16xf32>,
        %add3A_862 = arith.addi %mul3A_19, %add3A_855 : vector<16xi32>
        %scatter3A_863 = arith.constant 0 : i32
        %scatter3A_864 = arith.constant 0 : i32
        %scatter3A_865 = arith.constant 0 : i32
        %scatter3A_866 = tpu.memref_slice %arg7[%scan3A_364, %scatter3A_863, %scatter3A_864, %scatter3A_865] : memref<2x8x8x136xf32, #tpu.memory_space<vmem>> -> memref<1x8x8x136xf32, #tpu.memory_space<vmem>>
        %scatter3A_867 = tpu.memref_squeeze %scatter3A_866 : memref<1x8x8x136xf32, #tpu.memory_space<vmem>> -> memref<8x8x136xf32, #tpu.memory_space<vmem>>
        tpu.vector_store_idx %scatter3A_867[%mul3A_7, %mul3A_7, %add3A_862], %get3A_777 : memref<8x8x136xf32, #tpu.memory_space<vmem>>[vector<16xi32>, vector<16xi32>, vector<16xi32>], vector<16xf32>,
        %add3A_868 = arith.addi %mul3A_25, %add3A_855 : vector<16xi32>
        %scatter3A_869 = arith.constant 0 : i32
        %scatter3A_870 = arith.constant 0 : i32
        %scatter3A_871 = arith.constant 0 : i32
        %scatter3A_872 = tpu.memref_slice %arg7[%scan3A_364, %scatter3A_869, %scatter3A_870, %scatter3A_871] : memref<2x8x8x136xf32, #tpu.memory_space<vmem>> -> memref<1x8x8x136xf32, #tpu.memory_space<vmem>>
        %scatter3A_873 = tpu.memref_squeeze %scatter3A_872 : memref<1x8x8x136xf32, #tpu.memory_space<vmem>> -> memref<8x8x136xf32, #tpu.memory_space<vmem>>
        tpu.vector_store_idx %scatter3A_873[%mul3A_7, %mul3A_7, %add3A_868], %get3A_784 : memref<8x8x136xf32, #tpu.memory_space<vmem>>[vector<16xi32>, vector<16xi32>, vector<16xi32>], vector<16xf32>,
        %add3A_874 = arith.addi %mul3A_31, %add3A_855 : vector<16xi32>
        %scatter3A_875 = arith.constant 0 : i32
        %scatter3A_876 = arith.constant 0 : i32
        %scatter3A_877 = arith.constant 0 : i32
        %scatter3A_878 = tpu.memref_slice %arg7[%scan3A_364, %scatter3A_875, %scatter3A_876, %scatter3A_877] : memref<2x8x8x136xf32, #tpu.memory_space<vmem>> -> memref<1x8x8x136xf32, #tpu.memory_space<vmem>>
        %scatter3A_879 = tpu.memref_squeeze %scatter3A_878 : memref<1x8x8x136xf32, #tpu.memory_space<vmem>> -> memref<8x8x136xf32, #tpu.memory_space<vmem>>
        tpu.vector_store_idx %scatter3A_879[%mul3A_7, %mul3A_7, %add3A_874], %get3A_791 : memref<8x8x136xf32, #tpu.memory_space<vmem>>[vector<16xi32>, vector<16xi32>, vector<16xi32>], vector<16xf32>,
        %scan3A_880 = arith.constant 4 : i32
        %scan3A_881 = arith.addi %scan3A_639, %scan3A_880 : i32
        %add3A_882 = arith.constant 1 : i32
        %add3A_883 = arith.addi %scan3A_881, %add3A_882 : i32
        %get3A_884 = arith.constant 0 : i32
        %get3A_885 = arith.constant 0 : i32
        %get3A_886 = tpu.memref_slice %arg6[%scan3A_363, %get3A_884, %get3A_885] : memref<4x129x64xf32, #tpu.memory_space<vmem>> -> memref<1x129x64xf32, #tpu.memory_space<vmem>>
        %get3A_887 = tpu.memref_squeeze %get3A_886 : memref<1x129x64xf32, #tpu.memory_space<vmem>> -> memref<129x64xf32, #tpu.memory_space<vmem>>
        %get3A_888 = arith.index_cast %add3A_883 : i32 to index
        %get3A_889 = arith.constant 0 : index
        %get3A_890 = tpu.vector_load %get3A_887[%get3A_888, %get3A_889] {strides = array<i32>} : memref<129x64xf32, #tpu.memory_space<vmem>>, vector<16xf32>,
        %get3A_891 = arith.constant 0 : i32
        %get3A_892 = arith.constant 0 : i32
        %get3A_893 = tpu.memref_slice %arg6[%scan3A_363, %get3A_891, %get3A_892] : memref<4x129x64xf32, #tpu.memory_space<vmem>> -> memref<1x129x64xf32, #tpu.memory_space<vmem>>
        %get3A_894 = tpu.memref_squeeze %get3A_893 : memref<1x129x64xf32, #tpu.memory_space<vmem>> -> memref<129x64xf32, #tpu.memory_space<vmem>>
        %get3A_895 = arith.index_cast %add3A_883 : i32 to index
        %get3A_896 = arith.constant 16 : index
        %get3A_897 = tpu.vector_load %get3A_894[%get3A_895, %get3A_896] {strides = array<i32>} : memref<129x64xf32, #tpu.memory_space<vmem>>, vector<16xf32>,
        %get3A_898 = arith.constant 0 : i32
        %get3A_899 = arith.constant 0 : i32
        %get3A_900 = tpu.memref_slice %arg6[%scan3A_363, %get3A_898, %get3A_899] : memref<4x129x64xf32, #tpu.memory_space<vmem>> -> memref<1x129x64xf32, #tpu.memory_space<vmem>>
        %get3A_901 = tpu.memref_squeeze %get3A_900 : memref<1x129x64xf32, #tpu.memory_space<vmem>> -> memref<129x64xf32, #tpu.memory_space<vmem>>
        %get3A_902 = arith.index_cast %add3A_883 : i32 to index
        %get3A_903 = arith.constant 32 : index
        %get3A_904 = tpu.vector_load %get3A_901[%get3A_902, %get3A_903] {strides = array<i32>} : memref<129x64xf32, #tpu.memory_space<vmem>>, vector<16xf32>,
        %get3A_905 = arith.constant 0 : i32
        %get3A_906 = arith.constant 0 : i32
        %get3A_907 = tpu.memref_slice %arg6[%scan3A_363, %get3A_905, %get3A_906] : memref<4x129x64xf32, #tpu.memory_space<vmem>> -> memref<1x129x64xf32, #tpu.memory_space<vmem>>
        %get3A_908 = tpu.memref_squeeze %get3A_907 : memref<1x129x64xf32, #tpu.memory_space<vmem>> -> memref<129x64xf32, #tpu.memory_space<vmem>>
        %get3A_909 = arith.index_cast %add3A_883 : i32 to index
        %get3A_910 = arith.constant 48 : index
        %get3A_911 = tpu.vector_load %get3A_908[%get3A_909, %get3A_910] {strides = array<i32>} : memref<129x64xf32, #tpu.memory_space<vmem>>, vector<16xf32>,
        %broadcast_in_dim3A_912 = arith.constant 0 : i32
        %broadcast_in_dim3A_913 = vector.broadcast %broadcast_in_dim3A_912 : i32 to vector<16xi32>
        %add3A_914 = vector.broadcast %scan3A_881 : i32 to vector<16xi32>
        %add3A_915 = arith.addi %broadcast_in_dim3A_913, %add3A_914 : vector<16xi32>
        %add3A_916 = arith.addi %mul3A_13, %add3A_915 : vector<16xi32>
        %scatter3A_917 = arith.constant 0 : i32
        %scatter3A_918 = arith.constant 0 : i32
        %scatter3A_919 = arith.constant 0 : i32
        %scatter3A_920 = tpu.memref_slice %arg7[%scan3A_364, %scatter3A_917, %scatter3A_918, %scatter3A_919] : memref<2x8x8x136xf32, #tpu.memory_space<vmem>> -> memref<1x8x8x136xf32, #tpu.memory_space<vmem>>
        %scatter3A_921 = tpu.memref_squeeze %scatter3A_920 : memref<1x8x8x136xf32, #tpu.memory_space<vmem>> -> memref<8x8x136xf32, #tpu.memory_space<vmem>>
        tpu.vector_store_idx %scatter3A_921[%mul3A_7, %mul3A_7, %add3A_916], %get3A_830 : memref<8x8x136xf32, #tpu.memory_space<vmem>>[vector<16xi32>, vector<16xi32>, vector<16xi32>], vector<16xf32>,
        %add3A_922 = arith.addi %mul3A_19, %add3A_915 : vector<16xi32>
        %scatter3A_923 = arith.constant 0 : i32
        %scatter3A_924 = arith.constant 0 : i32
        %scatter3A_925 = arith.constant 0 : i32
        %scatter3A_926 = tpu.memref_slice %arg7[%scan3A_364, %scatter3A_923, %scatter3A_924, %scatter3A_925] : memref<2x8x8x136xf32, #tpu.memory_space<vmem>> -> memref<1x8x8x136xf32, #tpu.memory_space<vmem>>
        %scatter3A_927 = tpu.memref_squeeze %scatter3A_926 : memref<1x8x8x136xf32, #tpu.memory_space<vmem>> -> memref<8x8x136xf32, #tpu.memory_space<vmem>>
        tpu.vector_store_idx %scatter3A_927[%mul3A_7, %mul3A_7, %add3A_922], %get3A_837 : memref<8x8x136xf32, #tpu.memory_space<vmem>>[vector<16xi32>, vector<16xi32>, vector<16xi32>], vector<16xf32>,
        %add3A_928 = arith.addi %mul3A_25, %add3A_915 : vector<16xi32>
        %scatter3A_929 = arith.constant 0 : i32
        %scatter3A_930 = arith.constant 0 : i32
        %scatter3A_931 = arith.constant 0 : i32
        %scatter3A_932 = tpu.memref_slice %arg7[%scan3A_364, %scatter3A_929, %scatter3A_930, %scatter3A_931] : memref<2x8x8x136xf32, #tpu.memory_space<vmem>> -> memref<1x8x8x136xf32, #tpu.memory_space<vmem>>
        %scatter3A_933 = tpu.memref_squeeze %scatter3A_932 : memref<1x8x8x136xf32, #tpu.memory_space<vmem>> -> memref<8x8x136xf32, #tpu.memory_space<vmem>>
        tpu.vector_store_idx %scatter3A_933[%mul3A_7, %mul3A_7, %add3A_928], %get3A_844 : memref<8x8x136xf32, #tpu.memory_space<vmem>>[vector<16xi32>, vector<16xi32>, vector<16xi32>], vector<16xf32>,
        %add3A_934 = arith.addi %mul3A_31, %add3A_915 : vector<16xi32>
        %scatter3A_935 = arith.constant 0 : i32
        %scatter3A_936 = arith.constant 0 : i32
        %scatter3A_937 = arith.constant 0 : i32
        %scatter3A_938 = tpu.memref_slice %arg7[%scan3A_364, %scatter3A_935, %scatter3A_936, %scatter3A_937] : memref<2x8x8x136xf32, #tpu.memory_space<vmem>> -> memref<1x8x8x136xf32, #tpu.memory_space<vmem>>
        %scatter3A_939 = tpu.memref_squeeze %scatter3A_938 : memref<1x8x8x136xf32, #tpu.memory_space<vmem>> -> memref<8x8x136xf32, #tpu.memory_space<vmem>>
        tpu.vector_store_idx %scatter3A_939[%mul3A_7, %mul3A_7, %add3A_934], %get3A_851 : memref<8x8x136xf32, #tpu.memory_space<vmem>>[vector<16xi32>, vector<16xi32>, vector<16xi32>], vector<16xf32>,
        %scan3A_940 = arith.constant 5 : i32
        %scan3A_941 = arith.addi %scan3A_639, %scan3A_940 : i32
        %add3A_942 = arith.constant 1 : i32
        %add3A_943 = arith.addi %scan3A_941, %add3A_942 : i32
        %get3A_944 = arith.constant 0 : i32
        %get3A_945 = arith.constant 0 : i32
        %get3A_946 = tpu.memref_slice %arg6[%scan3A_363, %get3A_944, %get3A_945] : memref<4x129x64xf32, #tpu.memory_space<vmem>> -> memref<1x129x64xf32, #tpu.memory_space<vmem>>
        %get3A_947 = tpu.memref_squeeze %get3A_946 : memref<1x129x64xf32, #tpu.memory_space<vmem>> -> memref<129x64xf32, #tpu.memory_space<vmem>>
        %get3A_948 = arith.index_cast %add3A_943 : i32 to index
        %get3A_949 = arith.constant 0 : index
        %get3A_950 = tpu.vector_load %get3A_947[%get3A_948, %get3A_949] {strides = array<i32>} : memref<129x64xf32, #tpu.memory_space<vmem>>, vector<16xf32>,
        %get3A_951 = arith.constant 0 : i32
        %get3A_952 = arith.constant 0 : i32
        %get3A_953 = tpu.memref_slice %arg6[%scan3A_363, %get3A_951, %get3A_952] : memref<4x129x64xf32, #tpu.memory_space<vmem>> -> memref<1x129x64xf32, #tpu.memory_space<vmem>>
        %get3A_954 = tpu.memref_squeeze %get3A_953 : memref<1x129x64xf32, #tpu.memory_space<vmem>> -> memref<129x64xf32, #tpu.memory_space<vmem>>
        %get3A_955 = arith.index_cast %add3A_943 : i32 to index
        %get3A_956 = arith.constant 16 : index
        %get3A_957 = tpu.vector_load %get3A_954[%get3A_955, %get3A_956] {strides = array<i32>} : memref<129x64xf32, #tpu.memory_space<vmem>>, vector<16xf32>,
        %get3A_958 = arith.constant 0 : i32
        %get3A_959 = arith.constant 0 : i32
        %get3A_960 = tpu.memref_slice %arg6[%scan3A_363, %get3A_958, %get3A_959] : memref<4x129x64xf32, #tpu.memory_space<vmem>> -> memref<1x129x64xf32, #tpu.memory_space<vmem>>
        %get3A_961 = tpu.memref_squeeze %get3A_960 : memref<1x129x64xf32, #tpu.memory_space<vmem>> -> memref<129x64xf32, #tpu.memory_space<vmem>>
        %get3A_962 = arith.index_cast %add3A_943 : i32 to index
        %get3A_963 = arith.constant 32 : index
        %get3A_964 = tpu.vector_load %get3A_961[%get3A_962, %get3A_963] {strides = array<i32>} : memref<129x64xf32, #tpu.memory_space<vmem>>, vector<16xf32>,
        %get3A_965 = arith.constant 0 : i32
        %get3A_966 = arith.constant 0 : i32
        %get3A_967 = tpu.memref_slice %arg6[%scan3A_363, %get3A_965, %get3A_966] : memref<4x129x64xf32, #tpu.memory_space<vmem>> -> memref<1x129x64xf32, #tpu.memory_space<vmem>>
        %get3A_968 = tpu.memref_squeeze %get3A_967 : memref<1x129x64xf32, #tpu.memory_space<vmem>> -> memref<129x64xf32, #tpu.memory_space<vmem>>
        %get3A_969 = arith.index_cast %add3A_943 : i32 to index
        %get3A_970 = arith.constant 48 : index
        %get3A_971 = tpu.vector_load %get3A_968[%get3A_969, %get3A_970] {strides = array<i32>} : memref<129x64xf32, #tpu.memory_space<vmem>>, vector<16xf32>,
        %broadcast_in_dim3A_972 = arith.constant 0 : i32
        %broadcast_in_dim3A_973 = vector.broadcast %broadcast_in_dim3A_972 : i32 to vector<16xi32>
        %add3A_974 = vector.broadcast %scan3A_941 : i32 to vector<16xi32>
        %add3A_975 = arith.addi %broadcast_in_dim3A_973, %add3A_974 : vector<16xi32>
        %add3A_976 = arith.addi %mul3A_13, %add3A_975 : vector<16xi32>
        %scatter3A_977 = arith.constant 0 : i32
        %scatter3A_978 = arith.constant 0 : i32
        %scatter3A_979 = arith.constant 0 : i32
        %scatter3A_980 = tpu.memref_slice %arg7[%scan3A_364, %scatter3A_977, %scatter3A_978, %scatter3A_979] : memref<2x8x8x136xf32, #tpu.memory_space<vmem>> -> memref<1x8x8x136xf32, #tpu.memory_space<vmem>>
        %scatter3A_981 = tpu.memref_squeeze %scatter3A_980 : memref<1x8x8x136xf32, #tpu.memory_space<vmem>> -> memref<8x8x136xf32, #tpu.memory_space<vmem>>
        tpu.vector_store_idx %scatter3A_981[%mul3A_7, %mul3A_7, %add3A_976], %get3A_890 : memref<8x8x136xf32, #tpu.memory_space<vmem>>[vector<16xi32>, vector<16xi32>, vector<16xi32>], vector<16xf32>,
        %add3A_982 = arith.addi %mul3A_19, %add3A_975 : vector<16xi32>
        %scatter3A_983 = arith.constant 0 : i32
        %scatter3A_984 = arith.constant 0 : i32
        %scatter3A_985 = arith.constant 0 : i32
        %scatter3A_986 = tpu.memref_slice %arg7[%scan3A_364, %scatter3A_983, %scatter3A_984, %scatter3A_985] : memref<2x8x8x136xf32, #tpu.memory_space<vmem>> -> memref<1x8x8x136xf32, #tpu.memory_space<vmem>>
        %scatter3A_987 = tpu.memref_squeeze %scatter3A_986 : memref<1x8x8x136xf32, #tpu.memory_space<vmem>> -> memref<8x8x136xf32, #tpu.memory_space<vmem>>
        tpu.vector_store_idx %scatter3A_987[%mul3A_7, %mul3A_7, %add3A_982], %get3A_897 : memref<8x8x136xf32, #tpu.memory_space<vmem>>[vector<16xi32>, vector<16xi32>, vector<16xi32>], vector<16xf32>,
        %add3A_988 = arith.addi %mul3A_25, %add3A_975 : vector<16xi32>
        %scatter3A_989 = arith.constant 0 : i32
        %scatter3A_990 = arith.constant 0 : i32
        %scatter3A_991 = arith.constant 0 : i32
        %scatter3A_992 = tpu.memref_slice %arg7[%scan3A_364, %scatter3A_989, %scatter3A_990, %scatter3A_991] : memref<2x8x8x136xf32, #tpu.memory_space<vmem>> -> memref<1x8x8x136xf32, #tpu.memory_space<vmem>>
        %scatter3A_993 = tpu.memref_squeeze %scatter3A_992 : memref<1x8x8x136xf32, #tpu.memory_space<vmem>> -> memref<8x8x136xf32, #tpu.memory_space<vmem>>
        tpu.vector_store_idx %scatter3A_993[%mul3A_7, %mul3A_7, %add3A_988], %get3A_904 : memref<8x8x136xf32, #tpu.memory_space<vmem>>[vector<16xi32>, vector<16xi32>, vector<16xi32>], vector<16xf32>,
        %add3A_994 = arith.addi %mul3A_31, %add3A_975 : vector<16xi32>
        %scatter3A_995 = arith.constant 0 : i32
        %scatter3A_996 = arith.constant 0 : i32
        %scatter3A_997 = arith.constant 0 : i32
        %scatter3A_998 = tpu.memref_slice %arg7[%scan3A_364, %scatter3A_995, %scatter3A_996, %scatter3A_997] : memref<2x8x8x136xf32, #tpu.memory_space<vmem>> -> memref<1x8x8x136xf32, #tpu.memory_space<vmem>>
        %scatter3A_999 = tpu.memref_squeeze %scatter3A_998 : memref<1x8x8x136xf32, #tpu.memory_space<vmem>> -> memref<8x8x136xf32, #tpu.memory_space<vmem>>
        tpu.vector_store_idx %scatter3A_999[%mul3A_7, %mul3A_7, %add3A_994], %get3A_911 : memref<8x8x136xf32, #tpu.memory_space<vmem>>[vector<16xi32>, vector<16xi32>, vector<16xi32>], vector<16xf32>,
        %scan3A_1000 = arith.constant 6 : i32
        %scan3A_1001 = arith.addi %scan3A_639, %scan3A_1000 : i32
        %add3A_1002 = arith.constant 1 : i32
        %add3A_1003 = arith.addi %scan3A_1001, %add3A_1002 : i32
        %get3A_1004 = arith.constant 0 : i32
        %get3A_1005 = arith.constant 0 : i32
        %get3A_1006 = tpu.memref_slice %arg6[%scan3A_363, %get3A_1004, %get3A_1005] : memref<4x129x64xf32, #tpu.memory_space<vmem>> -> memref<1x129x64xf32, #tpu.memory_space<vmem>>
        %get3A_1007 = tpu.memref_squeeze %get3A_1006 : memref<1x129x64xf32, #tpu.memory_space<vmem>> -> memref<129x64xf32, #tpu.memory_space<vmem>>
        %get3A_1008 = arith.index_cast %add3A_1003 : i32 to index
        %get3A_1009 = arith.constant 0 : index
        %get3A_1010 = tpu.vector_load %get3A_1007[%get3A_1008, %get3A_1009] {strides = array<i32>} : memref<129x64xf32, #tpu.memory_space<vmem>>, vector<16xf32>,
        %get3A_1011 = arith.constant 0 : i32
        %get3A_1012 = arith.constant 0 : i32
        %get3A_1013 = tpu.memref_slice %arg6[%scan3A_363, %get3A_1011, %get3A_1012] : memref<4x129x64xf32, #tpu.memory_space<vmem>> -> memref<1x129x64xf32, #tpu.memory_space<vmem>>
        %get3A_1014 = tpu.memref_squeeze %get3A_1013 : memref<1x129x64xf32, #tpu.memory_space<vmem>> -> memref<129x64xf32, #tpu.memory_space<vmem>>
        %get3A_1015 = arith.index_cast %add3A_1003 : i32 to index
        %get3A_1016 = arith.constant 16 : index
        %get3A_1017 = tpu.vector_load %get3A_1014[%get3A_1015, %get3A_1016] {strides = array<i32>} : memref<129x64xf32, #tpu.memory_space<vmem>>, vector<16xf32>,
        %get3A_1018 = arith.constant 0 : i32
        %get3A_1019 = arith.constant 0 : i32
        %get3A_1020 = tpu.memref_slice %arg6[%scan3A_363, %get3A_1018, %get3A_1019] : memref<4x129x64xf32, #tpu.memory_space<vmem>> -> memref<1x129x64xf32, #tpu.memory_space<vmem>>
        %get3A_1021 = tpu.memref_squeeze %get3A_1020 : memref<1x129x64xf32, #tpu.memory_space<vmem>> -> memref<129x64xf32, #tpu.memory_space<vmem>>
        %get3A_1022 = arith.index_cast %add3A_1003 : i32 to index
        %get3A_1023 = arith.constant 32 : index
        %get3A_1024 = tpu.vector_load %get3A_1021[%get3A_1022, %get3A_1023] {strides = array<i32>} : memref<129x64xf32, #tpu.memory_space<vmem>>, vector<16xf32>,
        %get3A_1025 = arith.constant 0 : i32
        %get3A_1026 = arith.constant 0 : i32
        %get3A_1027 = tpu.memref_slice %arg6[%scan3A_363, %get3A_1025, %get3A_1026] : memref<4x129x64xf32, #tpu.memory_space<vmem>> -> memref<1x129x64xf32, #tpu.memory_space<vmem>>
        %get3A_1028 = tpu.memref_squeeze %get3A_1027 : memref<1x129x64xf32, #tpu.memory_space<vmem>> -> memref<129x64xf32, #tpu.memory_space<vmem>>
        %get3A_1029 = arith.index_cast %add3A_1003 : i32 to index
        %get3A_1030 = arith.constant 48 : index
        %get3A_1031 = tpu.vector_load %get3A_1028[%get3A_1029, %get3A_1030] {strides = array<i32>} : memref<129x64xf32, #tpu.memory_space<vmem>>, vector<16xf32>,
        %broadcast_in_dim3A_1032 = arith.constant 0 : i32
        %broadcast_in_dim3A_1033 = vector.broadcast %broadcast_in_dim3A_1032 : i32 to vector<16xi32>
        %add3A_1034 = vector.broadcast %scan3A_1001 : i32 to vector<16xi32>
        %add3A_1035 = arith.addi %broadcast_in_dim3A_1033, %add3A_1034 : vector<16xi32>
        %add3A_1036 = arith.addi %mul3A_13, %add3A_1035 : vector<16xi32>
        %scatter3A_1037 = arith.constant 0 : i32
        %scatter3A_1038 = arith.constant 0 : i32
        %scatter3A_1039 = arith.constant 0 : i32
        %scatter3A_1040 = tpu.memref_slice %arg7[%scan3A_364, %scatter3A_1037, %scatter3A_1038, %scatter3A_1039] : memref<2x8x8x136xf32, #tpu.memory_space<vmem>> -> memref<1x8x8x136xf32, #tpu.memory_space<vmem>>
        %scatter3A_1041 = tpu.memref_squeeze %scatter3A_1040 : memref<1x8x8x136xf32, #tpu.memory_space<vmem>> -> memref<8x8x136xf32, #tpu.memory_space<vmem>>
        tpu.vector_store_idx %scatter3A_1041[%mul3A_7, %mul3A_7, %add3A_1036], %get3A_950 : memref<8x8x136xf32, #tpu.memory_space<vmem>>[vector<16xi32>, vector<16xi32>, vector<16xi32>], vector<16xf32>,
        %add3A_1042 = arith.addi %mul3A_19, %add3A_1035 : vector<16xi32>
        %scatter3A_1043 = arith.constant 0 : i32
        %scatter3A_1044 = arith.constant 0 : i32
        %scatter3A_1045 = arith.constant 0 : i32
        %scatter3A_1046 = tpu.memref_slice %arg7[%scan3A_364, %scatter3A_1043, %scatter3A_1044, %scatter3A_1045] : memref<2x8x8x136xf32, #tpu.memory_space<vmem>> -> memref<1x8x8x136xf32, #tpu.memory_space<vmem>>
        %scatter3A_1047 = tpu.memref_squeeze %scatter3A_1046 : memref<1x8x8x136xf32, #tpu.memory_space<vmem>> -> memref<8x8x136xf32, #tpu.memory_space<vmem>>
        tpu.vector_store_idx %scatter3A_1047[%mul3A_7, %mul3A_7, %add3A_1042], %get3A_957 : memref<8x8x136xf32, #tpu.memory_space<vmem>>[vector<16xi32>, vector<16xi32>, vector<16xi32>], vector<16xf32>,
        %add3A_1048 = arith.addi %mul3A_25, %add3A_1035 : vector<16xi32>
        %scatter3A_1049 = arith.constant 0 : i32
        %scatter3A_1050 = arith.constant 0 : i32
        %scatter3A_1051 = arith.constant 0 : i32
        %scatter3A_1052 = tpu.memref_slice %arg7[%scan3A_364, %scatter3A_1049, %scatter3A_1050, %scatter3A_1051] : memref<2x8x8x136xf32, #tpu.memory_space<vmem>> -> memref<1x8x8x136xf32, #tpu.memory_space<vmem>>
        %scatter3A_1053 = tpu.memref_squeeze %scatter3A_1052 : memref<1x8x8x136xf32, #tpu.memory_space<vmem>> -> memref<8x8x136xf32, #tpu.memory_space<vmem>>
        tpu.vector_store_idx %scatter3A_1053[%mul3A_7, %mul3A_7, %add3A_1048], %get3A_964 : memref<8x8x136xf32, #tpu.memory_space<vmem>>[vector<16xi32>, vector<16xi32>, vector<16xi32>], vector<16xf32>,
        %add3A_1054 = arith.addi %mul3A_31, %add3A_1035 : vector<16xi32>
        %scatter3A_1055 = arith.constant 0 : i32
        %scatter3A_1056 = arith.constant 0 : i32
        %scatter3A_1057 = arith.constant 0 : i32
        %scatter3A_1058 = tpu.memref_slice %arg7[%scan3A_364, %scatter3A_1055, %scatter3A_1056, %scatter3A_1057] : memref<2x8x8x136xf32, #tpu.memory_space<vmem>> -> memref<1x8x8x136xf32, #tpu.memory_space<vmem>>
        %scatter3A_1059 = tpu.memref_squeeze %scatter3A_1058 : memref<1x8x8x136xf32, #tpu.memory_space<vmem>> -> memref<8x8x136xf32, #tpu.memory_space<vmem>>
        tpu.vector_store_idx %scatter3A_1059[%mul3A_7, %mul3A_7, %add3A_1054], %get3A_971 : memref<8x8x136xf32, #tpu.memory_space<vmem>>[vector<16xi32>, vector<16xi32>, vector<16xi32>], vector<16xf32>,
        %scan3A_1060 = arith.constant 7 : i32
        %scan3A_1061 = arith.addi %scan3A_639, %scan3A_1060 : i32
        %add3A_1062 = arith.constant 1 : i32
        %add3A_1063 = arith.addi %scan3A_1061, %add3A_1062 : i32
        %get3A_1064 = arith.constant 0 : i32
        %get3A_1065 = arith.constant 0 : i32
        %get3A_1066 = tpu.memref_slice %arg6[%scan3A_363, %get3A_1064, %get3A_1065] : memref<4x129x64xf32, #tpu.memory_space<vmem>> -> memref<1x129x64xf32, #tpu.memory_space<vmem>>
        %get3A_1067 = tpu.memref_squeeze %get3A_1066 : memref<1x129x64xf32, #tpu.memory_space<vmem>> -> memref<129x64xf32, #tpu.memory_space<vmem>>
        %get3A_1068 = arith.index_cast %add3A_1063 : i32 to index
        %get3A_1069 = arith.constant 0 : index
        %get3A_1070 = tpu.vector_load %get3A_1067[%get3A_1068, %get3A_1069] {strides = array<i32>} : memref<129x64xf32, #tpu.memory_space<vmem>>, vector<16xf32>,
        %get3A_1071 = arith.constant 0 : i32
        %get3A_1072 = arith.constant 0 : i32
        %get3A_1073 = tpu.memref_slice %arg6[%scan3A_363, %get3A_1071, %get3A_1072] : memref<4x129x64xf32, #tpu.memory_space<vmem>> -> memref<1x129x64xf32, #tpu.memory_space<vmem>>
        %get3A_1074 = tpu.memref_squeeze %get3A_1073 : memref<1x129x64xf32, #tpu.memory_space<vmem>> -> memref<129x64xf32, #tpu.memory_space<vmem>>
        %get3A_1075 = arith.index_cast %add3A_1063 : i32 to index
        %get3A_1076 = arith.constant 16 : index
        %get3A_1077 = tpu.vector_load %get3A_1074[%get3A_1075, %get3A_1076] {strides = array<i32>} : memref<129x64xf32, #tpu.memory_space<vmem>>, vector<16xf32>,
        %get3A_1078 = arith.constant 0 : i32
        %get3A_1079 = arith.constant 0 : i32
        %get3A_1080 = tpu.memref_slice %arg6[%scan3A_363, %get3A_1078, %get3A_1079] : memref<4x129x64xf32, #tpu.memory_space<vmem>> -> memref<1x129x64xf32, #tpu.memory_space<vmem>>
        %get3A_1081 = tpu.memref_squeeze %get3A_1080 : memref<1x129x64xf32, #tpu.memory_space<vmem>> -> memref<129x64xf32, #tpu.memory_space<vmem>>
        %get3A_1082 = arith.index_cast %add3A_1063 : i32 to index
        %get3A_1083 = arith.constant 32 : index
        %get3A_1084 = tpu.vector_load %get3A_1081[%get3A_1082, %get3A_1083] {strides = array<i32>} : memref<129x64xf32, #tpu.memory_space<vmem>>, vector<16xf32>,
        %get3A_1085 = arith.constant 0 : i32
        %get3A_1086 = arith.constant 0 : i32
        %get3A_1087 = tpu.memref_slice %arg6[%scan3A_363, %get3A_1085, %get3A_1086] : memref<4x129x64xf32, #tpu.memory_space<vmem>> -> memref<1x129x64xf32, #tpu.memory_space<vmem>>
        %get3A_1088 = tpu.memref_squeeze %get3A_1087 : memref<1x129x64xf32, #tpu.memory_space<vmem>> -> memref<129x64xf32, #tpu.memory_space<vmem>>
        %get3A_1089 = arith.index_cast %add3A_1063 : i32 to index
        %get3A_1090 = arith.constant 48 : index
        %get3A_1091 = tpu.vector_load %get3A_1088[%get3A_1089, %get3A_1090] {strides = array<i32>} : memref<129x64xf32, #tpu.memory_space<vmem>>, vector<16xf32>,
        %broadcast_in_dim3A_1092 = arith.constant 0 : i32
        %broadcast_in_dim3A_1093 = vector.broadcast %broadcast_in_dim3A_1092 : i32 to vector<16xi32>
        %add3A_1094 = vector.broadcast %scan3A_1061 : i32 to vector<16xi32>
        %add3A_1095 = arith.addi %broadcast_in_dim3A_1093, %add3A_1094 : vector<16xi32>
        %add3A_1096 = arith.addi %mul3A_13, %add3A_1095 : vector<16xi32>
        %scatter3A_1097 = arith.constant 0 : i32
        %scatter3A_1098 = arith.constant 0 : i32
        %scatter3A_1099 = arith.constant 0 : i32
        %scatter3A_1100 = tpu.memref_slice %arg7[%scan3A_364, %scatter3A_1097, %scatter3A_1098, %scatter3A_1099] : memref<2x8x8x136xf32, #tpu.memory_space<vmem>> -> memref<1x8x8x136xf32, #tpu.memory_space<vmem>>
        %scatter3A_1101 = tpu.memref_squeeze %scatter3A_1100 : memref<1x8x8x136xf32, #tpu.memory_space<vmem>> -> memref<8x8x136xf32, #tpu.memory_space<vmem>>
        tpu.vector_store_idx %scatter3A_1101[%mul3A_7, %mul3A_7, %add3A_1096], %get3A_1010 : memref<8x8x136xf32, #tpu.memory_space<vmem>>[vector<16xi32>, vector<16xi32>, vector<16xi32>], vector<16xf32>,
        %add3A_1102 = arith.addi %mul3A_19, %add3A_1095 : vector<16xi32>
        %scatter3A_1103 = arith.constant 0 : i32
        %scatter3A_1104 = arith.constant 0 : i32
        %scatter3A_1105 = arith.constant 0 : i32
        %scatter3A_1106 = tpu.memref_slice %arg7[%scan3A_364, %scatter3A_1103, %scatter3A_1104, %scatter3A_1105] : memref<2x8x8x136xf32, #tpu.memory_space<vmem>> -> memref<1x8x8x136xf32, #tpu.memory_space<vmem>>
        %scatter3A_1107 = tpu.memref_squeeze %scatter3A_1106 : memref<1x8x8x136xf32, #tpu.memory_space<vmem>> -> memref<8x8x136xf32, #tpu.memory_space<vmem>>
        tpu.vector_store_idx %scatter3A_1107[%mul3A_7, %mul3A_7, %add3A_1102], %get3A_1017 : memref<8x8x136xf32, #tpu.memory_space<vmem>>[vector<16xi32>, vector<16xi32>, vector<16xi32>], vector<16xf32>,
        %add3A_1108 = arith.addi %mul3A_25, %add3A_1095 : vector<16xi32>
        %scatter3A_1109 = arith.constant 0 : i32
        %scatter3A_1110 = arith.constant 0 : i32
        %scatter3A_1111 = arith.constant 0 : i32
        %scatter3A_1112 = tpu.memref_slice %arg7[%scan3A_364, %scatter3A_1109, %scatter3A_1110, %scatter3A_1111] : memref<2x8x8x136xf32, #tpu.memory_space<vmem>> -> memref<1x8x8x136xf32, #tpu.memory_space<vmem>>
        %scatter3A_1113 = tpu.memref_squeeze %scatter3A_1112 : memref<1x8x8x136xf32, #tpu.memory_space<vmem>> -> memref<8x8x136xf32, #tpu.memory_space<vmem>>
        tpu.vector_store_idx %scatter3A_1113[%mul3A_7, %mul3A_7, %add3A_1108], %get3A_1024 : memref<8x8x136xf32, #tpu.memory_space<vmem>>[vector<16xi32>, vector<16xi32>, vector<16xi32>], vector<16xf32>,
        %add3A_1114 = arith.addi %mul3A_31, %add3A_1095 : vector<16xi32>
        %scatter3A_1115 = arith.constant 0 : i32
        %scatter3A_1116 = arith.constant 0 : i32
        %scatter3A_1117 = arith.constant 0 : i32
        %scatter3A_1118 = tpu.memref_slice %arg7[%scan3A_364, %scatter3A_1115, %scatter3A_1116, %scatter3A_1117] : memref<2x8x8x136xf32, #tpu.memory_space<vmem>> -> memref<1x8x8x136xf32, #tpu.memory_space<vmem>>
        %scatter3A_1119 = tpu.memref_squeeze %scatter3A_1118 : memref<1x8x8x136xf32, #tpu.memory_space<vmem>> -> memref<8x8x136xf32, #tpu.memory_space<vmem>>
        tpu.vector_store_idx %scatter3A_1119[%mul3A_7, %mul3A_7, %add3A_1114], %get3A_1031 : memref<8x8x136xf32, #tpu.memory_space<vmem>>[vector<16xi32>, vector<16xi32>, vector<16xi32>], vector<16xf32>,
        scf.yield %get3A_1070, %get3A_1077, %get3A_1084, %get3A_1091 : vector<16xf32>, vector<16xf32>, vector<16xf32>, vector<16xf32>
      }
      %scan3A_370 = arith.constant 128 : i32
      %lt3A_371 = arith.constant 101 : i32
      %lt3A_372 = arith.cmpi slt, %add3A_306, %lt3A_371 : i32
      %convert_element_type3A_373 = arith.extui %lt3A_372 : i1 to i32
      %cond3A_374 = arith.constant 0 : i32
      %cond3A_375 = arith.cmpi ne, %convert_element_type3A_373, %cond3A_374 : i32
      scf.if %cond3A_375 {
        %add3A_639 = arith.constant 3 : i32
        %add3A_640 = arith.addi %add3A_306, %add3A_639 : i32
        %jit3A_641 = arith.constant 4 : i32
        %div3A_642 = arith.divsi %add3A_640, %jit3A_641 : i32
        %sign3A_643 = arith.constant 0 : i32
        %sign3A_644 = arith.cmpi sgt, %add3A_640, %sign3A_643 : i32
        %sign3A_645 = arith.extui %sign3A_644 : i1 to i32
        %sign3A_646 = arith.constant 0 : i32
        %sign3A_647 = arith.cmpi slt, %add3A_640, %sign3A_646 : i32
        %sign3A_648 = arith.extui %sign3A_647 : i1 to i32
        %sign3A_649 = arith.subi %sign3A_645, %sign3A_648 : i32
        %sign3A_650 = arith.constant 0 : i32
        %sign3A_651 = arith.cmpi sgt, %jit3A_641, %sign3A_650 : i32
        %sign3A_652 = arith.extui %sign3A_651 : i1 to i32
        %sign3A_653 = arith.constant 0 : i32
        %sign3A_654 = arith.cmpi slt, %jit3A_641, %sign3A_653 : i32
        %sign3A_655 = arith.extui %sign3A_654 : i1 to i32
        %sign3A_656 = arith.subi %sign3A_652, %sign3A_655 : i32
        %ne3A_657 = arith.cmpi ne, %sign3A_649, %sign3A_656 : i32
        %rem3A_658 = arith.remsi %add3A_640, %jit3A_641 : i32
        %ne3A_659 = arith.constant 0 : i32
        %ne3A_660 = arith.cmpi ne, %rem3A_658, %ne3A_659 : i32
        %and3A_661 = arith.andi %ne3A_657, %ne3A_660 : i1
        %sub3A_662 = arith.constant 1 : i32
        %sub3A_663 = arith.subi %div3A_642, %sub3A_662 : i32
        %select_n3A_664 = arith.select %and3A_661, %sub3A_663, %div3A_642 : i32
        %rem3A_665 = arith.constant 4 : i32
        %rem3A_666 = arith.remsi %add3A_640, %rem3A_665 : i32
        %mul3A_667 = arith.constant 128 : i32
        %mul3A_668 = arith.muli %rem3A_666, %mul3A_667 : i32
        %dma_start3A_669 = arith.constant 0 : i32
        %dma_start3A_670 = arith.constant 0 : i32
        %dma_start3A_671 = arith.constant 0 : i32
        %dma_start3A_672 = arith.constant 0 : i32
        %dma_start3A_673 = tpu.memref_slice %arg6[%dma_start3A_669, %dma_start3A_671, %dma_start3A_672] : memref<4x129x64xf32, #tpu.memory_space<vmem>> -> memref<1x128x64xf32, #tpu.memory_space<vmem>>
        %dma_start3A_674 = tpu.memref_squeeze %dma_start3A_673 : memref<1x128x64xf32, #tpu.memory_space<vmem>> -> memref<128x64xf32, #tpu.memory_space<vmem>>
        %dma_start3A_675 = tpu.memref_slice %arg5[%select_n3A_664, %mul3A_668] : memref<26x512xi32, #tpu.memory_space<vmem>> -> memref<1x128xi32, #tpu.memory_space<vmem>>
        %dma_start3A_676 = tpu.memref_squeeze %dma_start3A_675 : memref<1x128xi32, #tpu.memory_space<vmem>> -> memref<128xi32, #tpu.memory_space<vmem>>
        %dma_start3A_677 = arith.constant 0 : i32
        %dma_start3A_678 = arith.constant 0 : i32
        %dma_start3A_679 = tpu.memref_slice %arg2[%dma_start3A_677, %dma_start3A_678] : memref<100000x64xf32, #tpu.memory_space<hbm>> -> memref<100000x64xf32, #tpu.memory_space<hbm>>
        %dma_start3A_680 = tpu.memref_slice %arg8[%dma_start3A_670] : memref<4x!tpu.dma_semaphore, #tpu.memory_space<semaphore_mem>> -> memref<1x!tpu.dma_semaphore, #tpu.memory_space<semaphore_mem>>
        %dma_start3A_681 = tpu.memref_squeeze %dma_start3A_680 : memref<1x!tpu.dma_semaphore, #tpu.memory_space<semaphore_mem>> -> memref<!tpu.dma_semaphore, #tpu.memory_space<semaphore_mem>>
        tpu.enqueue_indirect_dma source(%dma_start3A_679 : memref<100000x64xf32, #tpu.memory_space<hbm>>) target(%dma_start3A_674 : memref<128x64xf32, #tpu.memory_space<vmem>>) offsets(%dma_start3A_676 : memref<128xi32, #tpu.memory_space<vmem>>) semaphore(%dma_start3A_681 : memref<!tpu.dma_semaphore, #tpu.memory_space<semaphore_mem>>)
      } else {
      }
      %add3A_376 = arith.constant 1 : i32
      %add3A_377 = arith.addi %mul3A_4, %add3A_376 : i32
      %dma_start3A_378 = arith.constant 1 : i32
      %dma_start3A_379 = arith.constant 1 : i32
      %dma_start3A_380 = arith.constant 0 : i32
      %dma_start3A_381 = arith.constant 0 : i32
      %dma_start3A_382 = arith.constant 0 : i32
      %dma_start3A_383 = tpu.memref_slice %arg7[%dma_start3A_378, %dma_start3A_380, %dma_start3A_381, %dma_start3A_382] : memref<2x8x8x136xf32, #tpu.memory_space<vmem>> -> memref<1x8x8x128xf32, #tpu.memory_space<vmem>>
      %dma_start3A_384 = tpu.memref_squeeze %dma_start3A_383 : memref<1x8x8x128xf32, #tpu.memory_space<vmem>> -> memref<8x8x128xf32, #tpu.memory_space<vmem>>
      %dma_start3A_385 = arith.constant 0 : i32
      %dma_start3A_386 = arith.constant 0 : i32
      %dma_start3A_387 = arith.constant 0 : i32
      %dma_start3A_388 = tpu.memref_slice %arg4[%scan3A_209, %dma_start3A_385, %add3A_377, %dma_start3A_386, %dma_start3A_387] : memref<26x8x128x8x128xf32, #tpu.memory_space<hbm>> -> memref<1x8x1x8x128xf32, #tpu.memory_space<hbm>>
      %dma_start3A_389 = tpu.memref_squeeze %dma_start3A_388 : memref<1x8x1x8x128xf32, #tpu.memory_space<hbm>> -> memref<8x8x128xf32, #tpu.memory_space<hbm>>
      %dma_start3A_390 = tpu.memref_slice %arg9[%dma_start3A_379] : memref<2x!tpu.dma_semaphore, #tpu.memory_space<semaphore_mem>> -> memref<1x!tpu.dma_semaphore, #tpu.memory_space<semaphore_mem>>
      %dma_start3A_391 = tpu.memref_squeeze %dma_start3A_390 : memref<1x!tpu.dma_semaphore, #tpu.memory_space<semaphore_mem>> -> memref<!tpu.dma_semaphore, #tpu.memory_space<semaphore_mem>>
      %dma_start3A_392 = arith.constant 0 : i32
      %dma_start3A_393 = arith.constant 0 : i32
      %dma_start3A_394 = arith.constant 0 : i32
      %dma_start3A_395 = tpu.memref_slice %arg4[%scan3A_209, %dma_start3A_392, %add3A_377, %dma_start3A_393, %dma_start3A_394] : memref<26x8x128x8x128xf32, #tpu.memory_space<hbm>> -> memref<1x8x1x8x128xf32, #tpu.memory_space<hbm>>
      %dma_start3A_396 = tpu.memref_squeeze %dma_start3A_395 : memref<1x8x1x8x128xf32, #tpu.memory_space<hbm>> -> memref<8x8x128xf32, #tpu.memory_space<hbm>>
      %dma_start3A_397 = arith.constant 0 : i32
      %dma_start3A_398 = arith.constant 0 : i32
      %dma_start3A_399 = arith.constant 0 : i32
      %dma_start3A_400 = tpu.memref_slice %arg7[%dma_start3A_378, %dma_start3A_397, %dma_start3A_398, %dma_start3A_399] : memref<2x8x8x136xf32, #tpu.memory_space<vmem>> -> memref<1x8x8x128xf32, #tpu.memory_space<vmem>>
      %dma_start3A_401 = tpu.memref_squeeze %dma_start3A_400 : memref<1x8x8x128xf32, #tpu.memory_space<vmem>> -> memref<8x8x128xf32, #tpu.memory_space<vmem>>
      tpu.enqueue_dma source(%dma_start3A_401 : memref<8x8x128xf32, #tpu.memory_space<vmem>>) target(%dma_start3A_396 : memref<8x8x128xf32, #tpu.memory_space<hbm>>) target_semaphore(%dma_start3A_391 : memref<!tpu.dma_semaphore, #tpu.memory_space<semaphore_mem>>)
      %add3A_402 = arith.constant 2 : i32
      %add3A_403 = arith.addi %mul3A_212, %add3A_402 : i32
      %dma_wait3A_404 = arith.constant 0 : i32
      %dma_wait3A_405 = arith.constant 2 : i32
      %dma_wait3A_406 = arith.constant 2 : i32
      %dma_wait3A_407 = arith.constant 0 : i32
      %dma_wait3A_408 = arith.constant 0 : i32
      %dma_wait3A_409 = tpu.memref_slice %arg6[%dma_wait3A_405, %dma_wait3A_407, %dma_wait3A_408] : memref<4x129x64xf32, #tpu.memory_space<vmem>> -> memref<1x128x64xf32, #tpu.memory_space<vmem>>
      %dma_wait3A_410 = tpu.memref_squeeze %dma_wait3A_409 : memref<1x128x64xf32, #tpu.memory_space<vmem>> -> memref<128x64xf32, #tpu.memory_space<vmem>>
      %dma_wait3A_411 = arith.constant 0 : i32
      %dma_wait3A_412 = tpu.memref_slice %arg5[%dma_wait3A_404, %dma_wait3A_411] : memref<26x512xi32, #tpu.memory_space<vmem>> -> memref<1x128xi32, #tpu.memory_space<vmem>>
      %dma_wait3A_413 = tpu.memref_squeeze %dma_wait3A_412 : memref<1x128xi32, #tpu.memory_space<vmem>> -> memref<128xi32, #tpu.memory_space<vmem>>
      %dma_wait3A_414 = arith.constant 0 : i32
      %dma_wait3A_415 = arith.constant 0 : i32
      %dma_wait3A_416 = tpu.memref_slice %arg2[%dma_wait3A_414, %dma_wait3A_415] : memref<100000x64xf32, #tpu.memory_space<hbm>> -> memref<100000x64xf32, #tpu.memory_space<hbm>>
      %dma_wait3A_417 = tpu.memref_slice %arg8[%dma_wait3A_406] : memref<4x!tpu.dma_semaphore, #tpu.memory_space<semaphore_mem>> -> memref<1x!tpu.dma_semaphore, #tpu.memory_space<semaphore_mem>>
      %dma_wait3A_418 = tpu.memref_squeeze %dma_wait3A_417 : memref<1x!tpu.dma_semaphore, #tpu.memory_space<semaphore_mem>> -> memref<!tpu.dma_semaphore, #tpu.memory_space<semaphore_mem>>
      tpu.wait_indirect_dma semaphore(%dma_wait3A_418 : memref<!tpu.dma_semaphore, #tpu.memory_space<semaphore_mem>>) src(%dma_wait3A_416 : memref<100000x64xf32, #tpu.memory_space<hbm>>) dst(%dma_wait3A_410 : memref<128x64xf32, #tpu.memory_space<vmem>>)
      %dma_wait3A_419 = arith.constant 0 : i32
      %dma_wait3A_420 = arith.constant 0 : i32
      %dma_wait3A_421 = arith.constant 0 : i32
      %dma_wait3A_422 = arith.constant 0 : i32
      %dma_wait3A_423 = arith.constant 0 : i32
      %dma_wait3A_424 = arith.constant 0 : i32
      %dma_wait3A_425 = arith.constant 0 : i32
      %dma_wait3A_426 = tpu.memref_slice %arg7[%dma_wait3A_419, %dma_wait3A_423, %dma_wait3A_424, %dma_wait3A_425] : memref<2x8x8x136xf32, #tpu.memory_space<vmem>> -> memref<1x8x8x128xf32, #tpu.memory_space<vmem>>
      %dma_wait3A_427 = tpu.memref_squeeze %dma_wait3A_426 : memref<1x8x8x128xf32, #tpu.memory_space<vmem>> -> memref<8x8x128xf32, #tpu.memory_space<vmem>>
      %dma_wait3A_428 = arith.constant 0 : i32
      %dma_wait3A_429 = arith.constant 0 : i32
      %dma_wait3A_430 = arith.constant 0 : i32
      %dma_wait3A_431 = tpu.memref_slice %arg4[%dma_wait3A_420, %dma_wait3A_428, %dma_wait3A_421, %dma_wait3A_429, %dma_wait3A_430] : memref<26x8x128x8x128xf32, #tpu.memory_space<hbm>> -> memref<1x8x1x8x128xf32, #tpu.memory_space<hbm>>
      %dma_wait3A_432 = tpu.memref_squeeze %dma_wait3A_431 : memref<1x8x1x8x128xf32, #tpu.memory_space<hbm>> -> memref<8x8x128xf32, #tpu.memory_space<hbm>>
      %dma_wait3A_433 = tpu.memref_slice %arg9[%dma_wait3A_422] : memref<2x!tpu.dma_semaphore, #tpu.memory_space<semaphore_mem>> -> memref<1x!tpu.dma_semaphore, #tpu.memory_space<semaphore_mem>>
      %dma_wait3A_434 = tpu.memref_squeeze %dma_wait3A_433 : memref<1x!tpu.dma_semaphore, #tpu.memory_space<semaphore_mem>> -> memref<!tpu.dma_semaphore, #tpu.memory_space<semaphore_mem>>
      %dma_wait3A_435 = arith.constant 0 : i32
      %dma_wait3A_436 = arith.constant 0 : i32
      %dma_wait3A_437 = arith.constant 0 : i32
      %dma_wait3A_438 = tpu.memref_slice %arg4[%dma_wait3A_420, %dma_wait3A_435, %dma_wait3A_421, %dma_wait3A_436, %dma_wait3A_437] : memref<26x8x128x8x128xf32, #tpu.memory_space<hbm>> -> memref<1x8x1x8x128xf32, #tpu.memory_space<hbm>>
      %dma_wait3A_439 = tpu.memref_squeeze %dma_wait3A_438 : memref<1x8x1x8x128xf32, #tpu.memory_space<hbm>> -> memref<8x8x128xf32, #tpu.memory_space<hbm>>
      %dma_wait3A_440 = arith.constant 0 : i32
      %dma_wait3A_441 = arith.constant 0 : i32
      %dma_wait3A_442 = arith.constant 0 : i32
      %dma_wait3A_443 = tpu.memref_slice %arg7[%dma_wait3A_419, %dma_wait3A_440, %dma_wait3A_441, %dma_wait3A_442] : memref<2x8x8x136xf32, #tpu.memory_space<vmem>> -> memref<1x8x8x128xf32, #tpu.memory_space<vmem>>
      %dma_wait3A_444 = tpu.memref_squeeze %dma_wait3A_443 : memref<1x8x8x128xf32, #tpu.memory_space<vmem>> -> memref<8x8x128xf32, #tpu.memory_space<vmem>>
      tpu.wait_dma2 semaphore(%dma_wait3A_434 : memref<!tpu.dma_semaphore, #tpu.memory_space<semaphore_mem>>) src(%dma_wait3A_444 : memref<8x8x128xf32, #tpu.memory_space<vmem>>) dst(%dma_wait3A_439 : memref<8x8x128xf32, #tpu.memory_space<hbm>>)
      %get3A_445 = arith.constant 2 : i32
      %get3A_446 = arith.constant 0 : i32
      %get3A_447 = arith.constant 0 : i32
      %get3A_448 = arith.constant 0 : i32
      %get3A_449 = tpu.memref_slice %arg6[%get3A_445, %get3A_447, %get3A_448] : memref<4x129x64xf32, #tpu.memory_space<vmem>> -> memref<1x129x64xf32, #tpu.memory_space<vmem>>
      %get3A_450 = tpu.memref_squeeze %get3A_449 : memref<1x129x64xf32, #tpu.memory_space<vmem>> -> memref<129x64xf32, #tpu.memory_space<vmem>>
      %get3A_451 = arith.index_cast %get3A_446 : i32 to index
      %get3A_452 = arith.constant 0 : index
      %get3A_453 = tpu.vector_load %get3A_450[%get3A_451, %get3A_452] {strides = array<i32>} : memref<129x64xf32, #tpu.memory_space<vmem>>, vector<16xf32>,
      %get3A_454 = arith.constant 2 : i32
      %get3A_455 = arith.constant 0 : i32
      %get3A_456 = arith.constant 0 : i32
      %get3A_457 = arith.constant 0 : i32
      %get3A_458 = tpu.memref_slice %arg6[%get3A_454, %get3A_456, %get3A_457] : memref<4x129x64xf32, #tpu.memory_space<vmem>> -> memref<1x129x64xf32, #tpu.memory_space<vmem>>
      %get3A_459 = tpu.memref_squeeze %get3A_458 : memref<1x129x64xf32, #tpu.memory_space<vmem>> -> memref<129x64xf32, #tpu.memory_space<vmem>>
      %get3A_460 = arith.index_cast %get3A_455 : i32 to index
      %get3A_461 = arith.constant 16 : index
      %get3A_462 = tpu.vector_load %get3A_459[%get3A_460, %get3A_461] {strides = array<i32>} : memref<129x64xf32, #tpu.memory_space<vmem>>, vector<16xf32>,
      %get3A_463 = arith.constant 2 : i32
      %get3A_464 = arith.constant 0 : i32
      %get3A_465 = arith.constant 0 : i32
      %get3A_466 = arith.constant 0 : i32
      %get3A_467 = tpu.memref_slice %arg6[%get3A_463, %get3A_465, %get3A_466] : memref<4x129x64xf32, #tpu.memory_space<vmem>> -> memref<1x129x64xf32, #tpu.memory_space<vmem>>
      %get3A_468 = tpu.memref_squeeze %get3A_467 : memref<1x129x64xf32, #tpu.memory_space<vmem>> -> memref<129x64xf32, #tpu.memory_space<vmem>>
      %get3A_469 = arith.index_cast %get3A_464 : i32 to index
      %get3A_470 = arith.constant 32 : index
      %get3A_471 = tpu.vector_load %get3A_468[%get3A_469, %get3A_470] {strides = array<i32>} : memref<129x64xf32, #tpu.memory_space<vmem>>, vector<16xf32>,
      %get3A_472 = arith.constant 2 : i32
      %get3A_473 = arith.constant 0 : i32
      %get3A_474 = arith.constant 0 : i32
      %get3A_475 = arith.constant 0 : i32
      %get3A_476 = tpu.memref_slice %arg6[%get3A_472, %get3A_474, %get3A_475] : memref<4x129x64xf32, #tpu.memory_space<vmem>> -> memref<1x129x64xf32, #tpu.memory_space<vmem>>
      %get3A_477 = tpu.memref_squeeze %get3A_476 : memref<1x129x64xf32, #tpu.memory_space<vmem>> -> memref<129x64xf32, #tpu.memory_space<vmem>>
      %get3A_478 = arith.index_cast %get3A_473 : i32 to index
      %get3A_479 = arith.constant 48 : index
      %get3A_480 = tpu.vector_load %get3A_477[%get3A_478, %get3A_479] {strides = array<i32>} : memref<129x64xf32, #tpu.memory_space<vmem>>, vector<16xf32>,
      %scan3A_481 = arith.constant 2 : i32
      %scan3A_482 = arith.constant 0 : i32
      %scan3A_483 = arith.constant 0 : i32
      %scan3A_484 = arith.constant 128 : i32
      %scan3A_485 = arith.addi %scan3A_483, %scan3A_484 : i32
      %scan3A_486 = arith.constant 8 : i32
      %scan3A_487:4 = scf.for %scan3A_639 = %scan3A_483 to %scan3A_485 step %scan3A_486 iter_args(%scan3A_640 = %get3A_453, %scan3A_641 = %get3A_462, %scan3A_642 = %get3A_471, %scan3A_643 = %get3A_480) -> (vector<16xf32>, vector<16xf32>, vector<16xf32>, vector<16xf32>)  : i32 {
        %add3A_644 = arith.constant 1 : i32
        %add3A_645 = arith.addi %scan3A_639, %add3A_644 : i32
        %get3A_646 = arith.constant 0 : i32
        %get3A_647 = arith.constant 0 : i32
        %get3A_648 = tpu.memref_slice %arg6[%scan3A_481, %get3A_646, %get3A_647] : memref<4x129x64xf32, #tpu.memory_space<vmem>> -> memref<1x129x64xf32, #tpu.memory_space<vmem>>
        %get3A_649 = tpu.memref_squeeze %get3A_648 : memref<1x129x64xf32, #tpu.memory_space<vmem>> -> memref<129x64xf32, #tpu.memory_space<vmem>>
        %get3A_650 = arith.index_cast %add3A_645 : i32 to index
        %get3A_651 = arith.constant 0 : index
        %get3A_652 = tpu.vector_load %get3A_649[%get3A_650, %get3A_651] {strides = array<i32>} : memref<129x64xf32, #tpu.memory_space<vmem>>, vector<16xf32>,
        %get3A_653 = arith.constant 0 : i32
        %get3A_654 = arith.constant 0 : i32
        %get3A_655 = tpu.memref_slice %arg6[%scan3A_481, %get3A_653, %get3A_654] : memref<4x129x64xf32, #tpu.memory_space<vmem>> -> memref<1x129x64xf32, #tpu.memory_space<vmem>>
        %get3A_656 = tpu.memref_squeeze %get3A_655 : memref<1x129x64xf32, #tpu.memory_space<vmem>> -> memref<129x64xf32, #tpu.memory_space<vmem>>
        %get3A_657 = arith.index_cast %add3A_645 : i32 to index
        %get3A_658 = arith.constant 16 : index
        %get3A_659 = tpu.vector_load %get3A_656[%get3A_657, %get3A_658] {strides = array<i32>} : memref<129x64xf32, #tpu.memory_space<vmem>>, vector<16xf32>,
        %get3A_660 = arith.constant 0 : i32
        %get3A_661 = arith.constant 0 : i32
        %get3A_662 = tpu.memref_slice %arg6[%scan3A_481, %get3A_660, %get3A_661] : memref<4x129x64xf32, #tpu.memory_space<vmem>> -> memref<1x129x64xf32, #tpu.memory_space<vmem>>
        %get3A_663 = tpu.memref_squeeze %get3A_662 : memref<1x129x64xf32, #tpu.memory_space<vmem>> -> memref<129x64xf32, #tpu.memory_space<vmem>>
        %get3A_664 = arith.index_cast %add3A_645 : i32 to index
        %get3A_665 = arith.constant 32 : index
        %get3A_666 = tpu.vector_load %get3A_663[%get3A_664, %get3A_665] {strides = array<i32>} : memref<129x64xf32, #tpu.memory_space<vmem>>, vector<16xf32>,
        %get3A_667 = arith.constant 0 : i32
        %get3A_668 = arith.constant 0 : i32
        %get3A_669 = tpu.memref_slice %arg6[%scan3A_481, %get3A_667, %get3A_668] : memref<4x129x64xf32, #tpu.memory_space<vmem>> -> memref<1x129x64xf32, #tpu.memory_space<vmem>>
        %get3A_670 = tpu.memref_squeeze %get3A_669 : memref<1x129x64xf32, #tpu.memory_space<vmem>> -> memref<129x64xf32, #tpu.memory_space<vmem>>
        %get3A_671 = arith.index_cast %add3A_645 : i32 to index
        %get3A_672 = arith.constant 48 : index
        %get3A_673 = tpu.vector_load %get3A_670[%get3A_671, %get3A_672] {strides = array<i32>} : memref<129x64xf32, #tpu.memory_space<vmem>>, vector<16xf32>,
        %broadcast_in_dim3A = arith.constant 0 : i32
        %broadcast_in_dim3A_674 = vector.broadcast %broadcast_in_dim3A : i32 to vector<16xi32>
        %add3A_675 = vector.broadcast %scan3A_639 : i32 to vector<16xi32>
        %add3A_676 = arith.addi %broadcast_in_dim3A_674, %add3A_675 : vector<16xi32>
        %add3A_677 = arith.addi %mul3A_13, %add3A_676 : vector<16xi32>
        %scatter3A = arith.constant 0 : i32
        %scatter3A_678 = arith.constant 0 : i32
        %scatter3A_679 = arith.constant 0 : i32
        %scatter3A_680 = tpu.memref_slice %arg7[%scan3A_482, %scatter3A, %scatter3A_678, %scatter3A_679] : memref<2x8x8x136xf32, #tpu.memory_space<vmem>> -> memref<1x8x8x136xf32, #tpu.memory_space<vmem>>
        %scatter3A_681 = tpu.memref_squeeze %scatter3A_680 : memref<1x8x8x136xf32, #tpu.memory_space<vmem>> -> memref<8x8x136xf32, #tpu.memory_space<vmem>>
        tpu.vector_store_idx %scatter3A_681[%mul3A_7, %mul3A_7, %add3A_677], %scan3A_640 : memref<8x8x136xf32, #tpu.memory_space<vmem>>[vector<16xi32>, vector<16xi32>, vector<16xi32>], vector<16xf32>,
        %add3A_682 = arith.addi %mul3A_19, %add3A_676 : vector<16xi32>
        %scatter3A_683 = arith.constant 0 : i32
        %scatter3A_684 = arith.constant 0 : i32
        %scatter3A_685 = arith.constant 0 : i32
        %scatter3A_686 = tpu.memref_slice %arg7[%scan3A_482, %scatter3A_683, %scatter3A_684, %scatter3A_685] : memref<2x8x8x136xf32, #tpu.memory_space<vmem>> -> memref<1x8x8x136xf32, #tpu.memory_space<vmem>>
        %scatter3A_687 = tpu.memref_squeeze %scatter3A_686 : memref<1x8x8x136xf32, #tpu.memory_space<vmem>> -> memref<8x8x136xf32, #tpu.memory_space<vmem>>
        tpu.vector_store_idx %scatter3A_687[%mul3A_7, %mul3A_7, %add3A_682], %scan3A_641 : memref<8x8x136xf32, #tpu.memory_space<vmem>>[vector<16xi32>, vector<16xi32>, vector<16xi32>], vector<16xf32>,
        %add3A_688 = arith.addi %mul3A_25, %add3A_676 : vector<16xi32>
        %scatter3A_689 = arith.constant 0 : i32
        %scatter3A_690 = arith.constant 0 : i32
        %scatter3A_691 = arith.constant 0 : i32
        %scatter3A_692 = tpu.memref_slice %arg7[%scan3A_482, %scatter3A_689, %scatter3A_690, %scatter3A_691] : memref<2x8x8x136xf32, #tpu.memory_space<vmem>> -> memref<1x8x8x136xf32, #tpu.memory_space<vmem>>
        %scatter3A_693 = tpu.memref_squeeze %scatter3A_692 : memref<1x8x8x136xf32, #tpu.memory_space<vmem>> -> memref<8x8x136xf32, #tpu.memory_space<vmem>>
        tpu.vector_store_idx %scatter3A_693[%mul3A_7, %mul3A_7, %add3A_688], %scan3A_642 : memref<8x8x136xf32, #tpu.memory_space<vmem>>[vector<16xi32>, vector<16xi32>, vector<16xi32>], vector<16xf32>,
        %add3A_694 = arith.addi %mul3A_31, %add3A_676 : vector<16xi32>
        %scatter3A_695 = arith.constant 0 : i32
        %scatter3A_696 = arith.constant 0 : i32
        %scatter3A_697 = arith.constant 0 : i32
        %scatter3A_698 = tpu.memref_slice %arg7[%scan3A_482, %scatter3A_695, %scatter3A_696, %scatter3A_697] : memref<2x8x8x136xf32, #tpu.memory_space<vmem>> -> memref<1x8x8x136xf32, #tpu.memory_space<vmem>>
        %scatter3A_699 = tpu.memref_squeeze %scatter3A_698 : memref<1x8x8x136xf32, #tpu.memory_space<vmem>> -> memref<8x8x136xf32, #tpu.memory_space<vmem>>
        tpu.vector_store_idx %scatter3A_699[%mul3A_7, %mul3A_7, %add3A_694], %scan3A_643 : memref<8x8x136xf32, #tpu.memory_space<vmem>>[vector<16xi32>, vector<16xi32>, vector<16xi32>], vector<16xf32>,
        %scan3A_700 = arith.constant 1 : i32
        %scan3A_701 = arith.addi %scan3A_639, %scan3A_700 : i32
        %add3A_702 = arith.constant 1 : i32
        %add3A_703 = arith.addi %scan3A_701, %add3A_702 : i32
        %get3A_704 = arith.constant 0 : i32
        %get3A_705 = arith.constant 0 : i32
        %get3A_706 = tpu.memref_slice %arg6[%scan3A_481, %get3A_704, %get3A_705] : memref<4x129x64xf32, #tpu.memory_space<vmem>> -> memref<1x129x64xf32, #tpu.memory_space<vmem>>
        %get3A_707 = tpu.memref_squeeze %get3A_706 : memref<1x129x64xf32, #tpu.memory_space<vmem>> -> memref<129x64xf32, #tpu.memory_space<vmem>>
        %get3A_708 = arith.index_cast %add3A_703 : i32 to index
        %get3A_709 = arith.constant 0 : index
        %get3A_710 = tpu.vector_load %get3A_707[%get3A_708, %get3A_709] {strides = array<i32>} : memref<129x64xf32, #tpu.memory_space<vmem>>, vector<16xf32>,
        %get3A_711 = arith.constant 0 : i32
        %get3A_712 = arith.constant 0 : i32
        %get3A_713 = tpu.memref_slice %arg6[%scan3A_481, %get3A_711, %get3A_712] : memref<4x129x64xf32, #tpu.memory_space<vmem>> -> memref<1x129x64xf32, #tpu.memory_space<vmem>>
        %get3A_714 = tpu.memref_squeeze %get3A_713 : memref<1x129x64xf32, #tpu.memory_space<vmem>> -> memref<129x64xf32, #tpu.memory_space<vmem>>
        %get3A_715 = arith.index_cast %add3A_703 : i32 to index
        %get3A_716 = arith.constant 16 : index
        %get3A_717 = tpu.vector_load %get3A_714[%get3A_715, %get3A_716] {strides = array<i32>} : memref<129x64xf32, #tpu.memory_space<vmem>>, vector<16xf32>,
        %get3A_718 = arith.constant 0 : i32
        %get3A_719 = arith.constant 0 : i32
        %get3A_720 = tpu.memref_slice %arg6[%scan3A_481, %get3A_718, %get3A_719] : memref<4x129x64xf32, #tpu.memory_space<vmem>> -> memref<1x129x64xf32, #tpu.memory_space<vmem>>
        %get3A_721 = tpu.memref_squeeze %get3A_720 : memref<1x129x64xf32, #tpu.memory_space<vmem>> -> memref<129x64xf32, #tpu.memory_space<vmem>>
        %get3A_722 = arith.index_cast %add3A_703 : i32 to index
        %get3A_723 = arith.constant 32 : index
        %get3A_724 = tpu.vector_load %get3A_721[%get3A_722, %get3A_723] {strides = array<i32>} : memref<129x64xf32, #tpu.memory_space<vmem>>, vector<16xf32>,
        %get3A_725 = arith.constant 0 : i32
        %get3A_726 = arith.constant 0 : i32
        %get3A_727 = tpu.memref_slice %arg6[%scan3A_481, %get3A_725, %get3A_726] : memref<4x129x64xf32, #tpu.memory_space<vmem>> -> memref<1x129x64xf32, #tpu.memory_space<vmem>>
        %get3A_728 = tpu.memref_squeeze %get3A_727 : memref<1x129x64xf32, #tpu.memory_space<vmem>> -> memref<129x64xf32, #tpu.memory_space<vmem>>
        %get3A_729 = arith.index_cast %add3A_703 : i32 to index
        %get3A_730 = arith.constant 48 : index
        %get3A_731 = tpu.vector_load %get3A_728[%get3A_729, %get3A_730] {strides = array<i32>} : memref<129x64xf32, #tpu.memory_space<vmem>>, vector<16xf32>,
        %broadcast_in_dim3A_732 = arith.constant 0 : i32
        %broadcast_in_dim3A_733 = vector.broadcast %broadcast_in_dim3A_732 : i32 to vector<16xi32>
        %add3A_734 = vector.broadcast %scan3A_701 : i32 to vector<16xi32>
        %add3A_735 = arith.addi %broadcast_in_dim3A_733, %add3A_734 : vector<16xi32>
        %add3A_736 = arith.addi %mul3A_13, %add3A_735 : vector<16xi32>
        %scatter3A_737 = arith.constant 0 : i32
        %scatter3A_738 = arith.constant 0 : i32
        %scatter3A_739 = arith.constant 0 : i32
        %scatter3A_740 = tpu.memref_slice %arg7[%scan3A_482, %scatter3A_737, %scatter3A_738, %scatter3A_739] : memref<2x8x8x136xf32, #tpu.memory_space<vmem>> -> memref<1x8x8x136xf32, #tpu.memory_space<vmem>>
        %scatter3A_741 = tpu.memref_squeeze %scatter3A_740 : memref<1x8x8x136xf32, #tpu.memory_space<vmem>> -> memref<8x8x136xf32, #tpu.memory_space<vmem>>
        tpu.vector_store_idx %scatter3A_741[%mul3A_7, %mul3A_7, %add3A_736], %get3A_652 : memref<8x8x136xf32, #tpu.memory_space<vmem>>[vector<16xi32>, vector<16xi32>, vector<16xi32>], vector<16xf32>,
        %add3A_742 = arith.addi %mul3A_19, %add3A_735 : vector<16xi32>
        %scatter3A_743 = arith.constant 0 : i32
        %scatter3A_744 = arith.constant 0 : i32
        %scatter3A_745 = arith.constant 0 : i32
        %scatter3A_746 = tpu.memref_slice %arg7[%scan3A_482, %scatter3A_743, %scatter3A_744, %scatter3A_745] : memref<2x8x8x136xf32, #tpu.memory_space<vmem>> -> memref<1x8x8x136xf32, #tpu.memory_space<vmem>>
        %scatter3A_747 = tpu.memref_squeeze %scatter3A_746 : memref<1x8x8x136xf32, #tpu.memory_space<vmem>> -> memref<8x8x136xf32, #tpu.memory_space<vmem>>
        tpu.vector_store_idx %scatter3A_747[%mul3A_7, %mul3A_7, %add3A_742], %get3A_659 : memref<8x8x136xf32, #tpu.memory_space<vmem>>[vector<16xi32>, vector<16xi32>, vector<16xi32>], vector<16xf32>,
        %add3A_748 = arith.addi %mul3A_25, %add3A_735 : vector<16xi32>
        %scatter3A_749 = arith.constant 0 : i32
        %scatter3A_750 = arith.constant 0 : i32
        %scatter3A_751 = arith.constant 0 : i32
        %scatter3A_752 = tpu.memref_slice %arg7[%scan3A_482, %scatter3A_749, %scatter3A_750, %scatter3A_751] : memref<2x8x8x136xf32, #tpu.memory_space<vmem>> -> memref<1x8x8x136xf32, #tpu.memory_space<vmem>>
        %scatter3A_753 = tpu.memref_squeeze %scatter3A_752 : memref<1x8x8x136xf32, #tpu.memory_space<vmem>> -> memref<8x8x136xf32, #tpu.memory_space<vmem>>
        tpu.vector_store_idx %scatter3A_753[%mul3A_7, %mul3A_7, %add3A_748], %get3A_666 : memref<8x8x136xf32, #tpu.memory_space<vmem>>[vector<16xi32>, vector<16xi32>, vector<16xi32>], vector<16xf32>,
        %add3A_754 = arith.addi %mul3A_31, %add3A_735 : vector<16xi32>
        %scatter3A_755 = arith.constant 0 : i32
        %scatter3A_756 = arith.constant 0 : i32
        %scatter3A_757 = arith.constant 0 : i32
        %scatter3A_758 = tpu.memref_slice %arg7[%scan3A_482, %scatter3A_755, %scatter3A_756, %scatter3A_757] : memref<2x8x8x136xf32, #tpu.memory_space<vmem>> -> memref<1x8x8x136xf32, #tpu.memory_space<vmem>>
        %scatter3A_759 = tpu.memref_squeeze %scatter3A_758 : memref<1x8x8x136xf32, #tpu.memory_space<vmem>> -> memref<8x8x136xf32, #tpu.memory_space<vmem>>
        tpu.vector_store_idx %scatter3A_759[%mul3A_7, %mul3A_7, %add3A_754], %get3A_673 : memref<8x8x136xf32, #tpu.memory_space<vmem>>[vector<16xi32>, vector<16xi32>, vector<16xi32>], vector<16xf32>,
        %scan3A_760 = arith.constant 2 : i32
        %scan3A_761 = arith.addi %scan3A_639, %scan3A_760 : i32
        %add3A_762 = arith.constant 1 : i32
        %add3A_763 = arith.addi %scan3A_761, %add3A_762 : i32
        %get3A_764 = arith.constant 0 : i32
        %get3A_765 = arith.constant 0 : i32
        %get3A_766 = tpu.memref_slice %arg6[%scan3A_481, %get3A_764, %get3A_765] : memref<4x129x64xf32, #tpu.memory_space<vmem>> -> memref<1x129x64xf32, #tpu.memory_space<vmem>>
        %get3A_767 = tpu.memref_squeeze %get3A_766 : memref<1x129x64xf32, #tpu.memory_space<vmem>> -> memref<129x64xf32, #tpu.memory_space<vmem>>
        %get3A_768 = arith.index_cast %add3A_763 : i32 to index
        %get3A_769 = arith.constant 0 : index
        %get3A_770 = tpu.vector_load %get3A_767[%get3A_768, %get3A_769] {strides = array<i32>} : memref<129x64xf32, #tpu.memory_space<vmem>>, vector<16xf32>,
        %get3A_771 = arith.constant 0 : i32
        %get3A_772 = arith.constant 0 : i32
        %get3A_773 = tpu.memref_slice %arg6[%scan3A_481, %get3A_771, %get3A_772] : memref<4x129x64xf32, #tpu.memory_space<vmem>> -> memref<1x129x64xf32, #tpu.memory_space<vmem>>
        %get3A_774 = tpu.memref_squeeze %get3A_773 : memref<1x129x64xf32, #tpu.memory_space<vmem>> -> memref<129x64xf32, #tpu.memory_space<vmem>>
        %get3A_775 = arith.index_cast %add3A_763 : i32 to index
        %get3A_776 = arith.constant 16 : index
        %get3A_777 = tpu.vector_load %get3A_774[%get3A_775, %get3A_776] {strides = array<i32>} : memref<129x64xf32, #tpu.memory_space<vmem>>, vector<16xf32>,
        %get3A_778 = arith.constant 0 : i32
        %get3A_779 = arith.constant 0 : i32
        %get3A_780 = tpu.memref_slice %arg6[%scan3A_481, %get3A_778, %get3A_779] : memref<4x129x64xf32, #tpu.memory_space<vmem>> -> memref<1x129x64xf32, #tpu.memory_space<vmem>>
        %get3A_781 = tpu.memref_squeeze %get3A_780 : memref<1x129x64xf32, #tpu.memory_space<vmem>> -> memref<129x64xf32, #tpu.memory_space<vmem>>
        %get3A_782 = arith.index_cast %add3A_763 : i32 to index
        %get3A_783 = arith.constant 32 : index
        %get3A_784 = tpu.vector_load %get3A_781[%get3A_782, %get3A_783] {strides = array<i32>} : memref<129x64xf32, #tpu.memory_space<vmem>>, vector<16xf32>,
        %get3A_785 = arith.constant 0 : i32
        %get3A_786 = arith.constant 0 : i32
        %get3A_787 = tpu.memref_slice %arg6[%scan3A_481, %get3A_785, %get3A_786] : memref<4x129x64xf32, #tpu.memory_space<vmem>> -> memref<1x129x64xf32, #tpu.memory_space<vmem>>
        %get3A_788 = tpu.memref_squeeze %get3A_787 : memref<1x129x64xf32, #tpu.memory_space<vmem>> -> memref<129x64xf32, #tpu.memory_space<vmem>>
        %get3A_789 = arith.index_cast %add3A_763 : i32 to index
        %get3A_790 = arith.constant 48 : index
        %get3A_791 = tpu.vector_load %get3A_788[%get3A_789, %get3A_790] {strides = array<i32>} : memref<129x64xf32, #tpu.memory_space<vmem>>, vector<16xf32>,
        %broadcast_in_dim3A_792 = arith.constant 0 : i32
        %broadcast_in_dim3A_793 = vector.broadcast %broadcast_in_dim3A_792 : i32 to vector<16xi32>
        %add3A_794 = vector.broadcast %scan3A_761 : i32 to vector<16xi32>
        %add3A_795 = arith.addi %broadcast_in_dim3A_793, %add3A_794 : vector<16xi32>
        %add3A_796 = arith.addi %mul3A_13, %add3A_795 : vector<16xi32>
        %scatter3A_797 = arith.constant 0 : i32
        %scatter3A_798 = arith.constant 0 : i32
        %scatter3A_799 = arith.constant 0 : i32
        %scatter3A_800 = tpu.memref_slice %arg7[%scan3A_482, %scatter3A_797, %scatter3A_798, %scatter3A_799] : memref<2x8x8x136xf32, #tpu.memory_space<vmem>> -> memref<1x8x8x136xf32, #tpu.memory_space<vmem>>
        %scatter3A_801 = tpu.memref_squeeze %scatter3A_800 : memref<1x8x8x136xf32, #tpu.memory_space<vmem>> -> memref<8x8x136xf32, #tpu.memory_space<vmem>>
        tpu.vector_store_idx %scatter3A_801[%mul3A_7, %mul3A_7, %add3A_796], %get3A_710 : memref<8x8x136xf32, #tpu.memory_space<vmem>>[vector<16xi32>, vector<16xi32>, vector<16xi32>], vector<16xf32>,
        %add3A_802 = arith.addi %mul3A_19, %add3A_795 : vector<16xi32>
        %scatter3A_803 = arith.constant 0 : i32
        %scatter3A_804 = arith.constant 0 : i32
        %scatter3A_805 = arith.constant 0 : i32
        %scatter3A_806 = tpu.memref_slice %arg7[%scan3A_482, %scatter3A_803, %scatter3A_804, %scatter3A_805] : memref<2x8x8x136xf32, #tpu.memory_space<vmem>> -> memref<1x8x8x136xf32, #tpu.memory_space<vmem>>
        %scatter3A_807 = tpu.memref_squeeze %scatter3A_806 : memref<1x8x8x136xf32, #tpu.memory_space<vmem>> -> memref<8x8x136xf32, #tpu.memory_space<vmem>>
        tpu.vector_store_idx %scatter3A_807[%mul3A_7, %mul3A_7, %add3A_802], %get3A_717 : memref<8x8x136xf32, #tpu.memory_space<vmem>>[vector<16xi32>, vector<16xi32>, vector<16xi32>], vector<16xf32>,
        %add3A_808 = arith.addi %mul3A_25, %add3A_795 : vector<16xi32>
        %scatter3A_809 = arith.constant 0 : i32
        %scatter3A_810 = arith.constant 0 : i32
        %scatter3A_811 = arith.constant 0 : i32
        %scatter3A_812 = tpu.memref_slice %arg7[%scan3A_482, %scatter3A_809, %scatter3A_810, %scatter3A_811] : memref<2x8x8x136xf32, #tpu.memory_space<vmem>> -> memref<1x8x8x136xf32, #tpu.memory_space<vmem>>
        %scatter3A_813 = tpu.memref_squeeze %scatter3A_812 : memref<1x8x8x136xf32, #tpu.memory_space<vmem>> -> memref<8x8x136xf32, #tpu.memory_space<vmem>>
        tpu.vector_store_idx %scatter3A_813[%mul3A_7, %mul3A_7, %add3A_808], %get3A_724 : memref<8x8x136xf32, #tpu.memory_space<vmem>>[vector<16xi32>, vector<16xi32>, vector<16xi32>], vector<16xf32>,
        %add3A_814 = arith.addi %mul3A_31, %add3A_795 : vector<16xi32>
        %scatter3A_815 = arith.constant 0 : i32
        %scatter3A_816 = arith.constant 0 : i32
        %scatter3A_817 = arith.constant 0 : i32
        %scatter3A_818 = tpu.memref_slice %arg7[%scan3A_482, %scatter3A_815, %scatter3A_816, %scatter3A_817] : memref<2x8x8x136xf32, #tpu.memory_space<vmem>> -> memref<1x8x8x136xf32, #tpu.memory_space<vmem>>
        %scatter3A_819 = tpu.memref_squeeze %scatter3A_818 : memref<1x8x8x136xf32, #tpu.memory_space<vmem>> -> memref<8x8x136xf32, #tpu.memory_space<vmem>>
        tpu.vector_store_idx %scatter3A_819[%mul3A_7, %mul3A_7, %add3A_814], %get3A_731 : memref<8x8x136xf32, #tpu.memory_space<vmem>>[vector<16xi32>, vector<16xi32>, vector<16xi32>], vector<16xf32>,
        %scan3A_820 = arith.constant 3 : i32
        %scan3A_821 = arith.addi %scan3A_639, %scan3A_820 : i32
        %add3A_822 = arith.constant 1 : i32
        %add3A_823 = arith.addi %scan3A_821, %add3A_822 : i32
        %get3A_824 = arith.constant 0 : i32
        %get3A_825 = arith.constant 0 : i32
        %get3A_826 = tpu.memref_slice %arg6[%scan3A_481, %get3A_824, %get3A_825] : memref<4x129x64xf32, #tpu.memory_space<vmem>> -> memref<1x129x64xf32, #tpu.memory_space<vmem>>
        %get3A_827 = tpu.memref_squeeze %get3A_826 : memref<1x129x64xf32, #tpu.memory_space<vmem>> -> memref<129x64xf32, #tpu.memory_space<vmem>>
        %get3A_828 = arith.index_cast %add3A_823 : i32 to index
        %get3A_829 = arith.constant 0 : index
        %get3A_830 = tpu.vector_load %get3A_827[%get3A_828, %get3A_829] {strides = array<i32>} : memref<129x64xf32, #tpu.memory_space<vmem>>, vector<16xf32>,
        %get3A_831 = arith.constant 0 : i32
        %get3A_832 = arith.constant 0 : i32
        %get3A_833 = tpu.memref_slice %arg6[%scan3A_481, %get3A_831, %get3A_832] : memref<4x129x64xf32, #tpu.memory_space<vmem>> -> memref<1x129x64xf32, #tpu.memory_space<vmem>>
        %get3A_834 = tpu.memref_squeeze %get3A_833 : memref<1x129x64xf32, #tpu.memory_space<vmem>> -> memref<129x64xf32, #tpu.memory_space<vmem>>
        %get3A_835 = arith.index_cast %add3A_823 : i32 to index
        %get3A_836 = arith.constant 16 : index
        %get3A_837 = tpu.vector_load %get3A_834[%get3A_835, %get3A_836] {strides = array<i32>} : memref<129x64xf32, #tpu.memory_space<vmem>>, vector<16xf32>,
        %get3A_838 = arith.constant 0 : i32
        %get3A_839 = arith.constant 0 : i32
        %get3A_840 = tpu.memref_slice %arg6[%scan3A_481, %get3A_838, %get3A_839] : memref<4x129x64xf32, #tpu.memory_space<vmem>> -> memref<1x129x64xf32, #tpu.memory_space<vmem>>
        %get3A_841 = tpu.memref_squeeze %get3A_840 : memref<1x129x64xf32, #tpu.memory_space<vmem>> -> memref<129x64xf32, #tpu.memory_space<vmem>>
        %get3A_842 = arith.index_cast %add3A_823 : i32 to index
        %get3A_843 = arith.constant 32 : index
        %get3A_844 = tpu.vector_load %get3A_841[%get3A_842, %get3A_843] {strides = array<i32>} : memref<129x64xf32, #tpu.memory_space<vmem>>, vector<16xf32>,
        %get3A_845 = arith.constant 0 : i32
        %get3A_846 = arith.constant 0 : i32
        %get3A_847 = tpu.memref_slice %arg6[%scan3A_481, %get3A_845, %get3A_846] : memref<4x129x64xf32, #tpu.memory_space<vmem>> -> memref<1x129x64xf32, #tpu.memory_space<vmem>>
        %get3A_848 = tpu.memref_squeeze %get3A_847 : memref<1x129x64xf32, #tpu.memory_space<vmem>> -> memref<129x64xf32, #tpu.memory_space<vmem>>
        %get3A_849 = arith.index_cast %add3A_823 : i32 to index
        %get3A_850 = arith.constant 48 : index
        %get3A_851 = tpu.vector_load %get3A_848[%get3A_849, %get3A_850] {strides = array<i32>} : memref<129x64xf32, #tpu.memory_space<vmem>>, vector<16xf32>,
        %broadcast_in_dim3A_852 = arith.constant 0 : i32
        %broadcast_in_dim3A_853 = vector.broadcast %broadcast_in_dim3A_852 : i32 to vector<16xi32>
        %add3A_854 = vector.broadcast %scan3A_821 : i32 to vector<16xi32>
        %add3A_855 = arith.addi %broadcast_in_dim3A_853, %add3A_854 : vector<16xi32>
        %add3A_856 = arith.addi %mul3A_13, %add3A_855 : vector<16xi32>
        %scatter3A_857 = arith.constant 0 : i32
        %scatter3A_858 = arith.constant 0 : i32
        %scatter3A_859 = arith.constant 0 : i32
        %scatter3A_860 = tpu.memref_slice %arg7[%scan3A_482, %scatter3A_857, %scatter3A_858, %scatter3A_859] : memref<2x8x8x136xf32, #tpu.memory_space<vmem>> -> memref<1x8x8x136xf32, #tpu.memory_space<vmem>>
        %scatter3A_861 = tpu.memref_squeeze %scatter3A_860 : memref<1x8x8x136xf32, #tpu.memory_space<vmem>> -> memref<8x8x136xf32, #tpu.memory_space<vmem>>
        tpu.vector_store_idx %scatter3A_861[%mul3A_7, %mul3A_7, %add3A_856], %get3A_770 : memref<8x8x136xf32, #tpu.memory_space<vmem>>[vector<16xi32>, vector<16xi32>, vector<16xi32>], vector<16xf32>,
        %add3A_862 = arith.addi %mul3A_19, %add3A_855 : vector<16xi32>
        %scatter3A_863 = arith.constant 0 : i32
        %scatter3A_864 = arith.constant 0 : i32
        %scatter3A_865 = arith.constant 0 : i32
        %scatter3A_866 = tpu.memref_slice %arg7[%scan3A_482, %scatter3A_863, %scatter3A_864, %scatter3A_865] : memref<2x8x8x136xf32, #tpu.memory_space<vmem>> -> memref<1x8x8x136xf32, #tpu.memory_space<vmem>>
        %scatter3A_867 = tpu.memref_squeeze %scatter3A_866 : memref<1x8x8x136xf32, #tpu.memory_space<vmem>> -> memref<8x8x136xf32, #tpu.memory_space<vmem>>
        tpu.vector_store_idx %scatter3A_867[%mul3A_7, %mul3A_7, %add3A_862], %get3A_777 : memref<8x8x136xf32, #tpu.memory_space<vmem>>[vector<16xi32>, vector<16xi32>, vector<16xi32>], vector<16xf32>,
        %add3A_868 = arith.addi %mul3A_25, %add3A_855 : vector<16xi32>
        %scatter3A_869 = arith.constant 0 : i32
        %scatter3A_870 = arith.constant 0 : i32
        %scatter3A_871 = arith.constant 0 : i32
        %scatter3A_872 = tpu.memref_slice %arg7[%scan3A_482, %scatter3A_869, %scatter3A_870, %scatter3A_871] : memref<2x8x8x136xf32, #tpu.memory_space<vmem>> -> memref<1x8x8x136xf32, #tpu.memory_space<vmem>>
        %scatter3A_873 = tpu.memref_squeeze %scatter3A_872 : memref<1x8x8x136xf32, #tpu.memory_space<vmem>> -> memref<8x8x136xf32, #tpu.memory_space<vmem>>
        tpu.vector_store_idx %scatter3A_873[%mul3A_7, %mul3A_7, %add3A_868], %get3A_784 : memref<8x8x136xf32, #tpu.memory_space<vmem>>[vector<16xi32>, vector<16xi32>, vector<16xi32>], vector<16xf32>,
        %add3A_874 = arith.addi %mul3A_31, %add3A_855 : vector<16xi32>
        %scatter3A_875 = arith.constant 0 : i32
        %scatter3A_876 = arith.constant 0 : i32
        %scatter3A_877 = arith.constant 0 : i32
        %scatter3A_878 = tpu.memref_slice %arg7[%scan3A_482, %scatter3A_875, %scatter3A_876, %scatter3A_877] : memref<2x8x8x136xf32, #tpu.memory_space<vmem>> -> memref<1x8x8x136xf32, #tpu.memory_space<vmem>>
        %scatter3A_879 = tpu.memref_squeeze %scatter3A_878 : memref<1x8x8x136xf32, #tpu.memory_space<vmem>> -> memref<8x8x136xf32, #tpu.memory_space<vmem>>
        tpu.vector_store_idx %scatter3A_879[%mul3A_7, %mul3A_7, %add3A_874], %get3A_791 : memref<8x8x136xf32, #tpu.memory_space<vmem>>[vector<16xi32>, vector<16xi32>, vector<16xi32>], vector<16xf32>,
        %scan3A_880 = arith.constant 4 : i32
        %scan3A_881 = arith.addi %scan3A_639, %scan3A_880 : i32
        %add3A_882 = arith.constant 1 : i32
        %add3A_883 = arith.addi %scan3A_881, %add3A_882 : i32
        %get3A_884 = arith.constant 0 : i32
        %get3A_885 = arith.constant 0 : i32
        %get3A_886 = tpu.memref_slice %arg6[%scan3A_481, %get3A_884, %get3A_885] : memref<4x129x64xf32, #tpu.memory_space<vmem>> -> memref<1x129x64xf32, #tpu.memory_space<vmem>>
        %get3A_887 = tpu.memref_squeeze %get3A_886 : memref<1x129x64xf32, #tpu.memory_space<vmem>> -> memref<129x64xf32, #tpu.memory_space<vmem>>
        %get3A_888 = arith.index_cast %add3A_883 : i32 to index
        %get3A_889 = arith.constant 0 : index
        %get3A_890 = tpu.vector_load %get3A_887[%get3A_888, %get3A_889] {strides = array<i32>} : memref<129x64xf32, #tpu.memory_space<vmem>>, vector<16xf32>,
        %get3A_891 = arith.constant 0 : i32
        %get3A_892 = arith.constant 0 : i32
        %get3A_893 = tpu.memref_slice %arg6[%scan3A_481, %get3A_891, %get3A_892] : memref<4x129x64xf32, #tpu.memory_space<vmem>> -> memref<1x129x64xf32, #tpu.memory_space<vmem>>
        %get3A_894 = tpu.memref_squeeze %get3A_893 : memref<1x129x64xf32, #tpu.memory_space<vmem>> -> memref<129x64xf32, #tpu.memory_space<vmem>>
        %get3A_895 = arith.index_cast %add3A_883 : i32 to index
        %get3A_896 = arith.constant 16 : index
        %get3A_897 = tpu.vector_load %get3A_894[%get3A_895, %get3A_896] {strides = array<i32>} : memref<129x64xf32, #tpu.memory_space<vmem>>, vector<16xf32>,
        %get3A_898 = arith.constant 0 : i32
        %get3A_899 = arith.constant 0 : i32
        %get3A_900 = tpu.memref_slice %arg6[%scan3A_481, %get3A_898, %get3A_899] : memref<4x129x64xf32, #tpu.memory_space<vmem>> -> memref<1x129x64xf32, #tpu.memory_space<vmem>>
        %get3A_901 = tpu.memref_squeeze %get3A_900 : memref<1x129x64xf32, #tpu.memory_space<vmem>> -> memref<129x64xf32, #tpu.memory_space<vmem>>
        %get3A_902 = arith.index_cast %add3A_883 : i32 to index
        %get3A_903 = arith.constant 32 : index
        %get3A_904 = tpu.vector_load %get3A_901[%get3A_902, %get3A_903] {strides = array<i32>} : memref<129x64xf32, #tpu.memory_space<vmem>>, vector<16xf32>,
        %get3A_905 = arith.constant 0 : i32
        %get3A_906 = arith.constant 0 : i32
        %get3A_907 = tpu.memref_slice %arg6[%scan3A_481, %get3A_905, %get3A_906] : memref<4x129x64xf32, #tpu.memory_space<vmem>> -> memref<1x129x64xf32, #tpu.memory_space<vmem>>
        %get3A_908 = tpu.memref_squeeze %get3A_907 : memref<1x129x64xf32, #tpu.memory_space<vmem>> -> memref<129x64xf32, #tpu.memory_space<vmem>>
        %get3A_909 = arith.index_cast %add3A_883 : i32 to index
        %get3A_910 = arith.constant 48 : index
        %get3A_911 = tpu.vector_load %get3A_908[%get3A_909, %get3A_910] {strides = array<i32>} : memref<129x64xf32, #tpu.memory_space<vmem>>, vector<16xf32>,
        %broadcast_in_dim3A_912 = arith.constant 0 : i32
        %broadcast_in_dim3A_913 = vector.broadcast %broadcast_in_dim3A_912 : i32 to vector<16xi32>
        %add3A_914 = vector.broadcast %scan3A_881 : i32 to vector<16xi32>
        %add3A_915 = arith.addi %broadcast_in_dim3A_913, %add3A_914 : vector<16xi32>
        %add3A_916 = arith.addi %mul3A_13, %add3A_915 : vector<16xi32>
        %scatter3A_917 = arith.constant 0 : i32
        %scatter3A_918 = arith.constant 0 : i32
        %scatter3A_919 = arith.constant 0 : i32
        %scatter3A_920 = tpu.memref_slice %arg7[%scan3A_482, %scatter3A_917, %scatter3A_918, %scatter3A_919] : memref<2x8x8x136xf32, #tpu.memory_space<vmem>> -> memref<1x8x8x136xf32, #tpu.memory_space<vmem>>
        %scatter3A_921 = tpu.memref_squeeze %scatter3A_920 : memref<1x8x8x136xf32, #tpu.memory_space<vmem>> -> memref<8x8x136xf32, #tpu.memory_space<vmem>>
        tpu.vector_store_idx %scatter3A_921[%mul3A_7, %mul3A_7, %add3A_916], %get3A_830 : memref<8x8x136xf32, #tpu.memory_space<vmem>>[vector<16xi32>, vector<16xi32>, vector<16xi32>], vector<16xf32>,
        %add3A_922 = arith.addi %mul3A_19, %add3A_915 : vector<16xi32>
        %scatter3A_923 = arith.constant 0 : i32
        %scatter3A_924 = arith.constant 0 : i32
        %scatter3A_925 = arith.constant 0 : i32
        %scatter3A_926 = tpu.memref_slice %arg7[%scan3A_482, %scatter3A_923, %scatter3A_924, %scatter3A_925] : memref<2x8x8x136xf32, #tpu.memory_space<vmem>> -> memref<1x8x8x136xf32, #tpu.memory_space<vmem>>
        %scatter3A_927 = tpu.memref_squeeze %scatter3A_926 : memref<1x8x8x136xf32, #tpu.memory_space<vmem>> -> memref<8x8x136xf32, #tpu.memory_space<vmem>>
        tpu.vector_store_idx %scatter3A_927[%mul3A_7, %mul3A_7, %add3A_922], %get3A_837 : memref<8x8x136xf32, #tpu.memory_space<vmem>>[vector<16xi32>, vector<16xi32>, vector<16xi32>], vector<16xf32>,
        %add3A_928 = arith.addi %mul3A_25, %add3A_915 : vector<16xi32>
        %scatter3A_929 = arith.constant 0 : i32
        %scatter3A_930 = arith.constant 0 : i32
        %scatter3A_931 = arith.constant 0 : i32
        %scatter3A_932 = tpu.memref_slice %arg7[%scan3A_482, %scatter3A_929, %scatter3A_930, %scatter3A_931] : memref<2x8x8x136xf32, #tpu.memory_space<vmem>> -> memref<1x8x8x136xf32, #tpu.memory_space<vmem>>
        %scatter3A_933 = tpu.memref_squeeze %scatter3A_932 : memref<1x8x8x136xf32, #tpu.memory_space<vmem>> -> memref<8x8x136xf32, #tpu.memory_space<vmem>>
        tpu.vector_store_idx %scatter3A_933[%mul3A_7, %mul3A_7, %add3A_928], %get3A_844 : memref<8x8x136xf32, #tpu.memory_space<vmem>>[vector<16xi32>, vector<16xi32>, vector<16xi32>], vector<16xf32>,
        %add3A_934 = arith.addi %mul3A_31, %add3A_915 : vector<16xi32>
        %scatter3A_935 = arith.constant 0 : i32
        %scatter3A_936 = arith.constant 0 : i32
        %scatter3A_937 = arith.constant 0 : i32
        %scatter3A_938 = tpu.memref_slice %arg7[%scan3A_482, %scatter3A_935, %scatter3A_936, %scatter3A_937] : memref<2x8x8x136xf32, #tpu.memory_space<vmem>> -> memref<1x8x8x136xf32, #tpu.memory_space<vmem>>
        %scatter3A_939 = tpu.memref_squeeze %scatter3A_938 : memref<1x8x8x136xf32, #tpu.memory_space<vmem>> -> memref<8x8x136xf32, #tpu.memory_space<vmem>>
        tpu.vector_store_idx %scatter3A_939[%mul3A_7, %mul3A_7, %add3A_934], %get3A_851 : memref<8x8x136xf32, #tpu.memory_space<vmem>>[vector<16xi32>, vector<16xi32>, vector<16xi32>], vector<16xf32>,
        %scan3A_940 = arith.constant 5 : i32
        %scan3A_941 = arith.addi %scan3A_639, %scan3A_940 : i32
        %add3A_942 = arith.constant 1 : i32
        %add3A_943 = arith.addi %scan3A_941, %add3A_942 : i32
        %get3A_944 = arith.constant 0 : i32
        %get3A_945 = arith.constant 0 : i32
        %get3A_946 = tpu.memref_slice %arg6[%scan3A_481, %get3A_944, %get3A_945] : memref<4x129x64xf32, #tpu.memory_space<vmem>> -> memref<1x129x64xf32, #tpu.memory_space<vmem>>
        %get3A_947 = tpu.memref_squeeze %get3A_946 : memref<1x129x64xf32, #tpu.memory_space<vmem>> -> memref<129x64xf32, #tpu.memory_space<vmem>>
        %get3A_948 = arith.index_cast %add3A_943 : i32 to index
        %get3A_949 = arith.constant 0 : index
        %get3A_950 = tpu.vector_load %get3A_947[%get3A_948, %get3A_949] {strides = array<i32>} : memref<129x64xf32, #tpu.memory_space<vmem>>, vector<16xf32>,
        %get3A_951 = arith.constant 0 : i32
        %get3A_952 = arith.constant 0 : i32
        %get3A_953 = tpu.memref_slice %arg6[%scan3A_481, %get3A_951, %get3A_952] : memref<4x129x64xf32, #tpu.memory_space<vmem>> -> memref<1x129x64xf32, #tpu.memory_space<vmem>>
        %get3A_954 = tpu.memref_squeeze %get3A_953 : memref<1x129x64xf32, #tpu.memory_space<vmem>> -> memref<129x64xf32, #tpu.memory_space<vmem>>
        %get3A_955 = arith.index_cast %add3A_943 : i32 to index
        %get3A_956 = arith.constant 16 : index
        %get3A_957 = tpu.vector_load %get3A_954[%get3A_955, %get3A_956] {strides = array<i32>} : memref<129x64xf32, #tpu.memory_space<vmem>>, vector<16xf32>,
        %get3A_958 = arith.constant 0 : i32
        %get3A_959 = arith.constant 0 : i32
        %get3A_960 = tpu.memref_slice %arg6[%scan3A_481, %get3A_958, %get3A_959] : memref<4x129x64xf32, #tpu.memory_space<vmem>> -> memref<1x129x64xf32, #tpu.memory_space<vmem>>
        %get3A_961 = tpu.memref_squeeze %get3A_960 : memref<1x129x64xf32, #tpu.memory_space<vmem>> -> memref<129x64xf32, #tpu.memory_space<vmem>>
        %get3A_962 = arith.index_cast %add3A_943 : i32 to index
        %get3A_963 = arith.constant 32 : index
        %get3A_964 = tpu.vector_load %get3A_961[%get3A_962, %get3A_963] {strides = array<i32>} : memref<129x64xf32, #tpu.memory_space<vmem>>, vector<16xf32>,
        %get3A_965 = arith.constant 0 : i32
        %get3A_966 = arith.constant 0 : i32
        %get3A_967 = tpu.memref_slice %arg6[%scan3A_481, %get3A_965, %get3A_966] : memref<4x129x64xf32, #tpu.memory_space<vmem>> -> memref<1x129x64xf32, #tpu.memory_space<vmem>>
        %get3A_968 = tpu.memref_squeeze %get3A_967 : memref<1x129x64xf32, #tpu.memory_space<vmem>> -> memref<129x64xf32, #tpu.memory_space<vmem>>
        %get3A_969 = arith.index_cast %add3A_943 : i32 to index
        %get3A_970 = arith.constant 48 : index
        %get3A_971 = tpu.vector_load %get3A_968[%get3A_969, %get3A_970] {strides = array<i32>} : memref<129x64xf32, #tpu.memory_space<vmem>>, vector<16xf32>,
        %broadcast_in_dim3A_972 = arith.constant 0 : i32
        %broadcast_in_dim3A_973 = vector.broadcast %broadcast_in_dim3A_972 : i32 to vector<16xi32>
        %add3A_974 = vector.broadcast %scan3A_941 : i32 to vector<16xi32>
        %add3A_975 = arith.addi %broadcast_in_dim3A_973, %add3A_974 : vector<16xi32>
        %add3A_976 = arith.addi %mul3A_13, %add3A_975 : vector<16xi32>
        %scatter3A_977 = arith.constant 0 : i32
        %scatter3A_978 = arith.constant 0 : i32
        %scatter3A_979 = arith.constant 0 : i32
        %scatter3A_980 = tpu.memref_slice %arg7[%scan3A_482, %scatter3A_977, %scatter3A_978, %scatter3A_979] : memref<2x8x8x136xf32, #tpu.memory_space<vmem>> -> memref<1x8x8x136xf32, #tpu.memory_space<vmem>>
        %scatter3A_981 = tpu.memref_squeeze %scatter3A_980 : memref<1x8x8x136xf32, #tpu.memory_space<vmem>> -> memref<8x8x136xf32, #tpu.memory_space<vmem>>
        tpu.vector_store_idx %scatter3A_981[%mul3A_7, %mul3A_7, %add3A_976], %get3A_890 : memref<8x8x136xf32, #tpu.memory_space<vmem>>[vector<16xi32>, vector<16xi32>, vector<16xi32>], vector<16xf32>,
        %add3A_982 = arith.addi %mul3A_19, %add3A_975 : vector<16xi32>
        %scatter3A_983 = arith.constant 0 : i32
        %scatter3A_984 = arith.constant 0 : i32
        %scatter3A_985 = arith.constant 0 : i32
        %scatter3A_986 = tpu.memref_slice %arg7[%scan3A_482, %scatter3A_983, %scatter3A_984, %scatter3A_985] : memref<2x8x8x136xf32, #tpu.memory_space<vmem>> -> memref<1x8x8x136xf32, #tpu.memory_space<vmem>>
        %scatter3A_987 = tpu.memref_squeeze %scatter3A_986 : memref<1x8x8x136xf32, #tpu.memory_space<vmem>> -> memref<8x8x136xf32, #tpu.memory_space<vmem>>
        tpu.vector_store_idx %scatter3A_987[%mul3A_7, %mul3A_7, %add3A_982], %get3A_897 : memref<8x8x136xf32, #tpu.memory_space<vmem>>[vector<16xi32>, vector<16xi32>, vector<16xi32>], vector<16xf32>,
        %add3A_988 = arith.addi %mul3A_25, %add3A_975 : vector<16xi32>
        %scatter3A_989 = arith.constant 0 : i32
        %scatter3A_990 = arith.constant 0 : i32
        %scatter3A_991 = arith.constant 0 : i32
        %scatter3A_992 = tpu.memref_slice %arg7[%scan3A_482, %scatter3A_989, %scatter3A_990, %scatter3A_991] : memref<2x8x8x136xf32, #tpu.memory_space<vmem>> -> memref<1x8x8x136xf32, #tpu.memory_space<vmem>>
        %scatter3A_993 = tpu.memref_squeeze %scatter3A_992 : memref<1x8x8x136xf32, #tpu.memory_space<vmem>> -> memref<8x8x136xf32, #tpu.memory_space<vmem>>
        tpu.vector_store_idx %scatter3A_993[%mul3A_7, %mul3A_7, %add3A_988], %get3A_904 : memref<8x8x136xf32, #tpu.memory_space<vmem>>[vector<16xi32>, vector<16xi32>, vector<16xi32>], vector<16xf32>,
        %add3A_994 = arith.addi %mul3A_31, %add3A_975 : vector<16xi32>
        %scatter3A_995 = arith.constant 0 : i32
        %scatter3A_996 = arith.constant 0 : i32
        %scatter3A_997 = arith.constant 0 : i32
        %scatter3A_998 = tpu.memref_slice %arg7[%scan3A_482, %scatter3A_995, %scatter3A_996, %scatter3A_997] : memref<2x8x8x136xf32, #tpu.memory_space<vmem>> -> memref<1x8x8x136xf32, #tpu.memory_space<vmem>>
        %scatter3A_999 = tpu.memref_squeeze %scatter3A_998 : memref<1x8x8x136xf32, #tpu.memory_space<vmem>> -> memref<8x8x136xf32, #tpu.memory_space<vmem>>
        tpu.vector_store_idx %scatter3A_999[%mul3A_7, %mul3A_7, %add3A_994], %get3A_911 : memref<8x8x136xf32, #tpu.memory_space<vmem>>[vector<16xi32>, vector<16xi32>, vector<16xi32>], vector<16xf32>,
        %scan3A_1000 = arith.constant 6 : i32
        %scan3A_1001 = arith.addi %scan3A_639, %scan3A_1000 : i32
        %add3A_1002 = arith.constant 1 : i32
        %add3A_1003 = arith.addi %scan3A_1001, %add3A_1002 : i32
        %get3A_1004 = arith.constant 0 : i32
        %get3A_1005 = arith.constant 0 : i32
        %get3A_1006 = tpu.memref_slice %arg6[%scan3A_481, %get3A_1004, %get3A_1005] : memref<4x129x64xf32, #tpu.memory_space<vmem>> -> memref<1x129x64xf32, #tpu.memory_space<vmem>>
        %get3A_1007 = tpu.memref_squeeze %get3A_1006 : memref<1x129x64xf32, #tpu.memory_space<vmem>> -> memref<129x64xf32, #tpu.memory_space<vmem>>
        %get3A_1008 = arith.index_cast %add3A_1003 : i32 to index
        %get3A_1009 = arith.constant 0 : index
        %get3A_1010 = tpu.vector_load %get3A_1007[%get3A_1008, %get3A_1009] {strides = array<i32>} : memref<129x64xf32, #tpu.memory_space<vmem>>, vector<16xf32>,
        %get3A_1011 = arith.constant 0 : i32
        %get3A_1012 = arith.constant 0 : i32
        %get3A_1013 = tpu.memref_slice %arg6[%scan3A_481, %get3A_1011, %get3A_1012] : memref<4x129x64xf32, #tpu.memory_space<vmem>> -> memref<1x129x64xf32, #tpu.memory_space<vmem>>
        %get3A_1014 = tpu.memref_squeeze %get3A_1013 : memref<1x129x64xf32, #tpu.memory_space<vmem>> -> memref<129x64xf32, #tpu.memory_space<vmem>>
        %get3A_1015 = arith.index_cast %add3A_1003 : i32 to index
        %get3A_1016 = arith.constant 16 : index
        %get3A_1017 = tpu.vector_load %get3A_1014[%get3A_1015, %get3A_1016] {strides = array<i32>} : memref<129x64xf32, #tpu.memory_space<vmem>>, vector<16xf32>,
        %get3A_1018 = arith.constant 0 : i32
        %get3A_1019 = arith.constant 0 : i32
        %get3A_1020 = tpu.memref_slice %arg6[%scan3A_481, %get3A_1018, %get3A_1019] : memref<4x129x64xf32, #tpu.memory_space<vmem>> -> memref<1x129x64xf32, #tpu.memory_space<vmem>>
        %get3A_1021 = tpu.memref_squeeze %get3A_1020 : memref<1x129x64xf32, #tpu.memory_space<vmem>> -> memref<129x64xf32, #tpu.memory_space<vmem>>
        %get3A_1022 = arith.index_cast %add3A_1003 : i32 to index
        %get3A_1023 = arith.constant 32 : index
        %get3A_1024 = tpu.vector_load %get3A_1021[%get3A_1022, %get3A_1023] {strides = array<i32>} : memref<129x64xf32, #tpu.memory_space<vmem>>, vector<16xf32>,
        %get3A_1025 = arith.constant 0 : i32
        %get3A_1026 = arith.constant 0 : i32
        %get3A_1027 = tpu.memref_slice %arg6[%scan3A_481, %get3A_1025, %get3A_1026] : memref<4x129x64xf32, #tpu.memory_space<vmem>> -> memref<1x129x64xf32, #tpu.memory_space<vmem>>
        %get3A_1028 = tpu.memref_squeeze %get3A_1027 : memref<1x129x64xf32, #tpu.memory_space<vmem>> -> memref<129x64xf32, #tpu.memory_space<vmem>>
        %get3A_1029 = arith.index_cast %add3A_1003 : i32 to index
        %get3A_1030 = arith.constant 48 : index
        %get3A_1031 = tpu.vector_load %get3A_1028[%get3A_1029, %get3A_1030] {strides = array<i32>} : memref<129x64xf32, #tpu.memory_space<vmem>>, vector<16xf32>,
        %broadcast_in_dim3A_1032 = arith.constant 0 : i32
        %broadcast_in_dim3A_1033 = vector.broadcast %broadcast_in_dim3A_1032 : i32 to vector<16xi32>
        %add3A_1034 = vector.broadcast %scan3A_1001 : i32 to vector<16xi32>
        %add3A_1035 = arith.addi %broadcast_in_dim3A_1033, %add3A_1034 : vector<16xi32>
        %add3A_1036 = arith.addi %mul3A_13, %add3A_1035 : vector<16xi32>
        %scatter3A_1037 = arith.constant 0 : i32
        %scatter3A_1038 = arith.constant 0 : i32
        %scatter3A_1039 = arith.constant 0 : i32
        %scatter3A_1040 = tpu.memref_slice %arg7[%scan3A_482, %scatter3A_1037, %scatter3A_1038, %scatter3A_1039] : memref<2x8x8x136xf32, #tpu.memory_space<vmem>> -> memref<1x8x8x136xf32, #tpu.memory_space<vmem>>
        %scatter3A_1041 = tpu.memref_squeeze %scatter3A_1040 : memref<1x8x8x136xf32, #tpu.memory_space<vmem>> -> memref<8x8x136xf32, #tpu.memory_space<vmem>>
        tpu.vector_store_idx %scatter3A_1041[%mul3A_7, %mul3A_7, %add3A_1036], %get3A_950 : memref<8x8x136xf32, #tpu.memory_space<vmem>>[vector<16xi32>, vector<16xi32>, vector<16xi32>], vector<16xf32>,
        %add3A_1042 = arith.addi %mul3A_19, %add3A_1035 : vector<16xi32>
        %scatter3A_1043 = arith.constant 0 : i32
        %scatter3A_1044 = arith.constant 0 : i32
        %scatter3A_1045 = arith.constant 0 : i32
        %scatter3A_1046 = tpu.memref_slice %arg7[%scan3A_482, %scatter3A_1043, %scatter3A_1044, %scatter3A_1045] : memref<2x8x8x136xf32, #tpu.memory_space<vmem>> -> memref<1x8x8x136xf32, #tpu.memory_space<vmem>>
        %scatter3A_1047 = tpu.memref_squeeze %scatter3A_1046 : memref<1x8x8x136xf32, #tpu.memory_space<vmem>> -> memref<8x8x136xf32, #tpu.memory_space<vmem>>
        tpu.vector_store_idx %scatter3A_1047[%mul3A_7, %mul3A_7, %add3A_1042], %get3A_957 : memref<8x8x136xf32, #tpu.memory_space<vmem>>[vector<16xi32>, vector<16xi32>, vector<16xi32>], vector<16xf32>,
        %add3A_1048 = arith.addi %mul3A_25, %add3A_1035 : vector<16xi32>
        %scatter3A_1049 = arith.constant 0 : i32
        %scatter3A_1050 = arith.constant 0 : i32
        %scatter3A_1051 = arith.constant 0 : i32
        %scatter3A_1052 = tpu.memref_slice %arg7[%scan3A_482, %scatter3A_1049, %scatter3A_1050, %scatter3A_1051] : memref<2x8x8x136xf32, #tpu.memory_space<vmem>> -> memref<1x8x8x136xf32, #tpu.memory_space<vmem>>
        %scatter3A_1053 = tpu.memref_squeeze %scatter3A_1052 : memref<1x8x8x136xf32, #tpu.memory_space<vmem>> -> memref<8x8x136xf32, #tpu.memory_space<vmem>>
        tpu.vector_store_idx %scatter3A_1053[%mul3A_7, %mul3A_7, %add3A_1048], %get3A_964 : memref<8x8x136xf32, #tpu.memory_space<vmem>>[vector<16xi32>, vector<16xi32>, vector<16xi32>], vector<16xf32>,
        %add3A_1054 = arith.addi %mul3A_31, %add3A_1035 : vector<16xi32>
        %scatter3A_1055 = arith.constant 0 : i32
        %scatter3A_1056 = arith.constant 0 : i32
        %scatter3A_1057 = arith.constant 0 : i32
        %scatter3A_1058 = tpu.memref_slice %arg7[%scan3A_482, %scatter3A_1055, %scatter3A_1056, %scatter3A_1057] : memref<2x8x8x136xf32, #tpu.memory_space<vmem>> -> memref<1x8x8x136xf32, #tpu.memory_space<vmem>>
        %scatter3A_1059 = tpu.memref_squeeze %scatter3A_1058 : memref<1x8x8x136xf32, #tpu.memory_space<vmem>> -> memref<8x8x136xf32, #tpu.memory_space<vmem>>
        tpu.vector_store_idx %scatter3A_1059[%mul3A_7, %mul3A_7, %add3A_1054], %get3A_971 : memref<8x8x136xf32, #tpu.memory_space<vmem>>[vector<16xi32>, vector<16xi32>, vector<16xi32>], vector<16xf32>,
        %scan3A_1060 = arith.constant 7 : i32
        %scan3A_1061 = arith.addi %scan3A_639, %scan3A_1060 : i32
        %add3A_1062 = arith.constant 1 : i32
        %add3A_1063 = arith.addi %scan3A_1061, %add3A_1062 : i32
        %get3A_1064 = arith.constant 0 : i32
        %get3A_1065 = arith.constant 0 : i32
        %get3A_1066 = tpu.memref_slice %arg6[%scan3A_481, %get3A_1064, %get3A_1065] : memref<4x129x64xf32, #tpu.memory_space<vmem>> -> memref<1x129x64xf32, #tpu.memory_space<vmem>>
        %get3A_1067 = tpu.memref_squeeze %get3A_1066 : memref<1x129x64xf32, #tpu.memory_space<vmem>> -> memref<129x64xf32, #tpu.memory_space<vmem>>
        %get3A_1068 = arith.index_cast %add3A_1063 : i32 to index
        %get3A_1069 = arith.constant 0 : index
        %get3A_1070 = tpu.vector_load %get3A_1067[%get3A_1068, %get3A_1069] {strides = array<i32>} : memref<129x64xf32, #tpu.memory_space<vmem>>, vector<16xf32>,
        %get3A_1071 = arith.constant 0 : i32
        %get3A_1072 = arith.constant 0 : i32
        %get3A_1073 = tpu.memref_slice %arg6[%scan3A_481, %get3A_1071, %get3A_1072] : memref<4x129x64xf32, #tpu.memory_space<vmem>> -> memref<1x129x64xf32, #tpu.memory_space<vmem>>
        %get3A_1074 = tpu.memref_squeeze %get3A_1073 : memref<1x129x64xf32, #tpu.memory_space<vmem>> -> memref<129x64xf32, #tpu.memory_space<vmem>>
        %get3A_1075 = arith.index_cast %add3A_1063 : i32 to index
        %get3A_1076 = arith.constant 16 : index
        %get3A_1077 = tpu.vector_load %get3A_1074[%get3A_1075, %get3A_1076] {strides = array<i32>} : memref<129x64xf32, #tpu.memory_space<vmem>>, vector<16xf32>,
        %get3A_1078 = arith.constant 0 : i32
        %get3A_1079 = arith.constant 0 : i32
        %get3A_1080 = tpu.memref_slice %arg6[%scan3A_481, %get3A_1078, %get3A_1079] : memref<4x129x64xf32, #tpu.memory_space<vmem>> -> memref<1x129x64xf32, #tpu.memory_space<vmem>>
        %get3A_1081 = tpu.memref_squeeze %get3A_1080 : memref<1x129x64xf32, #tpu.memory_space<vmem>> -> memref<129x64xf32, #tpu.memory_space<vmem>>
        %get3A_1082 = arith.index_cast %add3A_1063 : i32 to index
        %get3A_1083 = arith.constant 32 : index
        %get3A_1084 = tpu.vector_load %get3A_1081[%get3A_1082, %get3A_1083] {strides = array<i32>} : memref<129x64xf32, #tpu.memory_space<vmem>>, vector<16xf32>,
        %get3A_1085 = arith.constant 0 : i32
        %get3A_1086 = arith.constant 0 : i32
        %get3A_1087 = tpu.memref_slice %arg6[%scan3A_481, %get3A_1085, %get3A_1086] : memref<4x129x64xf32, #tpu.memory_space<vmem>> -> memref<1x129x64xf32, #tpu.memory_space<vmem>>
        %get3A_1088 = tpu.memref_squeeze %get3A_1087 : memref<1x129x64xf32, #tpu.memory_space<vmem>> -> memref<129x64xf32, #tpu.memory_space<vmem>>
        %get3A_1089 = arith.index_cast %add3A_1063 : i32 to index
        %get3A_1090 = arith.constant 48 : index
        %get3A_1091 = tpu.vector_load %get3A_1088[%get3A_1089, %get3A_1090] {strides = array<i32>} : memref<129x64xf32, #tpu.memory_space<vmem>>, vector<16xf32>,
        %broadcast_in_dim3A_1092 = arith.constant 0 : i32
        %broadcast_in_dim3A_1093 = vector.broadcast %broadcast_in_dim3A_1092 : i32 to vector<16xi32>
        %add3A_1094 = vector.broadcast %scan3A_1061 : i32 to vector<16xi32>
        %add3A_1095 = arith.addi %broadcast_in_dim3A_1093, %add3A_1094 : vector<16xi32>
        %add3A_1096 = arith.addi %mul3A_13, %add3A_1095 : vector<16xi32>
        %scatter3A_1097 = arith.constant 0 : i32
        %scatter3A_1098 = arith.constant 0 : i32
        %scatter3A_1099 = arith.constant 0 : i32
        %scatter3A_1100 = tpu.memref_slice %arg7[%scan3A_482, %scatter3A_1097, %scatter3A_1098, %scatter3A_1099] : memref<2x8x8x136xf32, #tpu.memory_space<vmem>> -> memref<1x8x8x136xf32, #tpu.memory_space<vmem>>
        %scatter3A_1101 = tpu.memref_squeeze %scatter3A_1100 : memref<1x8x8x136xf32, #tpu.memory_space<vmem>> -> memref<8x8x136xf32, #tpu.memory_space<vmem>>
        tpu.vector_store_idx %scatter3A_1101[%mul3A_7, %mul3A_7, %add3A_1096], %get3A_1010 : memref<8x8x136xf32, #tpu.memory_space<vmem>>[vector<16xi32>, vector<16xi32>, vector<16xi32>], vector<16xf32>,
        %add3A_1102 = arith.addi %mul3A_19, %add3A_1095 : vector<16xi32>
        %scatter3A_1103 = arith.constant 0 : i32
        %scatter3A_1104 = arith.constant 0 : i32
        %scatter3A_1105 = arith.constant 0 : i32
        %scatter3A_1106 = tpu.memref_slice %arg7[%scan3A_482, %scatter3A_1103, %scatter3A_1104, %scatter3A_1105] : memref<2x8x8x136xf32, #tpu.memory_space<vmem>> -> memref<1x8x8x136xf32, #tpu.memory_space<vmem>>
        %scatter3A_1107 = tpu.memref_squeeze %scatter3A_1106 : memref<1x8x8x136xf32, #tpu.memory_space<vmem>> -> memref<8x8x136xf32, #tpu.memory_space<vmem>>
        tpu.vector_store_idx %scatter3A_1107[%mul3A_7, %mul3A_7, %add3A_1102], %get3A_1017 : memref<8x8x136xf32, #tpu.memory_space<vmem>>[vector<16xi32>, vector<16xi32>, vector<16xi32>], vector<16xf32>,
        %add3A_1108 = arith.addi %mul3A_25, %add3A_1095 : vector<16xi32>
        %scatter3A_1109 = arith.constant 0 : i32
        %scatter3A_1110 = arith.constant 0 : i32
        %scatter3A_1111 = arith.constant 0 : i32
        %scatter3A_1112 = tpu.memref_slice %arg7[%scan3A_482, %scatter3A_1109, %scatter3A_1110, %scatter3A_1111] : memref<2x8x8x136xf32, #tpu.memory_space<vmem>> -> memref<1x8x8x136xf32, #tpu.memory_space<vmem>>
        %scatter3A_1113 = tpu.memref_squeeze %scatter3A_1112 : memref<1x8x8x136xf32, #tpu.memory_space<vmem>> -> memref<8x8x136xf32, #tpu.memory_space<vmem>>
        tpu.vector_store_idx %scatter3A_1113[%mul3A_7, %mul3A_7, %add3A_1108], %get3A_1024 : memref<8x8x136xf32, #tpu.memory_space<vmem>>[vector<16xi32>, vector<16xi32>, vector<16xi32>], vector<16xf32>,
        %add3A_1114 = arith.addi %mul3A_31, %add3A_1095 : vector<16xi32>
        %scatter3A_1115 = arith.constant 0 : i32
        %scatter3A_1116 = arith.constant 0 : i32
        %scatter3A_1117 = arith.constant 0 : i32
        %scatter3A_1118 = tpu.memref_slice %arg7[%scan3A_482, %scatter3A_1115, %scatter3A_1116, %scatter3A_1117] : memref<2x8x8x136xf32, #tpu.memory_space<vmem>> -> memref<1x8x8x136xf32, #tpu.memory_space<vmem>>
        %scatter3A_1119 = tpu.memref_squeeze %scatter3A_1118 : memref<1x8x8x136xf32, #tpu.memory_space<vmem>> -> memref<8x8x136xf32, #tpu.memory_space<vmem>>
        tpu.vector_store_idx %scatter3A_1119[%mul3A_7, %mul3A_7, %add3A_1114], %get3A_1031 : memref<8x8x136xf32, #tpu.memory_space<vmem>>[vector<16xi32>, vector<16xi32>, vector<16xi32>], vector<16xf32>,
        scf.yield %get3A_1070, %get3A_1077, %get3A_1084, %get3A_1091 : vector<16xf32>, vector<16xf32>, vector<16xf32>, vector<16xf32>
      }
      %scan3A_488 = arith.constant 128 : i32
      %lt3A_489 = arith.constant 101 : i32
      %lt3A_490 = arith.cmpi slt, %add3A_403, %lt3A_489 : i32
      %convert_element_type3A_491 = arith.extui %lt3A_490 : i1 to i32
      %cond3A_492 = arith.constant 0 : i32
      %cond3A_493 = arith.cmpi ne, %convert_element_type3A_491, %cond3A_492 : i32
      scf.if %cond3A_493 {
        %add3A_639 = arith.constant 3 : i32
        %add3A_640 = arith.addi %add3A_403, %add3A_639 : i32
        %jit3A_641 = arith.constant 4 : i32
        %div3A_642 = arith.divsi %add3A_640, %jit3A_641 : i32
        %sign3A_643 = arith.constant 0 : i32
        %sign3A_644 = arith.cmpi sgt, %add3A_640, %sign3A_643 : i32
        %sign3A_645 = arith.extui %sign3A_644 : i1 to i32
        %sign3A_646 = arith.constant 0 : i32
        %sign3A_647 = arith.cmpi slt, %add3A_640, %sign3A_646 : i32
        %sign3A_648 = arith.extui %sign3A_647 : i1 to i32
        %sign3A_649 = arith.subi %sign3A_645, %sign3A_648 : i32
        %sign3A_650 = arith.constant 0 : i32
        %sign3A_651 = arith.cmpi sgt, %jit3A_641, %sign3A_650 : i32
        %sign3A_652 = arith.extui %sign3A_651 : i1 to i32
        %sign3A_653 = arith.constant 0 : i32
        %sign3A_654 = arith.cmpi slt, %jit3A_641, %sign3A_653 : i32
        %sign3A_655 = arith.extui %sign3A_654 : i1 to i32
        %sign3A_656 = arith.subi %sign3A_652, %sign3A_655 : i32
        %ne3A_657 = arith.cmpi ne, %sign3A_649, %sign3A_656 : i32
        %rem3A_658 = arith.remsi %add3A_640, %jit3A_641 : i32
        %ne3A_659 = arith.constant 0 : i32
        %ne3A_660 = arith.cmpi ne, %rem3A_658, %ne3A_659 : i32
        %and3A_661 = arith.andi %ne3A_657, %ne3A_660 : i1
        %sub3A_662 = arith.constant 1 : i32
        %sub3A_663 = arith.subi %div3A_642, %sub3A_662 : i32
        %select_n3A_664 = arith.select %and3A_661, %sub3A_663, %div3A_642 : i32
        %rem3A_665 = arith.constant 4 : i32
        %rem3A_666 = arith.remsi %add3A_640, %rem3A_665 : i32
        %mul3A_667 = arith.constant 128 : i32
        %mul3A_668 = arith.muli %rem3A_666, %mul3A_667 : i32
        %dma_start3A_669 = arith.constant 1 : i32
        %dma_start3A_670 = arith.constant 1 : i32
        %dma_start3A_671 = arith.constant 0 : i32
        %dma_start3A_672 = arith.constant 0 : i32
        %dma_start3A_673 = tpu.memref_slice %arg6[%dma_start3A_669, %dma_start3A_671, %dma_start3A_672] : memref<4x129x64xf32, #tpu.memory_space<vmem>> -> memref<1x128x64xf32, #tpu.memory_space<vmem>>
        %dma_start3A_674 = tpu.memref_squeeze %dma_start3A_673 : memref<1x128x64xf32, #tpu.memory_space<vmem>> -> memref<128x64xf32, #tpu.memory_space<vmem>>
        %dma_start3A_675 = tpu.memref_slice %arg5[%select_n3A_664, %mul3A_668] : memref<26x512xi32, #tpu.memory_space<vmem>> -> memref<1x128xi32, #tpu.memory_space<vmem>>
        %dma_start3A_676 = tpu.memref_squeeze %dma_start3A_675 : memref<1x128xi32, #tpu.memory_space<vmem>> -> memref<128xi32, #tpu.memory_space<vmem>>
        %dma_start3A_677 = arith.constant 0 : i32
        %dma_start3A_678 = arith.constant 0 : i32
        %dma_start3A_679 = tpu.memref_slice %arg2[%dma_start3A_677, %dma_start3A_678] : memref<100000x64xf32, #tpu.memory_space<hbm>> -> memref<100000x64xf32, #tpu.memory_space<hbm>>
        %dma_start3A_680 = tpu.memref_slice %arg8[%dma_start3A_670] : memref<4x!tpu.dma_semaphore, #tpu.memory_space<semaphore_mem>> -> memref<1x!tpu.dma_semaphore, #tpu.memory_space<semaphore_mem>>
        %dma_start3A_681 = tpu.memref_squeeze %dma_start3A_680 : memref<1x!tpu.dma_semaphore, #tpu.memory_space<semaphore_mem>> -> memref<!tpu.dma_semaphore, #tpu.memory_space<semaphore_mem>>
        tpu.enqueue_indirect_dma source(%dma_start3A_679 : memref<100000x64xf32, #tpu.memory_space<hbm>>) target(%dma_start3A_674 : memref<128x64xf32, #tpu.memory_space<vmem>>) offsets(%dma_start3A_676 : memref<128xi32, #tpu.memory_space<vmem>>) semaphore(%dma_start3A_681 : memref<!tpu.dma_semaphore, #tpu.memory_space<semaphore_mem>>)
      } else {
      }
      %add3A_494 = arith.constant 2 : i32
      %add3A_495 = arith.addi %mul3A_4, %add3A_494 : i32
      %dma_start3A_496 = arith.constant 0 : i32
      %dma_start3A_497 = arith.constant 0 : i32
      %dma_start3A_498 = arith.constant 0 : i32
      %dma_start3A_499 = arith.constant 0 : i32
      %dma_start3A_500 = arith.constant 0 : i32
      %dma_start3A_501 = tpu.memref_slice %arg7[%dma_start3A_496, %dma_start3A_498, %dma_start3A_499, %dma_start3A_500] : memref<2x8x8x136xf32, #tpu.memory_space<vmem>> -> memref<1x8x8x128xf32, #tpu.memory_space<vmem>>
      %dma_start3A_502 = tpu.memref_squeeze %dma_start3A_501 : memref<1x8x8x128xf32, #tpu.memory_space<vmem>> -> memref<8x8x128xf32, #tpu.memory_space<vmem>>
      %dma_start3A_503 = arith.constant 0 : i32
      %dma_start3A_504 = arith.constant 0 : i32
      %dma_start3A_505 = arith.constant 0 : i32
      %dma_start3A_506 = tpu.memref_slice %arg4[%scan3A_209, %dma_start3A_503, %add3A_495, %dma_start3A_504, %dma_start3A_505] : memref<26x8x128x8x128xf32, #tpu.memory_space<hbm>> -> memref<1x8x1x8x128xf32, #tpu.memory_space<hbm>>
      %dma_start3A_507 = tpu.memref_squeeze %dma_start3A_506 : memref<1x8x1x8x128xf32, #tpu.memory_space<hbm>> -> memref<8x8x128xf32, #tpu.memory_space<hbm>>
      %dma_start3A_508 = tpu.memref_slice %arg9[%dma_start3A_497] : memref<2x!tpu.dma_semaphore, #tpu.memory_space<semaphore_mem>> -> memref<1x!tpu.dma_semaphore, #tpu.memory_space<semaphore_mem>>
      %dma_start3A_509 = tpu.memref_squeeze %dma_start3A_508 : memref<1x!tpu.dma_semaphore, #tpu.memory_space<semaphore_mem>> -> memref<!tpu.dma_semaphore, #tpu.memory_space<semaphore_mem>>
      %dma_start3A_510 = arith.constant 0 : i32
      %dma_start3A_511 = arith.constant 0 : i32
      %dma_start3A_512 = arith.constant 0 : i32
      %dma_start3A_513 = tpu.memref_slice %arg4[%scan3A_209, %dma_start3A_510, %add3A_495, %dma_start3A_511, %dma_start3A_512] : memref<26x8x128x8x128xf32, #tpu.memory_space<hbm>> -> memref<1x8x1x8x128xf32, #tpu.memory_space<hbm>>
      %dma_start3A_514 = tpu.memref_squeeze %dma_start3A_513 : memref<1x8x1x8x128xf32, #tpu.memory_space<hbm>> -> memref<8x8x128xf32, #tpu.memory_space<hbm>>
      %dma_start3A_515 = arith.constant 0 : i32
      %dma_start3A_516 = arith.constant 0 : i32
      %dma_start3A_517 = arith.constant 0 : i32
      %dma_start3A_518 = tpu.memref_slice %arg7[%dma_start3A_496, %dma_start3A_515, %dma_start3A_516, %dma_start3A_517] : memref<2x8x8x136xf32, #tpu.memory_space<vmem>> -> memref<1x8x8x128xf32, #tpu.memory_space<vmem>>
      %dma_start3A_519 = tpu.memref_squeeze %dma_start3A_518 : memref<1x8x8x128xf32, #tpu.memory_space<vmem>> -> memref<8x8x128xf32, #tpu.memory_space<vmem>>
      tpu.enqueue_dma source(%dma_start3A_519 : memref<8x8x128xf32, #tpu.memory_space<vmem>>) target(%dma_start3A_514 : memref<8x8x128xf32, #tpu.memory_space<hbm>>) target_semaphore(%dma_start3A_509 : memref<!tpu.dma_semaphore, #tpu.memory_space<semaphore_mem>>)
      %add3A_520 = arith.constant 3 : i32
      %add3A_521 = arith.addi %mul3A_212, %add3A_520 : i32
      %dma_wait3A_522 = arith.constant 0 : i32
      %dma_wait3A_523 = arith.constant 3 : i32
      %dma_wait3A_524 = arith.constant 3 : i32
      %dma_wait3A_525 = arith.constant 0 : i32
      %dma_wait3A_526 = arith.constant 0 : i32
      %dma_wait3A_527 = tpu.memref_slice %arg6[%dma_wait3A_523, %dma_wait3A_525, %dma_wait3A_526] : memref<4x129x64xf32, #tpu.memory_space<vmem>> -> memref<1x128x64xf32, #tpu.memory_space<vmem>>
      %dma_wait3A_528 = tpu.memref_squeeze %dma_wait3A_527 : memref<1x128x64xf32, #tpu.memory_space<vmem>> -> memref<128x64xf32, #tpu.memory_space<vmem>>
      %dma_wait3A_529 = arith.constant 0 : i32
      %dma_wait3A_530 = tpu.memref_slice %arg5[%dma_wait3A_522, %dma_wait3A_529] : memref<26x512xi32, #tpu.memory_space<vmem>> -> memref<1x128xi32, #tpu.memory_space<vmem>>
      %dma_wait3A_531 = tpu.memref_squeeze %dma_wait3A_530 : memref<1x128xi32, #tpu.memory_space<vmem>> -> memref<128xi32, #tpu.memory_space<vmem>>
      %dma_wait3A_532 = arith.constant 0 : i32
      %dma_wait3A_533 = arith.constant 0 : i32
      %dma_wait3A_534 = tpu.memref_slice %arg2[%dma_wait3A_532, %dma_wait3A_533] : memref<100000x64xf32, #tpu.memory_space<hbm>> -> memref<100000x64xf32, #tpu.memory_space<hbm>>
      %dma_wait3A_535 = tpu.memref_slice %arg8[%dma_wait3A_524] : memref<4x!tpu.dma_semaphore, #tpu.memory_space<semaphore_mem>> -> memref<1x!tpu.dma_semaphore, #tpu.memory_space<semaphore_mem>>
      %dma_wait3A_536 = tpu.memref_squeeze %dma_wait3A_535 : memref<1x!tpu.dma_semaphore, #tpu.memory_space<semaphore_mem>> -> memref<!tpu.dma_semaphore, #tpu.memory_space<semaphore_mem>>
      tpu.wait_indirect_dma semaphore(%dma_wait3A_536 : memref<!tpu.dma_semaphore, #tpu.memory_space<semaphore_mem>>) src(%dma_wait3A_534 : memref<100000x64xf32, #tpu.memory_space<hbm>>) dst(%dma_wait3A_528 : memref<128x64xf32, #tpu.memory_space<vmem>>)
      %dma_wait3A_537 = arith.constant 1 : i32
      %dma_wait3A_538 = arith.constant 0 : i32
      %dma_wait3A_539 = arith.constant 0 : i32
      %dma_wait3A_540 = arith.constant 1 : i32
      %dma_wait3A_541 = arith.constant 0 : i32
      %dma_wait3A_542 = arith.constant 0 : i32
      %dma_wait3A_543 = arith.constant 0 : i32
      %dma_wait3A_544 = tpu.memref_slice %arg7[%dma_wait3A_537, %dma_wait3A_541, %dma_wait3A_542, %dma_wait3A_543] : memref<2x8x8x136xf32, #tpu.memory_space<vmem>> -> memref<1x8x8x128xf32, #tpu.memory_space<vmem>>
      %dma_wait3A_545 = tpu.memref_squeeze %dma_wait3A_544 : memref<1x8x8x128xf32, #tpu.memory_space<vmem>> -> memref<8x8x128xf32, #tpu.memory_space<vmem>>
      %dma_wait3A_546 = arith.constant 0 : i32
      %dma_wait3A_547 = arith.constant 0 : i32
      %dma_wait3A_548 = arith.constant 0 : i32
      %dma_wait3A_549 = tpu.memref_slice %arg4[%dma_wait3A_538, %dma_wait3A_546, %dma_wait3A_539, %dma_wait3A_547, %dma_wait3A_548] : memref<26x8x128x8x128xf32, #tpu.memory_space<hbm>> -> memref<1x8x1x8x128xf32, #tpu.memory_space<hbm>>
      %dma_wait3A_550 = tpu.memref_squeeze %dma_wait3A_549 : memref<1x8x1x8x128xf32, #tpu.memory_space<hbm>> -> memref<8x8x128xf32, #tpu.memory_space<hbm>>
      %dma_wait3A_551 = tpu.memref_slice %arg9[%dma_wait3A_540] : memref<2x!tpu.dma_semaphore, #tpu.memory_space<semaphore_mem>> -> memref<1x!tpu.dma_semaphore, #tpu.memory_space<semaphore_mem>>
      %dma_wait3A_552 = tpu.memref_squeeze %dma_wait3A_551 : memref<1x!tpu.dma_semaphore, #tpu.memory_space<semaphore_mem>> -> memref<!tpu.dma_semaphore, #tpu.memory_space<semaphore_mem>>
      %dma_wait3A_553 = arith.constant 0 : i32
      %dma_wait3A_554 = arith.constant 0 : i32
      %dma_wait3A_555 = arith.constant 0 : i32
      %dma_wait3A_556 = tpu.memref_slice %arg4[%dma_wait3A_538, %dma_wait3A_553, %dma_wait3A_539, %dma_wait3A_554, %dma_wait3A_555] : memref<26x8x128x8x128xf32, #tpu.memory_space<hbm>> -> memref<1x8x1x8x128xf32, #tpu.memory_space<hbm>>
      %dma_wait3A_557 = tpu.memref_squeeze %dma_wait3A_556 : memref<1x8x1x8x128xf32, #tpu.memory_space<hbm>> -> memref<8x8x128xf32, #tpu.memory_space<hbm>>
      %dma_wait3A_558 = arith.constant 0 : i32
      %dma_wait3A_559 = arith.constant 0 : i32
      %dma_wait3A_560 = arith.constant 0 : i32
      %dma_wait3A_561 = tpu.memref_slice %arg7[%dma_wait3A_537, %dma_wait3A_558, %dma_wait3A_559, %dma_wait3A_560] : memref<2x8x8x136xf32, #tpu.memory_space<vmem>> -> memref<1x8x8x128xf32, #tpu.memory_space<vmem>>
      %dma_wait3A_562 = tpu.memref_squeeze %dma_wait3A_561 : memref<1x8x8x128xf32, #tpu.memory_space<vmem>> -> memref<8x8x128xf32, #tpu.memory_space<vmem>>
      tpu.wait_dma2 semaphore(%dma_wait3A_552 : memref<!tpu.dma_semaphore, #tpu.memory_space<semaphore_mem>>) src(%dma_wait3A_562 : memref<8x8x128xf32, #tpu.memory_space<vmem>>) dst(%dma_wait3A_557 : memref<8x8x128xf32, #tpu.memory_space<hbm>>)
      %get3A_563 = arith.constant 3 : i32
      %get3A_564 = arith.constant 0 : i32
      %get3A_565 = arith.constant 0 : i32
      %get3A_566 = arith.constant 0 : i32
      %get3A_567 = tpu.memref_slice %arg6[%get3A_563, %get3A_565, %get3A_566] : memref<4x129x64xf32, #tpu.memory_space<vmem>> -> memref<1x129x64xf32, #tpu.memory_space<vmem>>
      %get3A_568 = tpu.memref_squeeze %get3A_567 : memref<1x129x64xf32, #tpu.memory_space<vmem>> -> memref<129x64xf32, #tpu.memory_space<vmem>>
      %get3A_569 = arith.index_cast %get3A_564 : i32 to index
      %get3A_570 = arith.constant 0 : index
      %get3A_571 = tpu.vector_load %get3A_568[%get3A_569, %get3A_570] {strides = array<i32>} : memref<129x64xf32, #tpu.memory_space<vmem>>, vector<16xf32>,
      %get3A_572 = arith.constant 3 : i32
      %get3A_573 = arith.constant 0 : i32
      %get3A_574 = arith.constant 0 : i32
      %get3A_575 = arith.constant 0 : i32
      %get3A_576 = tpu.memref_slice %arg6[%get3A_572, %get3A_574, %get3A_575] : memref<4x129x64xf32, #tpu.memory_space<vmem>> -> memref<1x129x64xf32, #tpu.memory_space<vmem>>
      %get3A_577 = tpu.memref_squeeze %get3A_576 : memref<1x129x64xf32, #tpu.memory_space<vmem>> -> memref<129x64xf32, #tpu.memory_space<vmem>>
      %get3A_578 = arith.index_cast %get3A_573 : i32 to index
      %get3A_579 = arith.constant 16 : index
      %get3A_580 = tpu.vector_load %get3A_577[%get3A_578, %get3A_579] {strides = array<i32>} : memref<129x64xf32, #tpu.memory_space<vmem>>, vector<16xf32>,
      %get3A_581 = arith.constant 3 : i32
      %get3A_582 = arith.constant 0 : i32
      %get3A_583 = arith.constant 0 : i32
      %get3A_584 = arith.constant 0 : i32
      %get3A_585 = tpu.memref_slice %arg6[%get3A_581, %get3A_583, %get3A_584] : memref<4x129x64xf32, #tpu.memory_space<vmem>> -> memref<1x129x64xf32, #tpu.memory_space<vmem>>
      %get3A_586 = tpu.memref_squeeze %get3A_585 : memref<1x129x64xf32, #tpu.memory_space<vmem>> -> memref<129x64xf32, #tpu.memory_space<vmem>>
      %get3A_587 = arith.index_cast %get3A_582 : i32 to index
      %get3A_588 = arith.constant 32 : index
      %get3A_589 = tpu.vector_load %get3A_586[%get3A_587, %get3A_588] {strides = array<i32>} : memref<129x64xf32, #tpu.memory_space<vmem>>, vector<16xf32>,
      %get3A_590 = arith.constant 3 : i32
      %get3A_591 = arith.constant 0 : i32
      %get3A_592 = arith.constant 0 : i32
      %get3A_593 = arith.constant 0 : i32
      %get3A_594 = tpu.memref_slice %arg6[%get3A_590, %get3A_592, %get3A_593] : memref<4x129x64xf32, #tpu.memory_space<vmem>> -> memref<1x129x64xf32, #tpu.memory_space<vmem>>
      %get3A_595 = tpu.memref_squeeze %get3A_594 : memref<1x129x64xf32, #tpu.memory_space<vmem>> -> memref<129x64xf32, #tpu.memory_space<vmem>>
      %get3A_596 = arith.index_cast %get3A_591 : i32 to index
      %get3A_597 = arith.constant 48 : index
      %get3A_598 = tpu.vector_load %get3A_595[%get3A_596, %get3A_597] {strides = array<i32>} : memref<129x64xf32, #tpu.memory_space<vmem>>, vector<16xf32>,
      %scan3A_599 = arith.constant 3 : i32
      %scan3A_600 = arith.constant 1 : i32
      %scan3A_601 = arith.constant 0 : i32
      %scan3A_602 = arith.constant 128 : i32
      %scan3A_603 = arith.addi %scan3A_601, %scan3A_602 : i32
      %scan3A_604 = arith.constant 8 : i32
      %scan3A_605:4 = scf.for %scan3A_639 = %scan3A_601 to %scan3A_603 step %scan3A_604 iter_args(%scan3A_640 = %get3A_571, %scan3A_641 = %get3A_580, %scan3A_642 = %get3A_589, %scan3A_643 = %get3A_598) -> (vector<16xf32>, vector<16xf32>, vector<16xf32>, vector<16xf32>)  : i32 {
        %add3A_644 = arith.constant 1 : i32
        %add3A_645 = arith.addi %scan3A_639, %add3A_644 : i32
        %get3A_646 = arith.constant 0 : i32
        %get3A_647 = arith.constant 0 : i32
        %get3A_648 = tpu.memref_slice %arg6[%scan3A_599, %get3A_646, %get3A_647] : memref<4x129x64xf32, #tpu.memory_space<vmem>> -> memref<1x129x64xf32, #tpu.memory_space<vmem>>
        %get3A_649 = tpu.memref_squeeze %get3A_648 : memref<1x129x64xf32, #tpu.memory_space<vmem>> -> memref<129x64xf32, #tpu.memory_space<vmem>>
        %get3A_650 = arith.index_cast %add3A_645 : i32 to index
        %get3A_651 = arith.constant 0 : index
        %get3A_652 = tpu.vector_load %get3A_649[%get3A_650, %get3A_651] {strides = array<i32>} : memref<129x64xf32, #tpu.memory_space<vmem>>, vector<16xf32>,
        %get3A_653 = arith.constant 0 : i32
        %get3A_654 = arith.constant 0 : i32
        %get3A_655 = tpu.memref_slice %arg6[%scan3A_599, %get3A_653, %get3A_654] : memref<4x129x64xf32, #tpu.memory_space<vmem>> -> memref<1x129x64xf32, #tpu.memory_space<vmem>>
        %get3A_656 = tpu.memref_squeeze %get3A_655 : memref<1x129x64xf32, #tpu.memory_space<vmem>> -> memref<129x64xf32, #tpu.memory_space<vmem>>
        %get3A_657 = arith.index_cast %add3A_645 : i32 to index
        %get3A_658 = arith.constant 16 : index
        %get3A_659 = tpu.vector_load %get3A_656[%get3A_657, %get3A_658] {strides = array<i32>} : memref<129x64xf32, #tpu.memory_space<vmem>>, vector<16xf32>,
        %get3A_660 = arith.constant 0 : i32
        %get3A_661 = arith.constant 0 : i32
        %get3A_662 = tpu.memref_slice %arg6[%scan3A_599, %get3A_660, %get3A_661] : memref<4x129x64xf32, #tpu.memory_space<vmem>> -> memref<1x129x64xf32, #tpu.memory_space<vmem>>
        %get3A_663 = tpu.memref_squeeze %get3A_662 : memref<1x129x64xf32, #tpu.memory_space<vmem>> -> memref<129x64xf32, #tpu.memory_space<vmem>>
        %get3A_664 = arith.index_cast %add3A_645 : i32 to index
        %get3A_665 = arith.constant 32 : index
        %get3A_666 = tpu.vector_load %get3A_663[%get3A_664, %get3A_665] {strides = array<i32>} : memref<129x64xf32, #tpu.memory_space<vmem>>, vector<16xf32>,
        %get3A_667 = arith.constant 0 : i32
        %get3A_668 = arith.constant 0 : i32
        %get3A_669 = tpu.memref_slice %arg6[%scan3A_599, %get3A_667, %get3A_668] : memref<4x129x64xf32, #tpu.memory_space<vmem>> -> memref<1x129x64xf32, #tpu.memory_space<vmem>>
        %get3A_670 = tpu.memref_squeeze %get3A_669 : memref<1x129x64xf32, #tpu.memory_space<vmem>> -> memref<129x64xf32, #tpu.memory_space<vmem>>
        %get3A_671 = arith.index_cast %add3A_645 : i32 to index
        %get3A_672 = arith.constant 48 : index
        %get3A_673 = tpu.vector_load %get3A_670[%get3A_671, %get3A_672] {strides = array<i32>} : memref<129x64xf32, #tpu.memory_space<vmem>>, vector<16xf32>,
        %broadcast_in_dim3A = arith.constant 0 : i32
        %broadcast_in_dim3A_674 = vector.broadcast %broadcast_in_dim3A : i32 to vector<16xi32>
        %add3A_675 = vector.broadcast %scan3A_639 : i32 to vector<16xi32>
        %add3A_676 = arith.addi %broadcast_in_dim3A_674, %add3A_675 : vector<16xi32>
        %add3A_677 = arith.addi %mul3A_13, %add3A_676 : vector<16xi32>
        %scatter3A = arith.constant 0 : i32
        %scatter3A_678 = arith.constant 0 : i32
        %scatter3A_679 = arith.constant 0 : i32
        %scatter3A_680 = tpu.memref_slice %arg7[%scan3A_600, %scatter3A, %scatter3A_678, %scatter3A_679] : memref<2x8x8x136xf32, #tpu.memory_space<vmem>> -> memref<1x8x8x136xf32, #tpu.memory_space<vmem>>
        %scatter3A_681 = tpu.memref_squeeze %scatter3A_680 : memref<1x8x8x136xf32, #tpu.memory_space<vmem>> -> memref<8x8x136xf32, #tpu.memory_space<vmem>>
        tpu.vector_store_idx %scatter3A_681[%mul3A_7, %mul3A_7, %add3A_677], %scan3A_640 : memref<8x8x136xf32, #tpu.memory_space<vmem>>[vector<16xi32>, vector<16xi32>, vector<16xi32>], vector<16xf32>,
        %add3A_682 = arith.addi %mul3A_19, %add3A_676 : vector<16xi32>
        %scatter3A_683 = arith.constant 0 : i32
        %scatter3A_684 = arith.constant 0 : i32
        %scatter3A_685 = arith.constant 0 : i32
        %scatter3A_686 = tpu.memref_slice %arg7[%scan3A_600, %scatter3A_683, %scatter3A_684, %scatter3A_685] : memref<2x8x8x136xf32, #tpu.memory_space<vmem>> -> memref<1x8x8x136xf32, #tpu.memory_space<vmem>>
        %scatter3A_687 = tpu.memref_squeeze %scatter3A_686 : memref<1x8x8x136xf32, #tpu.memory_space<vmem>> -> memref<8x8x136xf32, #tpu.memory_space<vmem>>
        tpu.vector_store_idx %scatter3A_687[%mul3A_7, %mul3A_7, %add3A_682], %scan3A_641 : memref<8x8x136xf32, #tpu.memory_space<vmem>>[vector<16xi32>, vector<16xi32>, vector<16xi32>], vector<16xf32>,
        %add3A_688 = arith.addi %mul3A_25, %add3A_676 : vector<16xi32>
        %scatter3A_689 = arith.constant 0 : i32
        %scatter3A_690 = arith.constant 0 : i32
        %scatter3A_691 = arith.constant 0 : i32
        %scatter3A_692 = tpu.memref_slice %arg7[%scan3A_600, %scatter3A_689, %scatter3A_690, %scatter3A_691] : memref<2x8x8x136xf32, #tpu.memory_space<vmem>> -> memref<1x8x8x136xf32, #tpu.memory_space<vmem>>
        %scatter3A_693 = tpu.memref_squeeze %scatter3A_692 : memref<1x8x8x136xf32, #tpu.memory_space<vmem>> -> memref<8x8x136xf32, #tpu.memory_space<vmem>>
        tpu.vector_store_idx %scatter3A_693[%mul3A_7, %mul3A_7, %add3A_688], %scan3A_642 : memref<8x8x136xf32, #tpu.memory_space<vmem>>[vector<16xi32>, vector<16xi32>, vector<16xi32>], vector<16xf32>,
        %add3A_694 = arith.addi %mul3A_31, %add3A_676 : vector<16xi32>
        %scatter3A_695 = arith.constant 0 : i32
        %scatter3A_696 = arith.constant 0 : i32
        %scatter3A_697 = arith.constant 0 : i32
        %scatter3A_698 = tpu.memref_slice %arg7[%scan3A_600, %scatter3A_695, %scatter3A_696, %scatter3A_697] : memref<2x8x8x136xf32, #tpu.memory_space<vmem>> -> memref<1x8x8x136xf32, #tpu.memory_space<vmem>>
        %scatter3A_699 = tpu.memref_squeeze %scatter3A_698 : memref<1x8x8x136xf32, #tpu.memory_space<vmem>> -> memref<8x8x136xf32, #tpu.memory_space<vmem>>
        tpu.vector_store_idx %scatter3A_699[%mul3A_7, %mul3A_7, %add3A_694], %scan3A_643 : memref<8x8x136xf32, #tpu.memory_space<vmem>>[vector<16xi32>, vector<16xi32>, vector<16xi32>], vector<16xf32>,
        %scan3A_700 = arith.constant 1 : i32
        %scan3A_701 = arith.addi %scan3A_639, %scan3A_700 : i32
        %add3A_702 = arith.constant 1 : i32
        %add3A_703 = arith.addi %scan3A_701, %add3A_702 : i32
        %get3A_704 = arith.constant 0 : i32
        %get3A_705 = arith.constant 0 : i32
        %get3A_706 = tpu.memref_slice %arg6[%scan3A_599, %get3A_704, %get3A_705] : memref<4x129x64xf32, #tpu.memory_space<vmem>> -> memref<1x129x64xf32, #tpu.memory_space<vmem>>
        %get3A_707 = tpu.memref_squeeze %get3A_706 : memref<1x129x64xf32, #tpu.memory_space<vmem>> -> memref<129x64xf32, #tpu.memory_space<vmem>>
        %get3A_708 = arith.index_cast %add3A_703 : i32 to index
        %get3A_709 = arith.constant 0 : index
        %get3A_710 = tpu.vector_load %get3A_707[%get3A_708, %get3A_709] {strides = array<i32>} : memref<129x64xf32, #tpu.memory_space<vmem>>, vector<16xf32>,
        %get3A_711 = arith.constant 0 : i32
        %get3A_712 = arith.constant 0 : i32
        %get3A_713 = tpu.memref_slice %arg6[%scan3A_599, %get3A_711, %get3A_712] : memref<4x129x64xf32, #tpu.memory_space<vmem>> -> memref<1x129x64xf32, #tpu.memory_space<vmem>>
        %get3A_714 = tpu.memref_squeeze %get3A_713 : memref<1x129x64xf32, #tpu.memory_space<vmem>> -> memref<129x64xf32, #tpu.memory_space<vmem>>
        %get3A_715 = arith.index_cast %add3A_703 : i32 to index
        %get3A_716 = arith.constant 16 : index
        %get3A_717 = tpu.vector_load %get3A_714[%get3A_715, %get3A_716] {strides = array<i32>} : memref<129x64xf32, #tpu.memory_space<vmem>>, vector<16xf32>,
        %get3A_718 = arith.constant 0 : i32
        %get3A_719 = arith.constant 0 : i32
        %get3A_720 = tpu.memref_slice %arg6[%scan3A_599, %get3A_718, %get3A_719] : memref<4x129x64xf32, #tpu.memory_space<vmem>> -> memref<1x129x64xf32, #tpu.memory_space<vmem>>
        %get3A_721 = tpu.memref_squeeze %get3A_720 : memref<1x129x64xf32, #tpu.memory_space<vmem>> -> memref<129x64xf32, #tpu.memory_space<vmem>>
        %get3A_722 = arith.index_cast %add3A_703 : i32 to index
        %get3A_723 = arith.constant 32 : index
        %get3A_724 = tpu.vector_load %get3A_721[%get3A_722, %get3A_723] {strides = array<i32>} : memref<129x64xf32, #tpu.memory_space<vmem>>, vector<16xf32>,
        %get3A_725 = arith.constant 0 : i32
        %get3A_726 = arith.constant 0 : i32
        %get3A_727 = tpu.memref_slice %arg6[%scan3A_599, %get3A_725, %get3A_726] : memref<4x129x64xf32, #tpu.memory_space<vmem>> -> memref<1x129x64xf32, #tpu.memory_space<vmem>>
        %get3A_728 = tpu.memref_squeeze %get3A_727 : memref<1x129x64xf32, #tpu.memory_space<vmem>> -> memref<129x64xf32, #tpu.memory_space<vmem>>
        %get3A_729 = arith.index_cast %add3A_703 : i32 to index
        %get3A_730 = arith.constant 48 : index
        %get3A_731 = tpu.vector_load %get3A_728[%get3A_729, %get3A_730] {strides = array<i32>} : memref<129x64xf32, #tpu.memory_space<vmem>>, vector<16xf32>,
        %broadcast_in_dim3A_732 = arith.constant 0 : i32
        %broadcast_in_dim3A_733 = vector.broadcast %broadcast_in_dim3A_732 : i32 to vector<16xi32>
        %add3A_734 = vector.broadcast %scan3A_701 : i32 to vector<16xi32>
        %add3A_735 = arith.addi %broadcast_in_dim3A_733, %add3A_734 : vector<16xi32>
        %add3A_736 = arith.addi %mul3A_13, %add3A_735 : vector<16xi32>
        %scatter3A_737 = arith.constant 0 : i32
        %scatter3A_738 = arith.constant 0 : i32
        %scatter3A_739 = arith.constant 0 : i32
        %scatter3A_740 = tpu.memref_slice %arg7[%scan3A_600, %scatter3A_737, %scatter3A_738, %scatter3A_739] : memref<2x8x8x136xf32, #tpu.memory_space<vmem>> -> memref<1x8x8x136xf32, #tpu.memory_space<vmem>>
        %scatter3A_741 = tpu.memref_squeeze %scatter3A_740 : memref<1x8x8x136xf32, #tpu.memory_space<vmem>> -> memref<8x8x136xf32, #tpu.memory_space<vmem>>
        tpu.vector_store_idx %scatter3A_741[%mul3A_7, %mul3A_7, %add3A_736], %get3A_652 : memref<8x8x136xf32, #tpu.memory_space<vmem>>[vector<16xi32>, vector<16xi32>, vector<16xi32>], vector<16xf32>,
        %add3A_742 = arith.addi %mul3A_19, %add3A_735 : vector<16xi32>
        %scatter3A_743 = arith.constant 0 : i32
        %scatter3A_744 = arith.constant 0 : i32
        %scatter3A_745 = arith.constant 0 : i32
        %scatter3A_746 = tpu.memref_slice %arg7[%scan3A_600, %scatter3A_743, %scatter3A_744, %scatter3A_745] : memref<2x8x8x136xf32, #tpu.memory_space<vmem>> -> memref<1x8x8x136xf32, #tpu.memory_space<vmem>>
        %scatter3A_747 = tpu.memref_squeeze %scatter3A_746 : memref<1x8x8x136xf32, #tpu.memory_space<vmem>> -> memref<8x8x136xf32, #tpu.memory_space<vmem>>
        tpu.vector_store_idx %scatter3A_747[%mul3A_7, %mul3A_7, %add3A_742], %get3A_659 : memref<8x8x136xf32, #tpu.memory_space<vmem>>[vector<16xi32>, vector<16xi32>, vector<16xi32>], vector<16xf32>,
        %add3A_748 = arith.addi %mul3A_25, %add3A_735 : vector<16xi32>
        %scatter3A_749 = arith.constant 0 : i32
        %scatter3A_750 = arith.constant 0 : i32
        %scatter3A_751 = arith.constant 0 : i32
        %scatter3A_752 = tpu.memref_slice %arg7[%scan3A_600, %scatter3A_749, %scatter3A_750, %scatter3A_751] : memref<2x8x8x136xf32, #tpu.memory_space<vmem>> -> memref<1x8x8x136xf32, #tpu.memory_space<vmem>>
        %scatter3A_753 = tpu.memref_squeeze %scatter3A_752 : memref<1x8x8x136xf32, #tpu.memory_space<vmem>> -> memref<8x8x136xf32, #tpu.memory_space<vmem>>
        tpu.vector_store_idx %scatter3A_753[%mul3A_7, %mul3A_7, %add3A_748], %get3A_666 : memref<8x8x136xf32, #tpu.memory_space<vmem>>[vector<16xi32>, vector<16xi32>, vector<16xi32>], vector<16xf32>,
        %add3A_754 = arith.addi %mul3A_31, %add3A_735 : vector<16xi32>
        %scatter3A_755 = arith.constant 0 : i32
        %scatter3A_756 = arith.constant 0 : i32
        %scatter3A_757 = arith.constant 0 : i32
        %scatter3A_758 = tpu.memref_slice %arg7[%scan3A_600, %scatter3A_755, %scatter3A_756, %scatter3A_757] : memref<2x8x8x136xf32, #tpu.memory_space<vmem>> -> memref<1x8x8x136xf32, #tpu.memory_space<vmem>>
        %scatter3A_759 = tpu.memref_squeeze %scatter3A_758 : memref<1x8x8x136xf32, #tpu.memory_space<vmem>> -> memref<8x8x136xf32, #tpu.memory_space<vmem>>
        tpu.vector_store_idx %scatter3A_759[%mul3A_7, %mul3A_7, %add3A_754], %get3A_673 : memref<8x8x136xf32, #tpu.memory_space<vmem>>[vector<16xi32>, vector<16xi32>, vector<16xi32>], vector<16xf32>,
        %scan3A_760 = arith.constant 2 : i32
        %scan3A_761 = arith.addi %scan3A_639, %scan3A_760 : i32
        %add3A_762 = arith.constant 1 : i32
        %add3A_763 = arith.addi %scan3A_761, %add3A_762 : i32
        %get3A_764 = arith.constant 0 : i32
        %get3A_765 = arith.constant 0 : i32
        %get3A_766 = tpu.memref_slice %arg6[%scan3A_599, %get3A_764, %get3A_765] : memref<4x129x64xf32, #tpu.memory_space<vmem>> -> memref<1x129x64xf32, #tpu.memory_space<vmem>>
        %get3A_767 = tpu.memref_squeeze %get3A_766 : memref<1x129x64xf32, #tpu.memory_space<vmem>> -> memref<129x64xf32, #tpu.memory_space<vmem>>
        %get3A_768 = arith.index_cast %add3A_763 : i32 to index
        %get3A_769 = arith.constant 0 : index
        %get3A_770 = tpu.vector_load %get3A_767[%get3A_768, %get3A_769] {strides = array<i32>} : memref<129x64xf32, #tpu.memory_space<vmem>>, vector<16xf32>,
        %get3A_771 = arith.constant 0 : i32
        %get3A_772 = arith.constant 0 : i32
        %get3A_773 = tpu.memref_slice %arg6[%scan3A_599, %get3A_771, %get3A_772] : memref<4x129x64xf32, #tpu.memory_space<vmem>> -> memref<1x129x64xf32, #tpu.memory_space<vmem>>
        %get3A_774 = tpu.memref_squeeze %get3A_773 : memref<1x129x64xf32, #tpu.memory_space<vmem>> -> memref<129x64xf32, #tpu.memory_space<vmem>>
        %get3A_775 = arith.index_cast %add3A_763 : i32 to index
        %get3A_776 = arith.constant 16 : index
        %get3A_777 = tpu.vector_load %get3A_774[%get3A_775, %get3A_776] {strides = array<i32>} : memref<129x64xf32, #tpu.memory_space<vmem>>, vector<16xf32>,
        %get3A_778 = arith.constant 0 : i32
        %get3A_779 = arith.constant 0 : i32
        %get3A_780 = tpu.memref_slice %arg6[%scan3A_599, %get3A_778, %get3A_779] : memref<4x129x64xf32, #tpu.memory_space<vmem>> -> memref<1x129x64xf32, #tpu.memory_space<vmem>>
        %get3A_781 = tpu.memref_squeeze %get3A_780 : memref<1x129x64xf32, #tpu.memory_space<vmem>> -> memref<129x64xf32, #tpu.memory_space<vmem>>
        %get3A_782 = arith.index_cast %add3A_763 : i32 to index
        %get3A_783 = arith.constant 32 : index
        %get3A_784 = tpu.vector_load %get3A_781[%get3A_782, %get3A_783] {strides = array<i32>} : memref<129x64xf32, #tpu.memory_space<vmem>>, vector<16xf32>,
        %get3A_785 = arith.constant 0 : i32
        %get3A_786 = arith.constant 0 : i32
        %get3A_787 = tpu.memref_slice %arg6[%scan3A_599, %get3A_785, %get3A_786] : memref<4x129x64xf32, #tpu.memory_space<vmem>> -> memref<1x129x64xf32, #tpu.memory_space<vmem>>
        %get3A_788 = tpu.memref_squeeze %get3A_787 : memref<1x129x64xf32, #tpu.memory_space<vmem>> -> memref<129x64xf32, #tpu.memory_space<vmem>>
        %get3A_789 = arith.index_cast %add3A_763 : i32 to index
        %get3A_790 = arith.constant 48 : index
        %get3A_791 = tpu.vector_load %get3A_788[%get3A_789, %get3A_790] {strides = array<i32>} : memref<129x64xf32, #tpu.memory_space<vmem>>, vector<16xf32>,
        %broadcast_in_dim3A_792 = arith.constant 0 : i32
        %broadcast_in_dim3A_793 = vector.broadcast %broadcast_in_dim3A_792 : i32 to vector<16xi32>
        %add3A_794 = vector.broadcast %scan3A_761 : i32 to vector<16xi32>
        %add3A_795 = arith.addi %broadcast_in_dim3A_793, %add3A_794 : vector<16xi32>
        %add3A_796 = arith.addi %mul3A_13, %add3A_795 : vector<16xi32>
        %scatter3A_797 = arith.constant 0 : i32
        %scatter3A_798 = arith.constant 0 : i32
        %scatter3A_799 = arith.constant 0 : i32
        %scatter3A_800 = tpu.memref_slice %arg7[%scan3A_600, %scatter3A_797, %scatter3A_798, %scatter3A_799] : memref<2x8x8x136xf32, #tpu.memory_space<vmem>> -> memref<1x8x8x136xf32, #tpu.memory_space<vmem>>
        %scatter3A_801 = tpu.memref_squeeze %scatter3A_800 : memref<1x8x8x136xf32, #tpu.memory_space<vmem>> -> memref<8x8x136xf32, #tpu.memory_space<vmem>>
        tpu.vector_store_idx %scatter3A_801[%mul3A_7, %mul3A_7, %add3A_796], %get3A_710 : memref<8x8x136xf32, #tpu.memory_space<vmem>>[vector<16xi32>, vector<16xi32>, vector<16xi32>], vector<16xf32>,
        %add3A_802 = arith.addi %mul3A_19, %add3A_795 : vector<16xi32>
        %scatter3A_803 = arith.constant 0 : i32
        %scatter3A_804 = arith.constant 0 : i32
        %scatter3A_805 = arith.constant 0 : i32
        %scatter3A_806 = tpu.memref_slice %arg7[%scan3A_600, %scatter3A_803, %scatter3A_804, %scatter3A_805] : memref<2x8x8x136xf32, #tpu.memory_space<vmem>> -> memref<1x8x8x136xf32, #tpu.memory_space<vmem>>
        %scatter3A_807 = tpu.memref_squeeze %scatter3A_806 : memref<1x8x8x136xf32, #tpu.memory_space<vmem>> -> memref<8x8x136xf32, #tpu.memory_space<vmem>>
        tpu.vector_store_idx %scatter3A_807[%mul3A_7, %mul3A_7, %add3A_802], %get3A_717 : memref<8x8x136xf32, #tpu.memory_space<vmem>>[vector<16xi32>, vector<16xi32>, vector<16xi32>], vector<16xf32>,
        %add3A_808 = arith.addi %mul3A_25, %add3A_795 : vector<16xi32>
        %scatter3A_809 = arith.constant 0 : i32
        %scatter3A_810 = arith.constant 0 : i32
        %scatter3A_811 = arith.constant 0 : i32
        %scatter3A_812 = tpu.memref_slice %arg7[%scan3A_600, %scatter3A_809, %scatter3A_810, %scatter3A_811] : memref<2x8x8x136xf32, #tpu.memory_space<vmem>> -> memref<1x8x8x136xf32, #tpu.memory_space<vmem>>
        %scatter3A_813 = tpu.memref_squeeze %scatter3A_812 : memref<1x8x8x136xf32, #tpu.memory_space<vmem>> -> memref<8x8x136xf32, #tpu.memory_space<vmem>>
        tpu.vector_store_idx %scatter3A_813[%mul3A_7, %mul3A_7, %add3A_808], %get3A_724 : memref<8x8x136xf32, #tpu.memory_space<vmem>>[vector<16xi32>, vector<16xi32>, vector<16xi32>], vector<16xf32>,
        %add3A_814 = arith.addi %mul3A_31, %add3A_795 : vector<16xi32>
        %scatter3A_815 = arith.constant 0 : i32
        %scatter3A_816 = arith.constant 0 : i32
        %scatter3A_817 = arith.constant 0 : i32
        %scatter3A_818 = tpu.memref_slice %arg7[%scan3A_600, %scatter3A_815, %scatter3A_816, %scatter3A_817] : memref<2x8x8x136xf32, #tpu.memory_space<vmem>> -> memref<1x8x8x136xf32, #tpu.memory_space<vmem>>
        %scatter3A_819 = tpu.memref_squeeze %scatter3A_818 : memref<1x8x8x136xf32, #tpu.memory_space<vmem>> -> memref<8x8x136xf32, #tpu.memory_space<vmem>>
        tpu.vector_store_idx %scatter3A_819[%mul3A_7, %mul3A_7, %add3A_814], %get3A_731 : memref<8x8x136xf32, #tpu.memory_space<vmem>>[vector<16xi32>, vector<16xi32>, vector<16xi32>], vector<16xf32>,
        %scan3A_820 = arith.constant 3 : i32
        %scan3A_821 = arith.addi %scan3A_639, %scan3A_820 : i32
        %add3A_822 = arith.constant 1 : i32
        %add3A_823 = arith.addi %scan3A_821, %add3A_822 : i32
        %get3A_824 = arith.constant 0 : i32
        %get3A_825 = arith.constant 0 : i32
        %get3A_826 = tpu.memref_slice %arg6[%scan3A_599, %get3A_824, %get3A_825] : memref<4x129x64xf32, #tpu.memory_space<vmem>> -> memref<1x129x64xf32, #tpu.memory_space<vmem>>
        %get3A_827 = tpu.memref_squeeze %get3A_826 : memref<1x129x64xf32, #tpu.memory_space<vmem>> -> memref<129x64xf32, #tpu.memory_space<vmem>>
        %get3A_828 = arith.index_cast %add3A_823 : i32 to index
        %get3A_829 = arith.constant 0 : index
        %get3A_830 = tpu.vector_load %get3A_827[%get3A_828, %get3A_829] {strides = array<i32>} : memref<129x64xf32, #tpu.memory_space<vmem>>, vector<16xf32>,
        %get3A_831 = arith.constant 0 : i32
        %get3A_832 = arith.constant 0 : i32
        %get3A_833 = tpu.memref_slice %arg6[%scan3A_599, %get3A_831, %get3A_832] : memref<4x129x64xf32, #tpu.memory_space<vmem>> -> memref<1x129x64xf32, #tpu.memory_space<vmem>>
        %get3A_834 = tpu.memref_squeeze %get3A_833 : memref<1x129x64xf32, #tpu.memory_space<vmem>> -> memref<129x64xf32, #tpu.memory_space<vmem>>
        %get3A_835 = arith.index_cast %add3A_823 : i32 to index
        %get3A_836 = arith.constant 16 : index
        %get3A_837 = tpu.vector_load %get3A_834[%get3A_835, %get3A_836] {strides = array<i32>} : memref<129x64xf32, #tpu.memory_space<vmem>>, vector<16xf32>,
        %get3A_838 = arith.constant 0 : i32
        %get3A_839 = arith.constant 0 : i32
        %get3A_840 = tpu.memref_slice %arg6[%scan3A_599, %get3A_838, %get3A_839] : memref<4x129x64xf32, #tpu.memory_space<vmem>> -> memref<1x129x64xf32, #tpu.memory_space<vmem>>
        %get3A_841 = tpu.memref_squeeze %get3A_840 : memref<1x129x64xf32, #tpu.memory_space<vmem>> -> memref<129x64xf32, #tpu.memory_space<vmem>>
        %get3A_842 = arith.index_cast %add3A_823 : i32 to index
        %get3A_843 = arith.constant 32 : index
        %get3A_844 = tpu.vector_load %get3A_841[%get3A_842, %get3A_843] {strides = array<i32>} : memref<129x64xf32, #tpu.memory_space<vmem>>, vector<16xf32>,
        %get3A_845 = arith.constant 0 : i32
        %get3A_846 = arith.constant 0 : i32
        %get3A_847 = tpu.memref_slice %arg6[%scan3A_599, %get3A_845, %get3A_846] : memref<4x129x64xf32, #tpu.memory_space<vmem>> -> memref<1x129x64xf32, #tpu.memory_space<vmem>>
        %get3A_848 = tpu.memref_squeeze %get3A_847 : memref<1x129x64xf32, #tpu.memory_space<vmem>> -> memref<129x64xf32, #tpu.memory_space<vmem>>
        %get3A_849 = arith.index_cast %add3A_823 : i32 to index
        %get3A_850 = arith.constant 48 : index
        %get3A_851 = tpu.vector_load %get3A_848[%get3A_849, %get3A_850] {strides = array<i32>} : memref<129x64xf32, #tpu.memory_space<vmem>>, vector<16xf32>,
        %broadcast_in_dim3A_852 = arith.constant 0 : i32
        %broadcast_in_dim3A_853 = vector.broadcast %broadcast_in_dim3A_852 : i32 to vector<16xi32>
        %add3A_854 = vector.broadcast %scan3A_821 : i32 to vector<16xi32>
        %add3A_855 = arith.addi %broadcast_in_dim3A_853, %add3A_854 : vector<16xi32>
        %add3A_856 = arith.addi %mul3A_13, %add3A_855 : vector<16xi32>
        %scatter3A_857 = arith.constant 0 : i32
        %scatter3A_858 = arith.constant 0 : i32
        %scatter3A_859 = arith.constant 0 : i32
        %scatter3A_860 = tpu.memref_slice %arg7[%scan3A_600, %scatter3A_857, %scatter3A_858, %scatter3A_859] : memref<2x8x8x136xf32, #tpu.memory_space<vmem>> -> memref<1x8x8x136xf32, #tpu.memory_space<vmem>>
        %scatter3A_861 = tpu.memref_squeeze %scatter3A_860 : memref<1x8x8x136xf32, #tpu.memory_space<vmem>> -> memref<8x8x136xf32, #tpu.memory_space<vmem>>
        tpu.vector_store_idx %scatter3A_861[%mul3A_7, %mul3A_7, %add3A_856], %get3A_770 : memref<8x8x136xf32, #tpu.memory_space<vmem>>[vector<16xi32>, vector<16xi32>, vector<16xi32>], vector<16xf32>,
        %add3A_862 = arith.addi %mul3A_19, %add3A_855 : vector<16xi32>
        %scatter3A_863 = arith.constant 0 : i32
        %scatter3A_864 = arith.constant 0 : i32
        %scatter3A_865 = arith.constant 0 : i32
        %scatter3A_866 = tpu.memref_slice %arg7[%scan3A_600, %scatter3A_863, %scatter3A_864, %scatter3A_865] : memref<2x8x8x136xf32, #tpu.memory_space<vmem>> -> memref<1x8x8x136xf32, #tpu.memory_space<vmem>>
        %scatter3A_867 = tpu.memref_squeeze %scatter3A_866 : memref<1x8x8x136xf32, #tpu.memory_space<vmem>> -> memref<8x8x136xf32, #tpu.memory_space<vmem>>
        tpu.vector_store_idx %scatter3A_867[%mul3A_7, %mul3A_7, %add3A_862], %get3A_777 : memref<8x8x136xf32, #tpu.memory_space<vmem>>[vector<16xi32>, vector<16xi32>, vector<16xi32>], vector<16xf32>,
        %add3A_868 = arith.addi %mul3A_25, %add3A_855 : vector<16xi32>
        %scatter3A_869 = arith.constant 0 : i32
        %scatter3A_870 = arith.constant 0 : i32
        %scatter3A_871 = arith.constant 0 : i32
        %scatter3A_872 = tpu.memref_slice %arg7[%scan3A_600, %scatter3A_869, %scatter3A_870, %scatter3A_871] : memref<2x8x8x136xf32, #tpu.memory_space<vmem>> -> memref<1x8x8x136xf32, #tpu.memory_space<vmem>>
        %scatter3A_873 = tpu.memref_squeeze %scatter3A_872 : memref<1x8x8x136xf32, #tpu.memory_space<vmem>> -> memref<8x8x136xf32, #tpu.memory_space<vmem>>
        tpu.vector_store_idx %scatter3A_873[%mul3A_7, %mul3A_7, %add3A_868], %get3A_784 : memref<8x8x136xf32, #tpu.memory_space<vmem>>[vector<16xi32>, vector<16xi32>, vector<16xi32>], vector<16xf32>,
        %add3A_874 = arith.addi %mul3A_31, %add3A_855 : vector<16xi32>
        %scatter3A_875 = arith.constant 0 : i32
        %scatter3A_876 = arith.constant 0 : i32
        %scatter3A_877 = arith.constant 0 : i32
        %scatter3A_878 = tpu.memref_slice %arg7[%scan3A_600, %scatter3A_875, %scatter3A_876, %scatter3A_877] : memref<2x8x8x136xf32, #tpu.memory_space<vmem>> -> memref<1x8x8x136xf32, #tpu.memory_space<vmem>>
        %scatter3A_879 = tpu.memref_squeeze %scatter3A_878 : memref<1x8x8x136xf32, #tpu.memory_space<vmem>> -> memref<8x8x136xf32, #tpu.memory_space<vmem>>
        tpu.vector_store_idx %scatter3A_879[%mul3A_7, %mul3A_7, %add3A_874], %get3A_791 : memref<8x8x136xf32, #tpu.memory_space<vmem>>[vector<16xi32>, vector<16xi32>, vector<16xi32>], vector<16xf32>,
        %scan3A_880 = arith.constant 4 : i32
        %scan3A_881 = arith.addi %scan3A_639, %scan3A_880 : i32
        %add3A_882 = arith.constant 1 : i32
        %add3A_883 = arith.addi %scan3A_881, %add3A_882 : i32
        %get3A_884 = arith.constant 0 : i32
        %get3A_885 = arith.constant 0 : i32
        %get3A_886 = tpu.memref_slice %arg6[%scan3A_599, %get3A_884, %get3A_885] : memref<4x129x64xf32, #tpu.memory_space<vmem>> -> memref<1x129x64xf32, #tpu.memory_space<vmem>>
        %get3A_887 = tpu.memref_squeeze %get3A_886 : memref<1x129x64xf32, #tpu.memory_space<vmem>> -> memref<129x64xf32, #tpu.memory_space<vmem>>
        %get3A_888 = arith.index_cast %add3A_883 : i32 to index
        %get3A_889 = arith.constant 0 : index
        %get3A_890 = tpu.vector_load %get3A_887[%get3A_888, %get3A_889] {strides = array<i32>} : memref<129x64xf32, #tpu.memory_space<vmem>>, vector<16xf32>,
        %get3A_891 = arith.constant 0 : i32
        %get3A_892 = arith.constant 0 : i32
        %get3A_893 = tpu.memref_slice %arg6[%scan3A_599, %get3A_891, %get3A_892] : memref<4x129x64xf32, #tpu.memory_space<vmem>> -> memref<1x129x64xf32, #tpu.memory_space<vmem>>
        %get3A_894 = tpu.memref_squeeze %get3A_893 : memref<1x129x64xf32, #tpu.memory_space<vmem>> -> memref<129x64xf32, #tpu.memory_space<vmem>>
        %get3A_895 = arith.index_cast %add3A_883 : i32 to index
        %get3A_896 = arith.constant 16 : index
        %get3A_897 = tpu.vector_load %get3A_894[%get3A_895, %get3A_896] {strides = array<i32>} : memref<129x64xf32, #tpu.memory_space<vmem>>, vector<16xf32>,
        %get3A_898 = arith.constant 0 : i32
        %get3A_899 = arith.constant 0 : i32
        %get3A_900 = tpu.memref_slice %arg6[%scan3A_599, %get3A_898, %get3A_899] : memref<4x129x64xf32, #tpu.memory_space<vmem>> -> memref<1x129x64xf32, #tpu.memory_space<vmem>>
        %get3A_901 = tpu.memref_squeeze %get3A_900 : memref<1x129x64xf32, #tpu.memory_space<vmem>> -> memref<129x64xf32, #tpu.memory_space<vmem>>
        %get3A_902 = arith.index_cast %add3A_883 : i32 to index
        %get3A_903 = arith.constant 32 : index
        %get3A_904 = tpu.vector_load %get3A_901[%get3A_902, %get3A_903] {strides = array<i32>} : memref<129x64xf32, #tpu.memory_space<vmem>>, vector<16xf32>,
        %get3A_905 = arith.constant 0 : i32
        %get3A_906 = arith.constant 0 : i32
        %get3A_907 = tpu.memref_slice %arg6[%scan3A_599, %get3A_905, %get3A_906] : memref<4x129x64xf32, #tpu.memory_space<vmem>> -> memref<1x129x64xf32, #tpu.memory_space<vmem>>
        %get3A_908 = tpu.memref_squeeze %get3A_907 : memref<1x129x64xf32, #tpu.memory_space<vmem>> -> memref<129x64xf32, #tpu.memory_space<vmem>>
        %get3A_909 = arith.index_cast %add3A_883 : i32 to index
        %get3A_910 = arith.constant 48 : index
        %get3A_911 = tpu.vector_load %get3A_908[%get3A_909, %get3A_910] {strides = array<i32>} : memref<129x64xf32, #tpu.memory_space<vmem>>, vector<16xf32>,
        %broadcast_in_dim3A_912 = arith.constant 0 : i32
        %broadcast_in_dim3A_913 = vector.broadcast %broadcast_in_dim3A_912 : i32 to vector<16xi32>
        %add3A_914 = vector.broadcast %scan3A_881 : i32 to vector<16xi32>
        %add3A_915 = arith.addi %broadcast_in_dim3A_913, %add3A_914 : vector<16xi32>
        %add3A_916 = arith.addi %mul3A_13, %add3A_915 : vector<16xi32>
        %scatter3A_917 = arith.constant 0 : i32
        %scatter3A_918 = arith.constant 0 : i32
        %scatter3A_919 = arith.constant 0 : i32
        %scatter3A_920 = tpu.memref_slice %arg7[%scan3A_600, %scatter3A_917, %scatter3A_918, %scatter3A_919] : memref<2x8x8x136xf32, #tpu.memory_space<vmem>> -> memref<1x8x8x136xf32, #tpu.memory_space<vmem>>
        %scatter3A_921 = tpu.memref_squeeze %scatter3A_920 : memref<1x8x8x136xf32, #tpu.memory_space<vmem>> -> memref<8x8x136xf32, #tpu.memory_space<vmem>>
        tpu.vector_store_idx %scatter3A_921[%mul3A_7, %mul3A_7, %add3A_916], %get3A_830 : memref<8x8x136xf32, #tpu.memory_space<vmem>>[vector<16xi32>, vector<16xi32>, vector<16xi32>], vector<16xf32>,
        %add3A_922 = arith.addi %mul3A_19, %add3A_915 : vector<16xi32>
        %scatter3A_923 = arith.constant 0 : i32
        %scatter3A_924 = arith.constant 0 : i32
        %scatter3A_925 = arith.constant 0 : i32
        %scatter3A_926 = tpu.memref_slice %arg7[%scan3A_600, %scatter3A_923, %scatter3A_924, %scatter3A_925] : memref<2x8x8x136xf32, #tpu.memory_space<vmem>> -> memref<1x8x8x136xf32, #tpu.memory_space<vmem>>
        %scatter3A_927 = tpu.memref_squeeze %scatter3A_926 : memref<1x8x8x136xf32, #tpu.memory_space<vmem>> -> memref<8x8x136xf32, #tpu.memory_space<vmem>>
        tpu.vector_store_idx %scatter3A_927[%mul3A_7, %mul3A_7, %add3A_922], %get3A_837 : memref<8x8x136xf32, #tpu.memory_space<vmem>>[vector<16xi32>, vector<16xi32>, vector<16xi32>], vector<16xf32>,
        %add3A_928 = arith.addi %mul3A_25, %add3A_915 : vector<16xi32>
        %scatter3A_929 = arith.constant 0 : i32
        %scatter3A_930 = arith.constant 0 : i32
        %scatter3A_931 = arith.constant 0 : i32
        %scatter3A_932 = tpu.memref_slice %arg7[%scan3A_600, %scatter3A_929, %scatter3A_930, %scatter3A_931] : memref<2x8x8x136xf32, #tpu.memory_space<vmem>> -> memref<1x8x8x136xf32, #tpu.memory_space<vmem>>
        %scatter3A_933 = tpu.memref_squeeze %scatter3A_932 : memref<1x8x8x136xf32, #tpu.memory_space<vmem>> -> memref<8x8x136xf32, #tpu.memory_space<vmem>>
        tpu.vector_store_idx %scatter3A_933[%mul3A_7, %mul3A_7, %add3A_928], %get3A_844 : memref<8x8x136xf32, #tpu.memory_space<vmem>>[vector<16xi32>, vector<16xi32>, vector<16xi32>], vector<16xf32>,
        %add3A_934 = arith.addi %mul3A_31, %add3A_915 : vector<16xi32>
        %scatter3A_935 = arith.constant 0 : i32
        %scatter3A_936 = arith.constant 0 : i32
        %scatter3A_937 = arith.constant 0 : i32
        %scatter3A_938 = tpu.memref_slice %arg7[%scan3A_600, %scatter3A_935, %scatter3A_936, %scatter3A_937] : memref<2x8x8x136xf32, #tpu.memory_space<vmem>> -> memref<1x8x8x136xf32, #tpu.memory_space<vmem>>
        %scatter3A_939 = tpu.memref_squeeze %scatter3A_938 : memref<1x8x8x136xf32, #tpu.memory_space<vmem>> -> memref<8x8x136xf32, #tpu.memory_space<vmem>>
        tpu.vector_store_idx %scatter3A_939[%mul3A_7, %mul3A_7, %add3A_934], %get3A_851 : memref<8x8x136xf32, #tpu.memory_space<vmem>>[vector<16xi32>, vector<16xi32>, vector<16xi32>], vector<16xf32>,
        %scan3A_940 = arith.constant 5 : i32
        %scan3A_941 = arith.addi %scan3A_639, %scan3A_940 : i32
        %add3A_942 = arith.constant 1 : i32
        %add3A_943 = arith.addi %scan3A_941, %add3A_942 : i32
        %get3A_944 = arith.constant 0 : i32
        %get3A_945 = arith.constant 0 : i32
        %get3A_946 = tpu.memref_slice %arg6[%scan3A_599, %get3A_944, %get3A_945] : memref<4x129x64xf32, #tpu.memory_space<vmem>> -> memref<1x129x64xf32, #tpu.memory_space<vmem>>
        %get3A_947 = tpu.memref_squeeze %get3A_946 : memref<1x129x64xf32, #tpu.memory_space<vmem>> -> memref<129x64xf32, #tpu.memory_space<vmem>>
        %get3A_948 = arith.index_cast %add3A_943 : i32 to index
        %get3A_949 = arith.constant 0 : index
        %get3A_950 = tpu.vector_load %get3A_947[%get3A_948, %get3A_949] {strides = array<i32>} : memref<129x64xf32, #tpu.memory_space<vmem>>, vector<16xf32>,
        %get3A_951 = arith.constant 0 : i32
        %get3A_952 = arith.constant 0 : i32
        %get3A_953 = tpu.memref_slice %arg6[%scan3A_599, %get3A_951, %get3A_952] : memref<4x129x64xf32, #tpu.memory_space<vmem>> -> memref<1x129x64xf32, #tpu.memory_space<vmem>>
        %get3A_954 = tpu.memref_squeeze %get3A_953 : memref<1x129x64xf32, #tpu.memory_space<vmem>> -> memref<129x64xf32, #tpu.memory_space<vmem>>
        %get3A_955 = arith.index_cast %add3A_943 : i32 to index
        %get3A_956 = arith.constant 16 : index
        %get3A_957 = tpu.vector_load %get3A_954[%get3A_955, %get3A_956] {strides = array<i32>} : memref<129x64xf32, #tpu.memory_space<vmem>>, vector<16xf32>,
        %get3A_958 = arith.constant 0 : i32
        %get3A_959 = arith.constant 0 : i32
        %get3A_960 = tpu.memref_slice %arg6[%scan3A_599, %get3A_958, %get3A_959] : memref<4x129x64xf32, #tpu.memory_space<vmem>> -> memref<1x129x64xf32, #tpu.memory_space<vmem>>
        %get3A_961 = tpu.memref_squeeze %get3A_960 : memref<1x129x64xf32, #tpu.memory_space<vmem>> -> memref<129x64xf32, #tpu.memory_space<vmem>>
        %get3A_962 = arith.index_cast %add3A_943 : i32 to index
        %get3A_963 = arith.constant 32 : index
        %get3A_964 = tpu.vector_load %get3A_961[%get3A_962, %get3A_963] {strides = array<i32>} : memref<129x64xf32, #tpu.memory_space<vmem>>, vector<16xf32>,
        %get3A_965 = arith.constant 0 : i32
        %get3A_966 = arith.constant 0 : i32
        %get3A_967 = tpu.memref_slice %arg6[%scan3A_599, %get3A_965, %get3A_966] : memref<4x129x64xf32, #tpu.memory_space<vmem>> -> memref<1x129x64xf32, #tpu.memory_space<vmem>>
        %get3A_968 = tpu.memref_squeeze %get3A_967 : memref<1x129x64xf32, #tpu.memory_space<vmem>> -> memref<129x64xf32, #tpu.memory_space<vmem>>
        %get3A_969 = arith.index_cast %add3A_943 : i32 to index
        %get3A_970 = arith.constant 48 : index
        %get3A_971 = tpu.vector_load %get3A_968[%get3A_969, %get3A_970] {strides = array<i32>} : memref<129x64xf32, #tpu.memory_space<vmem>>, vector<16xf32>,
        %broadcast_in_dim3A_972 = arith.constant 0 : i32
        %broadcast_in_dim3A_973 = vector.broadcast %broadcast_in_dim3A_972 : i32 to vector<16xi32>
        %add3A_974 = vector.broadcast %scan3A_941 : i32 to vector<16xi32>
        %add3A_975 = arith.addi %broadcast_in_dim3A_973, %add3A_974 : vector<16xi32>
        %add3A_976 = arith.addi %mul3A_13, %add3A_975 : vector<16xi32>
        %scatter3A_977 = arith.constant 0 : i32
        %scatter3A_978 = arith.constant 0 : i32
        %scatter3A_979 = arith.constant 0 : i32
        %scatter3A_980 = tpu.memref_slice %arg7[%scan3A_600, %scatter3A_977, %scatter3A_978, %scatter3A_979] : memref<2x8x8x136xf32, #tpu.memory_space<vmem>> -> memref<1x8x8x136xf32, #tpu.memory_space<vmem>>
        %scatter3A_981 = tpu.memref_squeeze %scatter3A_980 : memref<1x8x8x136xf32, #tpu.memory_space<vmem>> -> memref<8x8x136xf32, #tpu.memory_space<vmem>>
        tpu.vector_store_idx %scatter3A_981[%mul3A_7, %mul3A_7, %add3A_976], %get3A_890 : memref<8x8x136xf32, #tpu.memory_space<vmem>>[vector<16xi32>, vector<16xi32>, vector<16xi32>], vector<16xf32>,
        %add3A_982 = arith.addi %mul3A_19, %add3A_975 : vector<16xi32>
        %scatter3A_983 = arith.constant 0 : i32
        %scatter3A_984 = arith.constant 0 : i32
        %scatter3A_985 = arith.constant 0 : i32
        %scatter3A_986 = tpu.memref_slice %arg7[%scan3A_600, %scatter3A_983, %scatter3A_984, %scatter3A_985] : memref<2x8x8x136xf32, #tpu.memory_space<vmem>> -> memref<1x8x8x136xf32, #tpu.memory_space<vmem>>
        %scatter3A_987 = tpu.memref_squeeze %scatter3A_986 : memref<1x8x8x136xf32, #tpu.memory_space<vmem>> -> memref<8x8x136xf32, #tpu.memory_space<vmem>>
        tpu.vector_store_idx %scatter3A_987[%mul3A_7, %mul3A_7, %add3A_982], %get3A_897 : memref<8x8x136xf32, #tpu.memory_space<vmem>>[vector<16xi32>, vector<16xi32>, vector<16xi32>], vector<16xf32>,
        %add3A_988 = arith.addi %mul3A_25, %add3A_975 : vector<16xi32>
        %scatter3A_989 = arith.constant 0 : i32
        %scatter3A_990 = arith.constant 0 : i32
        %scatter3A_991 = arith.constant 0 : i32
        %scatter3A_992 = tpu.memref_slice %arg7[%scan3A_600, %scatter3A_989, %scatter3A_990, %scatter3A_991] : memref<2x8x8x136xf32, #tpu.memory_space<vmem>> -> memref<1x8x8x136xf32, #tpu.memory_space<vmem>>
        %scatter3A_993 = tpu.memref_squeeze %scatter3A_992 : memref<1x8x8x136xf32, #tpu.memory_space<vmem>> -> memref<8x8x136xf32, #tpu.memory_space<vmem>>
        tpu.vector_store_idx %scatter3A_993[%mul3A_7, %mul3A_7, %add3A_988], %get3A_904 : memref<8x8x136xf32, #tpu.memory_space<vmem>>[vector<16xi32>, vector<16xi32>, vector<16xi32>], vector<16xf32>,
        %add3A_994 = arith.addi %mul3A_31, %add3A_975 : vector<16xi32>
        %scatter3A_995 = arith.constant 0 : i32
        %scatter3A_996 = arith.constant 0 : i32
        %scatter3A_997 = arith.constant 0 : i32
        %scatter3A_998 = tpu.memref_slice %arg7[%scan3A_600, %scatter3A_995, %scatter3A_996, %scatter3A_997] : memref<2x8x8x136xf32, #tpu.memory_space<vmem>> -> memref<1x8x8x136xf32, #tpu.memory_space<vmem>>
        %scatter3A_999 = tpu.memref_squeeze %scatter3A_998 : memref<1x8x8x136xf32, #tpu.memory_space<vmem>> -> memref<8x8x136xf32, #tpu.memory_space<vmem>>
        tpu.vector_store_idx %scatter3A_999[%mul3A_7, %mul3A_7, %add3A_994], %get3A_911 : memref<8x8x136xf32, #tpu.memory_space<vmem>>[vector<16xi32>, vector<16xi32>, vector<16xi32>], vector<16xf32>,
        %scan3A_1000 = arith.constant 6 : i32
        %scan3A_1001 = arith.addi %scan3A_639, %scan3A_1000 : i32
        %add3A_1002 = arith.constant 1 : i32
        %add3A_1003 = arith.addi %scan3A_1001, %add3A_1002 : i32
        %get3A_1004 = arith.constant 0 : i32
        %get3A_1005 = arith.constant 0 : i32
        %get3A_1006 = tpu.memref_slice %arg6[%scan3A_599, %get3A_1004, %get3A_1005] : memref<4x129x64xf32, #tpu.memory_space<vmem>> -> memref<1x129x64xf32, #tpu.memory_space<vmem>>
        %get3A_1007 = tpu.memref_squeeze %get3A_1006 : memref<1x129x64xf32, #tpu.memory_space<vmem>> -> memref<129x64xf32, #tpu.memory_space<vmem>>
        %get3A_1008 = arith.index_cast %add3A_1003 : i32 to index
        %get3A_1009 = arith.constant 0 : index
        %get3A_1010 = tpu.vector_load %get3A_1007[%get3A_1008, %get3A_1009] {strides = array<i32>} : memref<129x64xf32, #tpu.memory_space<vmem>>, vector<16xf32>,
        %get3A_1011 = arith.constant 0 : i32
        %get3A_1012 = arith.constant 0 : i32
        %get3A_1013 = tpu.memref_slice %arg6[%scan3A_599, %get3A_1011, %get3A_1012] : memref<4x129x64xf32, #tpu.memory_space<vmem>> -> memref<1x129x64xf32, #tpu.memory_space<vmem>>
        %get3A_1014 = tpu.memref_squeeze %get3A_1013 : memref<1x129x64xf32, #tpu.memory_space<vmem>> -> memref<129x64xf32, #tpu.memory_space<vmem>>
        %get3A_1015 = arith.index_cast %add3A_1003 : i32 to index
        %get3A_1016 = arith.constant 16 : index
        %get3A_1017 = tpu.vector_load %get3A_1014[%get3A_1015, %get3A_1016] {strides = array<i32>} : memref<129x64xf32, #tpu.memory_space<vmem>>, vector<16xf32>,
        %get3A_1018 = arith.constant 0 : i32
        %get3A_1019 = arith.constant 0 : i32
        %get3A_1020 = tpu.memref_slice %arg6[%scan3A_599, %get3A_1018, %get3A_1019] : memref<4x129x64xf32, #tpu.memory_space<vmem>> -> memref<1x129x64xf32, #tpu.memory_space<vmem>>
        %get3A_1021 = tpu.memref_squeeze %get3A_1020 : memref<1x129x64xf32, #tpu.memory_space<vmem>> -> memref<129x64xf32, #tpu.memory_space<vmem>>
        %get3A_1022 = arith.index_cast %add3A_1003 : i32 to index
        %get3A_1023 = arith.constant 32 : index
        %get3A_1024 = tpu.vector_load %get3A_1021[%get3A_1022, %get3A_1023] {strides = array<i32>} : memref<129x64xf32, #tpu.memory_space<vmem>>, vector<16xf32>,
        %get3A_1025 = arith.constant 0 : i32
        %get3A_1026 = arith.constant 0 : i32
        %get3A_1027 = tpu.memref_slice %arg6[%scan3A_599, %get3A_1025, %get3A_1026] : memref<4x129x64xf32, #tpu.memory_space<vmem>> -> memref<1x129x64xf32, #tpu.memory_space<vmem>>
        %get3A_1028 = tpu.memref_squeeze %get3A_1027 : memref<1x129x64xf32, #tpu.memory_space<vmem>> -> memref<129x64xf32, #tpu.memory_space<vmem>>
        %get3A_1029 = arith.index_cast %add3A_1003 : i32 to index
        %get3A_1030 = arith.constant 48 : index
        %get3A_1031 = tpu.vector_load %get3A_1028[%get3A_1029, %get3A_1030] {strides = array<i32>} : memref<129x64xf32, #tpu.memory_space<vmem>>, vector<16xf32>,
        %broadcast_in_dim3A_1032 = arith.constant 0 : i32
        %broadcast_in_dim3A_1033 = vector.broadcast %broadcast_in_dim3A_1032 : i32 to vector<16xi32>
        %add3A_1034 = vector.broadcast %scan3A_1001 : i32 to vector<16xi32>
        %add3A_1035 = arith.addi %broadcast_in_dim3A_1033, %add3A_1034 : vector<16xi32>
        %add3A_1036 = arith.addi %mul3A_13, %add3A_1035 : vector<16xi32>
        %scatter3A_1037 = arith.constant 0 : i32
        %scatter3A_1038 = arith.constant 0 : i32
        %scatter3A_1039 = arith.constant 0 : i32
        %scatter3A_1040 = tpu.memref_slice %arg7[%scan3A_600, %scatter3A_1037, %scatter3A_1038, %scatter3A_1039] : memref<2x8x8x136xf32, #tpu.memory_space<vmem>> -> memref<1x8x8x136xf32, #tpu.memory_space<vmem>>
        %scatter3A_1041 = tpu.memref_squeeze %scatter3A_1040 : memref<1x8x8x136xf32, #tpu.memory_space<vmem>> -> memref<8x8x136xf32, #tpu.memory_space<vmem>>
        tpu.vector_store_idx %scatter3A_1041[%mul3A_7, %mul3A_7, %add3A_1036], %get3A_950 : memref<8x8x136xf32, #tpu.memory_space<vmem>>[vector<16xi32>, vector<16xi32>, vector<16xi32>], vector<16xf32>,
        %add3A_1042 = arith.addi %mul3A_19, %add3A_1035 : vector<16xi32>
        %scatter3A_1043 = arith.constant 0 : i32
        %scatter3A_1044 = arith.constant 0 : i32
        %scatter3A_1045 = arith.constant 0 : i32
        %scatter3A_1046 = tpu.memref_slice %arg7[%scan3A_600, %scatter3A_1043, %scatter3A_1044, %scatter3A_1045] : memref<2x8x8x136xf32, #tpu.memory_space<vmem>> -> memref<1x8x8x136xf32, #tpu.memory_space<vmem>>
        %scatter3A_1047 = tpu.memref_squeeze %scatter3A_1046 : memref<1x8x8x136xf32, #tpu.memory_space<vmem>> -> memref<8x8x136xf32, #tpu.memory_space<vmem>>
        tpu.vector_store_idx %scatter3A_1047[%mul3A_7, %mul3A_7, %add3A_1042], %get3A_957 : memref<8x8x136xf32, #tpu.memory_space<vmem>>[vector<16xi32>, vector<16xi32>, vector<16xi32>], vector<16xf32>,
        %add3A_1048 = arith.addi %mul3A_25, %add3A_1035 : vector<16xi32>
        %scatter3A_1049 = arith.constant 0 : i32
        %scatter3A_1050 = arith.constant 0 : i32
        %scatter3A_1051 = arith.constant 0 : i32
        %scatter3A_1052 = tpu.memref_slice %arg7[%scan3A_600, %scatter3A_1049, %scatter3A_1050, %scatter3A_1051] : memref<2x8x8x136xf32, #tpu.memory_space<vmem>> -> memref<1x8x8x136xf32, #tpu.memory_space<vmem>>
        %scatter3A_1053 = tpu.memref_squeeze %scatter3A_1052 : memref<1x8x8x136xf32, #tpu.memory_space<vmem>> -> memref<8x8x136xf32, #tpu.memory_space<vmem>>
        tpu.vector_store_idx %scatter3A_1053[%mul3A_7, %mul3A_7, %add3A_1048], %get3A_964 : memref<8x8x136xf32, #tpu.memory_space<vmem>>[vector<16xi32>, vector<16xi32>, vector<16xi32>], vector<16xf32>,
        %add3A_1054 = arith.addi %mul3A_31, %add3A_1035 : vector<16xi32>
        %scatter3A_1055 = arith.constant 0 : i32
        %scatter3A_1056 = arith.constant 0 : i32
        %scatter3A_1057 = arith.constant 0 : i32
        %scatter3A_1058 = tpu.memref_slice %arg7[%scan3A_600, %scatter3A_1055, %scatter3A_1056, %scatter3A_1057] : memref<2x8x8x136xf32, #tpu.memory_space<vmem>> -> memref<1x8x8x136xf32, #tpu.memory_space<vmem>>
        %scatter3A_1059 = tpu.memref_squeeze %scatter3A_1058 : memref<1x8x8x136xf32, #tpu.memory_space<vmem>> -> memref<8x8x136xf32, #tpu.memory_space<vmem>>
        tpu.vector_store_idx %scatter3A_1059[%mul3A_7, %mul3A_7, %add3A_1054], %get3A_971 : memref<8x8x136xf32, #tpu.memory_space<vmem>>[vector<16xi32>, vector<16xi32>, vector<16xi32>], vector<16xf32>,
        %scan3A_1060 = arith.constant 7 : i32
        %scan3A_1061 = arith.addi %scan3A_639, %scan3A_1060 : i32
        %add3A_1062 = arith.constant 1 : i32
        %add3A_1063 = arith.addi %scan3A_1061, %add3A_1062 : i32
        %get3A_1064 = arith.constant 0 : i32
        %get3A_1065 = arith.constant 0 : i32
        %get3A_1066 = tpu.memref_slice %arg6[%scan3A_599, %get3A_1064, %get3A_1065] : memref<4x129x64xf32, #tpu.memory_space<vmem>> -> memref<1x129x64xf32, #tpu.memory_space<vmem>>
        %get3A_1067 = tpu.memref_squeeze %get3A_1066 : memref<1x129x64xf32, #tpu.memory_space<vmem>> -> memref<129x64xf32, #tpu.memory_space<vmem>>
        %get3A_1068 = arith.index_cast %add3A_1063 : i32 to index
        %get3A_1069 = arith.constant 0 : index
        %get3A_1070 = tpu.vector_load %get3A_1067[%get3A_1068, %get3A_1069] {strides = array<i32>} : memref<129x64xf32, #tpu.memory_space<vmem>>, vector<16xf32>,
        %get3A_1071 = arith.constant 0 : i32
        %get3A_1072 = arith.constant 0 : i32
        %get3A_1073 = tpu.memref_slice %arg6[%scan3A_599, %get3A_1071, %get3A_1072] : memref<4x129x64xf32, #tpu.memory_space<vmem>> -> memref<1x129x64xf32, #tpu.memory_space<vmem>>
        %get3A_1074 = tpu.memref_squeeze %get3A_1073 : memref<1x129x64xf32, #tpu.memory_space<vmem>> -> memref<129x64xf32, #tpu.memory_space<vmem>>
        %get3A_1075 = arith.index_cast %add3A_1063 : i32 to index
        %get3A_1076 = arith.constant 16 : index
        %get3A_1077 = tpu.vector_load %get3A_1074[%get3A_1075, %get3A_1076] {strides = array<i32>} : memref<129x64xf32, #tpu.memory_space<vmem>>, vector<16xf32>,
        %get3A_1078 = arith.constant 0 : i32
        %get3A_1079 = arith.constant 0 : i32
        %get3A_1080 = tpu.memref_slice %arg6[%scan3A_599, %get3A_1078, %get3A_1079] : memref<4x129x64xf32, #tpu.memory_space<vmem>> -> memref<1x129x64xf32, #tpu.memory_space<vmem>>
        %get3A_1081 = tpu.memref_squeeze %get3A_1080 : memref<1x129x64xf32, #tpu.memory_space<vmem>> -> memref<129x64xf32, #tpu.memory_space<vmem>>
        %get3A_1082 = arith.index_cast %add3A_1063 : i32 to index
        %get3A_1083 = arith.constant 32 : index
        %get3A_1084 = tpu.vector_load %get3A_1081[%get3A_1082, %get3A_1083] {strides = array<i32>} : memref<129x64xf32, #tpu.memory_space<vmem>>, vector<16xf32>,
        %get3A_1085 = arith.constant 0 : i32
        %get3A_1086 = arith.constant 0 : i32
        %get3A_1087 = tpu.memref_slice %arg6[%scan3A_599, %get3A_1085, %get3A_1086] : memref<4x129x64xf32, #tpu.memory_space<vmem>> -> memref<1x129x64xf32, #tpu.memory_space<vmem>>
        %get3A_1088 = tpu.memref_squeeze %get3A_1087 : memref<1x129x64xf32, #tpu.memory_space<vmem>> -> memref<129x64xf32, #tpu.memory_space<vmem>>
        %get3A_1089 = arith.index_cast %add3A_1063 : i32 to index
        %get3A_1090 = arith.constant 48 : index
        %get3A_1091 = tpu.vector_load %get3A_1088[%get3A_1089, %get3A_1090] {strides = array<i32>} : memref<129x64xf32, #tpu.memory_space<vmem>>, vector<16xf32>,
        %broadcast_in_dim3A_1092 = arith.constant 0 : i32
        %broadcast_in_dim3A_1093 = vector.broadcast %broadcast_in_dim3A_1092 : i32 to vector<16xi32>
        %add3A_1094 = vector.broadcast %scan3A_1061 : i32 to vector<16xi32>
        %add3A_1095 = arith.addi %broadcast_in_dim3A_1093, %add3A_1094 : vector<16xi32>
        %add3A_1096 = arith.addi %mul3A_13, %add3A_1095 : vector<16xi32>
        %scatter3A_1097 = arith.constant 0 : i32
        %scatter3A_1098 = arith.constant 0 : i32
        %scatter3A_1099 = arith.constant 0 : i32
        %scatter3A_1100 = tpu.memref_slice %arg7[%scan3A_600, %scatter3A_1097, %scatter3A_1098, %scatter3A_1099] : memref<2x8x8x136xf32, #tpu.memory_space<vmem>> -> memref<1x8x8x136xf32, #tpu.memory_space<vmem>>
        %scatter3A_1101 = tpu.memref_squeeze %scatter3A_1100 : memref<1x8x8x136xf32, #tpu.memory_space<vmem>> -> memref<8x8x136xf32, #tpu.memory_space<vmem>>
        tpu.vector_store_idx %scatter3A_1101[%mul3A_7, %mul3A_7, %add3A_1096], %get3A_1010 : memref<8x8x136xf32, #tpu.memory_space<vmem>>[vector<16xi32>, vector<16xi32>, vector<16xi32>], vector<16xf32>,
        %add3A_1102 = arith.addi %mul3A_19, %add3A_1095 : vector<16xi32>
        %scatter3A_1103 = arith.constant 0 : i32
        %scatter3A_1104 = arith.constant 0 : i32
        %scatter3A_1105 = arith.constant 0 : i32
        %scatter3A_1106 = tpu.memref_slice %arg7[%scan3A_600, %scatter3A_1103, %scatter3A_1104, %scatter3A_1105] : memref<2x8x8x136xf32, #tpu.memory_space<vmem>> -> memref<1x8x8x136xf32, #tpu.memory_space<vmem>>
        %scatter3A_1107 = tpu.memref_squeeze %scatter3A_1106 : memref<1x8x8x136xf32, #tpu.memory_space<vmem>> -> memref<8x8x136xf32, #tpu.memory_space<vmem>>
        tpu.vector_store_idx %scatter3A_1107[%mul3A_7, %mul3A_7, %add3A_1102], %get3A_1017 : memref<8x8x136xf32, #tpu.memory_space<vmem>>[vector<16xi32>, vector<16xi32>, vector<16xi32>], vector<16xf32>,
        %add3A_1108 = arith.addi %mul3A_25, %add3A_1095 : vector<16xi32>
        %scatter3A_1109 = arith.constant 0 : i32
        %scatter3A_1110 = arith.constant 0 : i32
        %scatter3A_1111 = arith.constant 0 : i32
        %scatter3A_1112 = tpu.memref_slice %arg7[%scan3A_600, %scatter3A_1109, %scatter3A_1110, %scatter3A_1111] : memref<2x8x8x136xf32, #tpu.memory_space<vmem>> -> memref<1x8x8x136xf32, #tpu.memory_space<vmem>>
        %scatter3A_1113 = tpu.memref_squeeze %scatter3A_1112 : memref<1x8x8x136xf32, #tpu.memory_space<vmem>> -> memref<8x8x136xf32, #tpu.memory_space<vmem>>
        tpu.vector_store_idx %scatter3A_1113[%mul3A_7, %mul3A_7, %add3A_1108], %get3A_1024 : memref<8x8x136xf32, #tpu.memory_space<vmem>>[vector<16xi32>, vector<16xi32>, vector<16xi32>], vector<16xf32>,
        %add3A_1114 = arith.addi %mul3A_31, %add3A_1095 : vector<16xi32>
        %scatter3A_1115 = arith.constant 0 : i32
        %scatter3A_1116 = arith.constant 0 : i32
        %scatter3A_1117 = arith.constant 0 : i32
        %scatter3A_1118 = tpu.memref_slice %arg7[%scan3A_600, %scatter3A_1115, %scatter3A_1116, %scatter3A_1117] : memref<2x8x8x136xf32, #tpu.memory_space<vmem>> -> memref<1x8x8x136xf32, #tpu.memory_space<vmem>>
        %scatter3A_1119 = tpu.memref_squeeze %scatter3A_1118 : memref<1x8x8x136xf32, #tpu.memory_space<vmem>> -> memref<8x8x136xf32, #tpu.memory_space<vmem>>
        tpu.vector_store_idx %scatter3A_1119[%mul3A_7, %mul3A_7, %add3A_1114], %get3A_1031 : memref<8x8x136xf32, #tpu.memory_space<vmem>>[vector<16xi32>, vector<16xi32>, vector<16xi32>], vector<16xf32>,
        scf.yield %get3A_1070, %get3A_1077, %get3A_1084, %get3A_1091 : vector<16xf32>, vector<16xf32>, vector<16xf32>, vector<16xf32>
      }
      %scan3A_606 = arith.constant 128 : i32
      %lt3A_607 = arith.constant 101 : i32
      %lt3A_608 = arith.cmpi slt, %add3A_521, %lt3A_607 : i32
      %convert_element_type3A_609 = arith.extui %lt3A_608 : i1 to i32
      %cond3A_610 = arith.constant 0 : i32
      %cond3A_611 = arith.cmpi ne, %convert_element_type3A_609, %cond3A_610 : i32
      scf.if %cond3A_611 {
        %add3A_639 = arith.constant 3 : i32
        %add3A_640 = arith.addi %add3A_521, %add3A_639 : i32
        %jit3A_641 = arith.constant 4 : i32
        %div3A_642 = arith.divsi %add3A_640, %jit3A_641 : i32
        %sign3A_643 = arith.constant 0 : i32
        %sign3A_644 = arith.cmpi sgt, %add3A_640, %sign3A_643 : i32
        %sign3A_645 = arith.extui %sign3A_644 : i1 to i32
        %sign3A_646 = arith.constant 0 : i32
        %sign3A_647 = arith.cmpi slt, %add3A_640, %sign3A_646 : i32
        %sign3A_648 = arith.extui %sign3A_647 : i1 to i32
        %sign3A_649 = arith.subi %sign3A_645, %sign3A_648 : i32
        %sign3A_650 = arith.constant 0 : i32
        %sign3A_651 = arith.cmpi sgt, %jit3A_641, %sign3A_650 : i32
        %sign3A_652 = arith.extui %sign3A_651 : i1 to i32
        %sign3A_653 = arith.constant 0 : i32
        %sign3A_654 = arith.cmpi slt, %jit3A_641, %sign3A_653 : i32
        %sign3A_655 = arith.extui %sign3A_654 : i1 to i32
        %sign3A_656 = arith.subi %sign3A_652, %sign3A_655 : i32
        %ne3A_657 = arith.cmpi ne, %sign3A_649, %sign3A_656 : i32
        %rem3A_658 = arith.remsi %add3A_640, %jit3A_641 : i32
        %ne3A_659 = arith.constant 0 : i32
        %ne3A_660 = arith.cmpi ne, %rem3A_658, %ne3A_659 : i32
        %and3A_661 = arith.andi %ne3A_657, %ne3A_660 : i1
        %sub3A_662 = arith.constant 1 : i32
        %sub3A_663 = arith.subi %div3A_642, %sub3A_662 : i32
        %select_n3A_664 = arith.select %and3A_661, %sub3A_663, %div3A_642 : i32
        %rem3A_665 = arith.constant 4 : i32
        %rem3A_666 = arith.remsi %add3A_640, %rem3A_665 : i32
        %mul3A_667 = arith.constant 128 : i32
        %mul3A_668 = arith.muli %rem3A_666, %mul3A_667 : i32
        %dma_start3A_669 = arith.constant 2 : i32
        %dma_start3A_670 = arith.constant 2 : i32
        %dma_start3A_671 = arith.constant 0 : i32
        %dma_start3A_672 = arith.constant 0 : i32
        %dma_start3A_673 = tpu.memref_slice %arg6[%dma_start3A_669, %dma_start3A_671, %dma_start3A_672] : memref<4x129x64xf32, #tpu.memory_space<vmem>> -> memref<1x128x64xf32, #tpu.memory_space<vmem>>
        %dma_start3A_674 = tpu.memref_squeeze %dma_start3A_673 : memref<1x128x64xf32, #tpu.memory_space<vmem>> -> memref<128x64xf32, #tpu.memory_space<vmem>>
        %dma_start3A_675 = tpu.memref_slice %arg5[%select_n3A_664, %mul3A_668] : memref<26x512xi32, #tpu.memory_space<vmem>> -> memref<1x128xi32, #tpu.memory_space<vmem>>
        %dma_start3A_676 = tpu.memref_squeeze %dma_start3A_675 : memref<1x128xi32, #tpu.memory_space<vmem>> -> memref<128xi32, #tpu.memory_space<vmem>>
        %dma_start3A_677 = arith.constant 0 : i32
        %dma_start3A_678 = arith.constant 0 : i32
        %dma_start3A_679 = tpu.memref_slice %arg2[%dma_start3A_677, %dma_start3A_678] : memref<100000x64xf32, #tpu.memory_space<hbm>> -> memref<100000x64xf32, #tpu.memory_space<hbm>>
        %dma_start3A_680 = tpu.memref_slice %arg8[%dma_start3A_670] : memref<4x!tpu.dma_semaphore, #tpu.memory_space<semaphore_mem>> -> memref<1x!tpu.dma_semaphore, #tpu.memory_space<semaphore_mem>>
        %dma_start3A_681 = tpu.memref_squeeze %dma_start3A_680 : memref<1x!tpu.dma_semaphore, #tpu.memory_space<semaphore_mem>> -> memref<!tpu.dma_semaphore, #tpu.memory_space<semaphore_mem>>
        tpu.enqueue_indirect_dma source(%dma_start3A_679 : memref<100000x64xf32, #tpu.memory_space<hbm>>) target(%dma_start3A_674 : memref<128x64xf32, #tpu.memory_space<vmem>>) offsets(%dma_start3A_676 : memref<128xi32, #tpu.memory_space<vmem>>) semaphore(%dma_start3A_681 : memref<!tpu.dma_semaphore, #tpu.memory_space<semaphore_mem>>)
      } else {
      }
      %add3A_612 = arith.constant 3 : i32
      %add3A_613 = arith.addi %mul3A_4, %add3A_612 : i32
      %dma_start3A_614 = arith.constant 1 : i32
      %dma_start3A_615 = arith.constant 1 : i32
      %dma_start3A_616 = arith.constant 0 : i32
      %dma_start3A_617 = arith.constant 0 : i32
      %dma_start3A_618 = arith.constant 0 : i32
      %dma_start3A_619 = tpu.memref_slice %arg7[%dma_start3A_614, %dma_start3A_616, %dma_start3A_617, %dma_start3A_618] : memref<2x8x8x136xf32, #tpu.memory_space<vmem>> -> memref<1x8x8x128xf32, #tpu.memory_space<vmem>>
      %dma_start3A_620 = tpu.memref_squeeze %dma_start3A_619 : memref<1x8x8x128xf32, #tpu.memory_space<vmem>> -> memref<8x8x128xf32, #tpu.memory_space<vmem>>
      %dma_start3A_621 = arith.constant 0 : i32
      %dma_start3A_622 = arith.constant 0 : i32
      %dma_start3A_623 = arith.constant 0 : i32
      %dma_start3A_624 = tpu.memref_slice %arg4[%scan3A_209, %dma_start3A_621, %add3A_613, %dma_start3A_622, %dma_start3A_623] : memref<26x8x128x8x128xf32, #tpu.memory_space<hbm>> -> memref<1x8x1x8x128xf32, #tpu.memory_space<hbm>>
      %dma_start3A_625 = tpu.memref_squeeze %dma_start3A_624 : memref<1x8x1x8x128xf32, #tpu.memory_space<hbm>> -> memref<8x8x128xf32, #tpu.memory_space<hbm>>
      %dma_start3A_626 = tpu.memref_slice %arg9[%dma_start3A_615] : memref<2x!tpu.dma_semaphore, #tpu.memory_space<semaphore_mem>> -> memref<1x!tpu.dma_semaphore, #tpu.memory_space<semaphore_mem>>
      %dma_start3A_627 = tpu.memref_squeeze %dma_start3A_626 : memref<1x!tpu.dma_semaphore, #tpu.memory_space<semaphore_mem>> -> memref<!tpu.dma_semaphore, #tpu.memory_space<semaphore_mem>>
      %dma_start3A_628 = arith.constant 0 : i32
      %dma_start3A_629 = arith.constant 0 : i32
      %dma_start3A_630 = arith.constant 0 : i32
      %dma_start3A_631 = tpu.memref_slice %arg4[%scan3A_209, %dma_start3A_628, %add3A_613, %dma_start3A_629, %dma_start3A_630] : memref<26x8x128x8x128xf32, #tpu.memory_space<hbm>> -> memref<1x8x1x8x128xf32, #tpu.memory_space<hbm>>
      %dma_start3A_632 = tpu.memref_squeeze %dma_start3A_631 : memref<1x8x1x8x128xf32, #tpu.memory_space<hbm>> -> memref<8x8x128xf32, #tpu.memory_space<hbm>>
      %dma_start3A_633 = arith.constant 0 : i32
      %dma_start3A_634 = arith.constant 0 : i32
      %dma_start3A_635 = arith.constant 0 : i32
      %dma_start3A_636 = tpu.memref_slice %arg7[%dma_start3A_614, %dma_start3A_633, %dma_start3A_634, %dma_start3A_635] : memref<2x8x8x136xf32, #tpu.memory_space<vmem>> -> memref<1x8x8x128xf32, #tpu.memory_space<vmem>>
      %dma_start3A_637 = tpu.memref_squeeze %dma_start3A_636 : memref<1x8x8x128xf32, #tpu.memory_space<vmem>> -> memref<8x8x128xf32, #tpu.memory_space<vmem>>
      tpu.enqueue_dma source(%dma_start3A_637 : memref<8x8x128xf32, #tpu.memory_space<vmem>>) target(%dma_start3A_632 : memref<8x8x128xf32, #tpu.memory_space<hbm>>) target_semaphore(%dma_start3A_627 : memref<!tpu.dma_semaphore, #tpu.memory_space<semaphore_mem>>)
      %scan3A_638 = arith.constant 0 : i32
      scf.yield %scan3A_638 : i32
    }
    %scan3A_157 = arith.constant 26 : i32
    %dma_wait3A = arith.constant 0 : i32
    %dma_wait3A_158 = arith.constant 0 : i32
    %dma_wait3A_159 = arith.constant 0 : i32
    %dma_wait3A_160 = arith.constant 0 : i32
    %dma_wait3A_161 = arith.constant 0 : i32
    %dma_wait3A_162 = arith.constant 0 : i32
    %dma_wait3A_163 = arith.constant 0 : i32
    %dma_wait3A_164 = tpu.memref_slice %arg7[%dma_wait3A, %dma_wait3A_161, %dma_wait3A_162, %dma_wait3A_163] : memref<2x8x8x136xf32, #tpu.memory_space<vmem>> -> memref<1x8x8x128xf32, #tpu.memory_space<vmem>>
    %dma_wait3A_165 = tpu.memref_squeeze %dma_wait3A_164 : memref<1x8x8x128xf32, #tpu.memory_space<vmem>> -> memref<8x8x128xf32, #tpu.memory_space<vmem>>
    %dma_wait3A_166 = arith.constant 0 : i32
    %dma_wait3A_167 = arith.constant 0 : i32
    %dma_wait3A_168 = arith.constant 0 : i32
    %dma_wait3A_169 = tpu.memref_slice %arg4[%dma_wait3A_158, %dma_wait3A_166, %dma_wait3A_159, %dma_wait3A_167, %dma_wait3A_168] : memref<26x8x128x8x128xf32, #tpu.memory_space<hbm>> -> memref<1x8x1x8x128xf32, #tpu.memory_space<hbm>>
    %dma_wait3A_170 = tpu.memref_squeeze %dma_wait3A_169 : memref<1x8x1x8x128xf32, #tpu.memory_space<hbm>> -> memref<8x8x128xf32, #tpu.memory_space<hbm>>
    %dma_wait3A_171 = tpu.memref_slice %arg9[%dma_wait3A_160] : memref<2x!tpu.dma_semaphore, #tpu.memory_space<semaphore_mem>> -> memref<1x!tpu.dma_semaphore, #tpu.memory_space<semaphore_mem>>
    %dma_wait3A_172 = tpu.memref_squeeze %dma_wait3A_171 : memref<1x!tpu.dma_semaphore, #tpu.memory_space<semaphore_mem>> -> memref<!tpu.dma_semaphore, #tpu.memory_space<semaphore_mem>>
    %dma_wait3A_173 = arith.constant 0 : i32
    %dma_wait3A_174 = arith.constant 0 : i32
    %dma_wait3A_175 = arith.constant 0 : i32
    %dma_wait3A_176 = tpu.memref_slice %arg4[%dma_wait3A_158, %dma_wait3A_173, %dma_wait3A_159, %dma_wait3A_174, %dma_wait3A_175] : memref<26x8x128x8x128xf32, #tpu.memory_space<hbm>> -> memref<1x8x1x8x128xf32, #tpu.memory_space<hbm>>
    %dma_wait3A_177 = tpu.memref_squeeze %dma_wait3A_176 : memref<1x8x1x8x128xf32, #tpu.memory_space<hbm>> -> memref<8x8x128xf32, #tpu.memory_space<hbm>>
    %dma_wait3A_178 = arith.constant 0 : i32
    %dma_wait3A_179 = arith.constant 0 : i32
    %dma_wait3A_180 = arith.constant 0 : i32
    %dma_wait3A_181 = tpu.memref_slice %arg7[%dma_wait3A, %dma_wait3A_178, %dma_wait3A_179, %dma_wait3A_180] : memref<2x8x8x136xf32, #tpu.memory_space<vmem>> -> memref<1x8x8x128xf32, #tpu.memory_space<vmem>>
    %dma_wait3A_182 = tpu.memref_squeeze %dma_wait3A_181 : memref<1x8x8x128xf32, #tpu.memory_space<vmem>> -> memref<8x8x128xf32, #tpu.memory_space<vmem>>
    tpu.wait_dma2 semaphore(%dma_wait3A_172 : memref<!tpu.dma_semaphore, #tpu.memory_space<semaphore_mem>>) src(%dma_wait3A_182 : memref<8x8x128xf32, #tpu.memory_space<vmem>>) dst(%dma_wait3A_177 : memref<8x8x128xf32, #tpu.memory_space<hbm>>)
    %dma_wait3A_183 = arith.constant 1 : i32
    %dma_wait3A_184 = arith.constant 0 : i32
    %dma_wait3A_185 = arith.constant 0 : i32
    %dma_wait3A_186 = arith.constant 1 : i32
    %dma_wait3A_187 = arith.constant 0 : i32
    %dma_wait3A_188 = arith.constant 0 : i32
    %dma_wait3A_189 = arith.constant 0 : i32
    %dma_wait3A_190 = tpu.memref_slice %arg7[%dma_wait3A_183, %dma_wait3A_187, %dma_wait3A_188, %dma_wait3A_189] : memref<2x8x8x136xf32, #tpu.memory_space<vmem>> -> memref<1x8x8x128xf32, #tpu.memory_space<vmem>>
    %dma_wait3A_191 = tpu.memref_squeeze %dma_wait3A_190 : memref<1x8x8x128xf32, #tpu.memory_space<vmem>> -> memref<8x8x128xf32, #tpu.memory_space<vmem>>
    %dma_wait3A_192 = arith.constant 0 : i32
    %dma_wait3A_193 = arith.constant 0 : i32
    %dma_wait3A_194 = arith.constant 0 : i32
    %dma_wait3A_195 = tpu.memref_slice %arg4[%dma_wait3A_184, %dma_wait3A_192, %dma_wait3A_185, %dma_wait3A_193, %dma_wait3A_194] : memref<26x8x128x8x128xf32, #tpu.memory_space<hbm>> -> memref<1x8x1x8x128xf32, #tpu.memory_space<hbm>>
    %dma_wait3A_196 = tpu.memref_squeeze %dma_wait3A_195 : memref<1x8x1x8x128xf32, #tpu.memory_space<hbm>> -> memref<8x8x128xf32, #tpu.memory_space<hbm>>
    %dma_wait3A_197 = tpu.memref_slice %arg9[%dma_wait3A_186] : memref<2x!tpu.dma_semaphore, #tpu.memory_space<semaphore_mem>> -> memref<1x!tpu.dma_semaphore, #tpu.memory_space<semaphore_mem>>
    %dma_wait3A_198 = tpu.memref_squeeze %dma_wait3A_197 : memref<1x!tpu.dma_semaphore, #tpu.memory_space<semaphore_mem>> -> memref<!tpu.dma_semaphore, #tpu.memory_space<semaphore_mem>>
    %dma_wait3A_199 = arith.constant 0 : i32
    %dma_wait3A_200 = arith.constant 0 : i32
    %dma_wait3A_201 = arith.constant 0 : i32
    %dma_wait3A_202 = tpu.memref_slice %arg4[%dma_wait3A_184, %dma_wait3A_199, %dma_wait3A_185, %dma_wait3A_200, %dma_wait3A_201] : memref<26x8x128x8x128xf32, #tpu.memory_space<hbm>> -> memref<1x8x1x8x128xf32, #tpu.memory_space<hbm>>
    %dma_wait3A_203 = tpu.memref_squeeze %dma_wait3A_202 : memref<1x8x1x8x128xf32, #tpu.memory_space<hbm>> -> memref<8x8x128xf32, #tpu.memory_space<hbm>>
    %dma_wait3A_204 = arith.constant 0 : i32
    %dma_wait3A_205 = arith.constant 0 : i32
    %dma_wait3A_206 = arith.constant 0 : i32
    %dma_wait3A_207 = tpu.memref_slice %arg7[%dma_wait3A_183, %dma_wait3A_204, %dma_wait3A_205, %dma_wait3A_206] : memref<2x8x8x136xf32, #tpu.memory_space<vmem>> -> memref<1x8x8x128xf32, #tpu.memory_space<vmem>>
    %dma_wait3A_208 = tpu.memref_squeeze %dma_wait3A_207 : memref<1x8x8x128xf32, #tpu.memory_space<vmem>> -> memref<8x8x128xf32, #tpu.memory_space<vmem>>
    tpu.wait_dma2 semaphore(%dma_wait3A_198 : memref<!tpu.dma_semaphore, #tpu.memory_space<semaphore_mem>>) src(%dma_wait3A_208 : memref<8x8x128xf32, #tpu.memory_space<vmem>>) dst(%dma_wait3A_203 : memref<8x8x128xf32, #tpu.memory_space<hbm>>)
    return
  }
}

</mosaic_0001>

<sc_bundles>
// kernel: kernel.3.cloned.1.call-start
scs
__scs_entry_jumppad:
0x0: {  	(pc) =	sbr.rel $0x88, $3  }
0x1: {  	(tag) =	ssettag $0x0;
	lr =	simm.s32 $0x1  }
0x2: {  	[smem:$0x3F9F] =	sst lr;
	_ =	strace $0xD0000000  }
0x3: {  	_ = 	snop  }
0x4: {  	_ = 	snop  }
0x5: {  	_ = 	snop  }
0x6: {  	_ = 	snop  }
0x7: {  	_ = 	snop  }
__scs_overlays_trampoline_lowered:
0x8: {  	[smem:$0x3FAE] =	sst s0  }
0x9: {  	[smem:$0x3FAF] =	sst s1  }
0xa: {  	[smem:$0x3FB0] =	sst s2  }
0xb: {  	[smem:$0x3FB1] =	sst s3  }
0xc: {  	[smem:$0x3FB2] =	sst s4  }
0xd: {  	[smem:$0x3FB3] =	sst s5  }
0xe: {  	[smem:$0x3FB4] =	sst s6  }
0xf: {  	[smem:$0x3FB5] =	sst s7  }
0x10: {  	[smem:$0x3FB6] =	sst s8  }
0x11: {  	[smem:$0x3FB7] =	sst s9;
	s0 =	simm.s32 @!p0 $0x0  }
0x12: {  	s1 =	sld [smem:$0x3F9D];
	s0 =	simm.s32 @p0 $0x1  }
0x13: {  	[smem:$0x3FB8] =	sst s0;
	s0 =	simm.s32 @!p1 $0x0  }
0x14: {  	s2 =	sld [smem:$0x3F9C];
	s0 =	simm.s32 @p1 $0x1  }
0x15: {  	[smem:$0x3FB9] =	sst s0;
	s0 =	simm.s32 @!p2 $0x0  }
0x16: {  	s3 =	sld [smem:$0x3FDB];
	s0 =	simm.s32 @p2 $0x1  }
0x17: {  	s4 =	simm.s32 $0x1BF5;
	[smem:$0x3FBB] =	sst s0  }
0x18: {  	s0 =	sld [smem:$0x3F9E];
	_ =	swait.ge [sflag:s4], $0x0  }
0x19: {  	s7 =	sld [smem:$0x3F9F]  }
0x1a: {  	s8 =	sadd.s32 $0xFFFFE003, lr  }
0x1b: {  	s9 =	sadd.s32 $0xFFFFFEF7, lr;
	s5 =	simm.s32 $0xFFFFFFFF;
	p2 =	slt.u32 s8, $0xFFFFF086  }
0x1c: {  	p1 =	slt.u32 s9, $0xF7A;
	s5 =	simm.s32 @!p2 $0x0  }
0x1d: {  	s5 =	simm.s32 @p1 $0x1;
	p0 =	seq.s32 s7, s2  }
0x1e: {  	s7 =	smul.u32 @!p0 $0xF7A, s2;
	p2 =	seq.s32 @!p0 s5, $0x0  }
0x1f: {  	s9 =	smul.u32 $0xF7A, s1;
	s8 =	simm.s32 @!p0 $0x1BF5;
	p2 =	por !p2, p0  }
0x20: {  	[sflag:s8] =	ssyncset.s32 @!p0 $0xFFFFF086;
	s6 =	sadd.s32 @!p0 s3, s7;
	s7 =	simm.s32 @!p0 $0x108  }
0x21: {  	s3 =	sadd.s32 s3, s9;
	s6 =	sadd.s32 @!p0 $0x88, s6;
	s7 =	simm.s32 @p2 $0x1082  }
0x22: {  	[simem:s7], [sflag:s8] =	dma.local @!p0 [hbm:s6], $0xF7A  }
0x23: {  	s9 =	sor.u32 $0xD0000000, s2;
	s6 =	simm.s32 $0x108;
	_ =	swait.ge @!p0 [sflag:s8], $0x0  }
0x24: {  	s3 =	sadd.s32 $0x88, s3;
	s6 =	simm.s32 @!p1 $0x1082;
	[sflag:s4] =	ssyncset.s32 $0xFFFFF086  }
0x25: {  	[simem:s6], [sflag:s4] =	dma.local [hbm:s3], $0xF7A  }
0x26: {  	[smem:$0x3F9F] =	sst s1;
	(tag) =	ssettag s2;
	_ =	strace s9  }
0x27: {  	s1 =	sld [smem:$0x3FAF]  }
0x28: {  	s2 =	sld [smem:$0x3FB0]  }
0x29: {  	s4 =	sld [smem:$0x3FB2]  }
0x2a: {  	p0 =	seq.s32 s5, $0x0;
	s5 =	sld [smem:$0x3FB3]  }
0x2b: {  	s6 =	sld [smem:$0x3FB4]  }
0x2c: {  	s7 =	sld [smem:$0x3FB5]  }
0x2d: {  	s3 =	simm.s32 $0x108;
	s8 =	sld [smem:$0x3FB6]  }
0x2e: {  	s3 =	simm.s32 @!p0 $0x1082;
	s9 =	sld [smem:$0x3FB7]  }
0x2f: {  	lr =	sadd.s32 s0, s3;
	s0 =	sld [smem:$0x3FAE]  }
0x30: {  	s3 =	sld [smem:$0x3FB1]  }
0x31: {  	[smem:$0x3FBA] =	sst s10  }
0x32: {  	s10 =	sld [smem:$0x3FB8];
	_ =	sdelay $0x3  }
0x33: {  	p0 =	seq.s32 s10, $0x1;
	s10 =	sld [smem:$0x3FBA];
	_ =	sdelay $0x3  }
0x34: {  	[smem:$0x3FBA] =	sst s10  }
0x35: {  	s10 =	sld [smem:$0x3FB9];
	_ =	sdelay $0x3  }
0x36: {  	p1 =	seq.s32 s10, $0x1;
	s10 =	sld [smem:$0x3FBA];
	_ =	sdelay $0x3  }
0x37: {  	[smem:$0x3FBA] =	sst s10  }
0x38: {  	s10 =	sld [smem:$0x3FBB]  }
0x39: {  	_ = 	snop;
	(pc) =	sbr.ind lr, $3  }
0x3a: {  	_ = 	snop  }
0x3b: {  	_ = 	snop  }
0x3c: {  	p2 =	seq.s32 s10, $0x1;
	s10 =	sld [smem:$0x3FBA]  }
0x3d: {  	_ =	shalt  }
0x3e: {  	_ =	shalt  }
0x3f: {  	_ =	shalt  }
0x40: {  	_ =	shalt  }
0x41: {  	_ =	shalt  }
0x42: {  	_ =	shalt  }
0x43: {  	_ =	shalt  }
0x44: {  	_ =	shalt  }
0x45: {  	_ =	shalt  }
0x46: {  	_ =	shalt  }
0x47: {  	_ =	shalt  }
0x48: {  	_ =	shalt  }
0x49: {  	_ =	shalt  }
0x4a: {  	_ =	shalt  }
0x4b: {  	_ =	shalt  }
0x4c: {  	_ =	shalt  }
0x4d: {  	_ =	shalt  }
0x4e: {  	_ =	shalt  }
0x4f: {  	_ =	shalt  }
0x50: {  	_ =	shalt  }
0x51: {  	_ =	shalt  }
0x52: {  	_ =	shalt  }
0x53: {  	_ =	shalt  }
0x54: {  	_ =	shalt  }
0x55: {  	_ =	shalt  }
0x56: {  	_ =	shalt  }
0x57: {  	_ =	shalt  }
0x58: {  	_ =	shalt  }
0x59: {  	_ =	shalt  }
0x5a: {  	_ =	shalt  }
0x5b: {  	_ =	shalt  }
0x5c: {  	_ =	shalt  }
0x5d: {  	_ =	shalt  }
0x5e: {  	_ =	shalt  }
0x5f: {  	_ =	shalt  }
0x60: {  	_ =	shalt  }
0x61: {  	_ =	shalt  }
0x62: {  	_ =	shalt  }
0x63: {  	_ =	shalt  }
0x64: {  	_ =	shalt  }
0x65: {  	_ =	shalt  }
0x66: {  	_ =	shalt  }
0x67: {  	_ =	shalt  }
0x68: {  	_ =	shalt  }
0x69: {  	_ =	shalt  }
0x6a: {  	_ =	shalt  }
0x6b: {  	_ =	shalt  }
0x6c: {  	_ =	shalt  }
0x6d: {  	_ =	shalt  }
0x6e: {  	_ =	shalt  }
0x6f: {  	_ =	shalt  }
0x70: {  	_ =	shalt  }
0x71: {  	_ =	shalt  }
0x72: {  	_ =	shalt  }
0x73: {  	_ =	shalt  }
0x74: {  	_ =	shalt  }
0x75: {  	_ =	shalt  }
0x76: {  	_ =	shalt  }
0x77: {  	_ =	shalt  }
0x78: {  	_ =	shalt  }
0x79: {  	_ =	shalt  }
0x7a: {  	_ =	shalt  }
0x7b: {  	_ =	shalt  }
0x7c: {  	_ =	shalt  }
0x7d: {  	_ =	shalt  }
0x7e: {  	_ =	shalt  }
0x7f: {  	_ =	shalt  }
0x80: {  	_ =	shalt  }
0x81: {  	_ =	shalt  }
0x82: {  	_ =	shalt  }
0x83: {  	_ =	shalt  }
0x84: {  	_ =	shalt  }
0x85: {  	_ =	shalt  }
0x86: {  	_ =	shalt  }
0x87: {  	_ =	shalt  }
.Lfunc_end0:
.L_simem_size_0:
called_computation_lowered:
.L_overlay_start_0:
0x88: {  	s2 =	sld [smem:$0x3FD9]  }
0x89: {  	s3 =	sld [smem:$0x3FFE];
	_ =	sdelay $0x1  }
0x8a: {  	s1 =	srdreg.scid  }
0x8b: {  	s0 =	sand.u32 $0x1, s1  }
0x8c: {  	s17 =	sshll.u32 s0, $0xA;
	s2 =	sadd.s32 s3, s2  }
0x8d: {  	s2 =	sadd.s32 s2, s17  }
0x8e: {  	[smem:$0x3FC6] =	sst s2  }
0x8f: {  	_ = 	snop  }
0x90: {  	s2 =	sld [smem:$0x3FD0];
	(tm) =	ssettm $0x1  }
0x91: {  	s18 =	sld [smem:$0x3FFB];
	_ =	sdelay $0x3  }
0x92: {  	_ =	strace s18  }
0x93: {  	s3 =	sld [smem:$0x3FFC];
	_ =	sdelay $0x3  }
0x94: {  	_ =	strace s3  }
0x95: {  	s3 =	sld [smem:$0x3FFD];
	_ =	sdelay $0x3  }
0x96: {  	_ =	strace s3  }
0x97: {  	_ =	strace $0x8FFFFFFF  }
0x98: {  	s19 =	sld [smem:$0x3FDB];
	_ =	sdelay $0x1  }
0x99: {  	s4 =	simm.s32 $_scs_section_size  }
0x9a: {  	s5 =	simm.s32 $_size__tile_overlayer_lowered;
	s6 =	simm.s32 $_tile_overlayer_lowered  }
0x9b: {  	s22 =	simm.s32 $0x1BFF;
	s21 =	sshll.u32 s6, $0x1;
	s3 =	sadd.s32 s4, s19  }
0x9c: {  	s7 =	simm.s32 $0x0;
	s20 =	sshll.u32 s5, $0x1;
	s5 =	sadd.s32 s21, s3  }
0x9d: {  	[timem:s7], [sflag:s22] =	dma.local [hbm:s5], s20  }
0x9e: {  	_ =	swait.ge [sflag:s22], s20  }
0x9f: {  	s4 =	ssub.s32 $0x0, s20;
	[sflag:s22] =	ssyncset.done $0x0  }
0xa0: {  	[sflag:s22] =	ssyncadd.s32 s4;
	_ =	sdelay $0x1  }
0xa1: {  	s23 =	simm.s32 $0x1B8B  }
0xa2: {  	_ =	swait.ge [sflag:s23], $0x1  }
0xa3: {  	[sflag:s23] =	ssyncset.done $0x0  }
0xa4: {  	s25 =	simm.s32 $0x1B8E;
	s24 =	sld [smem:$0x3FFE];
	[sflag:s23] =	ssyncadd.s32 $0xFFFFFFFF  }
0xa5: {  	s26 =	simm.s32 $execute0_lowered;
	[smem:$0x3FD2] =	sst s25  }
0xa6: {  	s5 =	sshll.u32 s26, $0x1;
	_ =	strace $0x80000046;
	[dreg:$0x1] =	wrdreg $0xFFFFFFFF  }
0xa7: {  	s28 =	simm.s32 $_size_execute0_lowered;
	s3 =	sadd.s32 s3, s5;
	[dreg:$0x0] =	wrdreg $0x0  }
0xa8: {  	s5 =	sshll.u32 s28, $0x1;
	[dreg:$0x2] =	wrdreg s3  }
0xa9: {  	[dreg:$0x3] =	wrdreg s5  }
0xaa: {  	[dreg:$0x4] =	wrdreg $0xC0  }
0xab: {  	_ =	task [dreg:s7], $0x5FFFF  }
0xac: {  	[dreg:$0x1] =	wrdreg $0xFFFFFFFF  }
0xad: {  	[dreg:$0x0] =	wrdreg $0x60  }
0xae: {  	[dreg:$0x2] =	wrdreg s24  }
0xaf: {  	[dreg:$0x3] =	wrdreg s2  }
0xb0: {  	[dreg:$0x4] =	wrdreg $0x9  }
0xb1: {  	_ =	task.clear_ibuf [dreg:s7], $0x5FFFF;
	_ =	strace $0x90000046  }
0xb2: {  	s29 =	simm.s32 $0x9;
	_ =	strace $0x80000048  }
0xb3: {  	_ =	swait.ge [sflag:s29], $0x1  }
0xb4: {  	[sflag:s29] =	ssyncadd.s32 $0xFFFFFFFF  }
0xb5: {  	_ =	strace $0x90000048  }
0xb6: {  	_ =	sfence  }
0xb7: {  	s30 =	sld [smem:$0x0];
	_ =	sdelay $0x2  }
0xb8: {  	s31 =	sshll.u32 s1, $0xD;
	s1 =	sshrl.u32 s1, $0x2  }
0xb9: {  	s3 =	sand.u32 $0x4000, s31;
	s1 =	sadd.s32 s1, s30  }
0xba: {  	s0 =	sor.u32 s3, s0;
	s1 =	sshll.u32 s1, $0x11  }
0xbb: {  	s0 =	sor.u32 s1, s0  }
0xbc: {  	s0 =	sadd.s32 $0x8F2B, s0  }
0xbd: {  	[sflag:s0] =	ssyncadd.remote.s32 $0x1  }
0xbe: {  	_ =	sfence.sel $0xFFFF  }
0xbf: {  	[dreg:$0x0] =	wrdreg $0xFFFFFFFF;
	(pc) =	sbr.abs _section_cstart, $3  }
0xc0: {  	[dreg:$0x1] =	wrdreg $0xFFFFFFFF  }
0xc1: {  	_ =	task.clear_ibuf [dreg:s7], $0x2FFFF;
	_ =	strace $0x9FFFFFFF  }
0xc2: {  	(tm) =	ssettm $0x7FFFFFFF  }
0xc3: {  	_ =	shalt  }
tec
execute0_lowered:
.L_overlay_start_1:
0x0: {  	(tag) =	ssettag $0x1  }
0x1: {  	s0 =	rddreg [dreg:$0x0]  }
0x2: {  	s2 =	rddreg [dreg:$0x1]  }
0x3: {  	s1 =	srdreg.scid;
	s4 =	stileid.u32;
	s3 =	simm.s32 $0x0  }
0x4: {  	s10 =	simm.s32 $0x7;
	s11 =	simm.s32 $0x80;
	s12 =	simm.s32 $0x3400  }
0x5: {  	s13 =	simm.s32 $0x5440;
	s14 =	simm.s32 $0x100;
	s15 =	simm.s32 $0x7480  }
0x6: {  	s16 =	simm.s32 $0x1;
	s17 =	simm.s32 $0xB500;
	s18 =	simm.s32 $0x94C0  }
0x7: {  	s19 =	simm.s32 $0x2;
	s20 =	simm.s32 $0xD700;
	s21 =	simm.s32 $0x3  }
0x8: {  	s22 =	simm.s32 $0x5;
	s23 =	simm.s32 $0x4;
	s24 =	simm.s32 $0x6  }
0x9: {  	s25 =	simm.s32 $0x0;
	s1 =	sand.u32 $0x1, s1;
	s4 =	sshll.u32 s4, $0x1  }
0xa: {  	v0 =	vlaneseq.u32;
	[smem:$0x7FF] =	sst s3;
	s5 =	sor.u32 s1, s4;
	s1 =	ssub.s32 $0x2, s1  }
0xb: {  	v0 =	vmul.u32 $0x88, v0;
	_ =	strace $0x80000047;
	s6 =	sshll.u32 s5, $0x6;
	s7 =	sshrl.u32 s1, $0x1  }
0xc: {  	s4 =	sadd.s32 $0xD400, s0;
	s0 =	sadd.s32 s6, s0;
	s1 =	ssub.s32 s1, s7  }
0xd: {  	s5 =	sshll.u32 s5, $0xC;
	v1 =	vadd.s32 $0x880, v0;
	v2 =	vadd.s32 $0x1100, v0;
	v3 =	vadd.s32 $0x1980, v0;
	s6 =	sadd.s32 $0x400, s0;
	s7 =	smax.u32 s1, $0x1  }
.LBB2_1:
0xe: {  	s0 =	simm.s32 $0x200;
	s1 =	simm.s32 $0x4000  }
0xf: {  	[tilespmem:s3], [sflag:$0x7] =	stream.strided.gather [hbm4b:s6+s0], $0x3400, s1, s0, $0x38;
	[tilespmem:$0xF900] =	vst v63  }
0x10: {  	_ =	swait.ge [sflag:s10], $0x3400  }
0x11: {  	[sflag:s10] =	ssyncset.done $0x0  }
0x12: {  	[sflag:s10] =	ssyncadd.s32 $0xFFFFCC00  }
0x13: {  	[tilespmem:s12], [sflag:$0x1] =	stream.indirect.gather [hbm4b:s4+s11], $0x40, s3, s11, $0xb8;
	[tilespmem:$0xF900] =	vst v63  }
0x14: {  	_ = 	snop  }
0x15: {  	[tilespmem:s13], [sflag:$0x2] =	stream.indirect.gather [hbm4b:s4+s11], $0x40, s11, s11, $0xb8;
	[tilespmem:$0xF900] =	vst v63  }
0x16: {  	s26 =	simm.s32 $0x0  }
0x17: {  	[tilespmem:s15], [sflag:$0x3] =	stream.indirect.gather [hbm4b:s4+s11], $0x40, s14, s11, $0xb8;
	[tilespmem:$0xF900] =	vst v63  }
.LBB2_2:
0x18: {  	_ =	swait.ge [sflag:s16], $0x2000  }
0x19: {  	p0 =	seq.s32 s26, $0x0;
	[sflag:s16] =	ssyncset.done $0x0  }
0x1a: {  	s0 =	simm.s32 @!p0 $0x5;
	[sflag:s16] =	ssyncadd.s32 $0xFFFFE000  }
0x1b: {  	_ =	swait.ge @!p0 [sflag:s0], $0x2000  }
0x1c: {  	[sflag:s0] =	ssyncset.done @!p0 $0x0  }
0x1d: {  	[sflag:s0] =	ssyncadd.s32 @!p0 $0xFFFFE000  }
0x1e: {  	v4 =	vld [tilespmem:$0x3400]  }
0x1f: {  	v5 =	vld [tilespmem:$0x3410]  }
0x20: {  	v6 =	vld [tilespmem:$0x3420]  }
0x21: {  	s28 =	simm.s32 $0x0;
	s29 =	simm.s32 $0x3520;
	v7 =	vld [tilespmem:$0x3430]  }
.LBB2_3:
0x22: {  	v8 =	vadd.s32 s28, v0  }
0x23: {  	v10 =	vadd.s32 s28, v1  }
0x24: {  	v9 =	vld [tilespmem:s29+$0xFFFFFF20];
	v12 =	vadd.s32 s28, v2  }
0x25: {  	v11 =	vld [tilespmem:s29+$0xFFFFFF30];
	v14 =	vadd.s32 s28, v3  }
0x26: {  	v13 =	vld [tilespmem:s29+$0xFFFFFF40]  }
0x27: {  	v15 =	vld [tilespmem:s29+$0xFFFFFF50];
	[tilespmem:v8+s17+$0x0] =	vst.idx.msk $0xffff, v4  }
0x28: {  	s0 =	sadd.s32 $0x1, s28;
	[tilespmem:v10+s17+$0x0] =	vst.idx.msk $0xffff, v5  }
0x29: {  	v4 =	vadd.s32 s0, v0;
	[tilespmem:v12+s17+$0x0] =	vst.idx.msk $0xffff, v6  }
0x2a: {  	v6 =	vadd.s32 s0, v1;
	[tilespmem:v14+s17+$0x0] =	vst.idx.msk $0xffff, v7  }
0x2b: {  	v8 =	vadd.s32 s0, v2;
	v5 =	vld [tilespmem:s29+$0xFFFFFF60]  }
0x2c: {  	v51 =	vadd.s32 s0, v3;
	v7 =	vld [tilespmem:s29+$0xFFFFFF70]  }
0x2d: {  	v10 =	vld [tilespmem:s29+$0xFFFFFF80]  }
0x2e: {  	v14 =	vld [tilespmem:s29+$0xFFFFFF90];
	[tilespmem:v4+s17+$0x0] =	vst.idx.msk $0xffff, v9  }
0x2f: {  	s31 =	sadd.s32 $0x2, s28;
	[tilespmem:v6+s17+$0x0] =	vst.idx.msk $0xffff, v11  }
0x30: {  	v4 =	vadd.s32 s31, v0;
	[tilespmem:v8+s17+$0x0] =	vst.idx.msk $0xffff, v13  }
0x31: {  	v8 =	vadd.s32 s31, v1;
	[tilespmem:v51+s17+$0x0] =	vst.idx.msk $0xffff, v15  }
0x32: {  	v52 =	vadd.s32 s31, v2;
	v6 =	vld [tilespmem:s29+$0xFFFFFFA0]  }
0x33: {  	v53 =	vadd.s32 s31, v3;
	v9 =	vld [tilespmem:s29+$0xFFFFFFB0]  }
0x34: {  	v12 =	vld [tilespmem:s29+$0xFFFFFFC0]  }
0x35: {  	v15 =	vld [tilespmem:s29+$0xFFFFFFD0];
	[tilespmem:v4+s17+$0x0] =	vst.idx.msk $0xffff, v5  }
0x36: {  	s1 =	sadd.s32 $0x3, s28;
	[tilespmem:v8+s17+$0x0] =	vst.idx.msk $0xffff, v7  }
0x37: {  	v4 =	vadd.s32 s1, v0;
	[tilespmem:v52+s17+$0x0] =	vst.idx.msk $0xffff, v10  }
0x38: {  	v7 =	vadd.s32 s1, v1;
	[tilespmem:v53+s17+$0x0] =	vst.idx.msk $0xffff, v14  }
0x39: {  	v54 =	vadd.s32 s1, v2;
	v5 =	vld [tilespmem:s29+$0xFFFFFFE0]  }
0x3a: {  	v55 =	vadd.s32 s1, v3;
	v8 =	vld [tilespmem:s29+$0xFFFFFFF0]  }
0x3b: {  	v11 =	vld [tilespmem:s29+$0x0]  }
0x3c: {  	v14 =	vld [tilespmem:s29+$0x10];
	[tilespmem:v4+s17+$0x0] =	vst.idx.msk $0xffff, v6  }
0x3d: {  	s8 =	sadd.s32 $0x4, s28;
	[tilespmem:v7+s17+$0x0] =	vst.idx.msk $0xffff, v9  }
0x3e: {  	v4 =	vadd.s32 s8, v0;
	[tilespmem:v54+s17+$0x0] =	vst.idx.msk $0xffff, v12  }
0x3f: {  	v7 =	vadd.s32 s8, v1;
	[tilespmem:v55+s17+$0x0] =	vst.idx.msk $0xffff, v15  }
0x40: {  	v56 =	vadd.s32 s8, v2;
	v6 =	vld [tilespmem:s29+$0x20]  }
0x41: {  	v57 =	vadd.s32 s8, v3;
	v9 =	vld [tilespmem:s29+$0x30]  }
0x42: {  	v12 =	vld [tilespmem:s29+$0x40]  }
0x43: {  	v15 =	vld [tilespmem:s29+$0x50];
	[tilespmem:v4+s17+$0x0] =	vst.idx.msk $0xffff, v5  }
0x44: {  	s9 =	sadd.s32 $0x5, s28;
	[tilespmem:v7+s17+$0x0] =	vst.idx.msk $0xffff, v8  }
0x45: {  	v4 =	vadd.s32 s9, v0;
	[tilespmem:v56+s17+$0x0] =	vst.idx.msk $0xffff, v11  }
0x46: {  	v7 =	vadd.s32 s9, v1;
	[tilespmem:v57+s17+$0x0] =	vst.idx.msk $0xffff, v14  }
0x47: {  	v58 =	vadd.s32 s9, v2;
	v5 =	vld [tilespmem:s29+$0x60]  }
0x48: {  	v59 =	vadd.s32 s9, v3;
	v8 =	vld [tilespmem:s29+$0x70]  }
0x49: {  	v11 =	vld [tilespmem:s29+$0x80]  }
0x4a: {  	v14 =	vld [tilespmem:s29+$0x90];
	[tilespmem:v4+s17+$0x0] =	vst.idx.msk $0xffff, v6  }
0x4b: {  	s30 =	sadd.s32 $0x6, s28;
	[tilespmem:v7+s17+$0x0] =	vst.idx.msk $0xffff, v9  }
0x4c: {  	v4 =	vadd.s32 s30, v0;
	[tilespmem:v58+s17+$0x0] =	vst.idx.msk $0xffff, v12  }
0x4d: {  	v6 =	vadd.s32 s30, v1;
	[tilespmem:v59+s17+$0x0] =	vst.idx.msk $0xffff, v15  }
0x4e: {  	v7 =	vadd.s32 s30, v2;
	v9 =	vld [tilespmem:s29+$0xA0]  }
0x4f: {  	v60 =	vadd.s32 s30, v3;
	v10 =	vld [tilespmem:s29+$0xB0]  }
0x50: {  	v12 =	vld [tilespmem:s29+$0xC0]  }
0x51: {  	v15 =	vld [tilespmem:s29+$0xD0];
	[tilespmem:v4+s17+$0x0] =	vst.idx.msk $0xffff, v5  }
0x52: {  	s31 =	sadd.s32 $0x7, s28;
	[tilespmem:v6+s17+$0x0] =	vst.idx.msk $0xffff, v8  }
0x53: {  	v8 =	vadd.s32 s31, v0;
	[tilespmem:v7+s17+$0x0] =	vst.idx.msk $0xffff, v11  }
0x54: {  	v61 =	vadd.s32 s31, v1;
	[tilespmem:v60+s17+$0x0] =	vst.idx.msk $0xffff, v14  }
0x55: {  	v62 =	vadd.s32 s31, v2;
	v4 =	vld [tilespmem:s29+$0xE0]  }
0x56: {  	p1 =	slt.u32 s28, $0x78;
	v63 =	vadd.s32 s31, v3;
	v5 =	vld [tilespmem:s29+$0xF0]  }
.Ltmp0:
0x57: {  	v6 =	vld [tilespmem:s29+$0x100];
	(pc) =	sbr.rel @p1 .LBB2_3-.Ltmp0, $4  }
0x58: {  	v7 =	vld [tilespmem:s29+$0x110];
	[tilespmem:v8+s17+$0x0] =	vst.idx.msk $0xffff, v9  }
0x59: {  	[tilespmem:v61+s17+$0x0] =	vst.idx.msk $0xffff, v10  }
0x5a: {  	[tilespmem:v62+s17+$0x0] =	vst.idx.msk $0xffff, v12  }
0x5b: {  	s28 =	sadd.s32 $0x8, s28;
	s29 =	sadd.s32 $0x200, s29;
	[tilespmem:v63+s17+$0x0] =	vst.idx.msk $0xffff, v15  }
0x5c: {  	s0 =	sshll.u32 s26, $0x9  }
0x5d: {  	s28 =	sand.u32 $0x3FFFFE00, s0  }
0x5e: {  	s1 =	sshll.u32 s26, $0x14;
	s0 =	sor.u32 $0x180, s28  }
0x5f: {  	[tilespmem:s18], [sflag:$0x4] =	stream.indirect.gather [hbm4b:s4+s11], $0x40, s0, s11, $0xb8;
	[tilespmem:$0xF900] =	vst v63  }
0x60: {  	s0 =	sor.u32 s5, s1  }
0x61: {  	s29 =	sshrl.u32 s0, $0x3  }
0x62: {  	s8 =	simm.s32 $0xB500;
	s31 =	sadd.s32 s2, s29  }
0x63: {  	[hbm4b:s31+s3] =	stream.linear.scatter [tilespmem:s8], [sflag:$0x5], $0x80, $0x38;
	[tilespmem:$0xF900] =	vst v63  }
0x64: {  	s9 =	simm.s32 $0xB588;
	s1 =	sadd.s32 $0x10, s31  }
0x65: {  	[hbm4b:s1+s3] =	stream.linear.scatter [tilespmem:s9], [sflag:$0x5], $0x80, $0x38;
	[tilespmem:$0xF900] =	vst v63  }
0x66: {  	s8 =	simm.s32 $0xB610;
	s9 =	sadd.s32 $0x20, s31  }
0x67: {  	[hbm4b:s9+s3] =	stream.linear.scatter [tilespmem:s8], [sflag:$0x5], $0x80, $0x38;
	[tilespmem:$0xF900] =	vst v63  }
0x68: {  	s8 =	simm.s32 $0xB698;
	s9 =	sadd.s32 $0x30, s31  }
0x69: {  	[hbm4b:s9+s3] =	stream.linear.scatter [tilespmem:s8], [sflag:$0x5], $0x80, $0x38;
	[tilespmem:$0xF900] =	vst v63  }
0x6a: {  	s8 =	simm.s32 $0xB720;
	s9 =	sadd.s32 $0x40, s31  }
0x6b: {  	[hbm4b:s9+s3] =	stream.linear.scatter [tilespmem:s8], [sflag:$0x5], $0x80, $0x38;
	[tilespmem:$0xF900] =	vst v63  }
0x6c: {  	s30 =	simm.s32 $0x440;
	s8 =	simm.s32 $0xB7A8;
	s9 =	sadd.s32 $0x50, s31  }
0x6d: {  	[hbm4b:s9+s3] =	stream.linear.scatter [tilespmem:s8], [sflag:$0x5], $0x80, $0x38;
	[tilespmem:$0xF900] =	vst v63  }
0x6e: {  	s0 =	simm.s32 $0x2200;
	s8 =	simm.s32 $0xB830;
	s9 =	sadd.s32 $0x60, s31  }
0x6f: {  	[hbm4b:s9+s3] =	stream.linear.scatter [tilespmem:s8], [sflag:$0x5], $0x80, $0x38;
	[tilespmem:$0xF900] =	vst v63  }
0x70: {  	s1 =	simm.s32 $0xB8B8;
	s8 =	sadd.s32 $0x70, s31;
	s31 =	sadd.s32 $0x4000, s31  }
.LBB2_5:
0x71: {  	[hbm4b:s8+s3] =	stream.linear.scatter [tilespmem:s1], [sflag:$0x5], $0x80, $0x38;
	[tilespmem:$0xF900] =	vst v63  }
0x72: {  	s1 =	smov.u32 s30;
	s8 =	smov.u32 s0  }
0x73: {  	s9 =	sadd.s32 $0x1100, s0;
	s30 =	sshra.s32 s8, $0x2;
	s8 =	sadd.s32 $0xB500, s1  }
0x74: {  	[hbm4b:s31+s3] =	stream.linear.scatter [tilespmem:s8], [sflag:$0x5], $0x80, $0x38;
	[tilespmem:$0xF900] =	vst v63  }
0x75: {  	p1 =	sne.s32 s0, $0x7700;
	s0 =	sadd.s32 $0xB588, s1;
	s8 =	sadd.s32 $0x10, s31  }
0x76: {  	[hbm4b:s8+s3] =	stream.linear.scatter [tilespmem:s0], [sflag:$0x5], $0x80, $0x38;
	[tilespmem:$0xF900] =	vst v63  }
0x77: {  	s0 =	sadd.s32 $0xB610, s1;
	s8 =	sadd.s32 $0x20, s31  }
0x78: {  	[hbm4b:s8+s3] =	stream.linear.scatter [tilespmem:s0], [sflag:$0x5], $0x80, $0x38;
	[tilespmem:$0xF900] =	vst v63  }
0x79: {  	s0 =	sadd.s32 $0xB698, s1;
	s8 =	sadd.s32 $0x30, s31  }
0x7a: {  	[hbm4b:s8+s3] =	stream.linear.scatter [tilespmem:s0], [sflag:$0x5], $0x80, $0x38;
	[tilespmem:$0xF900] =	vst v63  }
0x7b: {  	s0 =	sadd.s32 $0xB720, s1;
	s8 =	sadd.s32 $0x40, s31  }
0x7c: {  	[hbm4b:s8+s3] =	stream.linear.scatter [tilespmem:s0], [sflag:$0x5], $0x80, $0x38;
	[tilespmem:$0xF900] =	vst v63  }
.Ltmp1:
0x7d: {  	s0 =	sadd.s32 $0xB7A8, s1;
	s8 =	sadd.s32 $0x50, s31;
	(pc) =	sbr.rel @p1 .LBB2_5-.Ltmp1, $4  }
0x7e: {  	[hbm4b:s8+s3] =	stream.linear.scatter [tilespmem:s0], [sflag:$0x5], $0x80, $0x38;
	[tilespmem:$0xF900] =	vst v63  }
0x7f: {  	s0 =	sadd.s32 $0xB830, s1;
	s8 =	sadd.s32 $0x60, s31;
	s1 =	sadd.s32 $0xB8B8, s1  }
0x80: {  	[hbm4b:s8+s3] =	stream.linear.scatter [tilespmem:s0], [sflag:$0x5], $0x80, $0x38;
	[tilespmem:$0xF900] =	vst v63  }
0x81: {  	s8 =	sadd.s32 $0x70, s31;
	s31 =	sadd.s32 $0x4000, s31;
	s0 =	smov.u32 s9  }
0x82: {  	[hbm4b:s8+s3] =	stream.linear.scatter [tilespmem:s1], [sflag:$0x5], $0x80, $0x38;
	[tilespmem:$0xF900] =	vst v63  }
0x83: {  	s0 =	sadd.s32 $0xB500, s30  }
0x84: {  	[hbm4b:s31+s3] =	stream.linear.scatter [tilespmem:s0], [sflag:$0x5], $0x80, $0x38;
	[tilespmem:$0xF900] =	vst v63  }
0x85: {  	s8 =	sadd.s32 $0xB588, s30;
	s9 =	sadd.s32 $0x10, s31  }
0x86: {  	[hbm4b:s9+s3] =	stream.linear.scatter [tilespmem:s8], [sflag:$0x5], $0x80, $0x38;
	[tilespmem:$0xF900] =	vst v63  }
0x87: {  	s8 =	sadd.s32 $0xB610, s30;
	s9 =	sadd.s32 $0x20, s31  }
0x88: {  	[hbm4b:s9+s3] =	stream.linear.scatter [tilespmem:s8], [sflag:$0x5], $0x80, $0x38;
	[tilespmem:$0xF900] =	vst v63  }
0x89: {  	s8 =	sadd.s32 $0xB698, s30;
	s9 =	sadd.s32 $0x30, s31  }
0x8a: {  	[hbm4b:s9+s3] =	stream.linear.scatter [tilespmem:s8], [sflag:$0x5], $0x80, $0x38;
	[tilespmem:$0xF900] =	vst v63  }
0x8b: {  	s8 =	sadd.s32 $0xB720, s30;
	s9 =	sadd.s32 $0x40, s31  }
0x8c: {  	[hbm4b:s9+s3] =	stream.linear.scatter [tilespmem:s8], [sflag:$0x5], $0x80, $0x38;
	[tilespmem:$0xF900] =	vst v63  }
0x8d: {  	s8 =	sadd.s32 $0xB7A8, s30;
	s9 =	sadd.s32 $0x50, s31  }
0x8e: {  	[hbm4b:s9+s3] =	stream.linear.scatter [tilespmem:s8], [sflag:$0x5], $0x80, $0x38;
	[tilespmem:$0xF900] =	vst v63  }
0x8f: {  	s8 =	sadd.s32 $0xB830, s30;
	s9 =	sadd.s32 $0x60, s31  }
0x90: {  	[hbm4b:s9+s3] =	stream.linear.scatter [tilespmem:s8], [sflag:$0x5], $0x80, $0x38;
	[tilespmem:$0xF900] =	vst v63  }
0x91: {  	s8 =	sadd.s32 $0xB8B8, s30;
	s9 =	sadd.s32 $0x70, s31  }
0x92: {  	[hbm4b:s9+s3] =	stream.linear.scatter [tilespmem:s8], [sflag:$0x5], $0x80, $0x38;
	[tilespmem:$0xF900] =	vst v63  }
0x93: {  	_ =	swait.ge [sflag:s19], $0x2000  }
0x94: {  	[sflag:s19] =	ssyncset.done $0x0  }
0x95: {  	s0 =	simm.s32 @!p0 $0x6;
	[sflag:s19] =	ssyncadd.s32 $0xFFFFE000  }
0x96: {  	_ =	swait.ge @!p0 [sflag:s0], $0x2000  }
0x97: {  	[sflag:s0] =	ssyncset.done @!p0 $0x0  }
0x98: {  	[sflag:s0] =	ssyncadd.s32 @!p0 $0xFFFFE000  }
0x99: {  	v4 =	vld [tilespmem:$0x5440]  }
0x9a: {  	v5 =	vld [tilespmem:$0x5450]  }
0x9b: {  	v6 =	vld [tilespmem:$0x5460]  }
0x9c: {  	s30 =	simm.s32 $0x0;
	s31 =	simm.s32 $0x5670;
	v7 =	vld [tilespmem:$0x5470]  }
.LBB2_7:
0x9d: {  	v8 =	vadd.s32 s30, v0  }
0x9e: {  	v10 =	vadd.s32 s30, v1  }
0x9f: {  	v9 =	vld [tilespmem:s31+$0xFFFFFE10];
	v12 =	vadd.s32 s30, v2  }
0xa0: {  	v11 =	vld [tilespmem:s31+$0xFFFFFE20];
	v14 =	vadd.s32 s30, v3  }
0xa1: {  	v13 =	vld [tilespmem:s31+$0xFFFFFE30]  }
0xa2: {  	v15 =	vld [tilespmem:s31+$0xFFFFFE40];
	[tilespmem:v8+s20+$0x0] =	vst.idx.msk $0xffff, v4  }
0xa3: {  	s0 =	sadd.s32 $0x1, s30;
	[tilespmem:v10+s20+$0x0] =	vst.idx.msk $0xffff, v5  }
0xa4: {  	v4 =	vadd.s32 s0, v0;
	[tilespmem:v12+s20+$0x0] =	vst.idx.msk $0xffff, v6  }
0xa5: {  	v6 =	vadd.s32 s0, v1;
	[tilespmem:v14+s20+$0x0] =	vst.idx.msk $0xffff, v7  }
0xa6: {  	v8 =	vadd.s32 s0, v2;
	v5 =	vld [tilespmem:s31+$0xFFFFFE50]  }
0xa7: {  	v51 =	vadd.s32 s0, v3;
	v7 =	vld [tilespmem:s31+$0xFFFFFE60]  }
0xa8: {  	v10 =	vld [tilespmem:s31+$0xFFFFFE70]  }
0xa9: {  	v14 =	vld [tilespmem:s31+$0xFFFFFE80];
	[tilespmem:v4+s20+$0x0] =	vst.idx.msk $0xffff, v9  }
0xaa: {  	s1 =	sadd.s32 $0x2, s30;
	[tilespmem:v6+s20+$0x0] =	vst.idx.msk $0xffff, v11  }
0xab: {  	v4 =	vadd.s32 s1, v0;
	[tilespmem:v8+s20+$0x0] =	vst.idx.msk $0xffff, v13  }
0xac: {  	v8 =	vadd.s32 s1, v1;
	[tilespmem:v51+s20+$0x0] =	vst.idx.msk $0xffff, v15  }
0xad: {  	v52 =	vadd.s32 s1, v2;
	v6 =	vld [tilespmem:s31+$0xFFFFFE90]  }
0xae: {  	v53 =	vadd.s32 s1, v3;
	v9 =	vld [tilespmem:s31+$0xFFFFFEA0]  }
0xaf: {  	v12 =	vld [tilespmem:s31+$0xFFFFFEB0]  }
0xb0: {  	v15 =	vld [tilespmem:s31+$0xFFFFFEC0];
	[tilespmem:v4+s20+$0x0] =	vst.idx.msk $0xffff, v5  }
0xb1: {  	s8 =	sadd.s32 $0x3, s30;
	[tilespmem:v8+s20+$0x0] =	vst.idx.msk $0xffff, v7  }
0xb2: {  	v4 =	vadd.s32 s8, v0;
	[tilespmem:v52+s20+$0x0] =	vst.idx.msk $0xffff, v10  }
0xb3: {  	v7 =	vadd.s32 s8, v1;
	[tilespmem:v53+s20+$0x0] =	vst.idx.msk $0xffff, v14  }
0xb4: {  	v54 =	vadd.s32 s8, v2;
	v5 =	vld [tilespmem:s31+$0xFFFFFED0]  }
0xb5: {  	v55 =	vadd.s32 s8, v3;
	v8 =	vld [tilespmem:s31+$0xFFFFFEE0]  }
0xb6: {  	v11 =	vld [tilespmem:s31+$0xFFFFFEF0]  }
0xb7: {  	v14 =	vld [tilespmem:s31+$0xFFFFFF00];
	[tilespmem:v4+s20+$0x0] =	vst.idx.msk $0xffff, v6  }
0xb8: {  	s9 =	sadd.s32 $0x4, s30;
	[tilespmem:v7+s20+$0x0] =	vst.idx.msk $0xffff, v9  }
0xb9: {  	v4 =	vadd.s32 s9, v0;
	[tilespmem:v54+s20+$0x0] =	vst.idx.msk $0xffff, v12  }
0xba: {  	v7 =	vadd.s32 s9, v1;
	[tilespmem:v55+s20+$0x0] =	vst.idx.msk $0xffff, v15  }
0xbb: {  	v56 =	vadd.s32 s9, v2;
	v6 =	vld [tilespmem:s31+$0xFFFFFF10]  }
0xbc: {  	v57 =	vadd.s32 s9, v3;
	v9 =	vld [tilespmem:s31+$0xFFFFFF20]  }
0xbd: {  	v12 =	vld [tilespmem:s31+$0xFFFFFF30]  }
0xbe: {  	v15 =	vld [tilespmem:s31+$0xFFFFFF40];
	[tilespmem:v4+s20+$0x0] =	vst.idx.msk $0xffff, v5  }
0xbf: {  	s1 =	sadd.s32 $0x5, s30;
	[tilespmem:v7+s20+$0x0] =	vst.idx.msk $0xffff, v8  }
0xc0: {  	v4 =	vadd.s32 s1, v0;
	[tilespmem:v56+s20+$0x0] =	vst.idx.msk $0xffff, v11  }
0xc1: {  	v7 =	vadd.s32 s1, v1;
	[tilespmem:v57+s20+$0x0] =	vst.idx.msk $0xffff, v14  }
0xc2: {  	v58 =	vadd.s32 s1, v2;
	v5 =	vld [tilespmem:s31+$0xFFFFFF50]  }
0xc3: {  	v59 =	vadd.s32 s1, v3;
	v8 =	vld [tilespmem:s31+$0xFFFFFF60]  }
0xc4: {  	v11 =	vld [tilespmem:s31+$0xFFFFFF70]  }
0xc5: {  	v14 =	vld [tilespmem:s31+$0xFFFFFF80];
	[tilespmem:v4+s20+$0x0] =	vst.idx.msk $0xffff, v6  }
0xc6: {  	s8 =	sadd.s32 $0x6, s30;
	[tilespmem:v7+s20+$0x0] =	vst.idx.msk $0xffff, v9  }
0xc7: {  	v4 =	vadd.s32 s8, v0;
	[tilespmem:v58+s20+$0x0] =	vst.idx.msk $0xffff, v12  }
0xc8: {  	v6 =	vadd.s32 s8, v1;
	[tilespmem:v59+s20+$0x0] =	vst.idx.msk $0xffff, v15  }
0xc9: {  	v7 =	vadd.s32 s8, v2;
	v9 =	vld [tilespmem:s31+$0xFFFFFF90]  }
0xca: {  	v60 =	vadd.s32 s8, v3;
	v10 =	vld [tilespmem:s31+$0xFFFFFFA0]  }
0xcb: {  	v12 =	vld [tilespmem:s31+$0xFFFFFFB0]  }
0xcc: {  	v15 =	vld [tilespmem:s31+$0xFFFFFFC0];
	[tilespmem:v4+s20+$0x0] =	vst.idx.msk $0xffff, v5  }
0xcd: {  	s9 =	sadd.s32 $0x7, s30;
	[tilespmem:v6+s20+$0x0] =	vst.idx.msk $0xffff, v8  }
0xce: {  	v8 =	vadd.s32 s9, v0;
	[tilespmem:v7+s20+$0x0] =	vst.idx.msk $0xffff, v11  }
0xcf: {  	v61 =	vadd.s32 s9, v1;
	[tilespmem:v60+s20+$0x0] =	vst.idx.msk $0xffff, v14  }
0xd0: {  	v62 =	vadd.s32 s9, v2;
	v4 =	vld [tilespmem:s31+$0xFFFFFFD0]  }
0xd1: {  	p0 =	slt.u32 s30, $0x78;
	v63 =	vadd.s32 s9, v3;
	v5 =	vld [tilespmem:s31+$0xFFFFFFE0]  }
.Ltmp2:
0xd2: {  	v6 =	vld [tilespmem:s31+$0xFFFFFFF0];
	(pc) =	sbr.rel @p0 .LBB2_7-.Ltmp2, $4  }
0xd3: {  	v7 =	vld [tilespmem:s31+$0x0];
	[tilespmem:v8+s20+$0x0] =	vst.idx.msk $0xffff, v9  }
0xd4: {  	[tilespmem:v61+s20+$0x0] =	vst.idx.msk $0xffff, v10  }
0xd5: {  	[tilespmem:v62+s20+$0x0] =	vst.idx.msk $0xffff, v12  }
0xd6: {  	s30 =	sadd.s32 $0x8, s30;
	s31 =	sadd.s32 $0x200, s31;
	[tilespmem:v63+s20+$0x0] =	vst.idx.msk $0xffff, v15  }
0xd7: {  	p0 =	sgt.u32 s26, $0x18;
	s29 =	sadd.s32 s29, s2  }
0xd8: {  	s0 =	sadd.s32 @!p0 $0x200, s28;
	s1 =	simm.s32 @!p0 $0x80;
	s8 =	simm.s32 @!p0 $0x3400  }
0xd9: {  	[tilespmem:s8], [sflag:$0x1] =	stream.indirect.gather @!p0 [hbm4b:s4+s1], $0x40, s0, s1, $0xb8;
	[tilespmem:$0xF900] =	vst v63  }
0xda: {  	s9 =	sadd.s32 $0x80, s29;
	s8 =	simm.s32 $0xD700  }
0xdb: {  	[hbm4b:s9+s3] =	stream.linear.scatter [tilespmem:s8], [sflag:$0x6], $0x80, $0x38;
	[tilespmem:$0xF900] =	vst v63  }
0xdc: {  	s1 =	simm.s32 $0xD788;
	s8 =	sadd.s32 $0x10, s9  }
0xdd: {  	[hbm4b:s8+s3] =	stream.linear.scatter [tilespmem:s1], [sflag:$0x6], $0x80, $0x38;
	[tilespmem:$0xF900] =	vst v63  }
0xde: {  	s1 =	simm.s32 $0xD810;
	s8 =	sadd.s32 $0x20, s9  }
0xdf: {  	[hbm4b:s8+s3] =	stream.linear.scatter [tilespmem:s1], [sflag:$0x6], $0x80, $0x38;
	[tilespmem:$0xF900] =	vst v63  }
0xe0: {  	s1 =	simm.s32 $0xD898;
	s8 =	sadd.s32 $0x30, s9  }
0xe1: {  	[hbm4b:s8+s3] =	stream.linear.scatter [tilespmem:s1], [sflag:$0x6], $0x80, $0x38;
	[tilespmem:$0xF900] =	vst v63  }
0xe2: {  	s1 =	simm.s32 $0xD920;
	s8 =	sadd.s32 $0x40, s9  }
0xe3: {  	[hbm4b:s8+s3] =	stream.linear.scatter [tilespmem:s1], [sflag:$0x6], $0x80, $0x38;
	[tilespmem:$0xF900] =	vst v63  }
0xe4: {  	s30 =	simm.s32 $0x440;
	s1 =	simm.s32 $0xD9A8;
	s8 =	sadd.s32 $0x50, s9  }
0xe5: {  	[hbm4b:s8+s3] =	stream.linear.scatter [tilespmem:s1], [sflag:$0x6], $0x80, $0x38;
	[tilespmem:$0xF900] =	vst v63  }
0xe6: {  	s0 =	simm.s32 $0x2200;
	s1 =	simm.s32 $0xDA30;
	s8 =	sadd.s32 $0x60, s9  }
0xe7: {  	[hbm4b:s8+s3] =	stream.linear.scatter [tilespmem:s1], [sflag:$0x6], $0x80, $0x38;
	[tilespmem:$0xF900] =	vst v63  }
0xe8: {  	s31 =	sadd.s32 $0x4000, s9;
	s1 =	simm.s32 $0xDAB8;
	s8 =	sadd.s32 $0x70, s9  }
.LBB2_9:
0xe9: {  	[hbm4b:s8+s3] =	stream.linear.scatter [tilespmem:s1], [sflag:$0x6], $0x80, $0x38;
	[tilespmem:$0xF900] =	vst v63  }
0xea: {  	s1 =	smov.u32 s30;
	s8 =	smov.u32 s0  }
0xeb: {  	s9 =	sadd.s32 $0x1100, s0;
	s30 =	sshra.s32 s8, $0x2;
	s8 =	sadd.s32 $0xD700, s1  }
0xec: {  	[hbm4b:s31+s3] =	stream.linear.scatter [tilespmem:s8], [sflag:$0x6], $0x80, $0x38;
	[tilespmem:$0xF900] =	vst v63  }
0xed: {  	p1 =	sne.s32 s0, $0x7700;
	s0 =	sadd.s32 $0xD788, s1;
	s8 =	sadd.s32 $0x10, s31  }
0xee: {  	[hbm4b:s8+s3] =	stream.linear.scatter [tilespmem:s0], [sflag:$0x6], $0x80, $0x38;
	[tilespmem:$0xF900] =	vst v63  }
0xef: {  	s0 =	sadd.s32 $0xD810, s1;
	s8 =	sadd.s32 $0x20, s31  }
0xf0: {  	[hbm4b:s8+s3] =	stream.linear.scatter [tilespmem:s0], [sflag:$0x6], $0x80, $0x38;
	[tilespmem:$0xF900] =	vst v63  }
0xf1: {  	s0 =	sadd.s32 $0xD898, s1;
	s8 =	sadd.s32 $0x30, s31  }
0xf2: {  	[hbm4b:s8+s3] =	stream.linear.scatter [tilespmem:s0], [sflag:$0x6], $0x80, $0x38;
	[tilespmem:$0xF900] =	vst v63  }
0xf3: {  	s0 =	sadd.s32 $0xD920, s1;
	s8 =	sadd.s32 $0x40, s31  }
0xf4: {  	[hbm4b:s8+s3] =	stream.linear.scatter [tilespmem:s0], [sflag:$0x6], $0x80, $0x38;
	[tilespmem:$0xF900] =	vst v63  }
.Ltmp3:
0xf5: {  	s0 =	sadd.s32 $0xD9A8, s1;
	s8 =	sadd.s32 $0x50, s31;
	(pc) =	sbr.rel @p1 .LBB2_9-.Ltmp3, $4  }
0xf6: {  	[hbm4b:s8+s3] =	stream.linear.scatter [tilespmem:s0], [sflag:$0x6], $0x80, $0x38;
	[tilespmem:$0xF900] =	vst v63  }
0xf7: {  	s0 =	sadd.s32 $0xDA30, s1;
	s8 =	sadd.s32 $0x60, s31;
	s1 =	sadd.s32 $0xDAB8, s1  }
0xf8: {  	[hbm4b:s8+s3] =	stream.linear.scatter [tilespmem:s0], [sflag:$0x6], $0x80, $0x38;
	[tilespmem:$0xF900] =	vst v63  }
0xf9: {  	s8 =	sadd.s32 $0x70, s31;
	s31 =	sadd.s32 $0x4000, s31;
	s0 =	smov.u32 s9  }
0xfa: {  	[hbm4b:s8+s3] =	stream.linear.scatter [tilespmem:s1], [sflag:$0x6], $0x80, $0x38;
	[tilespmem:$0xF900] =	vst v63  }
0xfb: {  	s0 =	sadd.s32 $0xD700, s30  }
0xfc: {  	[hbm4b:s31+s3] =	stream.linear.scatter [tilespmem:s0], [sflag:$0x6], $0x80, $0x38;
	[tilespmem:$0xF900] =	vst v63  }
0xfd: {  	s8 =	sadd.s32 $0xD788, s30;
	s9 =	sadd.s32 $0x10, s31  }
0xfe: {  	[hbm4b:s9+s3] =	stream.linear.scatter [tilespmem:s8], [sflag:$0x6], $0x80, $0x38;
	[tilespmem:$0xF900] =	vst v63  }
0xff: {  	s8 =	sadd.s32 $0xD810, s30;
	s9 =	sadd.s32 $0x20, s31  }
0x100: {  	[hbm4b:s9+s3] =	stream.linear.scatter [tilespmem:s8], [sflag:$0x6], $0x80, $0x38;
	[tilespmem:$0xF900] =	vst v63  }
0x101: {  	s8 =	sadd.s32 $0xD898, s30;
	s9 =	sadd.s32 $0x30, s31  }
0x102: {  	[hbm4b:s9+s3] =	stream.linear.scatter [tilespmem:s8], [sflag:$0x6], $0x80, $0x38;
	[tilespmem:$0xF900] =	vst v63  }
0x103: {  	s8 =	sadd.s32 $0xD920, s30;
	s9 =	sadd.s32 $0x40, s31  }
0x104: {  	[hbm4b:s9+s3] =	stream.linear.scatter [tilespmem:s8], [sflag:$0x6], $0x80, $0x38;
	[tilespmem:$0xF900] =	vst v63  }
0x105: {  	s8 =	sadd.s32 $0xD9A8, s30;
	s9 =	sadd.s32 $0x50, s31  }
0x106: {  	[hbm4b:s9+s3] =	stream.linear.scatter [tilespmem:s8], [sflag:$0x6], $0x80, $0x38;
	[tilespmem:$0xF900] =	vst v63  }
0x107: {  	s8 =	sadd.s32 $0xDA30, s30;
	s9 =	sadd.s32 $0x60, s31  }
0x108: {  	[hbm4b:s9+s3] =	stream.linear.scatter [tilespmem:s8], [sflag:$0x6], $0x80, $0x38;
	[tilespmem:$0xF900] =	vst v63  }
0x109: {  	s8 =	sadd.s32 $0xDAB8, s30;
	s9 =	sadd.s32 $0x70, s31  }
0x10a: {  	[hbm4b:s9+s3] =	stream.linear.scatter [tilespmem:s8], [sflag:$0x6], $0x80, $0x38;
	[tilespmem:$0xF900] =	vst v63  }
0x10b: {  	_ =	swait.ge [sflag:s21], $0x2000  }
0x10c: {  	[sflag:s21] =	ssyncset.done $0x0  }
0x10d: {  	[sflag:s21] =	ssyncadd.s32 $0xFFFFE000  }
0x10e: {  	_ =	swait.ge [sflag:s22], $0x2000  }
0x10f: {  	[sflag:s22] =	ssyncset.done $0x0  }
0x110: {  	[sflag:s22] =	ssyncadd.s32 $0xFFFFE000  }
0x111: {  	v4 =	vld [tilespmem:$0x7480]  }
0x112: {  	v5 =	vld [tilespmem:$0x7490]  }
0x113: {  	v6 =	vld [tilespmem:$0x74A0]  }
0x114: {  	s30 =	simm.s32 $0x0;
	s31 =	simm.s32 $0x76B0;
	v7 =	vld [tilespmem:$0x74B0]  }
.LBB2_11:
0x115: {  	v8 =	vadd.s32 s30, v0  }
0x116: {  	v10 =	vadd.s32 s30, v1  }
0x117: {  	v9 =	vld [tilespmem:s31+$0xFFFFFE10];
	v12 =	vadd.s32 s30, v2  }
0x118: {  	v11 =	vld [tilespmem:s31+$0xFFFFFE20];
	v14 =	vadd.s32 s30, v3  }
0x119: {  	v13 =	vld [tilespmem:s31+$0xFFFFFE30]  }
0x11a: {  	v15 =	vld [tilespmem:s31+$0xFFFFFE40];
	[tilespmem:v8+s17+$0x0] =	vst.idx.msk $0xffff, v4  }
0x11b: {  	s0 =	sadd.s32 $0x1, s30;
	[tilespmem:v10+s17+$0x0] =	vst.idx.msk $0xffff, v5  }
0x11c: {  	v4 =	vadd.s32 s0, v0;
	[tilespmem:v12+s17+$0x0] =	vst.idx.msk $0xffff, v6  }
0x11d: {  	v6 =	vadd.s32 s0, v1;
	[tilespmem:v14+s17+$0x0] =	vst.idx.msk $0xffff, v7  }
0x11e: {  	v8 =	vadd.s32 s0, v2;
	v5 =	vld [tilespmem:s31+$0xFFFFFE50]  }
0x11f: {  	v51 =	vadd.s32 s0, v3;
	v7 =	vld [tilespmem:s31+$0xFFFFFE60]  }
0x120: {  	v10 =	vld [tilespmem:s31+$0xFFFFFE70]  }
0x121: {  	v14 =	vld [tilespmem:s31+$0xFFFFFE80];
	[tilespmem:v4+s17+$0x0] =	vst.idx.msk $0xffff, v9  }
0x122: {  	s1 =	sadd.s32 $0x2, s30;
	[tilespmem:v6+s17+$0x0] =	vst.idx.msk $0xffff, v11  }
0x123: {  	v4 =	vadd.s32 s1, v0;
	[tilespmem:v8+s17+$0x0] =	vst.idx.msk $0xffff, v13  }
0x124: {  	v8 =	vadd.s32 s1, v1;
	[tilespmem:v51+s17+$0x0] =	vst.idx.msk $0xffff, v15  }
0x125: {  	v52 =	vadd.s32 s1, v2;
	v6 =	vld [tilespmem:s31+$0xFFFFFE90]  }
0x126: {  	v53 =	vadd.s32 s1, v3;
	v9 =	vld [tilespmem:s31+$0xFFFFFEA0]  }
0x127: {  	v12 =	vld [tilespmem:s31+$0xFFFFFEB0]  }
0x128: {  	v15 =	vld [tilespmem:s31+$0xFFFFFEC0];
	[tilespmem:v4+s17+$0x0] =	vst.idx.msk $0xffff, v5  }
0x129: {  	s8 =	sadd.s32 $0x3, s30;
	[tilespmem:v8+s17+$0x0] =	vst.idx.msk $0xffff, v7  }
0x12a: {  	v4 =	vadd.s32 s8, v0;
	[tilespmem:v52+s17+$0x0] =	vst.idx.msk $0xffff, v10  }
0x12b: {  	v7 =	vadd.s32 s8, v1;
	[tilespmem:v53+s17+$0x0] =	vst.idx.msk $0xffff, v14  }
0x12c: {  	v54 =	vadd.s32 s8, v2;
	v5 =	vld [tilespmem:s31+$0xFFFFFED0]  }
0x12d: {  	v55 =	vadd.s32 s8, v3;
	v8 =	vld [tilespmem:s31+$0xFFFFFEE0]  }
0x12e: {  	v11 =	vld [tilespmem:s31+$0xFFFFFEF0]  }
0x12f: {  	v14 =	vld [tilespmem:s31+$0xFFFFFF00];
	[tilespmem:v4+s17+$0x0] =	vst.idx.msk $0xffff, v6  }
0x130: {  	s9 =	sadd.s32 $0x4, s30;
	[tilespmem:v7+s17+$0x0] =	vst.idx.msk $0xffff, v9  }
0x131: {  	v4 =	vadd.s32 s9, v0;
	[tilespmem:v54+s17+$0x0] =	vst.idx.msk $0xffff, v12  }
0x132: {  	v7 =	vadd.s32 s9, v1;
	[tilespmem:v55+s17+$0x0] =	vst.idx.msk $0xffff, v15  }
0x133: {  	v56 =	vadd.s32 s9, v2;
	v6 =	vld [tilespmem:s31+$0xFFFFFF10]  }
0x134: {  	v57 =	vadd.s32 s9, v3;
	v9 =	vld [tilespmem:s31+$0xFFFFFF20]  }
0x135: {  	v12 =	vld [tilespmem:s31+$0xFFFFFF30]  }
0x136: {  	v15 =	vld [tilespmem:s31+$0xFFFFFF40];
	[tilespmem:v4+s17+$0x0] =	vst.idx.msk $0xffff, v5  }
0x137: {  	s1 =	sadd.s32 $0x5, s30;
	[tilespmem:v7+s17+$0x0] =	vst.idx.msk $0xffff, v8  }
0x138: {  	v4 =	vadd.s32 s1, v0;
	[tilespmem:v56+s17+$0x0] =	vst.idx.msk $0xffff, v11  }
0x139: {  	v7 =	vadd.s32 s1, v1;
	[tilespmem:v57+s17+$0x0] =	vst.idx.msk $0xffff, v14  }
0x13a: {  	v58 =	vadd.s32 s1, v2;
	v5 =	vld [tilespmem:s31+$0xFFFFFF50]  }
0x13b: {  	v59 =	vadd.s32 s1, v3;
	v8 =	vld [tilespmem:s31+$0xFFFFFF60]  }
0x13c: {  	v11 =	vld [tilespmem:s31+$0xFFFFFF70]  }
0x13d: {  	v14 =	vld [tilespmem:s31+$0xFFFFFF80];
	[tilespmem:v4+s17+$0x0] =	vst.idx.msk $0xffff, v6  }
0x13e: {  	s8 =	sadd.s32 $0x6, s30;
	[tilespmem:v7+s17+$0x0] =	vst.idx.msk $0xffff, v9  }
0x13f: {  	v4 =	vadd.s32 s8, v0;
	[tilespmem:v58+s17+$0x0] =	vst.idx.msk $0xffff, v12  }
0x140: {  	v6 =	vadd.s32 s8, v1;
	[tilespmem:v59+s17+$0x0] =	vst.idx.msk $0xffff, v15  }
0x141: {  	v7 =	vadd.s32 s8, v2;
	v9 =	vld [tilespmem:s31+$0xFFFFFF90]  }
0x142: {  	v60 =	vadd.s32 s8, v3;
	v10 =	vld [tilespmem:s31+$0xFFFFFFA0]  }
0x143: {  	v12 =	vld [tilespmem:s31+$0xFFFFFFB0]  }
0x144: {  	v15 =	vld [tilespmem:s31+$0xFFFFFFC0];
	[tilespmem:v4+s17+$0x0] =	vst.idx.msk $0xffff, v5  }
0x145: {  	s9 =	sadd.s32 $0x7, s30;
	[tilespmem:v6+s17+$0x0] =	vst.idx.msk $0xffff, v8  }
0x146: {  	v8 =	vadd.s32 s9, v0;
	[tilespmem:v7+s17+$0x0] =	vst.idx.msk $0xffff, v11  }
0x147: {  	v61 =	vadd.s32 s9, v1;
	[tilespmem:v60+s17+$0x0] =	vst.idx.msk $0xffff, v14  }
0x148: {  	v62 =	vadd.s32 s9, v2;
	v4 =	vld [tilespmem:s31+$0xFFFFFFD0]  }
0x149: {  	p1 =	slt.u32 s30, $0x78;
	v63 =	vadd.s32 s9, v3;
	v5 =	vld [tilespmem:s31+$0xFFFFFFE0]  }
.Ltmp4:
0x14a: {  	v6 =	vld [tilespmem:s31+$0xFFFFFFF0];
	(pc) =	sbr.rel @p1 .LBB2_11-.Ltmp4, $4  }
0x14b: {  	v7 =	vld [tilespmem:s31+$0x0];
	[tilespmem:v8+s17+$0x0] =	vst.idx.msk $0xffff, v9  }
0x14c: {  	[tilespmem:v61+s17+$0x0] =	vst.idx.msk $0xffff, v10  }
0x14d: {  	[tilespmem:v62+s17+$0x0] =	vst.idx.msk $0xffff, v12  }
0x14e: {  	s30 =	sadd.s32 $0x8, s30;
	s31 =	sadd.s32 $0x200, s31;
	[tilespmem:v63+s17+$0x0] =	vst.idx.msk $0xffff, v15  }
0x14f: {  	s0 =	sadd.s32 @!p0 $0x280, s28;
	s1 =	simm.s32 @!p0 $0x80;
	s8 =	simm.s32 @!p0 $0x5440  }
0x150: {  	[tilespmem:s8], [sflag:$0x2] =	stream.indirect.gather @!p0 [hbm4b:s4+s1], $0x40, s0, s1, $0xb8;
	[tilespmem:$0xF900] =	vst v63  }
0x151: {  	s9 =	sadd.s32 $0x100, s29;
	s8 =	simm.s32 $0xB500  }
0x152: {  	[hbm4b:s9+s3] =	stream.linear.scatter [tilespmem:s8], [sflag:$0x5], $0x80, $0x38;
	[tilespmem:$0xF900] =	vst v63  }
0x153: {  	s1 =	simm.s32 $0xB588;
	s8 =	sadd.s32 $0x10, s9  }
0x154: {  	[hbm4b:s8+s3] =	stream.linear.scatter [tilespmem:s1], [sflag:$0x5], $0x80, $0x38;
	[tilespmem:$0xF900] =	vst v63  }
0x155: {  	s1 =	simm.s32 $0xB610;
	s8 =	sadd.s32 $0x20, s9  }
0x156: {  	[hbm4b:s8+s3] =	stream.linear.scatter [tilespmem:s1], [sflag:$0x5], $0x80, $0x38;
	[tilespmem:$0xF900] =	vst v63  }
0x157: {  	s1 =	simm.s32 $0xB698;
	s8 =	sadd.s32 $0x30, s9  }
0x158: {  	[hbm4b:s8+s3] =	stream.linear.scatter [tilespmem:s1], [sflag:$0x5], $0x80, $0x38;
	[tilespmem:$0xF900] =	vst v63  }
0x159: {  	s1 =	simm.s32 $0xB720;
	s8 =	sadd.s32 $0x40, s9  }
0x15a: {  	[hbm4b:s8+s3] =	stream.linear.scatter [tilespmem:s1], [sflag:$0x5], $0x80, $0x38;
	[tilespmem:$0xF900] =	vst v63  }
0x15b: {  	s30 =	simm.s32 $0x440;
	s1 =	simm.s32 $0xB7A8;
	s8 =	sadd.s32 $0x50, s9  }
0x15c: {  	[hbm4b:s8+s3] =	stream.linear.scatter [tilespmem:s1], [sflag:$0x5], $0x80, $0x38;
	[tilespmem:$0xF900] =	vst v63  }
0x15d: {  	s0 =	simm.s32 $0x2200;
	s1 =	simm.s32 $0xB830;
	s8 =	sadd.s32 $0x60, s9  }
0x15e: {  	[hbm4b:s8+s3] =	stream.linear.scatter [tilespmem:s1], [sflag:$0x5], $0x80, $0x38;
	[tilespmem:$0xF900] =	vst v63  }
0x15f: {  	s31 =	sadd.s32 $0x4000, s9;
	s1 =	simm.s32 $0xB8B8;
	s8 =	sadd.s32 $0x70, s9  }
.LBB2_13:
0x160: {  	[hbm4b:s8+s3] =	stream.linear.scatter [tilespmem:s1], [sflag:$0x5], $0x80, $0x38;
	[tilespmem:$0xF900] =	vst v63  }
0x161: {  	s1 =	smov.u32 s30;
	s8 =	smov.u32 s0  }
0x162: {  	s9 =	sadd.s32 $0x1100, s0;
	s30 =	sshra.s32 s8, $0x2;
	s8 =	sadd.s32 $0xB500, s1  }
0x163: {  	[hbm4b:s31+s3] =	stream.linear.scatter [tilespmem:s8], [sflag:$0x5], $0x80, $0x38;
	[tilespmem:$0xF900] =	vst v63  }
0x164: {  	p1 =	sne.s32 s0, $0x7700;
	s0 =	sadd.s32 $0xB588, s1;
	s8 =	sadd.s32 $0x10, s31  }
0x165: {  	[hbm4b:s8+s3] =	stream.linear.scatter [tilespmem:s0], [sflag:$0x5], $0x80, $0x38;
	[tilespmem:$0xF900] =	vst v63  }
0x166: {  	s0 =	sadd.s32 $0xB610, s1;
	s8 =	sadd.s32 $0x20, s31  }
0x167: {  	[hbm4b:s8+s3] =	stream.linear.scatter [tilespmem:s0], [sflag:$0x5], $0x80, $0x38;
	[tilespmem:$0xF900] =	vst v63  }
0x168: {  	s0 =	sadd.s32 $0xB698, s1;
	s8 =	sadd.s32 $0x30, s31  }
0x169: {  	[hbm4b:s8+s3] =	stream.linear.scatter [tilespmem:s0], [sflag:$0x5], $0x80, $0x38;
	[tilespmem:$0xF900] =	vst v63  }
0x16a: {  	s0 =	sadd.s32 $0xB720, s1;
	s8 =	sadd.s32 $0x40, s31  }
0x16b: {  	[hbm4b:s8+s3] =	stream.linear.scatter [tilespmem:s0], [sflag:$0x5], $0x80, $0x38;
	[tilespmem:$0xF900] =	vst v63  }
.Ltmp5:
0x16c: {  	s0 =	sadd.s32 $0xB7A8, s1;
	s8 =	sadd.s32 $0x50, s31;
	(pc) =	sbr.rel @p1 .LBB2_13-.Ltmp5, $4  }
0x16d: {  	[hbm4b:s8+s3] =	stream.linear.scatter [tilespmem:s0], [sflag:$0x5], $0x80, $0x38;
	[tilespmem:$0xF900] =	vst v63  }
0x16e: {  	s0 =	sadd.s32 $0xB830, s1;
	s8 =	sadd.s32 $0x60, s31;
	s1 =	sadd.s32 $0xB8B8, s1  }
0x16f: {  	[hbm4b:s8+s3] =	stream.linear.scatter [tilespmem:s0], [sflag:$0x5], $0x80, $0x38;
	[tilespmem:$0xF900] =	vst v63  }
0x170: {  	s8 =	sadd.s32 $0x70, s31;
	s31 =	sadd.s32 $0x4000, s31;
	s0 =	smov.u32 s9  }
0x171: {  	[hbm4b:s8+s3] =	stream.linear.scatter [tilespmem:s1], [sflag:$0x5], $0x80, $0x38;
	[tilespmem:$0xF900] =	vst v63  }
0x172: {  	s0 =	sadd.s32 $0xB500, s30  }
0x173: {  	[hbm4b:s31+s3] =	stream.linear.scatter [tilespmem:s0], [sflag:$0x5], $0x80, $0x38;
	[tilespmem:$0xF900] =	vst v63  }
0x174: {  	s8 =	sadd.s32 $0xB588, s30;
	s9 =	sadd.s32 $0x10, s31  }
0x175: {  	[hbm4b:s9+s3] =	stream.linear.scatter [tilespmem:s8], [sflag:$0x5], $0x80, $0x38;
	[tilespmem:$0xF900] =	vst v63  }
0x176: {  	s8 =	sadd.s32 $0xB610, s30;
	s9 =	sadd.s32 $0x20, s31  }
0x177: {  	[hbm4b:s9+s3] =	stream.linear.scatter [tilespmem:s8], [sflag:$0x5], $0x80, $0x38;
	[tilespmem:$0xF900] =	vst v63  }
0x178: {  	s8 =	sadd.s32 $0xB698, s30;
	s9 =	sadd.s32 $0x30, s31  }
0x179: {  	[hbm4b:s9+s3] =	stream.linear.scatter [tilespmem:s8], [sflag:$0x5], $0x80, $0x38;
	[tilespmem:$0xF900] =	vst v63  }
0x17a: {  	s8 =	sadd.s32 $0xB720, s30;
	s9 =	sadd.s32 $0x40, s31  }
0x17b: {  	[hbm4b:s9+s3] =	stream.linear.scatter [tilespmem:s8], [sflag:$0x5], $0x80, $0x38;
	[tilespmem:$0xF900] =	vst v63  }
0x17c: {  	s8 =	sadd.s32 $0xB7A8, s30;
	s9 =	sadd.s32 $0x50, s31  }
0x17d: {  	[hbm4b:s9+s3] =	stream.linear.scatter [tilespmem:s8], [sflag:$0x5], $0x80, $0x38;
	[tilespmem:$0xF900] =	vst v63  }
0x17e: {  	s8 =	sadd.s32 $0xB830, s30;
	s9 =	sadd.s32 $0x60, s31  }
0x17f: {  	[hbm4b:s9+s3] =	stream.linear.scatter [tilespmem:s8], [sflag:$0x5], $0x80, $0x38;
	[tilespmem:$0xF900] =	vst v63  }
0x180: {  	s8 =	sadd.s32 $0xB8B8, s30;
	s9 =	sadd.s32 $0x70, s31  }
0x181: {  	[hbm4b:s9+s3] =	stream.linear.scatter [tilespmem:s8], [sflag:$0x5], $0x80, $0x38;
	[tilespmem:$0xF900] =	vst v63  }
0x182: {  	_ =	swait.ge [sflag:s23], $0x2000  }
0x183: {  	[sflag:s23] =	ssyncset.done $0x0  }
0x184: {  	[sflag:s23] =	ssyncadd.s32 $0xFFFFE000  }
0x185: {  	_ =	swait.ge [sflag:s24], $0x2000  }
0x186: {  	[sflag:s24] =	ssyncset.done $0x0  }
0x187: {  	[sflag:s24] =	ssyncadd.s32 $0xFFFFE000  }
0x188: {  	v4 =	vld [tilespmem:$0x94C0]  }
0x189: {  	v5 =	vld [tilespmem:$0x94D0]  }
0x18a: {  	v6 =	vld [tilespmem:$0x94E0]  }
0x18b: {  	s30 =	simm.s32 $0x0;
	s31 =	simm.s32 $0x96F0;
	v7 =	vld [tilespmem:$0x94F0]  }
.LBB2_15:
0x18c: {  	v8 =	vadd.s32 s30, v0  }
0x18d: {  	v10 =	vadd.s32 s30, v1  }
0x18e: {  	v9 =	vld [tilespmem:s31+$0xFFFFFE10];
	v12 =	vadd.s32 s30, v2  }
0x18f: {  	v11 =	vld [tilespmem:s31+$0xFFFFFE20];
	v14 =	vadd.s32 s30, v3  }
0x190: {  	v13 =	vld [tilespmem:s31+$0xFFFFFE30]  }
0x191: {  	v15 =	vld [tilespmem:s31+$0xFFFFFE40];
	[tilespmem:v8+s20+$0x0] =	vst.idx.msk $0xffff, v4  }
0x192: {  	s0 =	sadd.s32 $0x1, s30;
	[tilespmem:v10+s20+$0x0] =	vst.idx.msk $0xffff, v5  }
0x193: {  	v4 =	vadd.s32 s0, v0;
	[tilespmem:v12+s20+$0x0] =	vst.idx.msk $0xffff, v6  }
0x194: {  	v6 =	vadd.s32 s0, v1;
	[tilespmem:v14+s20+$0x0] =	vst.idx.msk $0xffff, v7  }
0x195: {  	v8 =	vadd.s32 s0, v2;
	v5 =	vld [tilespmem:s31+$0xFFFFFE50]  }
0x196: {  	v51 =	vadd.s32 s0, v3;
	v7 =	vld [tilespmem:s31+$0xFFFFFE60]  }
0x197: {  	v10 =	vld [tilespmem:s31+$0xFFFFFE70]  }
0x198: {  	v14 =	vld [tilespmem:s31+$0xFFFFFE80];
	[tilespmem:v4+s20+$0x0] =	vst.idx.msk $0xffff, v9  }
0x199: {  	s1 =	sadd.s32 $0x2, s30;
	[tilespmem:v6+s20+$0x0] =	vst.idx.msk $0xffff, v11  }
0x19a: {  	v4 =	vadd.s32 s1, v0;
	[tilespmem:v8+s20+$0x0] =	vst.idx.msk $0xffff, v13  }
0x19b: {  	v8 =	vadd.s32 s1, v1;
	[tilespmem:v51+s20+$0x0] =	vst.idx.msk $0xffff, v15  }
0x19c: {  	v52 =	vadd.s32 s1, v2;
	v6 =	vld [tilespmem:s31+$0xFFFFFE90]  }
0x19d: {  	v53 =	vadd.s32 s1, v3;
	v9 =	vld [tilespmem:s31+$0xFFFFFEA0]  }
0x19e: {  	v12 =	vld [tilespmem:s31+$0xFFFFFEB0]  }
0x19f: {  	v15 =	vld [tilespmem:s31+$0xFFFFFEC0];
	[tilespmem:v4+s20+$0x0] =	vst.idx.msk $0xffff, v5  }
0x1a0: {  	s8 =	sadd.s32 $0x3, s30;
	[tilespmem:v8+s20+$0x0] =	vst.idx.msk $0xffff, v7  }
0x1a1: {  	v4 =	vadd.s32 s8, v0;
	[tilespmem:v52+s20+$0x0] =	vst.idx.msk $0xffff, v10  }
0x1a2: {  	v7 =	vadd.s32 s8, v1;
	[tilespmem:v53+s20+$0x0] =	vst.idx.msk $0xffff, v14  }
0x1a3: {  	v54 =	vadd.s32 s8, v2;
	v5 =	vld [tilespmem:s31+$0xFFFFFED0]  }
0x1a4: {  	v55 =	vadd.s32 s8, v3;
	v8 =	vld [tilespmem:s31+$0xFFFFFEE0]  }
0x1a5: {  	v11 =	vld [tilespmem:s31+$0xFFFFFEF0]  }
0x1a6: {  	v14 =	vld [tilespmem:s31+$0xFFFFFF00];
	[tilespmem:v4+s20+$0x0] =	vst.idx.msk $0xffff, v6  }
0x1a7: {  	s9 =	sadd.s32 $0x4, s30;
	[tilespmem:v7+s20+$0x0] =	vst.idx.msk $0xffff, v9  }
0x1a8: {  	v4 =	vadd.s32 s9, v0;
	[tilespmem:v54+s20+$0x0] =	vst.idx.msk $0xffff, v12  }
0x1a9: {  	v7 =	vadd.s32 s9, v1;
	[tilespmem:v55+s20+$0x0] =	vst.idx.msk $0xffff, v15  }
0x1aa: {  	v56 =	vadd.s32 s9, v2;
	v6 =	vld [tilespmem:s31+$0xFFFFFF10]  }
0x1ab: {  	v57 =	vadd.s32 s9, v3;
	v9 =	vld [tilespmem:s31+$0xFFFFFF20]  }
0x1ac: {  	v12 =	vld [tilespmem:s31+$0xFFFFFF30]  }
0x1ad: {  	v15 =	vld [tilespmem:s31+$0xFFFFFF40];
	[tilespmem:v4+s20+$0x0] =	vst.idx.msk $0xffff, v5  }
0x1ae: {  	s1 =	sadd.s32 $0x5, s30;
	[tilespmem:v7+s20+$0x0] =	vst.idx.msk $0xffff, v8  }
0x1af: {  	v4 =	vadd.s32 s1, v0;
	[tilespmem:v56+s20+$0x0] =	vst.idx.msk $0xffff, v11  }
0x1b0: {  	v7 =	vadd.s32 s1, v1;
	[tilespmem:v57+s20+$0x0] =	vst.idx.msk $0xffff, v14  }
0x1b1: {  	v58 =	vadd.s32 s1, v2;
	v5 =	vld [tilespmem:s31+$0xFFFFFF50]  }
0x1b2: {  	v59 =	vadd.s32 s1, v3;
	v8 =	vld [tilespmem:s31+$0xFFFFFF60]  }
0x1b3: {  	v11 =	vld [tilespmem:s31+$0xFFFFFF70]  }
0x1b4: {  	v14 =	vld [tilespmem:s31+$0xFFFFFF80];
	[tilespmem:v4+s20+$0x0] =	vst.idx.msk $0xffff, v6  }
0x1b5: {  	s8 =	sadd.s32 $0x6, s30;
	[tilespmem:v7+s20+$0x0] =	vst.idx.msk $0xffff, v9  }
0x1b6: {  	v4 =	vadd.s32 s8, v0;
	[tilespmem:v58+s20+$0x0] =	vst.idx.msk $0xffff, v12  }
0x1b7: {  	v6 =	vadd.s32 s8, v1;
	[tilespmem:v59+s20+$0x0] =	vst.idx.msk $0xffff, v15  }
0x1b8: {  	v7 =	vadd.s32 s8, v2;
	v9 =	vld [tilespmem:s31+$0xFFFFFF90]  }
0x1b9: {  	v60 =	vadd.s32 s8, v3;
	v10 =	vld [tilespmem:s31+$0xFFFFFFA0]  }
0x1ba: {  	v12 =	vld [tilespmem:s31+$0xFFFFFFB0]  }
0x1bb: {  	v15 =	vld [tilespmem:s31+$0xFFFFFFC0];
	[tilespmem:v4+s20+$0x0] =	vst.idx.msk $0xffff, v5  }
0x1bc: {  	s9 =	sadd.s32 $0x7, s30;
	[tilespmem:v6+s20+$0x0] =	vst.idx.msk $0xffff, v8  }
0x1bd: {  	v8 =	vadd.s32 s9, v0;
	[tilespmem:v7+s20+$0x0] =	vst.idx.msk $0xffff, v11  }
0x1be: {  	v61 =	vadd.s32 s9, v1;
	[tilespmem:v60+s20+$0x0] =	vst.idx.msk $0xffff, v14  }
0x1bf: {  	v62 =	vadd.s32 s9, v2;
	v4 =	vld [tilespmem:s31+$0xFFFFFFD0]  }
0x1c0: {  	p1 =	slt.u32 s30, $0x78;
	v63 =	vadd.s32 s9, v3;
	v5 =	vld [tilespmem:s31+$0xFFFFFFE0]  }
.Ltmp6:
0x1c1: {  	v6 =	vld [tilespmem:s31+$0xFFFFFFF0];
	(pc) =	sbr.rel @p1 .LBB2_15-.Ltmp6, $4  }
0x1c2: {  	v7 =	vld [tilespmem:s31+$0x0];
	[tilespmem:v8+s20+$0x0] =	vst.idx.msk $0xffff, v9  }
0x1c3: {  	[tilespmem:v61+s20+$0x0] =	vst.idx.msk $0xffff, v10  }
0x1c4: {  	[tilespmem:v62+s20+$0x0] =	vst.idx.msk $0xffff, v12  }
0x1c5: {  	s30 =	sadd.s32 $0x8, s30;
	s31 =	sadd.s32 $0x200, s31;
	[tilespmem:v63+s20+$0x0] =	vst.idx.msk $0xffff, v15  }
0x1c6: {  	s0 =	sadd.s32 @!p0 $0x300, s28;
	s1 =	simm.s32 @!p0 $0x80;
	s8 =	simm.s32 @!p0 $0x7480  }
0x1c7: {  	[tilespmem:s8], [sflag:$0x3] =	stream.indirect.gather @!p0 [hbm4b:s4+s1], $0x40, s0, s1, $0xb8;
	[tilespmem:$0xF900] =	vst v63  }
0x1c8: {  	s9 =	sadd.s32 $0x180, s29;
	s31 =	simm.s32 $0xD700  }
0x1c9: {  	[hbm4b:s9+s3] =	stream.linear.scatter [tilespmem:s31], [sflag:$0x6], $0x80, $0x38;
	[tilespmem:$0xF900] =	vst v63  }
0x1ca: {  	s1 =	simm.s32 $0xD788;
	s8 =	sadd.s32 $0x10, s9  }
0x1cb: {  	[hbm4b:s8+s3] =	stream.linear.scatter [tilespmem:s1], [sflag:$0x6], $0x80, $0x38;
	[tilespmem:$0xF900] =	vst v63  }
0x1cc: {  	s30 =	simm.s32 $0xD810;
	s28 =	simm.s32 $0x440;
	s31 =	sadd.s32 $0x20, s9  }
0x1cd: {  	[hbm4b:s31+s3] =	stream.linear.scatter [tilespmem:s30], [sflag:$0x6], $0x80, $0x38;
	[tilespmem:$0xF900] =	vst v63  }
0x1ce: {  	s0 =	simm.s32 $0x2200;
	s1 =	simm.s32 $0xD898;
	s8 =	sadd.s32 $0x30, s9  }
0x1cf: {  	[hbm4b:s8+s3] =	stream.linear.scatter [tilespmem:s1], [sflag:$0x6], $0x80, $0x38;
	[tilespmem:$0xF900] =	vst v63  }
0x1d0: {  	s29 =	sadd.s32 $0x4000, s9;
	s30 =	simm.s32 $0xD920;
	s31 =	sadd.s32 $0x40, s9  }
0x1d1: {  	[hbm4b:s31+s3] =	stream.linear.scatter [tilespmem:s30], [sflag:$0x6], $0x80, $0x38;
	[tilespmem:$0xF900] =	vst v63  }
0x1d2: {  	s1 =	simm.s32 $0xD9A8;
	s8 =	sadd.s32 $0x50, s9;
	s30 =	simm.s32 $0xDA30  }
0x1d3: {  	[hbm4b:s8+s3] =	stream.linear.scatter [tilespmem:s1], [sflag:$0x6], $0x80, $0x38;
	[tilespmem:$0xF900] =	vst v63  }
0x1d4: {  	s31 =	sadd.s32 $0x60, s9;
	s1 =	simm.s32 $0xDAB8;
	s8 =	sadd.s32 $0x70, s9  }
0x1d5: {  	[hbm4b:s31+s3] =	stream.linear.scatter [tilespmem:s30], [sflag:$0x6], $0x80, $0x38;
	[tilespmem:$0xF900] =	vst v63  }
.LBB2_17:
0x1d6: {  	[hbm4b:s8+s3] =	stream.linear.scatter [tilespmem:s1], [sflag:$0x6], $0x80, $0x38;
	[tilespmem:$0xF900] =	vst v63  }
0x1d7: {  	s1 =	smov.u32 s28;
	s8 =	smov.u32 s0  }
0x1d8: {  	s9 =	sadd.s32 $0x1100, s0;
	s28 =	sshra.s32 s8, $0x2;
	s8 =	sadd.s32 $0xD700, s1  }
0x1d9: {  	[hbm4b:s29+s3] =	stream.linear.scatter [tilespmem:s8], [sflag:$0x6], $0x80, $0x38;
	[tilespmem:$0xF900] =	vst v63  }
0x1da: {  	p0 =	sne.s32 s0, $0x7700;
	s0 =	sadd.s32 $0xD788, s1;
	s8 =	sadd.s32 $0x10, s29  }
0x1db: {  	[hbm4b:s8+s3] =	stream.linear.scatter [tilespmem:s0], [sflag:$0x6], $0x80, $0x38;
	[tilespmem:$0xF900] =	vst v63  }
0x1dc: {  	s0 =	sadd.s32 $0xD810, s1;
	s8 =	sadd.s32 $0x20, s29  }
0x1dd: {  	[hbm4b:s8+s3] =	stream.linear.scatter [tilespmem:s0], [sflag:$0x6], $0x80, $0x38;
	[tilespmem:$0xF900] =	vst v63  }
0x1de: {  	s0 =	sadd.s32 $0xD898, s1;
	s8 =	sadd.s32 $0x30, s29  }
0x1df: {  	[hbm4b:s8+s3] =	stream.linear.scatter [tilespmem:s0], [sflag:$0x6], $0x80, $0x38;
	[tilespmem:$0xF900] =	vst v63  }
0x1e0: {  	s0 =	sadd.s32 $0xD920, s1;
	s8 =	sadd.s32 $0x40, s29  }
0x1e1: {  	[hbm4b:s8+s3] =	stream.linear.scatter [tilespmem:s0], [sflag:$0x6], $0x80, $0x38;
	[tilespmem:$0xF900] =	vst v63  }
.Ltmp7:
0x1e2: {  	s0 =	sadd.s32 $0xD9A8, s1;
	s8 =	sadd.s32 $0x50, s29;
	(pc) =	sbr.rel @p0 .LBB2_17-.Ltmp7, $4  }
0x1e3: {  	[hbm4b:s8+s3] =	stream.linear.scatter [tilespmem:s0], [sflag:$0x6], $0x80, $0x38;
	[tilespmem:$0xF900] =	vst v63  }
0x1e4: {  	s0 =	sadd.s32 $0xDA30, s1;
	s8 =	sadd.s32 $0x60, s29;
	s1 =	sadd.s32 $0xDAB8, s1  }
0x1e5: {  	[hbm4b:s8+s3] =	stream.linear.scatter [tilespmem:s0], [sflag:$0x6], $0x80, $0x38;
	[tilespmem:$0xF900] =	vst v63  }
0x1e6: {  	s8 =	sadd.s32 $0x70, s29;
	s29 =	sadd.s32 $0x4000, s29;
	s0 =	smov.u32 s9  }
0x1e7: {  	[hbm4b:s8+s3] =	stream.linear.scatter [tilespmem:s1], [sflag:$0x6], $0x80, $0x38;
	[tilespmem:$0xF900] =	vst v63  }
0x1e8: {  	s0 =	sadd.s32 $0xD700, s28  }
0x1e9: {  	[hbm4b:s29+s3] =	stream.linear.scatter [tilespmem:s0], [sflag:$0x6], $0x80, $0x38;
	[tilespmem:$0xF900] =	vst v63  }
0x1ea: {  	s30 =	sadd.s32 $0xD788, s28;
	s31 =	sadd.s32 $0x10, s29  }
0x1eb: {  	[hbm4b:s31+s3] =	stream.linear.scatter [tilespmem:s30], [sflag:$0x6], $0x80, $0x38;
	[tilespmem:$0xF900] =	vst v63  }
0x1ec: {  	s8 =	sadd.s32 $0xD810, s28;
	s9 =	sadd.s32 $0x20, s29  }
0x1ed: {  	[hbm4b:s9+s3] =	stream.linear.scatter [tilespmem:s8], [sflag:$0x6], $0x80, $0x38;
	[tilespmem:$0xF900] =	vst v63  }
0x1ee: {  	s30 =	sadd.s32 $0xD898, s28;
	s31 =	sadd.s32 $0x30, s29  }
0x1ef: {  	[hbm4b:s31+s3] =	stream.linear.scatter [tilespmem:s30], [sflag:$0x6], $0x80, $0x38;
	[tilespmem:$0xF900] =	vst v63  }
0x1f0: {  	s26 =	sadd.s32 $0x1, s26;
	s8 =	sadd.s32 $0xD920, s28;
	s9 =	sadd.s32 $0x40, s29  }
0x1f1: {  	[hbm4b:s9+s3] =	stream.linear.scatter [tilespmem:s8], [sflag:$0x6], $0x80, $0x38;
	[tilespmem:$0xF900] =	vst v63  }
0x1f2: {  	p0 =	sne.s32 s26, $0x1A;
	s30 =	sadd.s32 $0xD9A8, s28;
	s31 =	sadd.s32 $0x50, s29  }
0x1f3: {  	[hbm4b:s31+s3] =	stream.linear.scatter [tilespmem:s30], [sflag:$0x6], $0x80, $0x38;
	[tilespmem:$0xF900] =	vst v63  }
.Ltmp8:
0x1f4: {  	_ = 	snop;
	(pc) =	sbr.rel @p0 .LBB2_2-.Ltmp8, $4  }
0x1f5: {  	s8 =	sadd.s32 $0xDA30, s28;
	s9 =	sadd.s32 $0x60, s29  }
0x1f6: {  	[hbm4b:s9+s3] =	stream.linear.scatter [tilespmem:s8], [sflag:$0x6], $0x80, $0x38;
	[tilespmem:$0xF900] =	vst v63  }
0x1f7: {  	s30 =	sadd.s32 $0xDAB8, s28;
	s31 =	sadd.s32 $0x70, s29  }
0x1f8: {  	[hbm4b:s31+s3] =	stream.linear.scatter [tilespmem:s30], [sflag:$0x6], $0x80, $0x38;
	[tilespmem:$0xF900] =	vst v63  }
0x1f9: {  	s25 =	sadd.s32 $0x1, s25  }
0x1fa: {  	_ =	swait.ge [sflag:s22], $0x2000;
	p0 =	sne.s32 s25, s7  }
.Ltmp9:
0x1fb: {  	[sflag:s22] =	ssyncset.done $0x0;
	(pc) =	sbr.rel @p0 .LBB2_1-.Ltmp9, $4  }
0x1fc: {  	[sflag:s22] =	ssyncadd.s32 $0xFFFFE000  }
0x1fd: {  	_ =	swait.ge [sflag:s24], $0x2000  }
0x1fe: {  	[sflag:s24] =	ssyncset.done $0x0  }
0x1ff: {  	[sflag:s24] =	ssyncadd.s32 $0xFFFFE000  }
0x200: {  	_ =	sfence.sel $0x180000  }
0x201: {  	[bflag:$0x0] =	sbarrier.arrive $0xFFFF  }
0x202: {  	_ =	strace $0x90000047  }
0x203: {  	s0 =	stileid.u32;
	[bflag:$0x2] =	sbarrier.arrive $0xFFFF  }
0x204: {  	p0 =	sne.s32 s0, $0x0;
	s0 =	rddreg [dreg:$0x2]  }
0x205: {  	s0 =	sadd.s32 @!p0 $0x100000, s0  }
0x206: {  	[sflag:s0] =	ssyncadd.tile.s32 @!p0 $0x1;
	_ =	shalt  }
.Lfunc_end2:
_tile_overlayer_lowered:
.L_overlay_start_2:
0x207: {  	(tag) =	ssettag $0x2  }
0x208: {  	s0 =	rddreg [dreg:$0x0];
	s2 =	stileid.u32  }
0x209: {  	s1 =	rddreg [dreg:$0x1];
	p0 =	sne.s32 s2, $0x0  }
0x20a: {  	s3 =	rddreg [dreg:$0x2];
	[bflag:$0x3] =	sbarrier.arrive $0xFFFF;
	s2 =	simm.s32 @!p0 $0x1C07  }
0x20b: {  	[timem:s3], [sflag:s2] =	dma.local @!p0 [hbm:s0], s1  }
0x20c: {  	s0 =	simm.s32 @!p0 $0x7  }
0x20d: {  	_ =	swait.ge @!p0 [sflag:s0], s1  }
0x20e: {  	s1 =	ssub.s32 @!p0 $0x0, s1;
	[sflag:s0] =	ssyncset.done @!p0 $0x0  }
0x20f: {  	[sflag:s0] =	ssyncadd.s32 @!p0 s1  }
0x210: {  	[bflag:$0x3] =	sbarrier.arrive $0xFFFF  }
0x211: {  	_ =	shalt  }

</sc_bundles>
